<compile_context>
chip_gen: v7x
topology: tpu7x:2x2x1
jax: 0.10.2.dev20260603
libtpu: 0.0.44.dev20260713+nightly
codegen_flags: <defaults>
</compile_context>

<pallas_src>
import functools

import jax
import jax.numpy as jnp
from jax import lax
from jax.experimental import pallas as pl
from jax.experimental.pallas import tpu as pltpu
from jax.experimental.pallas import tpu_sc as plsc

E = 3_200_000
EMB = 16
OUT_D = 32
NC = 2
NS = 16
L = 16
NW = NC * NS
EB = E // 128
BPC = 8
CHUNK_E = BPC * 128
IW = BPC * 256
OW = BPC * 1024
NCHUNKS = EB // BPC
CPW = -(-NCHUNKS // NW)
GROUPS = CHUNK_E // L

_mesh = plsc.VectorSubcoreMesh(core_axis_name="c", subcore_axis_name="s")


@functools.partial(
    pl.kernel,
    mesh=_mesh,
    compiler_params=pltpu.CompilerParams(
        needs_layout_passes=False, use_tc_tiling_on_sc=False
    ),
    out_type=jax.ShapeDtypeStruct((E * OUT_D,), jnp.float32),
    scratch_types=[
        pltpu.VMEM((4, EMB), jnp.float32),
        pltpu.VMEM((4, EMB), jnp.float32),
        pltpu.VMEM((L * 65,), jnp.float32),
        pltpu.VMEM((L * 65,), jnp.float32),
        pltpu.VMEM((IW,), jnp.int32),
        pltpu.VMEM((IW,), jnp.int32),
        pltpu.VMEM((4 * OW,), jnp.float32),
        pltpu.VMEM((4 * OW,), jnp.float32),
        pltpu.SemaphoreType.DMA,
        pltpu.SemaphoreType.DMA,
        pltpu.SemaphoreType.DMA,
        pltpu.SemaphoreType.DMA,
    ],
)
def _edge_encode(
    edge_hbm, w0_hbm, w1_hbm, out_hbm, w0_v, w1_v, w0r_v, w1r_v,
    idx0_v, idx1_v, out0_v, out1_v, si0, si1, so0, so1,
):
    wid = lax.axis_index("s") * NC + lax.axis_index("c")
    pltpu.sync_copy(w0_hbm, w0_v)
    pltpu.sync_copy(w1_hbm, w1_v)

    iota = lax.iota(jnp.int32, L)
    lane65 = iota * 65

    for row in range(4):
        v0 = w0_v[row]
        v1 = w1_v[row]
        for l in range(L):
            w0r_v[pl.ds(l * 65 + row * EMB, L)] = v0
            w1r_v[pl.ds(l * 65 + row * EMB, L)] = v1

    n_w = NCHUNKS // NW + jnp.where(wid < NCHUNKS % NW, 1, 0)
    idx_bufs = (idx0_v, idx1_v)
    out_bufs = (out0_v, out1_v)
    in_sems = (si0, si1)
    out_sems = (so0, so1)

    def in_src(k):
        return edge_hbm.at[pl.ds((k * NW + wid) * IW, IW)]

    def compute(idx_v, out_v):
        @plsc.parallel_loop(0, GROUPS, 1, unroll=1)
        def _grp(g):
            b = g >> 3
            ll0 = (g & 7) << 4
            in_addr = (b * 256 + ll0) + iota
            a0 = plsc.load_gather(idx_v, [in_addr])
            a1 = plsc.load_gather(idx_v, [in_addr + 128])
            base0 = a0 * EMB + lane65
            base1 = a1 * EMB + lane65
            ob = (b * 1024 + ll0) + iota
            for d in range(OUT_D):
                r, m = d >> 3, d & 7
                if d < EMB:
                    v = plsc.load_gather(w0r_v, [base0 + d])
                else:
                    v = plsc.load_gather(w1r_v, [base1 + (d - EMB)])
                plsc.store_scatter(out_v, [ob + (r * OW + m * 128)], v)

    def out_dma(p, k, issue):
        t0 = (k * NW + wid) * BPC
        for r in range(4):
            desc = pltpu.make_async_copy(
                out_bufs[p].at[pl.ds(r * OW, OW)],
                out_hbm.at[pl.ds((r * EB + t0) * 1024, OW)],
                out_sems[p],
            )
            if issue:
                desc.start()
            else:
                desc.wait()

    pltpu.async_copy(in_src(0), idx0_v, si0)
    pltpu.async_copy(in_src(1), idx1_v, si1)

    def body(j, carry):
        for p in range(2):
            k = j * 2 + p

            @pl.when(k < n_w)
            def _():
                pltpu.make_async_copy(in_src(k), idx_bufs[p], in_sems[p]).wait()

                @pl.when(k >= 2)
                def _():
                    out_dma(p, k - 2, issue=False)

                compute(idx_bufs[p], out_bufs[p])
                out_dma(p, k, issue=True)

                @pl.when(k + 2 < n_w)
                def _():
                    pltpu.async_copy(in_src(k + 2), idx_bufs[p], in_sems[p])

        return carry

    lax.fori_loop(0, (CPW + 1) // 2, body, 0)

    for p in range(2):
        out_dma(p, ((n_w - 1 - p) // 2) * 2 + p, issue=False)


def kernel(edge_attr, W0, W1):
    ea_lin = edge_attr.reshape(EB, 128, 2).transpose(0, 2, 1).reshape(E * 2)
    flat = _edge_encode(ea_lin, W0, W1)
    return flat.reshape(4, EB, 8, 128).transpose(1, 3, 0, 2).reshape(E, OUT_D)

# --- scband reference (transcript-rebuilt; emitter-appended) ---
"""Pipeline reference for scband-edge-encoder-58171037057249 (READ-ONLY COPY).

The authoritative reference and input builder live on the scoring server;
editing this copy changes nothing except your own understanding.
"""

import jax, jax.numpy as jnp
import numpy as np

E = 3200000
EMB_DIM = 16
FEATURE_DIMS = [4, 4]

def _xavier_uniform(key, shape):
    fan_in, fan_out = shape[0], shape[1]
    limit = float(np.sqrt(6.0 / (fan_in + fan_out)))
    return jax.random.uniform(key, shape, dtype=jnp.float32, minval=-limit, maxval=limit)

def setup_inputs(seed: int = 0) -> dict:
    key = jax.random.key(seed)
    k_idx, k_w0, k_w1 = jax.random.split(key, 3)
    edge_attr = jax.random.randint(k_idx, (E, 2), 0, FEATURE_DIMS[0], dtype=jnp.int64) if False else jax.random.randint(k_idx, (E, 2), 0, 4).astype(jnp.int32)
    W0 = _xavier_uniform(k_w0, (FEATURE_DIMS[0], EMB_DIM))
    W1 = _xavier_uniform(k_w1, (FEATURE_DIMS[1], EMB_DIM))
    return {"edge_attr": edge_attr, "W0": W0, "W1": W1}

def reference(edge_attr, W0, W1):
    # EdgeEncoder.forward: embed each edge feature column with its own table, concat along dim=1
    e0 = jnp.take(W0, edge_attr[:, 0], axis=0)
    e1 = jnp.take(W1, edge_attr[:, 1], axis=0)
    edge_embedding = jnp.concatenate([e0, e1], axis=1)
    return edge_embedding

if __name__ == "__main__":
    import jax
    _d = setup_inputs()
    print(jax.jit(kernel)(*tuple(_d.values())))

</pallas_src>

<mosaic_0001>
#map = affine_map<(d0, d1) -> (0)>
#map1 = affine_map<(d0, d1) -> (0, 0)>
module attributes {stable_mosaic.version = 14 : i64} {
  func.func @_edge_encode(%arg0: i32, %arg1: i32, %arg2: memref<6400000xi32, #tpu.memory_space<hbm>>, %arg3: memref<4x16xf32, #tpu.memory_space<hbm>>, %arg4: memref<4x16xf32, #tpu.memory_space<hbm>>, %arg5: memref<102400000xf32, #tpu.memory_space<hbm>>, %arg6: memref<4x16xf32, #tpu.memory_space<vmem>>, %arg7: memref<4x16xf32, #tpu.memory_space<vmem>>, %arg8: memref<1040xf32, #tpu.memory_space<vmem>>, %arg9: memref<1040xf32, #tpu.memory_space<vmem>>, %arg10: memref<2048xi32, #tpu.memory_space<vmem>>, %arg11: memref<2048xi32, #tpu.memory_space<vmem>>, %arg12: memref<32768xf32, #tpu.memory_space<vmem>>, %arg13: memref<32768xf32, #tpu.memory_space<vmem>>, %arg14: memref<!tpu.dma_semaphore, #tpu.memory_space<semaphore_mem>>, %arg15: memref<!tpu.dma_semaphore, #tpu.memory_space<semaphore_mem>>, %arg16: memref<!tpu.dma_semaphore, #tpu.memory_space<semaphore_mem>>, %arg17: memref<!tpu.dma_semaphore, #tpu.memory_space<semaphore_mem>>) attributes {dimension_semantics = [#tpu.dimension_semantics<core_parallel>, #tpu.dimension_semantics<subcore_parallel>], iteration_bounds = array<i64: 2, 16>, scalar_prefetch = 0 : i64, scratch_operands = 12 : i64, tpu.core_type = #tpu.core_type<sc_vector_subcore>, window_params = [{transform_indices = #map}, {transform_indices = #map1}, {transform_indices = #map1}, {transform_indices = #map}]} {
    %mul3A = arith.constant 2 : i32
    %mul3A_0 = arith.muli %arg1, %mul3A : i32
    %add3A = arith.addi %mul3A_0, %arg0 : i32
    "tpu.region"() ({
      %run_scoped3A = tpu.sem_alloc : memref<!tpu.dma_semaphore, #tpu.memory_space<semaphore_mem>>
      tpu.enqueue_dma source(%arg3 : memref<4x16xf32, #tpu.memory_space<hbm>>) target(%arg6 : memref<4x16xf32, #tpu.memory_space<vmem>>) target_semaphore(%run_scoped3A : memref<!tpu.dma_semaphore, #tpu.memory_space<semaphore_mem>>)
      tpu.wait_dma2 semaphore(%run_scoped3A : memref<!tpu.dma_semaphore, #tpu.memory_space<semaphore_mem>>) src(%arg3 : memref<4x16xf32, #tpu.memory_space<hbm>>) dst(%arg6 : memref<4x16xf32, #tpu.memory_space<vmem>>)
      tpu.yield
    }) : () -> ()
    "tpu.region"() ({
      %run_scoped3A = tpu.sem_alloc : memref<!tpu.dma_semaphore, #tpu.memory_space<semaphore_mem>>
      tpu.enqueue_dma source(%arg4 : memref<4x16xf32, #tpu.memory_space<hbm>>) target(%arg7 : memref<4x16xf32, #tpu.memory_space<vmem>>) target_semaphore(%run_scoped3A : memref<!tpu.dma_semaphore, #tpu.memory_space<semaphore_mem>>)
      tpu.wait_dma2 semaphore(%run_scoped3A : memref<!tpu.dma_semaphore, #tpu.memory_space<semaphore_mem>>) src(%arg4 : memref<4x16xf32, #tpu.memory_space<hbm>>) dst(%arg7 : memref<4x16xf32, #tpu.memory_space<vmem>>)
      tpu.yield
    }) : () -> ()
    %iota3A = tpu.iota {dimensions = array<i32: 0>} : vector<16xi32>
    %mul3A_1 = arith.constant 65 : i32
    %mul3A_2 = vector.broadcast %mul3A_1 : i32 to vector<16xi32>
    %mul3A_3 = arith.muli %iota3A, %mul3A_2 : vector<16xi32>
    %get3A = arith.constant 0 : i32
    %get3A_4 = arith.index_cast %get3A : i32 to index
    %get3A_5 = arith.constant 0 : index
    %get3A_6 = tpu.vector_load %arg6[%get3A_4, %get3A_5] {strides = array<i32>} : memref<4x16xf32, #tpu.memory_space<vmem>>, vector<16xf32>,
    %get3A_7 = arith.constant 0 : i32
    %get3A_8 = arith.index_cast %get3A_7 : i32 to index
    %get3A_9 = arith.constant 0 : index
    %get3A_10 = tpu.vector_load %arg7[%get3A_8, %get3A_9] {strides = array<i32>} : memref<4x16xf32, #tpu.memory_space<vmem>>, vector<16xf32>,
    %swap3A = arith.constant 0 : index
    %swap3A_11 = tpu.vector_load %arg8[%swap3A] {strides = array<i32>} : memref<1040xf32, #tpu.memory_space<vmem>>, vector<16xf32>,
    tpu.vector_store %arg8[%swap3A], %get3A_6 {strides = array<i32>} : memref<1040xf32, #tpu.memory_space<vmem>>, vector<16xf32>,
    %swap3A_12 = arith.constant 0 : index
    %swap3A_13 = tpu.vector_load %arg9[%swap3A_12] {strides = array<i32>} : memref<1040xf32, #tpu.memory_space<vmem>>, vector<16xf32>,
    tpu.vector_store %arg9[%swap3A_12], %get3A_10 {strides = array<i32>} : memref<1040xf32, #tpu.memory_space<vmem>>, vector<16xf32>,
    %swap3A_14 = arith.constant 65 : index
    %swap3A_15 = tpu.vector_load %arg8[%swap3A_14] {strides = array<i32>} : memref<1040xf32, #tpu.memory_space<vmem>>, vector<16xf32>,
    tpu.vector_store %arg8[%swap3A_14], %get3A_6 {strides = array<i32>} : memref<1040xf32, #tpu.memory_space<vmem>>, vector<16xf32>,
    %swap3A_16 = arith.constant 65 : index
    %swap3A_17 = tpu.vector_load %arg9[%swap3A_16] {strides = array<i32>} : memref<1040xf32, #tpu.memory_space<vmem>>, vector<16xf32>,
    tpu.vector_store %arg9[%swap3A_16], %get3A_10 {strides = array<i32>} : memref<1040xf32, #tpu.memory_space<vmem>>, vector<16xf32>,
    %swap3A_18 = arith.constant 130 : index
    %swap3A_19 = tpu.vector_load %arg8[%swap3A_18] {strides = array<i32>} : memref<1040xf32, #tpu.memory_space<vmem>>, vector<16xf32>,
    tpu.vector_store %arg8[%swap3A_18], %get3A_6 {strides = array<i32>} : memref<1040xf32, #tpu.memory_space<vmem>>, vector<16xf32>,
    %swap3A_20 = arith.constant 130 : index
    %swap3A_21 = tpu.vector_load %arg9[%swap3A_20] {strides = array<i32>} : memref<1040xf32, #tpu.memory_space<vmem>>, vector<16xf32>,
    tpu.vector_store %arg9[%swap3A_20], %get3A_10 {strides = array<i32>} : memref<1040xf32, #tpu.memory_space<vmem>>, vector<16xf32>,
    %swap3A_22 = arith.constant 195 : index
    %swap3A_23 = tpu.vector_load %arg8[%swap3A_22] {strides = array<i32>} : memref<1040xf32, #tpu.memory_space<vmem>>, vector<16xf32>,
    tpu.vector_store %arg8[%swap3A_22], %get3A_6 {strides = array<i32>} : memref<1040xf32, #tpu.memory_space<vmem>>, vector<16xf32>,
    %swap3A_24 = arith.constant 195 : index
    %swap3A_25 = tpu.vector_load %arg9[%swap3A_24] {strides = array<i32>} : memref<1040xf32, #tpu.memory_space<vmem>>, vector<16xf32>,
    tpu.vector_store %arg9[%swap3A_24], %get3A_10 {strides = array<i32>} : memref<1040xf32, #tpu.memory_space<vmem>>, vector<16xf32>,
    %swap3A_26 = arith.constant 260 : index
    %swap3A_27 = tpu.vector_load %arg8[%swap3A_26] {strides = array<i32>} : memref<1040xf32, #tpu.memory_space<vmem>>, vector<16xf32>,
    tpu.vector_store %arg8[%swap3A_26], %get3A_6 {strides = array<i32>} : memref<1040xf32, #tpu.memory_space<vmem>>, vector<16xf32>,
    %swap3A_28 = arith.constant 260 : index
    %swap3A_29 = tpu.vector_load %arg9[%swap3A_28] {strides = array<i32>} : memref<1040xf32, #tpu.memory_space<vmem>>, vector<16xf32>,
    tpu.vector_store %arg9[%swap3A_28], %get3A_10 {strides = array<i32>} : memref<1040xf32, #tpu.memory_space<vmem>>, vector<16xf32>,
    %swap3A_30 = arith.constant 325 : index
    %swap3A_31 = tpu.vector_load %arg8[%swap3A_30] {strides = array<i32>} : memref<1040xf32, #tpu.memory_space<vmem>>, vector<16xf32>,
    tpu.vector_store %arg8[%swap3A_30], %get3A_6 {strides = array<i32>} : memref<1040xf32, #tpu.memory_space<vmem>>, vector<16xf32>,
    %swap3A_32 = arith.constant 325 : index
    %swap3A_33 = tpu.vector_load %arg9[%swap3A_32] {strides = array<i32>} : memref<1040xf32, #tpu.memory_space<vmem>>, vector<16xf32>,
    tpu.vector_store %arg9[%swap3A_32], %get3A_10 {strides = array<i32>} : memref<1040xf32, #tpu.memory_space<vmem>>, vector<16xf32>,
    %swap3A_34 = arith.constant 390 : index
    %swap3A_35 = tpu.vector_load %arg8[%swap3A_34] {strides = array<i32>} : memref<1040xf32, #tpu.memory_space<vmem>>, vector<16xf32>,
    tpu.vector_store %arg8[%swap3A_34], %get3A_6 {strides = array<i32>} : memref<1040xf32, #tpu.memory_space<vmem>>, vector<16xf32>,
    %swap3A_36 = arith.constant 390 : index
    %swap3A_37 = tpu.vector_load %arg9[%swap3A_36] {strides = array<i32>} : memref<1040xf32, #tpu.memory_space<vmem>>, vector<16xf32>,
    tpu.vector_store %arg9[%swap3A_36], %get3A_10 {strides = array<i32>} : memref<1040xf32, #tpu.memory_space<vmem>>, vector<16xf32>,
    %swap3A_38 = arith.constant 455 : index
    %swap3A_39 = tpu.vector_load %arg8[%swap3A_38] {strides = array<i32>} : memref<1040xf32, #tpu.memory_space<vmem>>, vector<16xf32>,
    tpu.vector_store %arg8[%swap3A_38], %get3A_6 {strides = array<i32>} : memref<1040xf32, #tpu.memory_space<vmem>>, vector<16xf32>,
    %swap3A_40 = arith.constant 455 : index
    %swap3A_41 = tpu.vector_load %arg9[%swap3A_40] {strides = array<i32>} : memref<1040xf32, #tpu.memory_space<vmem>>, vector<16xf32>,
    tpu.vector_store %arg9[%swap3A_40], %get3A_10 {strides = array<i32>} : memref<1040xf32, #tpu.memory_space<vmem>>, vector<16xf32>,
    %swap3A_42 = arith.constant 520 : index
    %swap3A_43 = tpu.vector_load %arg8[%swap3A_42] {strides = array<i32>} : memref<1040xf32, #tpu.memory_space<vmem>>, vector<16xf32>,
    tpu.vector_store %arg8[%swap3A_42], %get3A_6 {strides = array<i32>} : memref<1040xf32, #tpu.memory_space<vmem>>, vector<16xf32>,
    %swap3A_44 = arith.constant 520 : index
    %swap3A_45 = tpu.vector_load %arg9[%swap3A_44] {strides = array<i32>} : memref<1040xf32, #tpu.memory_space<vmem>>, vector<16xf32>,
    tpu.vector_store %arg9[%swap3A_44], %get3A_10 {strides = array<i32>} : memref<1040xf32, #tpu.memory_space<vmem>>, vector<16xf32>,
    %swap3A_46 = arith.constant 585 : index
    %swap3A_47 = tpu.vector_load %arg8[%swap3A_46] {strides = array<i32>} : memref<1040xf32, #tpu.memory_space<vmem>>, vector<16xf32>,
    tpu.vector_store %arg8[%swap3A_46], %get3A_6 {strides = array<i32>} : memref<1040xf32, #tpu.memory_space<vmem>>, vector<16xf32>,
    %swap3A_48 = arith.constant 585 : index
    %swap3A_49 = tpu.vector_load %arg9[%swap3A_48] {strides = array<i32>} : memref<1040xf32, #tpu.memory_space<vmem>>, vector<16xf32>,
    tpu.vector_store %arg9[%swap3A_48], %get3A_10 {strides = array<i32>} : memref<1040xf32, #tpu.memory_space<vmem>>, vector<16xf32>,
    %swap3A_50 = arith.constant 650 : index
    %swap3A_51 = tpu.vector_load %arg8[%swap3A_50] {strides = array<i32>} : memref<1040xf32, #tpu.memory_space<vmem>>, vector<16xf32>,
    tpu.vector_store %arg8[%swap3A_50], %get3A_6 {strides = array<i32>} : memref<1040xf32, #tpu.memory_space<vmem>>, vector<16xf32>,
    %swap3A_52 = arith.constant 650 : index
    %swap3A_53 = tpu.vector_load %arg9[%swap3A_52] {strides = array<i32>} : memref<1040xf32, #tpu.memory_space<vmem>>, vector<16xf32>,
    tpu.vector_store %arg9[%swap3A_52], %get3A_10 {strides = array<i32>} : memref<1040xf32, #tpu.memory_space<vmem>>, vector<16xf32>,
    %swap3A_54 = arith.constant 715 : index
    %swap3A_55 = tpu.vector_load %arg8[%swap3A_54] {strides = array<i32>} : memref<1040xf32, #tpu.memory_space<vmem>>, vector<16xf32>,
    tpu.vector_store %arg8[%swap3A_54], %get3A_6 {strides = array<i32>} : memref<1040xf32, #tpu.memory_space<vmem>>, vector<16xf32>,
    %swap3A_56 = arith.constant 715 : index
    %swap3A_57 = tpu.vector_load %arg9[%swap3A_56] {strides = array<i32>} : memref<1040xf32, #tpu.memory_space<vmem>>, vector<16xf32>,
    tpu.vector_store %arg9[%swap3A_56], %get3A_10 {strides = array<i32>} : memref<1040xf32, #tpu.memory_space<vmem>>, vector<16xf32>,
    %swap3A_58 = arith.constant 780 : index
    %swap3A_59 = tpu.vector_load %arg8[%swap3A_58] {strides = array<i32>} : memref<1040xf32, #tpu.memory_space<vmem>>, vector<16xf32>,
    tpu.vector_store %arg8[%swap3A_58], %get3A_6 {strides = array<i32>} : memref<1040xf32, #tpu.memory_space<vmem>>, vector<16xf32>,
    %swap3A_60 = arith.constant 780 : index
    %swap3A_61 = tpu.vector_load %arg9[%swap3A_60] {strides = array<i32>} : memref<1040xf32, #tpu.memory_space<vmem>>, vector<16xf32>,
    tpu.vector_store %arg9[%swap3A_60], %get3A_10 {strides = array<i32>} : memref<1040xf32, #tpu.memory_space<vmem>>, vector<16xf32>,
    %swap3A_62 = arith.constant 845 : index
    %swap3A_63 = tpu.vector_load %arg8[%swap3A_62] {strides = array<i32>} : memref<1040xf32, #tpu.memory_space<vmem>>, vector<16xf32>,
    tpu.vector_store %arg8[%swap3A_62], %get3A_6 {strides = array<i32>} : memref<1040xf32, #tpu.memory_space<vmem>>, vector<16xf32>,
    %swap3A_64 = arith.constant 845 : index
    %swap3A_65 = tpu.vector_load %arg9[%swap3A_64] {strides = array<i32>} : memref<1040xf32, #tpu.memory_space<vmem>>, vector<16xf32>,
    tpu.vector_store %arg9[%swap3A_64], %get3A_10 {strides = array<i32>} : memref<1040xf32, #tpu.memory_space<vmem>>, vector<16xf32>,
    %swap3A_66 = arith.constant 910 : index
    %swap3A_67 = tpu.vector_load %arg8[%swap3A_66] {strides = array<i32>} : memref<1040xf32, #tpu.memory_space<vmem>>, vector<16xf32>,
    tpu.vector_store %arg8[%swap3A_66], %get3A_6 {strides = array<i32>} : memref<1040xf32, #tpu.memory_space<vmem>>, vector<16xf32>,
    %swap3A_68 = arith.constant 910 : index
    %swap3A_69 = tpu.vector_load %arg9[%swap3A_68] {strides = array<i32>} : memref<1040xf32, #tpu.memory_space<vmem>>, vector<16xf32>,
    tpu.vector_store %arg9[%swap3A_68], %get3A_10 {strides = array<i32>} : memref<1040xf32, #tpu.memory_space<vmem>>, vector<16xf32>,
    %swap3A_70 = arith.constant 975 : index
    %swap3A_71 = tpu.vector_load %arg8[%swap3A_70] {strides = array<i32>} : memref<1040xf32, #tpu.memory_space<vmem>>, vector<16xf32>,
    tpu.vector_store %arg8[%swap3A_70], %get3A_6 {strides = array<i32>} : memref<1040xf32, #tpu.memory_space<vmem>>, vector<16xf32>,
    %swap3A_72 = arith.constant 975 : index
    %swap3A_73 = tpu.vector_load %arg9[%swap3A_72] {strides = array<i32>} : memref<1040xf32, #tpu.memory_space<vmem>>, vector<16xf32>,
    tpu.vector_store %arg9[%swap3A_72], %get3A_10 {strides = array<i32>} : memref<1040xf32, #tpu.memory_space<vmem>>, vector<16xf32>,
    %get3A_74 = arith.constant 1 : i32
    %get3A_75 = arith.index_cast %get3A_74 : i32 to index
    %get3A_76 = arith.constant 0 : index
    %get3A_77 = tpu.vector_load %arg6[%get3A_75, %get3A_76] {strides = array<i32>} : memref<4x16xf32, #tpu.memory_space<vmem>>, vector<16xf32>,
    %get3A_78 = arith.constant 1 : i32
    %get3A_79 = arith.index_cast %get3A_78 : i32 to index
    %get3A_80 = arith.constant 0 : index
    %get3A_81 = tpu.vector_load %arg7[%get3A_79, %get3A_80] {strides = array<i32>} : memref<4x16xf32, #tpu.memory_space<vmem>>, vector<16xf32>,
    %swap3A_82 = arith.constant 16 : index
    %swap3A_83 = tpu.vector_load %arg8[%swap3A_82] {strides = array<i32>} : memref<1040xf32, #tpu.memory_space<vmem>>, vector<16xf32>,
    tpu.vector_store %arg8[%swap3A_82], %get3A_77 {strides = array<i32>} : memref<1040xf32, #tpu.memory_space<vmem>>, vector<16xf32>,
    %swap3A_84 = arith.constant 16 : index
    %swap3A_85 = tpu.vector_load %arg9[%swap3A_84] {strides = array<i32>} : memref<1040xf32, #tpu.memory_space<vmem>>, vector<16xf32>,
    tpu.vector_store %arg9[%swap3A_84], %get3A_81 {strides = array<i32>} : memref<1040xf32, #tpu.memory_space<vmem>>, vector<16xf32>,
    %swap3A_86 = arith.constant 81 : index
    %swap3A_87 = tpu.vector_load %arg8[%swap3A_86] {strides = array<i32>} : memref<1040xf32, #tpu.memory_space<vmem>>, vector<16xf32>,
    tpu.vector_store %arg8[%swap3A_86], %get3A_77 {strides = array<i32>} : memref<1040xf32, #tpu.memory_space<vmem>>, vector<16xf32>,
    %swap3A_88 = arith.constant 81 : index
    %swap3A_89 = tpu.vector_load %arg9[%swap3A_88] {strides = array<i32>} : memref<1040xf32, #tpu.memory_space<vmem>>, vector<16xf32>,
    tpu.vector_store %arg9[%swap3A_88], %get3A_81 {strides = array<i32>} : memref<1040xf32, #tpu.memory_space<vmem>>, vector<16xf32>,
    %swap3A_90 = arith.constant 146 : index
    %swap3A_91 = tpu.vector_load %arg8[%swap3A_90] {strides = array<i32>} : memref<1040xf32, #tpu.memory_space<vmem>>, vector<16xf32>,
    tpu.vector_store %arg8[%swap3A_90], %get3A_77 {strides = array<i32>} : memref<1040xf32, #tpu.memory_space<vmem>>, vector<16xf32>,
    %swap3A_92 = arith.constant 146 : index
    %swap3A_93 = tpu.vector_load %arg9[%swap3A_92] {strides = array<i32>} : memref<1040xf32, #tpu.memory_space<vmem>>, vector<16xf32>,
    tpu.vector_store %arg9[%swap3A_92], %get3A_81 {strides = array<i32>} : memref<1040xf32, #tpu.memory_space<vmem>>, vector<16xf32>,
    %swap3A_94 = arith.constant 211 : index
    %swap3A_95 = tpu.vector_load %arg8[%swap3A_94] {strides = array<i32>} : memref<1040xf32, #tpu.memory_space<vmem>>, vector<16xf32>,
    tpu.vector_store %arg8[%swap3A_94], %get3A_77 {strides = array<i32>} : memref<1040xf32, #tpu.memory_space<vmem>>, vector<16xf32>,
    %swap3A_96 = arith.constant 211 : index
    %swap3A_97 = tpu.vector_load %arg9[%swap3A_96] {strides = array<i32>} : memref<1040xf32, #tpu.memory_space<vmem>>, vector<16xf32>,
    tpu.vector_store %arg9[%swap3A_96], %get3A_81 {strides = array<i32>} : memref<1040xf32, #tpu.memory_space<vmem>>, vector<16xf32>,
    %swap3A_98 = arith.constant 276 : index
    %swap3A_99 = tpu.vector_load %arg8[%swap3A_98] {strides = array<i32>} : memref<1040xf32, #tpu.memory_space<vmem>>, vector<16xf32>,
    tpu.vector_store %arg8[%swap3A_98], %get3A_77 {strides = array<i32>} : memref<1040xf32, #tpu.memory_space<vmem>>, vector<16xf32>,
    %swap3A_100 = arith.constant 276 : index
    %swap3A_101 = tpu.vector_load %arg9[%swap3A_100] {strides = array<i32>} : memref<1040xf32, #tpu.memory_space<vmem>>, vector<16xf32>,
    tpu.vector_store %arg9[%swap3A_100], %get3A_81 {strides = array<i32>} : memref<1040xf32, #tpu.memory_space<vmem>>, vector<16xf32>,
    %swap3A_102 = arith.constant 341 : index
    %swap3A_103 = tpu.vector_load %arg8[%swap3A_102] {strides = array<i32>} : memref<1040xf32, #tpu.memory_space<vmem>>, vector<16xf32>,
    tpu.vector_store %arg8[%swap3A_102], %get3A_77 {strides = array<i32>} : memref<1040xf32, #tpu.memory_space<vmem>>, vector<16xf32>,
    %swap3A_104 = arith.constant 341 : index
    %swap3A_105 = tpu.vector_load %arg9[%swap3A_104] {strides = array<i32>} : memref<1040xf32, #tpu.memory_space<vmem>>, vector<16xf32>,
    tpu.vector_store %arg9[%swap3A_104], %get3A_81 {strides = array<i32>} : memref<1040xf32, #tpu.memory_space<vmem>>, vector<16xf32>,
    %swap3A_106 = arith.constant 406 : index
    %swap3A_107 = tpu.vector_load %arg8[%swap3A_106] {strides = array<i32>} : memref<1040xf32, #tpu.memory_space<vmem>>, vector<16xf32>,
    tpu.vector_store %arg8[%swap3A_106], %get3A_77 {strides = array<i32>} : memref<1040xf32, #tpu.memory_space<vmem>>, vector<16xf32>,
    %swap3A_108 = arith.constant 406 : index
    %swap3A_109 = tpu.vector_load %arg9[%swap3A_108] {strides = array<i32>} : memref<1040xf32, #tpu.memory_space<vmem>>, vector<16xf32>,
    tpu.vector_store %arg9[%swap3A_108], %get3A_81 {strides = array<i32>} : memref<1040xf32, #tpu.memory_space<vmem>>, vector<16xf32>,
    %swap3A_110 = arith.constant 471 : index
    %swap3A_111 = tpu.vector_load %arg8[%swap3A_110] {strides = array<i32>} : memref<1040xf32, #tpu.memory_space<vmem>>, vector<16xf32>,
    tpu.vector_store %arg8[%swap3A_110], %get3A_77 {strides = array<i32>} : memref<1040xf32, #tpu.memory_space<vmem>>, vector<16xf32>,
    %swap3A_112 = arith.constant 471 : index
    %swap3A_113 = tpu.vector_load %arg9[%swap3A_112] {strides = array<i32>} : memref<1040xf32, #tpu.memory_space<vmem>>, vector<16xf32>,
    tpu.vector_store %arg9[%swap3A_112], %get3A_81 {strides = array<i32>} : memref<1040xf32, #tpu.memory_space<vmem>>, vector<16xf32>,
    %swap3A_114 = arith.constant 536 : index
    %swap3A_115 = tpu.vector_load %arg8[%swap3A_114] {strides = array<i32>} : memref<1040xf32, #tpu.memory_space<vmem>>, vector<16xf32>,
    tpu.vector_store %arg8[%swap3A_114], %get3A_77 {strides = array<i32>} : memref<1040xf32, #tpu.memory_space<vmem>>, vector<16xf32>,
    %swap3A_116 = arith.constant 536 : index
    %swap3A_117 = tpu.vector_load %arg9[%swap3A_116] {strides = array<i32>} : memref<1040xf32, #tpu.memory_space<vmem>>, vector<16xf32>,
    tpu.vector_store %arg9[%swap3A_116], %get3A_81 {strides = array<i32>} : memref<1040xf32, #tpu.memory_space<vmem>>, vector<16xf32>,
    %swap3A_118 = arith.constant 601 : index
    %swap3A_119 = tpu.vector_load %arg8[%swap3A_118] {strides = array<i32>} : memref<1040xf32, #tpu.memory_space<vmem>>, vector<16xf32>,
    tpu.vector_store %arg8[%swap3A_118], %get3A_77 {strides = array<i32>} : memref<1040xf32, #tpu.memory_space<vmem>>, vector<16xf32>,
    %swap3A_120 = arith.constant 601 : index
    %swap3A_121 = tpu.vector_load %arg9[%swap3A_120] {strides = array<i32>} : memref<1040xf32, #tpu.memory_space<vmem>>, vector<16xf32>,
    tpu.vector_store %arg9[%swap3A_120], %get3A_81 {strides = array<i32>} : memref<1040xf32, #tpu.memory_space<vmem>>, vector<16xf32>,
    %swap3A_122 = arith.constant 666 : index
    %swap3A_123 = tpu.vector_load %arg8[%swap3A_122] {strides = array<i32>} : memref<1040xf32, #tpu.memory_space<vmem>>, vector<16xf32>,
    tpu.vector_store %arg8[%swap3A_122], %get3A_77 {strides = array<i32>} : memref<1040xf32, #tpu.memory_space<vmem>>, vector<16xf32>,
    %swap3A_124 = arith.constant 666 : index
    %swap3A_125 = tpu.vector_load %arg9[%swap3A_124] {strides = array<i32>} : memref<1040xf32, #tpu.memory_space<vmem>>, vector<16xf32>,
    tpu.vector_store %arg9[%swap3A_124], %get3A_81 {strides = array<i32>} : memref<1040xf32, #tpu.memory_space<vmem>>, vector<16xf32>,
    %swap3A_126 = arith.constant 731 : index
    %swap3A_127 = tpu.vector_load %arg8[%swap3A_126] {strides = array<i32>} : memref<1040xf32, #tpu.memory_space<vmem>>, vector<16xf32>,
    tpu.vector_store %arg8[%swap3A_126], %get3A_77 {strides = array<i32>} : memref<1040xf32, #tpu.memory_space<vmem>>, vector<16xf32>,
    %swap3A_128 = arith.constant 731 : index
    %swap3A_129 = tpu.vector_load %arg9[%swap3A_128] {strides = array<i32>} : memref<1040xf32, #tpu.memory_space<vmem>>, vector<16xf32>,
    tpu.vector_store %arg9[%swap3A_128], %get3A_81 {strides = array<i32>} : memref<1040xf32, #tpu.memory_space<vmem>>, vector<16xf32>,
    %swap3A_130 = arith.constant 796 : index
    %swap3A_131 = tpu.vector_load %arg8[%swap3A_130] {strides = array<i32>} : memref<1040xf32, #tpu.memory_space<vmem>>, vector<16xf32>,
    tpu.vector_store %arg8[%swap3A_130], %get3A_77 {strides = array<i32>} : memref<1040xf32, #tpu.memory_space<vmem>>, vector<16xf32>,
    %swap3A_132 = arith.constant 796 : index
    %swap3A_133 = tpu.vector_load %arg9[%swap3A_132] {strides = array<i32>} : memref<1040xf32, #tpu.memory_space<vmem>>, vector<16xf32>,
    tpu.vector_store %arg9[%swap3A_132], %get3A_81 {strides = array<i32>} : memref<1040xf32, #tpu.memory_space<vmem>>, vector<16xf32>,
    %swap3A_134 = arith.constant 861 : index
    %swap3A_135 = tpu.vector_load %arg8[%swap3A_134] {strides = array<i32>} : memref<1040xf32, #tpu.memory_space<vmem>>, vector<16xf32>,
    tpu.vector_store %arg8[%swap3A_134], %get3A_77 {strides = array<i32>} : memref<1040xf32, #tpu.memory_space<vmem>>, vector<16xf32>,
    %swap3A_136 = arith.constant 861 : index
    %swap3A_137 = tpu.vector_load %arg9[%swap3A_136] {strides = array<i32>} : memref<1040xf32, #tpu.memory_space<vmem>>, vector<16xf32>,
    tpu.vector_store %arg9[%swap3A_136], %get3A_81 {strides = array<i32>} : memref<1040xf32, #tpu.memory_space<vmem>>, vector<16xf32>,
    %swap3A_138 = arith.constant 926 : index
    %swap3A_139 = tpu.vector_load %arg8[%swap3A_138] {strides = array<i32>} : memref<1040xf32, #tpu.memory_space<vmem>>, vector<16xf32>,
    tpu.vector_store %arg8[%swap3A_138], %get3A_77 {strides = array<i32>} : memref<1040xf32, #tpu.memory_space<vmem>>, vector<16xf32>,
    %swap3A_140 = arith.constant 926 : index
    %swap3A_141 = tpu.vector_load %arg9[%swap3A_140] {strides = array<i32>} : memref<1040xf32, #tpu.memory_space<vmem>>, vector<16xf32>,
    tpu.vector_store %arg9[%swap3A_140], %get3A_81 {strides = array<i32>} : memref<1040xf32, #tpu.memory_space<vmem>>, vector<16xf32>,
    %swap3A_142 = arith.constant 991 : index
    %swap3A_143 = tpu.vector_load %arg8[%swap3A_142] {strides = array<i32>} : memref<1040xf32, #tpu.memory_space<vmem>>, vector<16xf32>,
    tpu.vector_store %arg8[%swap3A_142], %get3A_77 {strides = array<i32>} : memref<1040xf32, #tpu.memory_space<vmem>>, vector<16xf32>,
    %swap3A_144 = arith.constant 991 : index
    %swap3A_145 = tpu.vector_load %arg9[%swap3A_144] {strides = array<i32>} : memref<1040xf32, #tpu.memory_space<vmem>>, vector<16xf32>,
    tpu.vector_store %arg9[%swap3A_144], %get3A_81 {strides = array<i32>} : memref<1040xf32, #tpu.memory_space<vmem>>, vector<16xf32>,
    %get3A_146 = arith.constant 2 : i32
    %get3A_147 = arith.index_cast %get3A_146 : i32 to index
    %get3A_148 = arith.constant 0 : index
    %get3A_149 = tpu.vector_load %arg6[%get3A_147, %get3A_148] {strides = array<i32>} : memref<4x16xf32, #tpu.memory_space<vmem>>, vector<16xf32>,
    %get3A_150 = arith.constant 2 : i32
    %get3A_151 = arith.index_cast %get3A_150 : i32 to index
    %get3A_152 = arith.constant 0 : index
    %get3A_153 = tpu.vector_load %arg7[%get3A_151, %get3A_152] {strides = array<i32>} : memref<4x16xf32, #tpu.memory_space<vmem>>, vector<16xf32>,
    %swap3A_154 = arith.constant 32 : index
    %swap3A_155 = tpu.vector_load %arg8[%swap3A_154] {strides = array<i32>} : memref<1040xf32, #tpu.memory_space<vmem>>, vector<16xf32>,
    tpu.vector_store %arg8[%swap3A_154], %get3A_149 {strides = array<i32>} : memref<1040xf32, #tpu.memory_space<vmem>>, vector<16xf32>,
    %swap3A_156 = arith.constant 32 : index
    %swap3A_157 = tpu.vector_load %arg9[%swap3A_156] {strides = array<i32>} : memref<1040xf32, #tpu.memory_space<vmem>>, vector<16xf32>,
    tpu.vector_store %arg9[%swap3A_156], %get3A_153 {strides = array<i32>} : memref<1040xf32, #tpu.memory_space<vmem>>, vector<16xf32>,
    %swap3A_158 = arith.constant 97 : index
    %swap3A_159 = tpu.vector_load %arg8[%swap3A_158] {strides = array<i32>} : memref<1040xf32, #tpu.memory_space<vmem>>, vector<16xf32>,
    tpu.vector_store %arg8[%swap3A_158], %get3A_149 {strides = array<i32>} : memref<1040xf32, #tpu.memory_space<vmem>>, vector<16xf32>,
    %swap3A_160 = arith.constant 97 : index
    %swap3A_161 = tpu.vector_load %arg9[%swap3A_160] {strides = array<i32>} : memref<1040xf32, #tpu.memory_space<vmem>>, vector<16xf32>,
    tpu.vector_store %arg9[%swap3A_160], %get3A_153 {strides = array<i32>} : memref<1040xf32, #tpu.memory_space<vmem>>, vector<16xf32>,
    %swap3A_162 = arith.constant 162 : index
    %swap3A_163 = tpu.vector_load %arg8[%swap3A_162] {strides = array<i32>} : memref<1040xf32, #tpu.memory_space<vmem>>, vector<16xf32>,
    tpu.vector_store %arg8[%swap3A_162], %get3A_149 {strides = array<i32>} : memref<1040xf32, #tpu.memory_space<vmem>>, vector<16xf32>,
    %swap3A_164 = arith.constant 162 : index
    %swap3A_165 = tpu.vector_load %arg9[%swap3A_164] {strides = array<i32>} : memref<1040xf32, #tpu.memory_space<vmem>>, vector<16xf32>,
    tpu.vector_store %arg9[%swap3A_164], %get3A_153 {strides = array<i32>} : memref<1040xf32, #tpu.memory_space<vmem>>, vector<16xf32>,
    %swap3A_166 = arith.constant 227 : index
    %swap3A_167 = tpu.vector_load %arg8[%swap3A_166] {strides = array<i32>} : memref<1040xf32, #tpu.memory_space<vmem>>, vector<16xf32>,
    tpu.vector_store %arg8[%swap3A_166], %get3A_149 {strides = array<i32>} : memref<1040xf32, #tpu.memory_space<vmem>>, vector<16xf32>,
    %swap3A_168 = arith.constant 227 : index
    %swap3A_169 = tpu.vector_load %arg9[%swap3A_168] {strides = array<i32>} : memref<1040xf32, #tpu.memory_space<vmem>>, vector<16xf32>,
    tpu.vector_store %arg9[%swap3A_168], %get3A_153 {strides = array<i32>} : memref<1040xf32, #tpu.memory_space<vmem>>, vector<16xf32>,
    %swap3A_170 = arith.constant 292 : index
    %swap3A_171 = tpu.vector_load %arg8[%swap3A_170] {strides = array<i32>} : memref<1040xf32, #tpu.memory_space<vmem>>, vector<16xf32>,
    tpu.vector_store %arg8[%swap3A_170], %get3A_149 {strides = array<i32>} : memref<1040xf32, #tpu.memory_space<vmem>>, vector<16xf32>,
    %swap3A_172 = arith.constant 292 : index
    %swap3A_173 = tpu.vector_load %arg9[%swap3A_172] {strides = array<i32>} : memref<1040xf32, #tpu.memory_space<vmem>>, vector<16xf32>,
    tpu.vector_store %arg9[%swap3A_172], %get3A_153 {strides = array<i32>} : memref<1040xf32, #tpu.memory_space<vmem>>, vector<16xf32>,
    %swap3A_174 = arith.constant 357 : index
    %swap3A_175 = tpu.vector_load %arg8[%swap3A_174] {strides = array<i32>} : memref<1040xf32, #tpu.memory_space<vmem>>, vector<16xf32>,
    tpu.vector_store %arg8[%swap3A_174], %get3A_149 {strides = array<i32>} : memref<1040xf32, #tpu.memory_space<vmem>>, vector<16xf32>,
    %swap3A_176 = arith.constant 357 : index
    %swap3A_177 = tpu.vector_load %arg9[%swap3A_176] {strides = array<i32>} : memref<1040xf32, #tpu.memory_space<vmem>>, vector<16xf32>,
    tpu.vector_store %arg9[%swap3A_176], %get3A_153 {strides = array<i32>} : memref<1040xf32, #tpu.memory_space<vmem>>, vector<16xf32>,
    %swap3A_178 = arith.constant 422 : index
    %swap3A_179 = tpu.vector_load %arg8[%swap3A_178] {strides = array<i32>} : memref<1040xf32, #tpu.memory_space<vmem>>, vector<16xf32>,
    tpu.vector_store %arg8[%swap3A_178], %get3A_149 {strides = array<i32>} : memref<1040xf32, #tpu.memory_space<vmem>>, vector<16xf32>,
    %swap3A_180 = arith.constant 422 : index
    %swap3A_181 = tpu.vector_load %arg9[%swap3A_180] {strides = array<i32>} : memref<1040xf32, #tpu.memory_space<vmem>>, vector<16xf32>,
    tpu.vector_store %arg9[%swap3A_180], %get3A_153 {strides = array<i32>} : memref<1040xf32, #tpu.memory_space<vmem>>, vector<16xf32>,
    %swap3A_182 = arith.constant 487 : index
    %swap3A_183 = tpu.vector_load %arg8[%swap3A_182] {strides = array<i32>} : memref<1040xf32, #tpu.memory_space<vmem>>, vector<16xf32>,
    tpu.vector_store %arg8[%swap3A_182], %get3A_149 {strides = array<i32>} : memref<1040xf32, #tpu.memory_space<vmem>>, vector<16xf32>,
    %swap3A_184 = arith.constant 487 : index
    %swap3A_185 = tpu.vector_load %arg9[%swap3A_184] {strides = array<i32>} : memref<1040xf32, #tpu.memory_space<vmem>>, vector<16xf32>,
    tpu.vector_store %arg9[%swap3A_184], %get3A_153 {strides = array<i32>} : memref<1040xf32, #tpu.memory_space<vmem>>, vector<16xf32>,
    %swap3A_186 = arith.constant 552 : index
    %swap3A_187 = tpu.vector_load %arg8[%swap3A_186] {strides = array<i32>} : memref<1040xf32, #tpu.memory_space<vmem>>, vector<16xf32>,
    tpu.vector_store %arg8[%swap3A_186], %get3A_149 {strides = array<i32>} : memref<1040xf32, #tpu.memory_space<vmem>>, vector<16xf32>,
    %swap3A_188 = arith.constant 552 : index
    %swap3A_189 = tpu.vector_load %arg9[%swap3A_188] {strides = array<i32>} : memref<1040xf32, #tpu.memory_space<vmem>>, vector<16xf32>,
    tpu.vector_store %arg9[%swap3A_188], %get3A_153 {strides = array<i32>} : memref<1040xf32, #tpu.memory_space<vmem>>, vector<16xf32>,
    %swap3A_190 = arith.constant 617 : index
    %swap3A_191 = tpu.vector_load %arg8[%swap3A_190] {strides = array<i32>} : memref<1040xf32, #tpu.memory_space<vmem>>, vector<16xf32>,
    tpu.vector_store %arg8[%swap3A_190], %get3A_149 {strides = array<i32>} : memref<1040xf32, #tpu.memory_space<vmem>>, vector<16xf32>,
    %swap3A_192 = arith.constant 617 : index
    %swap3A_193 = tpu.vector_load %arg9[%swap3A_192] {strides = array<i32>} : memref<1040xf32, #tpu.memory_space<vmem>>, vector<16xf32>,
    tpu.vector_store %arg9[%swap3A_192], %get3A_153 {strides = array<i32>} : memref<1040xf32, #tpu.memory_space<vmem>>, vector<16xf32>,
    %swap3A_194 = arith.constant 682 : index
    %swap3A_195 = tpu.vector_load %arg8[%swap3A_194] {strides = array<i32>} : memref<1040xf32, #tpu.memory_space<vmem>>, vector<16xf32>,
    tpu.vector_store %arg8[%swap3A_194], %get3A_149 {strides = array<i32>} : memref<1040xf32, #tpu.memory_space<vmem>>, vector<16xf32>,
    %swap3A_196 = arith.constant 682 : index
    %swap3A_197 = tpu.vector_load %arg9[%swap3A_196] {strides = array<i32>} : memref<1040xf32, #tpu.memory_space<vmem>>, vector<16xf32>,
    tpu.vector_store %arg9[%swap3A_196], %get3A_153 {strides = array<i32>} : memref<1040xf32, #tpu.memory_space<vmem>>, vector<16xf32>,
    %swap3A_198 = arith.constant 747 : index
    %swap3A_199 = tpu.vector_load %arg8[%swap3A_198] {strides = array<i32>} : memref<1040xf32, #tpu.memory_space<vmem>>, vector<16xf32>,
    tpu.vector_store %arg8[%swap3A_198], %get3A_149 {strides = array<i32>} : memref<1040xf32, #tpu.memory_space<vmem>>, vector<16xf32>,
    %swap3A_200 = arith.constant 747 : index
    %swap3A_201 = tpu.vector_load %arg9[%swap3A_200] {strides = array<i32>} : memref<1040xf32, #tpu.memory_space<vmem>>, vector<16xf32>,
    tpu.vector_store %arg9[%swap3A_200], %get3A_153 {strides = array<i32>} : memref<1040xf32, #tpu.memory_space<vmem>>, vector<16xf32>,
    %swap3A_202 = arith.constant 812 : index
    %swap3A_203 = tpu.vector_load %arg8[%swap3A_202] {strides = array<i32>} : memref<1040xf32, #tpu.memory_space<vmem>>, vector<16xf32>,
    tpu.vector_store %arg8[%swap3A_202], %get3A_149 {strides = array<i32>} : memref<1040xf32, #tpu.memory_space<vmem>>, vector<16xf32>,
    %swap3A_204 = arith.constant 812 : index
    %swap3A_205 = tpu.vector_load %arg9[%swap3A_204] {strides = array<i32>} : memref<1040xf32, #tpu.memory_space<vmem>>, vector<16xf32>,
    tpu.vector_store %arg9[%swap3A_204], %get3A_153 {strides = array<i32>} : memref<1040xf32, #tpu.memory_space<vmem>>, vector<16xf32>,
    %swap3A_206 = arith.constant 877 : index
    %swap3A_207 = tpu.vector_load %arg8[%swap3A_206] {strides = array<i32>} : memref<1040xf32, #tpu.memory_space<vmem>>, vector<16xf32>,
    tpu.vector_store %arg8[%swap3A_206], %get3A_149 {strides = array<i32>} : memref<1040xf32, #tpu.memory_space<vmem>>, vector<16xf32>,
    %swap3A_208 = arith.constant 877 : index
    %swap3A_209 = tpu.vector_load %arg9[%swap3A_208] {strides = array<i32>} : memref<1040xf32, #tpu.memory_space<vmem>>, vector<16xf32>,
    tpu.vector_store %arg9[%swap3A_208], %get3A_153 {strides = array<i32>} : memref<1040xf32, #tpu.memory_space<vmem>>, vector<16xf32>,
    %swap3A_210 = arith.constant 942 : index
    %swap3A_211 = tpu.vector_load %arg8[%swap3A_210] {strides = array<i32>} : memref<1040xf32, #tpu.memory_space<vmem>>, vector<16xf32>,
    tpu.vector_store %arg8[%swap3A_210], %get3A_149 {strides = array<i32>} : memref<1040xf32, #tpu.memory_space<vmem>>, vector<16xf32>,
    %swap3A_212 = arith.constant 942 : index
    %swap3A_213 = tpu.vector_load %arg9[%swap3A_212] {strides = array<i32>} : memref<1040xf32, #tpu.memory_space<vmem>>, vector<16xf32>,
    tpu.vector_store %arg9[%swap3A_212], %get3A_153 {strides = array<i32>} : memref<1040xf32, #tpu.memory_space<vmem>>, vector<16xf32>,
    %swap3A_214 = arith.constant 1007 : index
    %swap3A_215 = tpu.vector_load %arg8[%swap3A_214] {strides = array<i32>} : memref<1040xf32, #tpu.memory_space<vmem>>, vector<16xf32>,
    tpu.vector_store %arg8[%swap3A_214], %get3A_149 {strides = array<i32>} : memref<1040xf32, #tpu.memory_space<vmem>>, vector<16xf32>,
    %swap3A_216 = arith.constant 1007 : index
    %swap3A_217 = tpu.vector_load %arg9[%swap3A_216] {strides = array<i32>} : memref<1040xf32, #tpu.memory_space<vmem>>, vector<16xf32>,
    tpu.vector_store %arg9[%swap3A_216], %get3A_153 {strides = array<i32>} : memref<1040xf32, #tpu.memory_space<vmem>>, vector<16xf32>,
    %get3A_218 = arith.constant 3 : i32
    %get3A_219 = arith.index_cast %get3A_218 : i32 to index
    %get3A_220 = arith.constant 0 : index
    %get3A_221 = tpu.vector_load %arg6[%get3A_219, %get3A_220] {strides = array<i32>} : memref<4x16xf32, #tpu.memory_space<vmem>>, vector<16xf32>,
    %get3A_222 = arith.constant 3 : i32
    %get3A_223 = arith.index_cast %get3A_222 : i32 to index
    %get3A_224 = arith.constant 0 : index
    %get3A_225 = tpu.vector_load %arg7[%get3A_223, %get3A_224] {strides = array<i32>} : memref<4x16xf32, #tpu.memory_space<vmem>>, vector<16xf32>,
    %swap3A_226 = arith.constant 48 : index
    %swap3A_227 = tpu.vector_load %arg8[%swap3A_226] {strides = array<i32>} : memref<1040xf32, #tpu.memory_space<vmem>>, vector<16xf32>,
    tpu.vector_store %arg8[%swap3A_226], %get3A_221 {strides = array<i32>} : memref<1040xf32, #tpu.memory_space<vmem>>, vector<16xf32>,
    %swap3A_228 = arith.constant 48 : index
    %swap3A_229 = tpu.vector_load %arg9[%swap3A_228] {strides = array<i32>} : memref<1040xf32, #tpu.memory_space<vmem>>, vector<16xf32>,
    tpu.vector_store %arg9[%swap3A_228], %get3A_225 {strides = array<i32>} : memref<1040xf32, #tpu.memory_space<vmem>>, vector<16xf32>,
    %swap3A_230 = arith.constant 113 : index
    %swap3A_231 = tpu.vector_load %arg8[%swap3A_230] {strides = array<i32>} : memref<1040xf32, #tpu.memory_space<vmem>>, vector<16xf32>,
    tpu.vector_store %arg8[%swap3A_230], %get3A_221 {strides = array<i32>} : memref<1040xf32, #tpu.memory_space<vmem>>, vector<16xf32>,
    %swap3A_232 = arith.constant 113 : index
    %swap3A_233 = tpu.vector_load %arg9[%swap3A_232] {strides = array<i32>} : memref<1040xf32, #tpu.memory_space<vmem>>, vector<16xf32>,
    tpu.vector_store %arg9[%swap3A_232], %get3A_225 {strides = array<i32>} : memref<1040xf32, #tpu.memory_space<vmem>>, vector<16xf32>,
    %swap3A_234 = arith.constant 178 : index
    %swap3A_235 = tpu.vector_load %arg8[%swap3A_234] {strides = array<i32>} : memref<1040xf32, #tpu.memory_space<vmem>>, vector<16xf32>,
    tpu.vector_store %arg8[%swap3A_234], %get3A_221 {strides = array<i32>} : memref<1040xf32, #tpu.memory_space<vmem>>, vector<16xf32>,
    %swap3A_236 = arith.constant 178 : index
    %swap3A_237 = tpu.vector_load %arg9[%swap3A_236] {strides = array<i32>} : memref<1040xf32, #tpu.memory_space<vmem>>, vector<16xf32>,
    tpu.vector_store %arg9[%swap3A_236], %get3A_225 {strides = array<i32>} : memref<1040xf32, #tpu.memory_space<vmem>>, vector<16xf32>,
    %swap3A_238 = arith.constant 243 : index
    %swap3A_239 = tpu.vector_load %arg8[%swap3A_238] {strides = array<i32>} : memref<1040xf32, #tpu.memory_space<vmem>>, vector<16xf32>,
    tpu.vector_store %arg8[%swap3A_238], %get3A_221 {strides = array<i32>} : memref<1040xf32, #tpu.memory_space<vmem>>, vector<16xf32>,
    %swap3A_240 = arith.constant 243 : index
    %swap3A_241 = tpu.vector_load %arg9[%swap3A_240] {strides = array<i32>} : memref<1040xf32, #tpu.memory_space<vmem>>, vector<16xf32>,
    tpu.vector_store %arg9[%swap3A_240], %get3A_225 {strides = array<i32>} : memref<1040xf32, #tpu.memory_space<vmem>>, vector<16xf32>,
    %swap3A_242 = arith.constant 308 : index
    %swap3A_243 = tpu.vector_load %arg8[%swap3A_242] {strides = array<i32>} : memref<1040xf32, #tpu.memory_space<vmem>>, vector<16xf32>,
    tpu.vector_store %arg8[%swap3A_242], %get3A_221 {strides = array<i32>} : memref<1040xf32, #tpu.memory_space<vmem>>, vector<16xf32>,
    %swap3A_244 = arith.constant 308 : index
    %swap3A_245 = tpu.vector_load %arg9[%swap3A_244] {strides = array<i32>} : memref<1040xf32, #tpu.memory_space<vmem>>, vector<16xf32>,
    tpu.vector_store %arg9[%swap3A_244], %get3A_225 {strides = array<i32>} : memref<1040xf32, #tpu.memory_space<vmem>>, vector<16xf32>,
    %swap3A_246 = arith.constant 373 : index
    %swap3A_247 = tpu.vector_load %arg8[%swap3A_246] {strides = array<i32>} : memref<1040xf32, #tpu.memory_space<vmem>>, vector<16xf32>,
    tpu.vector_store %arg8[%swap3A_246], %get3A_221 {strides = array<i32>} : memref<1040xf32, #tpu.memory_space<vmem>>, vector<16xf32>,
    %swap3A_248 = arith.constant 373 : index
    %swap3A_249 = tpu.vector_load %arg9[%swap3A_248] {strides = array<i32>} : memref<1040xf32, #tpu.memory_space<vmem>>, vector<16xf32>,
    tpu.vector_store %arg9[%swap3A_248], %get3A_225 {strides = array<i32>} : memref<1040xf32, #tpu.memory_space<vmem>>, vector<16xf32>,
    %swap3A_250 = arith.constant 438 : index
    %swap3A_251 = tpu.vector_load %arg8[%swap3A_250] {strides = array<i32>} : memref<1040xf32, #tpu.memory_space<vmem>>, vector<16xf32>,
    tpu.vector_store %arg8[%swap3A_250], %get3A_221 {strides = array<i32>} : memref<1040xf32, #tpu.memory_space<vmem>>, vector<16xf32>,
    %swap3A_252 = arith.constant 438 : index
    %swap3A_253 = tpu.vector_load %arg9[%swap3A_252] {strides = array<i32>} : memref<1040xf32, #tpu.memory_space<vmem>>, vector<16xf32>,
    tpu.vector_store %arg9[%swap3A_252], %get3A_225 {strides = array<i32>} : memref<1040xf32, #tpu.memory_space<vmem>>, vector<16xf32>,
    %swap3A_254 = arith.constant 503 : index
    %swap3A_255 = tpu.vector_load %arg8[%swap3A_254] {strides = array<i32>} : memref<1040xf32, #tpu.memory_space<vmem>>, vector<16xf32>,
    tpu.vector_store %arg8[%swap3A_254], %get3A_221 {strides = array<i32>} : memref<1040xf32, #tpu.memory_space<vmem>>, vector<16xf32>,
    %swap3A_256 = arith.constant 503 : index
    %swap3A_257 = tpu.vector_load %arg9[%swap3A_256] {strides = array<i32>} : memref<1040xf32, #tpu.memory_space<vmem>>, vector<16xf32>,
    tpu.vector_store %arg9[%swap3A_256], %get3A_225 {strides = array<i32>} : memref<1040xf32, #tpu.memory_space<vmem>>, vector<16xf32>,
    %swap3A_258 = arith.constant 568 : index
    %swap3A_259 = tpu.vector_load %arg8[%swap3A_258] {strides = array<i32>} : memref<1040xf32, #tpu.memory_space<vmem>>, vector<16xf32>,
    tpu.vector_store %arg8[%swap3A_258], %get3A_221 {strides = array<i32>} : memref<1040xf32, #tpu.memory_space<vmem>>, vector<16xf32>,
    %swap3A_260 = arith.constant 568 : index
    %swap3A_261 = tpu.vector_load %arg9[%swap3A_260] {strides = array<i32>} : memref<1040xf32, #tpu.memory_space<vmem>>, vector<16xf32>,
    tpu.vector_store %arg9[%swap3A_260], %get3A_225 {strides = array<i32>} : memref<1040xf32, #tpu.memory_space<vmem>>, vector<16xf32>,
    %swap3A_262 = arith.constant 633 : index
    %swap3A_263 = tpu.vector_load %arg8[%swap3A_262] {strides = array<i32>} : memref<1040xf32, #tpu.memory_space<vmem>>, vector<16xf32>,
    tpu.vector_store %arg8[%swap3A_262], %get3A_221 {strides = array<i32>} : memref<1040xf32, #tpu.memory_space<vmem>>, vector<16xf32>,
    %swap3A_264 = arith.constant 633 : index
    %swap3A_265 = tpu.vector_load %arg9[%swap3A_264] {strides = array<i32>} : memref<1040xf32, #tpu.memory_space<vmem>>, vector<16xf32>,
    tpu.vector_store %arg9[%swap3A_264], %get3A_225 {strides = array<i32>} : memref<1040xf32, #tpu.memory_space<vmem>>, vector<16xf32>,
    %swap3A_266 = arith.constant 698 : index
    %swap3A_267 = tpu.vector_load %arg8[%swap3A_266] {strides = array<i32>} : memref<1040xf32, #tpu.memory_space<vmem>>, vector<16xf32>,
    tpu.vector_store %arg8[%swap3A_266], %get3A_221 {strides = array<i32>} : memref<1040xf32, #tpu.memory_space<vmem>>, vector<16xf32>,
    %swap3A_268 = arith.constant 698 : index
    %swap3A_269 = tpu.vector_load %arg9[%swap3A_268] {strides = array<i32>} : memref<1040xf32, #tpu.memory_space<vmem>>, vector<16xf32>,
    tpu.vector_store %arg9[%swap3A_268], %get3A_225 {strides = array<i32>} : memref<1040xf32, #tpu.memory_space<vmem>>, vector<16xf32>,
    %swap3A_270 = arith.constant 763 : index
    %swap3A_271 = tpu.vector_load %arg8[%swap3A_270] {strides = array<i32>} : memref<1040xf32, #tpu.memory_space<vmem>>, vector<16xf32>,
    tpu.vector_store %arg8[%swap3A_270], %get3A_221 {strides = array<i32>} : memref<1040xf32, #tpu.memory_space<vmem>>, vector<16xf32>,
    %swap3A_272 = arith.constant 763 : index
    %swap3A_273 = tpu.vector_load %arg9[%swap3A_272] {strides = array<i32>} : memref<1040xf32, #tpu.memory_space<vmem>>, vector<16xf32>,
    tpu.vector_store %arg9[%swap3A_272], %get3A_225 {strides = array<i32>} : memref<1040xf32, #tpu.memory_space<vmem>>, vector<16xf32>,
    %swap3A_274 = arith.constant 828 : index
    %swap3A_275 = tpu.vector_load %arg8[%swap3A_274] {strides = array<i32>} : memref<1040xf32, #tpu.memory_space<vmem>>, vector<16xf32>,
    tpu.vector_store %arg8[%swap3A_274], %get3A_221 {strides = array<i32>} : memref<1040xf32, #tpu.memory_space<vmem>>, vector<16xf32>,
    %swap3A_276 = arith.constant 828 : index
    %swap3A_277 = tpu.vector_load %arg9[%swap3A_276] {strides = array<i32>} : memref<1040xf32, #tpu.memory_space<vmem>>, vector<16xf32>,
    tpu.vector_store %arg9[%swap3A_276], %get3A_225 {strides = array<i32>} : memref<1040xf32, #tpu.memory_space<vmem>>, vector<16xf32>,
    %swap3A_278 = arith.constant 893 : index
    %swap3A_279 = tpu.vector_load %arg8[%swap3A_278] {strides = array<i32>} : memref<1040xf32, #tpu.memory_space<vmem>>, vector<16xf32>,
    tpu.vector_store %arg8[%swap3A_278], %get3A_221 {strides = array<i32>} : memref<1040xf32, #tpu.memory_space<vmem>>, vector<16xf32>,
    %swap3A_280 = arith.constant 893 : index
    %swap3A_281 = tpu.vector_load %arg9[%swap3A_280] {strides = array<i32>} : memref<1040xf32, #tpu.memory_space<vmem>>, vector<16xf32>,
    tpu.vector_store %arg9[%swap3A_280], %get3A_225 {strides = array<i32>} : memref<1040xf32, #tpu.memory_space<vmem>>, vector<16xf32>,
    %swap3A_282 = arith.constant 958 : index
    %swap3A_283 = tpu.vector_load %arg8[%swap3A_282] {strides = array<i32>} : memref<1040xf32, #tpu.memory_space<vmem>>, vector<16xf32>,
    tpu.vector_store %arg8[%swap3A_282], %get3A_221 {strides = array<i32>} : memref<1040xf32, #tpu.memory_space<vmem>>, vector<16xf32>,
    %swap3A_284 = arith.constant 958 : index
    %swap3A_285 = tpu.vector_load %arg9[%swap3A_284] {strides = array<i32>} : memref<1040xf32, #tpu.memory_space<vmem>>, vector<16xf32>,
    tpu.vector_store %arg9[%swap3A_284], %get3A_225 {strides = array<i32>} : memref<1040xf32, #tpu.memory_space<vmem>>, vector<16xf32>,
    %swap3A_286 = arith.constant 1023 : index
    %swap3A_287 = tpu.vector_load %arg8[%swap3A_286] {strides = array<i32>} : memref<1040xf32, #tpu.memory_space<vmem>>, vector<16xf32>,
    tpu.vector_store %arg8[%swap3A_286], %get3A_221 {strides = array<i32>} : memref<1040xf32, #tpu.memory_space<vmem>>, vector<16xf32>,
    %swap3A_288 = arith.constant 1023 : index
    %swap3A_289 = tpu.vector_load %arg9[%swap3A_288] {strides = array<i32>} : memref<1040xf32, #tpu.memory_space<vmem>>, vector<16xf32>,
    tpu.vector_store %arg9[%swap3A_288], %get3A_225 {strides = array<i32>} : memref<1040xf32, #tpu.memory_space<vmem>>, vector<16xf32>,
    %lt3A = arith.constant 21 : i32
    %lt3A_290 = arith.cmpi slt, %add3A, %lt3A : i32
    %jit3A = arith.constant 1 : i32
    %jit3A_291 = arith.constant 0 : i32
    %select_n3A = arith.select %lt3A_290, %jit3A, %jit3A_291 : i32
    %add3A_292 = arith.constant 97 : i32
    %add3A_293 = arith.addi %add3A_292, %select_n3A : i32
    %add3A_294 = arith.constant 0 : i32
    %add3A_295 = arith.addi %add3A_294, %add3A : i32
    %mul3A_296 = arith.constant 2048 : i32
    %mul3A_297 = arith.muli %add3A_295, %mul3A_296 : i32
    %dma_start3A = tpu.memref_slice %arg2[%mul3A_297] : memref<6400000xi32, #tpu.memory_space<hbm>> -> memref<2048xi32, #tpu.memory_space<hbm>>
    %dma_start3A_298 = tpu.memref_slice %arg2[%mul3A_297] : memref<6400000xi32, #tpu.memory_space<hbm>> -> memref<2048xi32, #tpu.memory_space<hbm>>
    tpu.enqueue_dma source(%dma_start3A_298 : memref<2048xi32, #tpu.memory_space<hbm>>) target(%arg10 : memref<2048xi32, #tpu.memory_space<vmem>>) target_semaphore(%arg14 : memref<!tpu.dma_semaphore, #tpu.memory_space<semaphore_mem>>)
    %add3A_299 = arith.constant 32 : i32
    %add3A_300 = arith.addi %add3A_299, %add3A : i32
    %mul3A_301 = arith.constant 2048 : i32
    %mul3A_302 = arith.muli %add3A_300, %mul3A_301 : i32
    %dma_start3A_303 = tpu.memref_slice %arg2[%mul3A_302] : memref<6400000xi32, #tpu.memory_space<hbm>> -> memref<2048xi32, #tpu.memory_space<hbm>>
    %dma_start3A_304 = tpu.memref_slice %arg2[%mul3A_302] : memref<6400000xi32, #tpu.memory_space<hbm>> -> memref<2048xi32, #tpu.memory_space<hbm>>
    tpu.enqueue_dma source(%dma_start3A_304 : memref<2048xi32, #tpu.memory_space<hbm>>) target(%arg11 : memref<2048xi32, #tpu.memory_space<vmem>>) target_semaphore(%arg15 : memref<!tpu.dma_semaphore, #tpu.memory_space<semaphore_mem>>)
    %scan3A = arith.constant 0 : i32
    %scan3A_305 = arith.constant 0 : i32
    %scan3A_306 = arith.constant 49 : i32
    %scan3A_307 = arith.addi %scan3A_305, %scan3A_306 : i32
    %scan3A_308 = arith.constant 1 : i32
    scf.for %scan3A_457 = %scan3A_305 to %scan3A_307 step %scan3A_308  : i32 {
      %mul3A_458 = arith.constant 2 : i32
      %mul3A_459 = arith.muli %scan3A_457, %mul3A_458 : i32
      %add3A_460 = arith.constant 0 : i32
      %add3A_461 = arith.addi %mul3A_459, %add3A_460 : i32
      %lt3A_462 = arith.cmpi slt, %add3A_461, %add3A_293 : i32
      %convert_element_type3A = arith.extui %lt3A_462 : i1 to i32
      %cond3A = arith.constant 0 : i32
      %cond3A_463 = arith.cmpi ne, %convert_element_type3A, %cond3A : i32
      scf.if %cond3A_463 {
        %mul3A_472 = arith.constant 32 : i32
        %mul3A_473 = arith.muli %add3A_461, %mul3A_472 : i32
        %add3A_474 = arith.addi %mul3A_473, %add3A : i32
        %mul3A_475 = arith.constant 2048 : i32
        %mul3A_476 = arith.muli %add3A_474, %mul3A_475 : i32
        %dma_wait3A_477 = tpu.memref_slice %arg2[%mul3A_476] : memref<6400000xi32, #tpu.memory_space<hbm>> -> memref<2048xi32, #tpu.memory_space<hbm>>
        %dma_wait3A_478 = tpu.memref_slice %arg2[%mul3A_476] : memref<6400000xi32, #tpu.memory_space<hbm>> -> memref<2048xi32, #tpu.memory_space<hbm>>
        tpu.wait_dma2 semaphore(%arg14 : memref<!tpu.dma_semaphore, #tpu.memory_space<semaphore_mem>>) src(%dma_wait3A_478 : memref<2048xi32, #tpu.memory_space<hbm>>) dst(%arg10 : memref<2048xi32, #tpu.memory_space<vmem>>)
        %ge3A = arith.constant 2 : i32
        %ge3A_479 = arith.cmpi sge, %add3A_461, %ge3A : i32
        %convert_element_type3A_480 = arith.extui %ge3A_479 : i1 to i32
        %cond3A_481 = arith.constant 0 : i32
        %cond3A_482 = arith.cmpi ne, %convert_element_type3A_480, %cond3A_481 : i32
        scf.if %cond3A_482 {
          %sub3A_536 = arith.constant 2 : i32
          %sub3A_537 = arith.subi %add3A_461, %sub3A_536 : i32
          %mul3A_538 = arith.constant 32 : i32
          %mul3A_539 = arith.muli %sub3A_537, %mul3A_538 : i32
          %add3A_540 = arith.addi %mul3A_539, %add3A : i32
          %mul3A_541 = arith.constant 8 : i32
          %mul3A_542 = arith.muli %add3A_540, %mul3A_541 : i32
          %add3A_543 = arith.constant 0 : i32
          %add3A_544 = arith.addi %add3A_543, %mul3A_542 : i32
          %mul3A_545 = arith.constant 1024 : i32
          %mul3A_546 = arith.muli %add3A_544, %mul3A_545 : i32
          %dma_wait3A_547 = arith.constant 0 : i32
          %dma_wait3A_548 = tpu.memref_slice %arg12[%dma_wait3A_547] : memref<32768xf32, #tpu.memory_space<vmem>> -> memref<8192xf32, #tpu.memory_space<vmem>>
          %dma_wait3A_549 = tpu.memref_slice %arg5[%mul3A_546] : memref<102400000xf32, #tpu.memory_space<hbm>> -> memref<8192xf32, #tpu.memory_space<hbm>>
          %dma_wait3A_550 = tpu.memref_slice %arg5[%mul3A_546] : memref<102400000xf32, #tpu.memory_space<hbm>> -> memref<8192xf32, #tpu.memory_space<hbm>>
          %dma_wait3A_551 = arith.constant 0 : i32
          %dma_wait3A_552 = tpu.memref_slice %arg12[%dma_wait3A_551] : memref<32768xf32, #tpu.memory_space<vmem>> -> memref<8192xf32, #tpu.memory_space<vmem>>
          tpu.wait_dma2 semaphore(%arg16 : memref<!tpu.dma_semaphore, #tpu.memory_space<semaphore_mem>>) src(%dma_wait3A_552 : memref<8192xf32, #tpu.memory_space<vmem>>) dst(%dma_wait3A_550 : memref<8192xf32, #tpu.memory_space<hbm>>)
          %add3A_553 = arith.constant 25000 : i32
          %add3A_554 = arith.addi %add3A_553, %mul3A_542 : i32
          %mul3A_555 = arith.constant 1024 : i32
          %mul3A_556 = arith.muli %add3A_554, %mul3A_555 : i32
          %dma_wait3A_557 = arith.constant 8192 : i32
          %dma_wait3A_558 = tpu.memref_slice %arg12[%dma_wait3A_557] : memref<32768xf32, #tpu.memory_space<vmem>> -> memref<8192xf32, #tpu.memory_space<vmem>>
          %dma_wait3A_559 = tpu.memref_slice %arg5[%mul3A_556] : memref<102400000xf32, #tpu.memory_space<hbm>> -> memref<8192xf32, #tpu.memory_space<hbm>>
          %dma_wait3A_560 = tpu.memref_slice %arg5[%mul3A_556] : memref<102400000xf32, #tpu.memory_space<hbm>> -> memref<8192xf32, #tpu.memory_space<hbm>>
          %dma_wait3A_561 = arith.constant 8192 : i32
          %dma_wait3A_562 = tpu.memref_slice %arg12[%dma_wait3A_561] : memref<32768xf32, #tpu.memory_space<vmem>> -> memref<8192xf32, #tpu.memory_space<vmem>>
          tpu.wait_dma2 semaphore(%arg16 : memref<!tpu.dma_semaphore, #tpu.memory_space<semaphore_mem>>) src(%dma_wait3A_562 : memref<8192xf32, #tpu.memory_space<vmem>>) dst(%dma_wait3A_560 : memref<8192xf32, #tpu.memory_space<hbm>>)
          %add3A_563 = arith.constant 50000 : i32
          %add3A_564 = arith.addi %add3A_563, %mul3A_542 : i32
          %mul3A_565 = arith.constant 1024 : i32
          %mul3A_566 = arith.muli %add3A_564, %mul3A_565 : i32
          %dma_wait3A_567 = arith.constant 16384 : i32
          %dma_wait3A_568 = tpu.memref_slice %arg12[%dma_wait3A_567] : memref<32768xf32, #tpu.memory_space<vmem>> -> memref<8192xf32, #tpu.memory_space<vmem>>
          %dma_wait3A_569 = tpu.memref_slice %arg5[%mul3A_566] : memref<102400000xf32, #tpu.memory_space<hbm>> -> memref<8192xf32, #tpu.memory_space<hbm>>
          %dma_wait3A_570 = tpu.memref_slice %arg5[%mul3A_566] : memref<102400000xf32, #tpu.memory_space<hbm>> -> memref<8192xf32, #tpu.memory_space<hbm>>
          %dma_wait3A_571 = arith.constant 16384 : i32
          %dma_wait3A_572 = tpu.memref_slice %arg12[%dma_wait3A_571] : memref<32768xf32, #tpu.memory_space<vmem>> -> memref<8192xf32, #tpu.memory_space<vmem>>
          tpu.wait_dma2 semaphore(%arg16 : memref<!tpu.dma_semaphore, #tpu.memory_space<semaphore_mem>>) src(%dma_wait3A_572 : memref<8192xf32, #tpu.memory_space<vmem>>) dst(%dma_wait3A_570 : memref<8192xf32, #tpu.memory_space<hbm>>)
          %add3A_573 = arith.constant 75000 : i32
          %add3A_574 = arith.addi %add3A_573, %mul3A_542 : i32
          %mul3A_575 = arith.constant 1024 : i32
          %mul3A_576 = arith.muli %add3A_574, %mul3A_575 : i32
          %dma_wait3A_577 = arith.constant 24576 : i32
          %dma_wait3A_578 = tpu.memref_slice %arg12[%dma_wait3A_577] : memref<32768xf32, #tpu.memory_space<vmem>> -> memref<8192xf32, #tpu.memory_space<vmem>>
          %dma_wait3A_579 = tpu.memref_slice %arg5[%mul3A_576] : memref<102400000xf32, #tpu.memory_space<hbm>> -> memref<8192xf32, #tpu.memory_space<hbm>>
          %dma_wait3A_580 = tpu.memref_slice %arg5[%mul3A_576] : memref<102400000xf32, #tpu.memory_space<hbm>> -> memref<8192xf32, #tpu.memory_space<hbm>>
          %dma_wait3A_581 = arith.constant 24576 : i32
          %dma_wait3A_582 = tpu.memref_slice %arg12[%dma_wait3A_581] : memref<32768xf32, #tpu.memory_space<vmem>> -> memref<8192xf32, #tpu.memory_space<vmem>>
          tpu.wait_dma2 semaphore(%arg16 : memref<!tpu.dma_semaphore, #tpu.memory_space<semaphore_mem>>) src(%dma_wait3A_582 : memref<8192xf32, #tpu.memory_space<vmem>>) dst(%dma_wait3A_580 : memref<8192xf32, #tpu.memory_space<hbm>>)
        } else {
        }
        %parallel_loop3A = arith.constant 0 : i32
        %parallel_loop3A_483 = arith.constant 64 : i32
        %parallel_loop3A_484 = arith.constant 1 : i32
        scf.for %parallel_loop3A_536 = %parallel_loop3A to %parallel_loop3A_483 step %parallel_loop3A_484  : i32 {
          %parallel_loop3A_537 = arith.constant 3 : i32
          %parallel_loop3A_538 = arith.shrsi %parallel_loop3A_536, %parallel_loop3A_537 : i32
          %parallel_loop3A_539 = arith.constant 7 : i32
          %parallel_loop3A_540 = arith.andi %parallel_loop3A_536, %parallel_loop3A_539 : i32
          %parallel_loop3A_541 = arith.constant 4 : i32
          %parallel_loop3A_542 = arith.shli %parallel_loop3A_540, %parallel_loop3A_541 : i32
          %parallel_loop3A_543 = arith.constant 256 : i32
          %parallel_loop3A_544 = arith.muli %parallel_loop3A_538, %parallel_loop3A_543 : i32
          %parallel_loop3A_545 = arith.addi %parallel_loop3A_544, %parallel_loop3A_542 : i32
          %parallel_loop3A_546 = vector.broadcast %parallel_loop3A_545 : i32 to vector<16xi32>
          %parallel_loop3A_547 = arith.addi %parallel_loop3A_546, %iota3A : vector<16xi32>
          %parallel_loop3A_548 = tpu.vector_load_idx %arg10[%parallel_loop3A_547] : memref<2048xi32, #tpu.memory_space<vmem>>[vector<16xi32>], vector<16xi32>,
          %parallel_loop3A_549 = arith.constant 128 : i32
          %parallel_loop3A_550 = vector.broadcast %parallel_loop3A_549 : i32 to vector<16xi32>
          %parallel_loop3A_551 = arith.addi %parallel_loop3A_547, %parallel_loop3A_550 : vector<16xi32>
          %parallel_loop3A_552 = tpu.vector_load_idx %arg10[%parallel_loop3A_551] : memref<2048xi32, #tpu.memory_space<vmem>>[vector<16xi32>], vector<16xi32>,
          %parallel_loop3A_553 = arith.constant 16 : i32
          %parallel_loop3A_554 = vector.broadcast %parallel_loop3A_553 : i32 to vector<16xi32>
          %parallel_loop3A_555 = arith.muli %parallel_loop3A_548, %parallel_loop3A_554 : vector<16xi32>
          %parallel_loop3A_556 = arith.addi %parallel_loop3A_555, %mul3A_3 : vector<16xi32>
          %parallel_loop3A_557 = arith.constant 16 : i32
          %parallel_loop3A_558 = vector.broadcast %parallel_loop3A_557 : i32 to vector<16xi32>
          %parallel_loop3A_559 = arith.muli %parallel_loop3A_552, %parallel_loop3A_558 : vector<16xi32>
          %parallel_loop3A_560 = arith.addi %parallel_loop3A_559, %mul3A_3 : vector<16xi32>
          %parallel_loop3A_561 = arith.constant 1024 : i32
          %parallel_loop3A_562 = arith.muli %parallel_loop3A_538, %parallel_loop3A_561 : i32
          %parallel_loop3A_563 = arith.addi %parallel_loop3A_562, %parallel_loop3A_542 : i32
          %parallel_loop3A_564 = vector.broadcast %parallel_loop3A_563 : i32 to vector<16xi32>
          %parallel_loop3A_565 = arith.addi %parallel_loop3A_564, %iota3A : vector<16xi32>
          %parallel_loop3A_566 = arith.constant 0 : i32
          %parallel_loop3A_567 = vector.broadcast %parallel_loop3A_566 : i32 to vector<16xi32>
          %parallel_loop3A_568 = arith.addi %parallel_loop3A_556, %parallel_loop3A_567 : vector<16xi32>
          %parallel_loop3A_569 = tpu.vector_load_idx %arg8[%parallel_loop3A_568] : memref<1040xf32, #tpu.memory_space<vmem>>[vector<16xi32>], vector<16xf32>,
          %parallel_loop3A_570 = arith.constant 0 : i32
          %parallel_loop3A_571 = vector.broadcast %parallel_loop3A_570 : i32 to vector<16xi32>
          %parallel_loop3A_572 = arith.addi %parallel_loop3A_565, %parallel_loop3A_571 : vector<16xi32>
          tpu.vector_store_idx %arg12[%parallel_loop3A_572], %parallel_loop3A_569 : memref<32768xf32, #tpu.memory_space<vmem>>[vector<16xi32>], vector<16xf32>,
          %parallel_loop3A_573 = arith.constant 1 : i32
          %parallel_loop3A_574 = vector.broadcast %parallel_loop3A_573 : i32 to vector<16xi32>
          %parallel_loop3A_575 = arith.addi %parallel_loop3A_556, %parallel_loop3A_574 : vector<16xi32>
          %parallel_loop3A_576 = tpu.vector_load_idx %arg8[%parallel_loop3A_575] : memref<1040xf32, #tpu.memory_space<vmem>>[vector<16xi32>], vector<16xf32>,
          %parallel_loop3A_577 = arith.constant 128 : i32
          %parallel_loop3A_578 = vector.broadcast %parallel_loop3A_577 : i32 to vector<16xi32>
          %parallel_loop3A_579 = arith.addi %parallel_loop3A_565, %parallel_loop3A_578 : vector<16xi32>
          tpu.vector_store_idx %arg12[%parallel_loop3A_579], %parallel_loop3A_576 : memref<32768xf32, #tpu.memory_space<vmem>>[vector<16xi32>], vector<16xf32>,
          %parallel_loop3A_580 = arith.constant 2 : i32
          %parallel_loop3A_581 = vector.broadcast %parallel_loop3A_580 : i32 to vector<16xi32>
          %parallel_loop3A_582 = arith.addi %parallel_loop3A_556, %parallel_loop3A_581 : vector<16xi32>
          %parallel_loop3A_583 = tpu.vector_load_idx %arg8[%parallel_loop3A_582] : memref<1040xf32, #tpu.memory_space<vmem>>[vector<16xi32>], vector<16xf32>,
          %parallel_loop3A_584 = arith.constant 256 : i32
          %parallel_loop3A_585 = vector.broadcast %parallel_loop3A_584 : i32 to vector<16xi32>
          %parallel_loop3A_586 = arith.addi %parallel_loop3A_565, %parallel_loop3A_585 : vector<16xi32>
          tpu.vector_store_idx %arg12[%parallel_loop3A_586], %parallel_loop3A_583 : memref<32768xf32, #tpu.memory_space<vmem>>[vector<16xi32>], vector<16xf32>,
          %parallel_loop3A_587 = arith.constant 3 : i32
          %parallel_loop3A_588 = vector.broadcast %parallel_loop3A_587 : i32 to vector<16xi32>
          %parallel_loop3A_589 = arith.addi %parallel_loop3A_556, %parallel_loop3A_588 : vector<16xi32>
          %parallel_loop3A_590 = tpu.vector_load_idx %arg8[%parallel_loop3A_589] : memref<1040xf32, #tpu.memory_space<vmem>>[vector<16xi32>], vector<16xf32>,
          %parallel_loop3A_591 = arith.constant 384 : i32
          %parallel_loop3A_592 = vector.broadcast %parallel_loop3A_591 : i32 to vector<16xi32>
          %parallel_loop3A_593 = arith.addi %parallel_loop3A_565, %parallel_loop3A_592 : vector<16xi32>
          tpu.vector_store_idx %arg12[%parallel_loop3A_593], %parallel_loop3A_590 : memref<32768xf32, #tpu.memory_space<vmem>>[vector<16xi32>], vector<16xf32>,
          %parallel_loop3A_594 = arith.constant 4 : i32
          %parallel_loop3A_595 = vector.broadcast %parallel_loop3A_594 : i32 to vector<16xi32>
          %parallel_loop3A_596 = arith.addi %parallel_loop3A_556, %parallel_loop3A_595 : vector<16xi32>
          %parallel_loop3A_597 = tpu.vector_load_idx %arg8[%parallel_loop3A_596] : memref<1040xf32, #tpu.memory_space<vmem>>[vector<16xi32>], vector<16xf32>,
          %parallel_loop3A_598 = arith.constant 512 : i32
          %parallel_loop3A_599 = vector.broadcast %parallel_loop3A_598 : i32 to vector<16xi32>
          %parallel_loop3A_600 = arith.addi %parallel_loop3A_565, %parallel_loop3A_599 : vector<16xi32>
          tpu.vector_store_idx %arg12[%parallel_loop3A_600], %parallel_loop3A_597 : memref<32768xf32, #tpu.memory_space<vmem>>[vector<16xi32>], vector<16xf32>,
          %parallel_loop3A_601 = arith.constant 5 : i32
          %parallel_loop3A_602 = vector.broadcast %parallel_loop3A_601 : i32 to vector<16xi32>
          %parallel_loop3A_603 = arith.addi %parallel_loop3A_556, %parallel_loop3A_602 : vector<16xi32>
          %parallel_loop3A_604 = tpu.vector_load_idx %arg8[%parallel_loop3A_603] : memref<1040xf32, #tpu.memory_space<vmem>>[vector<16xi32>], vector<16xf32>,
          %parallel_loop3A_605 = arith.constant 640 : i32
          %parallel_loop3A_606 = vector.broadcast %parallel_loop3A_605 : i32 to vector<16xi32>
          %parallel_loop3A_607 = arith.addi %parallel_loop3A_565, %parallel_loop3A_606 : vector<16xi32>
          tpu.vector_store_idx %arg12[%parallel_loop3A_607], %parallel_loop3A_604 : memref<32768xf32, #tpu.memory_space<vmem>>[vector<16xi32>], vector<16xf32>,
          %parallel_loop3A_608 = arith.constant 6 : i32
          %parallel_loop3A_609 = vector.broadcast %parallel_loop3A_608 : i32 to vector<16xi32>
          %parallel_loop3A_610 = arith.addi %parallel_loop3A_556, %parallel_loop3A_609 : vector<16xi32>
          %parallel_loop3A_611 = tpu.vector_load_idx %arg8[%parallel_loop3A_610] : memref<1040xf32, #tpu.memory_space<vmem>>[vector<16xi32>], vector<16xf32>,
          %parallel_loop3A_612 = arith.constant 768 : i32
          %parallel_loop3A_613 = vector.broadcast %parallel_loop3A_612 : i32 to vector<16xi32>
          %parallel_loop3A_614 = arith.addi %parallel_loop3A_565, %parallel_loop3A_613 : vector<16xi32>
          tpu.vector_store_idx %arg12[%parallel_loop3A_614], %parallel_loop3A_611 : memref<32768xf32, #tpu.memory_space<vmem>>[vector<16xi32>], vector<16xf32>,
          %parallel_loop3A_615 = arith.constant 7 : i32
          %parallel_loop3A_616 = vector.broadcast %parallel_loop3A_615 : i32 to vector<16xi32>
          %parallel_loop3A_617 = arith.addi %parallel_loop3A_556, %parallel_loop3A_616 : vector<16xi32>
          %parallel_loop3A_618 = tpu.vector_load_idx %arg8[%parallel_loop3A_617] : memref<1040xf32, #tpu.memory_space<vmem>>[vector<16xi32>], vector<16xf32>,
          %parallel_loop3A_619 = arith.constant 896 : i32
          %parallel_loop3A_620 = vector.broadcast %parallel_loop3A_619 : i32 to vector<16xi32>
          %parallel_loop3A_621 = arith.addi %parallel_loop3A_565, %parallel_loop3A_620 : vector<16xi32>
          tpu.vector_store_idx %arg12[%parallel_loop3A_621], %parallel_loop3A_618 : memref<32768xf32, #tpu.memory_space<vmem>>[vector<16xi32>], vector<16xf32>,
          %parallel_loop3A_622 = arith.constant 8 : i32
          %parallel_loop3A_623 = vector.broadcast %parallel_loop3A_622 : i32 to vector<16xi32>
          %parallel_loop3A_624 = arith.addi %parallel_loop3A_556, %parallel_loop3A_623 : vector<16xi32>
          %parallel_loop3A_625 = tpu.vector_load_idx %arg8[%parallel_loop3A_624] : memref<1040xf32, #tpu.memory_space<vmem>>[vector<16xi32>], vector<16xf32>,
          %parallel_loop3A_626 = arith.constant 8192 : i32
          %parallel_loop3A_627 = vector.broadcast %parallel_loop3A_626 : i32 to vector<16xi32>
          %parallel_loop3A_628 = arith.addi %parallel_loop3A_565, %parallel_loop3A_627 : vector<16xi32>
          tpu.vector_store_idx %arg12[%parallel_loop3A_628], %parallel_loop3A_625 : memref<32768xf32, #tpu.memory_space<vmem>>[vector<16xi32>], vector<16xf32>,
          %parallel_loop3A_629 = arith.constant 9 : i32
          %parallel_loop3A_630 = vector.broadcast %parallel_loop3A_629 : i32 to vector<16xi32>
          %parallel_loop3A_631 = arith.addi %parallel_loop3A_556, %parallel_loop3A_630 : vector<16xi32>
          %parallel_loop3A_632 = tpu.vector_load_idx %arg8[%parallel_loop3A_631] : memref<1040xf32, #tpu.memory_space<vmem>>[vector<16xi32>], vector<16xf32>,
          %parallel_loop3A_633 = arith.constant 8320 : i32
          %parallel_loop3A_634 = vector.broadcast %parallel_loop3A_633 : i32 to vector<16xi32>
          %parallel_loop3A_635 = arith.addi %parallel_loop3A_565, %parallel_loop3A_634 : vector<16xi32>
          tpu.vector_store_idx %arg12[%parallel_loop3A_635], %parallel_loop3A_632 : memref<32768xf32, #tpu.memory_space<vmem>>[vector<16xi32>], vector<16xf32>,
          %parallel_loop3A_636 = arith.constant 10 : i32
          %parallel_loop3A_637 = vector.broadcast %parallel_loop3A_636 : i32 to vector<16xi32>
          %parallel_loop3A_638 = arith.addi %parallel_loop3A_556, %parallel_loop3A_637 : vector<16xi32>
          %parallel_loop3A_639 = tpu.vector_load_idx %arg8[%parallel_loop3A_638] : memref<1040xf32, #tpu.memory_space<vmem>>[vector<16xi32>], vector<16xf32>,
          %parallel_loop3A_640 = arith.constant 8448 : i32
          %parallel_loop3A_641 = vector.broadcast %parallel_loop3A_640 : i32 to vector<16xi32>
          %parallel_loop3A_642 = arith.addi %parallel_loop3A_565, %parallel_loop3A_641 : vector<16xi32>
          tpu.vector_store_idx %arg12[%parallel_loop3A_642], %parallel_loop3A_639 : memref<32768xf32, #tpu.memory_space<vmem>>[vector<16xi32>], vector<16xf32>,
          %parallel_loop3A_643 = arith.constant 11 : i32
          %parallel_loop3A_644 = vector.broadcast %parallel_loop3A_643 : i32 to vector<16xi32>
          %parallel_loop3A_645 = arith.addi %parallel_loop3A_556, %parallel_loop3A_644 : vector<16xi32>
          %parallel_loop3A_646 = tpu.vector_load_idx %arg8[%parallel_loop3A_645] : memref<1040xf32, #tpu.memory_space<vmem>>[vector<16xi32>], vector<16xf32>,
          %parallel_loop3A_647 = arith.constant 8576 : i32
          %parallel_loop3A_648 = vector.broadcast %parallel_loop3A_647 : i32 to vector<16xi32>
          %parallel_loop3A_649 = arith.addi %parallel_loop3A_565, %parallel_loop3A_648 : vector<16xi32>
          tpu.vector_store_idx %arg12[%parallel_loop3A_649], %parallel_loop3A_646 : memref<32768xf32, #tpu.memory_space<vmem>>[vector<16xi32>], vector<16xf32>,
          %parallel_loop3A_650 = arith.constant 12 : i32
          %parallel_loop3A_651 = vector.broadcast %parallel_loop3A_650 : i32 to vector<16xi32>
          %parallel_loop3A_652 = arith.addi %parallel_loop3A_556, %parallel_loop3A_651 : vector<16xi32>
          %parallel_loop3A_653 = tpu.vector_load_idx %arg8[%parallel_loop3A_652] : memref<1040xf32, #tpu.memory_space<vmem>>[vector<16xi32>], vector<16xf32>,
          %parallel_loop3A_654 = arith.constant 8704 : i32
          %parallel_loop3A_655 = vector.broadcast %parallel_loop3A_654 : i32 to vector<16xi32>
          %parallel_loop3A_656 = arith.addi %parallel_loop3A_565, %parallel_loop3A_655 : vector<16xi32>
          tpu.vector_store_idx %arg12[%parallel_loop3A_656], %parallel_loop3A_653 : memref<32768xf32, #tpu.memory_space<vmem>>[vector<16xi32>], vector<16xf32>,
          %parallel_loop3A_657 = arith.constant 13 : i32
          %parallel_loop3A_658 = vector.broadcast %parallel_loop3A_657 : i32 to vector<16xi32>
          %parallel_loop3A_659 = arith.addi %parallel_loop3A_556, %parallel_loop3A_658 : vector<16xi32>
          %parallel_loop3A_660 = tpu.vector_load_idx %arg8[%parallel_loop3A_659] : memref<1040xf32, #tpu.memory_space<vmem>>[vector<16xi32>], vector<16xf32>,
          %parallel_loop3A_661 = arith.constant 8832 : i32
          %parallel_loop3A_662 = vector.broadcast %parallel_loop3A_661 : i32 to vector<16xi32>
          %parallel_loop3A_663 = arith.addi %parallel_loop3A_565, %parallel_loop3A_662 : vector<16xi32>
          tpu.vector_store_idx %arg12[%parallel_loop3A_663], %parallel_loop3A_660 : memref<32768xf32, #tpu.memory_space<vmem>>[vector<16xi32>], vector<16xf32>,
          %parallel_loop3A_664 = arith.constant 14 : i32
          %parallel_loop3A_665 = vector.broadcast %parallel_loop3A_664 : i32 to vector<16xi32>
          %parallel_loop3A_666 = arith.addi %parallel_loop3A_556, %parallel_loop3A_665 : vector<16xi32>
          %parallel_loop3A_667 = tpu.vector_load_idx %arg8[%parallel_loop3A_666] : memref<1040xf32, #tpu.memory_space<vmem>>[vector<16xi32>], vector<16xf32>,
          %parallel_loop3A_668 = arith.constant 8960 : i32
          %parallel_loop3A_669 = vector.broadcast %parallel_loop3A_668 : i32 to vector<16xi32>
          %parallel_loop3A_670 = arith.addi %parallel_loop3A_565, %parallel_loop3A_669 : vector<16xi32>
          tpu.vector_store_idx %arg12[%parallel_loop3A_670], %parallel_loop3A_667 : memref<32768xf32, #tpu.memory_space<vmem>>[vector<16xi32>], vector<16xf32>,
          %parallel_loop3A_671 = arith.constant 15 : i32
          %parallel_loop3A_672 = vector.broadcast %parallel_loop3A_671 : i32 to vector<16xi32>
          %parallel_loop3A_673 = arith.addi %parallel_loop3A_556, %parallel_loop3A_672 : vector<16xi32>
          %parallel_loop3A_674 = tpu.vector_load_idx %arg8[%parallel_loop3A_673] : memref<1040xf32, #tpu.memory_space<vmem>>[vector<16xi32>], vector<16xf32>,
          %parallel_loop3A_675 = arith.constant 9088 : i32
          %parallel_loop3A_676 = vector.broadcast %parallel_loop3A_675 : i32 to vector<16xi32>
          %parallel_loop3A_677 = arith.addi %parallel_loop3A_565, %parallel_loop3A_676 : vector<16xi32>
          tpu.vector_store_idx %arg12[%parallel_loop3A_677], %parallel_loop3A_674 : memref<32768xf32, #tpu.memory_space<vmem>>[vector<16xi32>], vector<16xf32>,
          %parallel_loop3A_678 = arith.constant 0 : i32
          %parallel_loop3A_679 = vector.broadcast %parallel_loop3A_678 : i32 to vector<16xi32>
          %parallel_loop3A_680 = arith.addi %parallel_loop3A_560, %parallel_loop3A_679 : vector<16xi32>
          %parallel_loop3A_681 = tpu.vector_load_idx %arg9[%parallel_loop3A_680] : memref<1040xf32, #tpu.memory_space<vmem>>[vector<16xi32>], vector<16xf32>,
          %parallel_loop3A_682 = arith.constant 16384 : i32
          %parallel_loop3A_683 = vector.broadcast %parallel_loop3A_682 : i32 to vector<16xi32>
          %parallel_loop3A_684 = arith.addi %parallel_loop3A_565, %parallel_loop3A_683 : vector<16xi32>
          tpu.vector_store_idx %arg12[%parallel_loop3A_684], %parallel_loop3A_681 : memref<32768xf32, #tpu.memory_space<vmem>>[vector<16xi32>], vector<16xf32>,
          %parallel_loop3A_685 = arith.constant 1 : i32
          %parallel_loop3A_686 = vector.broadcast %parallel_loop3A_685 : i32 to vector<16xi32>
          %parallel_loop3A_687 = arith.addi %parallel_loop3A_560, %parallel_loop3A_686 : vector<16xi32>
          %parallel_loop3A_688 = tpu.vector_load_idx %arg9[%parallel_loop3A_687] : memref<1040xf32, #tpu.memory_space<vmem>>[vector<16xi32>], vector<16xf32>,
          %parallel_loop3A_689 = arith.constant 16512 : i32
          %parallel_loop3A_690 = vector.broadcast %parallel_loop3A_689 : i32 to vector<16xi32>
          %parallel_loop3A_691 = arith.addi %parallel_loop3A_565, %parallel_loop3A_690 : vector<16xi32>
          tpu.vector_store_idx %arg12[%parallel_loop3A_691], %parallel_loop3A_688 : memref<32768xf32, #tpu.memory_space<vmem>>[vector<16xi32>], vector<16xf32>,
          %parallel_loop3A_692 = arith.constant 2 : i32
          %parallel_loop3A_693 = vector.broadcast %parallel_loop3A_692 : i32 to vector<16xi32>
          %parallel_loop3A_694 = arith.addi %parallel_loop3A_560, %parallel_loop3A_693 : vector<16xi32>
          %parallel_loop3A_695 = tpu.vector_load_idx %arg9[%parallel_loop3A_694] : memref<1040xf32, #tpu.memory_space<vmem>>[vector<16xi32>], vector<16xf32>,
          %parallel_loop3A_696 = arith.constant 16640 : i32
          %parallel_loop3A_697 = vector.broadcast %parallel_loop3A_696 : i32 to vector<16xi32>
          %parallel_loop3A_698 = arith.addi %parallel_loop3A_565, %parallel_loop3A_697 : vector<16xi32>
          tpu.vector_store_idx %arg12[%parallel_loop3A_698], %parallel_loop3A_695 : memref<32768xf32, #tpu.memory_space<vmem>>[vector<16xi32>], vector<16xf32>,
          %parallel_loop3A_699 = arith.constant 3 : i32
          %parallel_loop3A_700 = vector.broadcast %parallel_loop3A_699 : i32 to vector<16xi32>
          %parallel_loop3A_701 = arith.addi %parallel_loop3A_560, %parallel_loop3A_700 : vector<16xi32>
          %parallel_loop3A_702 = tpu.vector_load_idx %arg9[%parallel_loop3A_701] : memref<1040xf32, #tpu.memory_space<vmem>>[vector<16xi32>], vector<16xf32>,
          %parallel_loop3A_703 = arith.constant 16768 : i32
          %parallel_loop3A_704 = vector.broadcast %parallel_loop3A_703 : i32 to vector<16xi32>
          %parallel_loop3A_705 = arith.addi %parallel_loop3A_565, %parallel_loop3A_704 : vector<16xi32>
          tpu.vector_store_idx %arg12[%parallel_loop3A_705], %parallel_loop3A_702 : memref<32768xf32, #tpu.memory_space<vmem>>[vector<16xi32>], vector<16xf32>,
          %parallel_loop3A_706 = arith.constant 4 : i32
          %parallel_loop3A_707 = vector.broadcast %parallel_loop3A_706 : i32 to vector<16xi32>
          %parallel_loop3A_708 = arith.addi %parallel_loop3A_560, %parallel_loop3A_707 : vector<16xi32>
          %parallel_loop3A_709 = tpu.vector_load_idx %arg9[%parallel_loop3A_708] : memref<1040xf32, #tpu.memory_space<vmem>>[vector<16xi32>], vector<16xf32>,
          %parallel_loop3A_710 = arith.constant 16896 : i32
          %parallel_loop3A_711 = vector.broadcast %parallel_loop3A_710 : i32 to vector<16xi32>
          %parallel_loop3A_712 = arith.addi %parallel_loop3A_565, %parallel_loop3A_711 : vector<16xi32>
          tpu.vector_store_idx %arg12[%parallel_loop3A_712], %parallel_loop3A_709 : memref<32768xf32, #tpu.memory_space<vmem>>[vector<16xi32>], vector<16xf32>,
          %parallel_loop3A_713 = arith.constant 5 : i32
          %parallel_loop3A_714 = vector.broadcast %parallel_loop3A_713 : i32 to vector<16xi32>
          %parallel_loop3A_715 = arith.addi %parallel_loop3A_560, %parallel_loop3A_714 : vector<16xi32>
          %parallel_loop3A_716 = tpu.vector_load_idx %arg9[%parallel_loop3A_715] : memref<1040xf32, #tpu.memory_space<vmem>>[vector<16xi32>], vector<16xf32>,
          %parallel_loop3A_717 = arith.constant 17024 : i32
          %parallel_loop3A_718 = vector.broadcast %parallel_loop3A_717 : i32 to vector<16xi32>
          %parallel_loop3A_719 = arith.addi %parallel_loop3A_565, %parallel_loop3A_718 : vector<16xi32>
          tpu.vector_store_idx %arg12[%parallel_loop3A_719], %parallel_loop3A_716 : memref<32768xf32, #tpu.memory_space<vmem>>[vector<16xi32>], vector<16xf32>,
          %parallel_loop3A_720 = arith.constant 6 : i32
          %parallel_loop3A_721 = vector.broadcast %parallel_loop3A_720 : i32 to vector<16xi32>
          %parallel_loop3A_722 = arith.addi %parallel_loop3A_560, %parallel_loop3A_721 : vector<16xi32>
          %parallel_loop3A_723 = tpu.vector_load_idx %arg9[%parallel_loop3A_722] : memref<1040xf32, #tpu.memory_space<vmem>>[vector<16xi32>], vector<16xf32>,
          %parallel_loop3A_724 = arith.constant 17152 : i32
          %parallel_loop3A_725 = vector.broadcast %parallel_loop3A_724 : i32 to vector<16xi32>
          %parallel_loop3A_726 = arith.addi %parallel_loop3A_565, %parallel_loop3A_725 : vector<16xi32>
          tpu.vector_store_idx %arg12[%parallel_loop3A_726], %parallel_loop3A_723 : memref<32768xf32, #tpu.memory_space<vmem>>[vector<16xi32>], vector<16xf32>,
          %parallel_loop3A_727 = arith.constant 7 : i32
          %parallel_loop3A_728 = vector.broadcast %parallel_loop3A_727 : i32 to vector<16xi32>
          %parallel_loop3A_729 = arith.addi %parallel_loop3A_560, %parallel_loop3A_728 : vector<16xi32>
          %parallel_loop3A_730 = tpu.vector_load_idx %arg9[%parallel_loop3A_729] : memref<1040xf32, #tpu.memory_space<vmem>>[vector<16xi32>], vector<16xf32>,
          %parallel_loop3A_731 = arith.constant 17280 : i32
          %parallel_loop3A_732 = vector.broadcast %parallel_loop3A_731 : i32 to vector<16xi32>
          %parallel_loop3A_733 = arith.addi %parallel_loop3A_565, %parallel_loop3A_732 : vector<16xi32>
          tpu.vector_store_idx %arg12[%parallel_loop3A_733], %parallel_loop3A_730 : memref<32768xf32, #tpu.memory_space<vmem>>[vector<16xi32>], vector<16xf32>,
          %parallel_loop3A_734 = arith.constant 8 : i32
          %parallel_loop3A_735 = vector.broadcast %parallel_loop3A_734 : i32 to vector<16xi32>
          %parallel_loop3A_736 = arith.addi %parallel_loop3A_560, %parallel_loop3A_735 : vector<16xi32>
          %parallel_loop3A_737 = tpu.vector_load_idx %arg9[%parallel_loop3A_736] : memref<1040xf32, #tpu.memory_space<vmem>>[vector<16xi32>], vector<16xf32>,
          %parallel_loop3A_738 = arith.constant 24576 : i32
          %parallel_loop3A_739 = vector.broadcast %parallel_loop3A_738 : i32 to vector<16xi32>
          %parallel_loop3A_740 = arith.addi %parallel_loop3A_565, %parallel_loop3A_739 : vector<16xi32>
          tpu.vector_store_idx %arg12[%parallel_loop3A_740], %parallel_loop3A_737 : memref<32768xf32, #tpu.memory_space<vmem>>[vector<16xi32>], vector<16xf32>,
          %parallel_loop3A_741 = arith.constant 9 : i32
          %parallel_loop3A_742 = vector.broadcast %parallel_loop3A_741 : i32 to vector<16xi32>
          %parallel_loop3A_743 = arith.addi %parallel_loop3A_560, %parallel_loop3A_742 : vector<16xi32>
          %parallel_loop3A_744 = tpu.vector_load_idx %arg9[%parallel_loop3A_743] : memref<1040xf32, #tpu.memory_space<vmem>>[vector<16xi32>], vector<16xf32>,
          %parallel_loop3A_745 = arith.constant 24704 : i32
          %parallel_loop3A_746 = vector.broadcast %parallel_loop3A_745 : i32 to vector<16xi32>
          %parallel_loop3A_747 = arith.addi %parallel_loop3A_565, %parallel_loop3A_746 : vector<16xi32>
          tpu.vector_store_idx %arg12[%parallel_loop3A_747], %parallel_loop3A_744 : memref<32768xf32, #tpu.memory_space<vmem>>[vector<16xi32>], vector<16xf32>,
          %parallel_loop3A_748 = arith.constant 10 : i32
          %parallel_loop3A_749 = vector.broadcast %parallel_loop3A_748 : i32 to vector<16xi32>
          %parallel_loop3A_750 = arith.addi %parallel_loop3A_560, %parallel_loop3A_749 : vector<16xi32>
          %parallel_loop3A_751 = tpu.vector_load_idx %arg9[%parallel_loop3A_750] : memref<1040xf32, #tpu.memory_space<vmem>>[vector<16xi32>], vector<16xf32>,
          %parallel_loop3A_752 = arith.constant 24832 : i32
          %parallel_loop3A_753 = vector.broadcast %parallel_loop3A_752 : i32 to vector<16xi32>
          %parallel_loop3A_754 = arith.addi %parallel_loop3A_565, %parallel_loop3A_753 : vector<16xi32>
          tpu.vector_store_idx %arg12[%parallel_loop3A_754], %parallel_loop3A_751 : memref<32768xf32, #tpu.memory_space<vmem>>[vector<16xi32>], vector<16xf32>,
          %parallel_loop3A_755 = arith.constant 11 : i32
          %parallel_loop3A_756 = vector.broadcast %parallel_loop3A_755 : i32 to vector<16xi32>
          %parallel_loop3A_757 = arith.addi %parallel_loop3A_560, %parallel_loop3A_756 : vector<16xi32>
          %parallel_loop3A_758 = tpu.vector_load_idx %arg9[%parallel_loop3A_757] : memref<1040xf32, #tpu.memory_space<vmem>>[vector<16xi32>], vector<16xf32>,
          %parallel_loop3A_759 = arith.constant 24960 : i32
          %parallel_loop3A_760 = vector.broadcast %parallel_loop3A_759 : i32 to vector<16xi32>
          %parallel_loop3A_761 = arith.addi %parallel_loop3A_565, %parallel_loop3A_760 : vector<16xi32>
          tpu.vector_store_idx %arg12[%parallel_loop3A_761], %parallel_loop3A_758 : memref<32768xf32, #tpu.memory_space<vmem>>[vector<16xi32>], vector<16xf32>,
          %parallel_loop3A_762 = arith.constant 12 : i32
          %parallel_loop3A_763 = vector.broadcast %parallel_loop3A_762 : i32 to vector<16xi32>
          %parallel_loop3A_764 = arith.addi %parallel_loop3A_560, %parallel_loop3A_763 : vector<16xi32>
          %parallel_loop3A_765 = tpu.vector_load_idx %arg9[%parallel_loop3A_764] : memref<1040xf32, #tpu.memory_space<vmem>>[vector<16xi32>], vector<16xf32>,
          %parallel_loop3A_766 = arith.constant 25088 : i32
          %parallel_loop3A_767 = vector.broadcast %parallel_loop3A_766 : i32 to vector<16xi32>
          %parallel_loop3A_768 = arith.addi %parallel_loop3A_565, %parallel_loop3A_767 : vector<16xi32>
          tpu.vector_store_idx %arg12[%parallel_loop3A_768], %parallel_loop3A_765 : memref<32768xf32, #tpu.memory_space<vmem>>[vector<16xi32>], vector<16xf32>,
          %parallel_loop3A_769 = arith.constant 13 : i32
          %parallel_loop3A_770 = vector.broadcast %parallel_loop3A_769 : i32 to vector<16xi32>
          %parallel_loop3A_771 = arith.addi %parallel_loop3A_560, %parallel_loop3A_770 : vector<16xi32>
          %parallel_loop3A_772 = tpu.vector_load_idx %arg9[%parallel_loop3A_771] : memref<1040xf32, #tpu.memory_space<vmem>>[vector<16xi32>], vector<16xf32>,
          %parallel_loop3A_773 = arith.constant 25216 : i32
          %parallel_loop3A_774 = vector.broadcast %parallel_loop3A_773 : i32 to vector<16xi32>
          %parallel_loop3A_775 = arith.addi %parallel_loop3A_565, %parallel_loop3A_774 : vector<16xi32>
          tpu.vector_store_idx %arg12[%parallel_loop3A_775], %parallel_loop3A_772 : memref<32768xf32, #tpu.memory_space<vmem>>[vector<16xi32>], vector<16xf32>,
          %parallel_loop3A_776 = arith.constant 14 : i32
          %parallel_loop3A_777 = vector.broadcast %parallel_loop3A_776 : i32 to vector<16xi32>
          %parallel_loop3A_778 = arith.addi %parallel_loop3A_560, %parallel_loop3A_777 : vector<16xi32>
          %parallel_loop3A_779 = tpu.vector_load_idx %arg9[%parallel_loop3A_778] : memref<1040xf32, #tpu.memory_space<vmem>>[vector<16xi32>], vector<16xf32>,
          %parallel_loop3A_780 = arith.constant 25344 : i32
          %parallel_loop3A_781 = vector.broadcast %parallel_loop3A_780 : i32 to vector<16xi32>
          %parallel_loop3A_782 = arith.addi %parallel_loop3A_565, %parallel_loop3A_781 : vector<16xi32>
          tpu.vector_store_idx %arg12[%parallel_loop3A_782], %parallel_loop3A_779 : memref<32768xf32, #tpu.memory_space<vmem>>[vector<16xi32>], vector<16xf32>,
          %parallel_loop3A_783 = arith.constant 15 : i32
          %parallel_loop3A_784 = vector.broadcast %parallel_loop3A_783 : i32 to vector<16xi32>
          %parallel_loop3A_785 = arith.addi %parallel_loop3A_560, %parallel_loop3A_784 : vector<16xi32>
          %parallel_loop3A_786 = tpu.vector_load_idx %arg9[%parallel_loop3A_785] : memref<1040xf32, #tpu.memory_space<vmem>>[vector<16xi32>], vector<16xf32>,
          %parallel_loop3A_787 = arith.constant 25472 : i32
          %parallel_loop3A_788 = vector.broadcast %parallel_loop3A_787 : i32 to vector<16xi32>
          %parallel_loop3A_789 = arith.addi %parallel_loop3A_565, %parallel_loop3A_788 : vector<16xi32>
          tpu.vector_store_idx %arg12[%parallel_loop3A_789], %parallel_loop3A_786 : memref<32768xf32, #tpu.memory_space<vmem>>[vector<16xi32>], vector<16xf32>,
        } {sc.loop_unroll_factor = 1 : i64, sc.parallel_access}
        %mul3A_485 = arith.constant 32 : i32
        %mul3A_486 = arith.muli %add3A_461, %mul3A_485 : i32
        %add3A_487 = arith.addi %mul3A_486, %add3A : i32
        %mul3A_488 = arith.constant 8 : i32
        %mul3A_489 = arith.muli %add3A_487, %mul3A_488 : i32
        %add3A_490 = arith.constant 0 : i32
        %add3A_491 = arith.addi %add3A_490, %mul3A_489 : i32
        %mul3A_492 = arith.constant 1024 : i32
        %mul3A_493 = arith.muli %add3A_491, %mul3A_492 : i32
        %dma_start3A_494 = arith.constant 0 : i32
        %dma_start3A_495 = tpu.memref_slice %arg12[%dma_start3A_494] : memref<32768xf32, #tpu.memory_space<vmem>> -> memref<8192xf32, #tpu.memory_space<vmem>>
        %dma_start3A_496 = tpu.memref_slice %arg5[%mul3A_493] : memref<102400000xf32, #tpu.memory_space<hbm>> -> memref<8192xf32, #tpu.memory_space<hbm>>
        %dma_start3A_497 = tpu.memref_slice %arg5[%mul3A_493] : memref<102400000xf32, #tpu.memory_space<hbm>> -> memref<8192xf32, #tpu.memory_space<hbm>>
        %dma_start3A_498 = arith.constant 0 : i32
        %dma_start3A_499 = tpu.memref_slice %arg12[%dma_start3A_498] : memref<32768xf32, #tpu.memory_space<vmem>> -> memref<8192xf32, #tpu.memory_space<vmem>>
        tpu.enqueue_dma source(%dma_start3A_499 : memref<8192xf32, #tpu.memory_space<vmem>>) target(%dma_start3A_497 : memref<8192xf32, #tpu.memory_space<hbm>>) target_semaphore(%arg16 : memref<!tpu.dma_semaphore, #tpu.memory_space<semaphore_mem>>)
        %add3A_500 = arith.constant 25000 : i32
        %add3A_501 = arith.addi %add3A_500, %mul3A_489 : i32
        %mul3A_502 = arith.constant 1024 : i32
        %mul3A_503 = arith.muli %add3A_501, %mul3A_502 : i32
        %dma_start3A_504 = arith.constant 8192 : i32
        %dma_start3A_505 = tpu.memref_slice %arg12[%dma_start3A_504] : memref<32768xf32, #tpu.memory_space<vmem>> -> memref<8192xf32, #tpu.memory_space<vmem>>
        %dma_start3A_506 = tpu.memref_slice %arg5[%mul3A_503] : memref<102400000xf32, #tpu.memory_space<hbm>> -> memref<8192xf32, #tpu.memory_space<hbm>>
        %dma_start3A_507 = tpu.memref_slice %arg5[%mul3A_503] : memref<102400000xf32, #tpu.memory_space<hbm>> -> memref<8192xf32, #tpu.memory_space<hbm>>
        %dma_start3A_508 = arith.constant 8192 : i32
        %dma_start3A_509 = tpu.memref_slice %arg12[%dma_start3A_508] : memref<32768xf32, #tpu.memory_space<vmem>> -> memref<8192xf32, #tpu.memory_space<vmem>>
        tpu.enqueue_dma source(%dma_start3A_509 : memref<8192xf32, #tpu.memory_space<vmem>>) target(%dma_start3A_507 : memref<8192xf32, #tpu.memory_space<hbm>>) target_semaphore(%arg16 : memref<!tpu.dma_semaphore, #tpu.memory_space<semaphore_mem>>)
        %add3A_510 = arith.constant 50000 : i32
        %add3A_511 = arith.addi %add3A_510, %mul3A_489 : i32
        %mul3A_512 = arith.constant 1024 : i32
        %mul3A_513 = arith.muli %add3A_511, %mul3A_512 : i32
        %dma_start3A_514 = arith.constant 16384 : i32
        %dma_start3A_515 = tpu.memref_slice %arg12[%dma_start3A_514] : memref<32768xf32, #tpu.memory_space<vmem>> -> memref<8192xf32, #tpu.memory_space<vmem>>
        %dma_start3A_516 = tpu.memref_slice %arg5[%mul3A_513] : memref<102400000xf32, #tpu.memory_space<hbm>> -> memref<8192xf32, #tpu.memory_space<hbm>>
        %dma_start3A_517 = tpu.memref_slice %arg5[%mul3A_513] : memref<102400000xf32, #tpu.memory_space<hbm>> -> memref<8192xf32, #tpu.memory_space<hbm>>
        %dma_start3A_518 = arith.constant 16384 : i32
        %dma_start3A_519 = tpu.memref_slice %arg12[%dma_start3A_518] : memref<32768xf32, #tpu.memory_space<vmem>> -> memref<8192xf32, #tpu.memory_space<vmem>>
        tpu.enqueue_dma source(%dma_start3A_519 : memref<8192xf32, #tpu.memory_space<vmem>>) target(%dma_start3A_517 : memref<8192xf32, #tpu.memory_space<hbm>>) target_semaphore(%arg16 : memref<!tpu.dma_semaphore, #tpu.memory_space<semaphore_mem>>)
        %add3A_520 = arith.constant 75000 : i32
        %add3A_521 = arith.addi %add3A_520, %mul3A_489 : i32
        %mul3A_522 = arith.constant 1024 : i32
        %mul3A_523 = arith.muli %add3A_521, %mul3A_522 : i32
        %dma_start3A_524 = arith.constant 24576 : i32
        %dma_start3A_525 = tpu.memref_slice %arg12[%dma_start3A_524] : memref<32768xf32, #tpu.memory_space<vmem>> -> memref<8192xf32, #tpu.memory_space<vmem>>
        %dma_start3A_526 = tpu.memref_slice %arg5[%mul3A_523] : memref<102400000xf32, #tpu.memory_space<hbm>> -> memref<8192xf32, #tpu.memory_space<hbm>>
        %dma_start3A_527 = tpu.memref_slice %arg5[%mul3A_523] : memref<102400000xf32, #tpu.memory_space<hbm>> -> memref<8192xf32, #tpu.memory_space<hbm>>
        %dma_start3A_528 = arith.constant 24576 : i32
        %dma_start3A_529 = tpu.memref_slice %arg12[%dma_start3A_528] : memref<32768xf32, #tpu.memory_space<vmem>> -> memref<8192xf32, #tpu.memory_space<vmem>>
        tpu.enqueue_dma source(%dma_start3A_529 : memref<8192xf32, #tpu.memory_space<vmem>>) target(%dma_start3A_527 : memref<8192xf32, #tpu.memory_space<hbm>>) target_semaphore(%arg16 : memref<!tpu.dma_semaphore, #tpu.memory_space<semaphore_mem>>)
        %add3A_530 = arith.constant 2 : i32
        %add3A_531 = arith.addi %add3A_461, %add3A_530 : i32
        %lt3A_532 = arith.cmpi slt, %add3A_531, %add3A_293 : i32
        %convert_element_type3A_533 = arith.extui %lt3A_532 : i1 to i32
        %cond3A_534 = arith.constant 0 : i32
        %cond3A_535 = arith.cmpi ne, %convert_element_type3A_533, %cond3A_534 : i32
        scf.if %cond3A_535 {
          %add3A_536 = arith.constant 2 : i32
          %add3A_537 = arith.addi %add3A_461, %add3A_536 : i32
          %mul3A_538 = arith.constant 32 : i32
          %mul3A_539 = arith.muli %add3A_537, %mul3A_538 : i32
          %add3A_540 = arith.addi %mul3A_539, %add3A : i32
          %mul3A_541 = arith.constant 2048 : i32
          %mul3A_542 = arith.muli %add3A_540, %mul3A_541 : i32
          %dma_start3A_543 = tpu.memref_slice %arg2[%mul3A_542] : memref<6400000xi32, #tpu.memory_space<hbm>> -> memref<2048xi32, #tpu.memory_space<hbm>>
          %dma_start3A_544 = tpu.memref_slice %arg2[%mul3A_542] : memref<6400000xi32, #tpu.memory_space<hbm>> -> memref<2048xi32, #tpu.memory_space<hbm>>
          tpu.enqueue_dma source(%dma_start3A_544 : memref<2048xi32, #tpu.memory_space<hbm>>) target(%arg10 : memref<2048xi32, #tpu.memory_space<vmem>>) target_semaphore(%arg14 : memref<!tpu.dma_semaphore, #tpu.memory_space<semaphore_mem>>)
        } else {
        }
      } else {
      }
      %mul3A_464 = arith.constant 2 : i32
      %mul3A_465 = arith.muli %scan3A_457, %mul3A_464 : i32
      %add3A_466 = arith.constant 1 : i32
      %add3A_467 = arith.addi %mul3A_465, %add3A_466 : i32
      %lt3A_468 = arith.cmpi slt, %add3A_467, %add3A_293 : i32
      %convert_element_type3A_469 = arith.extui %lt3A_468 : i1 to i32
      %cond3A_470 = arith.constant 0 : i32
      %cond3A_471 = arith.cmpi ne, %convert_element_type3A_469, %cond3A_470 : i32
      scf.if %cond3A_471 {
        %mul3A_472 = arith.constant 32 : i32
        %mul3A_473 = arith.muli %add3A_467, %mul3A_472 : i32
        %add3A_474 = arith.addi %mul3A_473, %add3A : i32
        %mul3A_475 = arith.constant 2048 : i32
        %mul3A_476 = arith.muli %add3A_474, %mul3A_475 : i32
        %dma_wait3A_477 = tpu.memref_slice %arg2[%mul3A_476] : memref<6400000xi32, #tpu.memory_space<hbm>> -> memref<2048xi32, #tpu.memory_space<hbm>>
        %dma_wait3A_478 = tpu.memref_slice %arg2[%mul3A_476] : memref<6400000xi32, #tpu.memory_space<hbm>> -> memref<2048xi32, #tpu.memory_space<hbm>>
        tpu.wait_dma2 semaphore(%arg15 : memref<!tpu.dma_semaphore, #tpu.memory_space<semaphore_mem>>) src(%dma_wait3A_478 : memref<2048xi32, #tpu.memory_space<hbm>>) dst(%arg11 : memref<2048xi32, #tpu.memory_space<vmem>>)
        %ge3A = arith.constant 2 : i32
        %ge3A_479 = arith.cmpi sge, %add3A_467, %ge3A : i32
        %convert_element_type3A_480 = arith.extui %ge3A_479 : i1 to i32
        %cond3A_481 = arith.constant 0 : i32
        %cond3A_482 = arith.cmpi ne, %convert_element_type3A_480, %cond3A_481 : i32
        scf.if %cond3A_482 {
          %sub3A_536 = arith.constant 2 : i32
          %sub3A_537 = arith.subi %add3A_467, %sub3A_536 : i32
          %mul3A_538 = arith.constant 32 : i32
          %mul3A_539 = arith.muli %sub3A_537, %mul3A_538 : i32
          %add3A_540 = arith.addi %mul3A_539, %add3A : i32
          %mul3A_541 = arith.constant 8 : i32
          %mul3A_542 = arith.muli %add3A_540, %mul3A_541 : i32
          %add3A_543 = arith.constant 0 : i32
          %add3A_544 = arith.addi %add3A_543, %mul3A_542 : i32
          %mul3A_545 = arith.constant 1024 : i32
          %mul3A_546 = arith.muli %add3A_544, %mul3A_545 : i32
          %dma_wait3A_547 = arith.constant 0 : i32
          %dma_wait3A_548 = tpu.memref_slice %arg13[%dma_wait3A_547] : memref<32768xf32, #tpu.memory_space<vmem>> -> memref<8192xf32, #tpu.memory_space<vmem>>
          %dma_wait3A_549 = tpu.memref_slice %arg5[%mul3A_546] : memref<102400000xf32, #tpu.memory_space<hbm>> -> memref<8192xf32, #tpu.memory_space<hbm>>
          %dma_wait3A_550 = tpu.memref_slice %arg5[%mul3A_546] : memref<102400000xf32, #tpu.memory_space<hbm>> -> memref<8192xf32, #tpu.memory_space<hbm>>
          %dma_wait3A_551 = arith.constant 0 : i32
          %dma_wait3A_552 = tpu.memref_slice %arg13[%dma_wait3A_551] : memref<32768xf32, #tpu.memory_space<vmem>> -> memref<8192xf32, #tpu.memory_space<vmem>>
          tpu.wait_dma2 semaphore(%arg17 : memref<!tpu.dma_semaphore, #tpu.memory_space<semaphore_mem>>) src(%dma_wait3A_552 : memref<8192xf32, #tpu.memory_space<vmem>>) dst(%dma_wait3A_550 : memref<8192xf32, #tpu.memory_space<hbm>>)
          %add3A_553 = arith.constant 25000 : i32
          %add3A_554 = arith.addi %add3A_553, %mul3A_542 : i32
          %mul3A_555 = arith.constant 1024 : i32
          %mul3A_556 = arith.muli %add3A_554, %mul3A_555 : i32
          %dma_wait3A_557 = arith.constant 8192 : i32
          %dma_wait3A_558 = tpu.memref_slice %arg13[%dma_wait3A_557] : memref<32768xf32, #tpu.memory_space<vmem>> -> memref<8192xf32, #tpu.memory_space<vmem>>
          %dma_wait3A_559 = tpu.memref_slice %arg5[%mul3A_556] : memref<102400000xf32, #tpu.memory_space<hbm>> -> memref<8192xf32, #tpu.memory_space<hbm>>
          %dma_wait3A_560 = tpu.memref_slice %arg5[%mul3A_556] : memref<102400000xf32, #tpu.memory_space<hbm>> -> memref<8192xf32, #tpu.memory_space<hbm>>
          %dma_wait3A_561 = arith.constant 8192 : i32
          %dma_wait3A_562 = tpu.memref_slice %arg13[%dma_wait3A_561] : memref<32768xf32, #tpu.memory_space<vmem>> -> memref<8192xf32, #tpu.memory_space<vmem>>
          tpu.wait_dma2 semaphore(%arg17 : memref<!tpu.dma_semaphore, #tpu.memory_space<semaphore_mem>>) src(%dma_wait3A_562 : memref<8192xf32, #tpu.memory_space<vmem>>) dst(%dma_wait3A_560 : memref<8192xf32, #tpu.memory_space<hbm>>)
          %add3A_563 = arith.constant 50000 : i32
          %add3A_564 = arith.addi %add3A_563, %mul3A_542 : i32
          %mul3A_565 = arith.constant 1024 : i32
          %mul3A_566 = arith.muli %add3A_564, %mul3A_565 : i32
          %dma_wait3A_567 = arith.constant 16384 : i32
          %dma_wait3A_568 = tpu.memref_slice %arg13[%dma_wait3A_567] : memref<32768xf32, #tpu.memory_space<vmem>> -> memref<8192xf32, #tpu.memory_space<vmem>>
          %dma_wait3A_569 = tpu.memref_slice %arg5[%mul3A_566] : memref<102400000xf32, #tpu.memory_space<hbm>> -> memref<8192xf32, #tpu.memory_space<hbm>>
          %dma_wait3A_570 = tpu.memref_slice %arg5[%mul3A_566] : memref<102400000xf32, #tpu.memory_space<hbm>> -> memref<8192xf32, #tpu.memory_space<hbm>>
          %dma_wait3A_571 = arith.constant 16384 : i32
          %dma_wait3A_572 = tpu.memref_slice %arg13[%dma_wait3A_571] : memref<32768xf32, #tpu.memory_space<vmem>> -> memref<8192xf32, #tpu.memory_space<vmem>>
          tpu.wait_dma2 semaphore(%arg17 : memref<!tpu.dma_semaphore, #tpu.memory_space<semaphore_mem>>) src(%dma_wait3A_572 : memref<8192xf32, #tpu.memory_space<vmem>>) dst(%dma_wait3A_570 : memref<8192xf32, #tpu.memory_space<hbm>>)
          %add3A_573 = arith.constant 75000 : i32
          %add3A_574 = arith.addi %add3A_573, %mul3A_542 : i32
          %mul3A_575 = arith.constant 1024 : i32
          %mul3A_576 = arith.muli %add3A_574, %mul3A_575 : i32
          %dma_wait3A_577 = arith.constant 24576 : i32
          %dma_wait3A_578 = tpu.memref_slice %arg13[%dma_wait3A_577] : memref<32768xf32, #tpu.memory_space<vmem>> -> memref<8192xf32, #tpu.memory_space<vmem>>
          %dma_wait3A_579 = tpu.memref_slice %arg5[%mul3A_576] : memref<102400000xf32, #tpu.memory_space<hbm>> -> memref<8192xf32, #tpu.memory_space<hbm>>
          %dma_wait3A_580 = tpu.memref_slice %arg5[%mul3A_576] : memref<102400000xf32, #tpu.memory_space<hbm>> -> memref<8192xf32, #tpu.memory_space<hbm>>
          %dma_wait3A_581 = arith.constant 24576 : i32
          %dma_wait3A_582 = tpu.memref_slice %arg13[%dma_wait3A_581] : memref<32768xf32, #tpu.memory_space<vmem>> -> memref<8192xf32, #tpu.memory_space<vmem>>
          tpu.wait_dma2 semaphore(%arg17 : memref<!tpu.dma_semaphore, #tpu.memory_space<semaphore_mem>>) src(%dma_wait3A_582 : memref<8192xf32, #tpu.memory_space<vmem>>) dst(%dma_wait3A_580 : memref<8192xf32, #tpu.memory_space<hbm>>)
        } else {
        }
        %parallel_loop3A = arith.constant 0 : i32
        %parallel_loop3A_483 = arith.constant 64 : i32
        %parallel_loop3A_484 = arith.constant 1 : i32
        scf.for %parallel_loop3A_536 = %parallel_loop3A to %parallel_loop3A_483 step %parallel_loop3A_484  : i32 {
          %parallel_loop3A_537 = arith.constant 3 : i32
          %parallel_loop3A_538 = arith.shrsi %parallel_loop3A_536, %parallel_loop3A_537 : i32
          %parallel_loop3A_539 = arith.constant 7 : i32
          %parallel_loop3A_540 = arith.andi %parallel_loop3A_536, %parallel_loop3A_539 : i32
          %parallel_loop3A_541 = arith.constant 4 : i32
          %parallel_loop3A_542 = arith.shli %parallel_loop3A_540, %parallel_loop3A_541 : i32
          %parallel_loop3A_543 = arith.constant 256 : i32
          %parallel_loop3A_544 = arith.muli %parallel_loop3A_538, %parallel_loop3A_543 : i32
          %parallel_loop3A_545 = arith.addi %parallel_loop3A_544, %parallel_loop3A_542 : i32
          %parallel_loop3A_546 = vector.broadcast %parallel_loop3A_545 : i32 to vector<16xi32>
          %parallel_loop3A_547 = arith.addi %parallel_loop3A_546, %iota3A : vector<16xi32>
          %parallel_loop3A_548 = tpu.vector_load_idx %arg11[%parallel_loop3A_547] : memref<2048xi32, #tpu.memory_space<vmem>>[vector<16xi32>], vector<16xi32>,
          %parallel_loop3A_549 = arith.constant 128 : i32
          %parallel_loop3A_550 = vector.broadcast %parallel_loop3A_549 : i32 to vector<16xi32>
          %parallel_loop3A_551 = arith.addi %parallel_loop3A_547, %parallel_loop3A_550 : vector<16xi32>
          %parallel_loop3A_552 = tpu.vector_load_idx %arg11[%parallel_loop3A_551] : memref<2048xi32, #tpu.memory_space<vmem>>[vector<16xi32>], vector<16xi32>,
          %parallel_loop3A_553 = arith.constant 16 : i32
          %parallel_loop3A_554 = vector.broadcast %parallel_loop3A_553 : i32 to vector<16xi32>
          %parallel_loop3A_555 = arith.muli %parallel_loop3A_548, %parallel_loop3A_554 : vector<16xi32>
          %parallel_loop3A_556 = arith.addi %parallel_loop3A_555, %mul3A_3 : vector<16xi32>
          %parallel_loop3A_557 = arith.constant 16 : i32
          %parallel_loop3A_558 = vector.broadcast %parallel_loop3A_557 : i32 to vector<16xi32>
          %parallel_loop3A_559 = arith.muli %parallel_loop3A_552, %parallel_loop3A_558 : vector<16xi32>
          %parallel_loop3A_560 = arith.addi %parallel_loop3A_559, %mul3A_3 : vector<16xi32>
          %parallel_loop3A_561 = arith.constant 1024 : i32
          %parallel_loop3A_562 = arith.muli %parallel_loop3A_538, %parallel_loop3A_561 : i32
          %parallel_loop3A_563 = arith.addi %parallel_loop3A_562, %parallel_loop3A_542 : i32
          %parallel_loop3A_564 = vector.broadcast %parallel_loop3A_563 : i32 to vector<16xi32>
          %parallel_loop3A_565 = arith.addi %parallel_loop3A_564, %iota3A : vector<16xi32>
          %parallel_loop3A_566 = arith.constant 0 : i32
          %parallel_loop3A_567 = vector.broadcast %parallel_loop3A_566 : i32 to vector<16xi32>
          %parallel_loop3A_568 = arith.addi %parallel_loop3A_556, %parallel_loop3A_567 : vector<16xi32>
          %parallel_loop3A_569 = tpu.vector_load_idx %arg8[%parallel_loop3A_568] : memref<1040xf32, #tpu.memory_space<vmem>>[vector<16xi32>], vector<16xf32>,
          %parallel_loop3A_570 = arith.constant 0 : i32
          %parallel_loop3A_571 = vector.broadcast %parallel_loop3A_570 : i32 to vector<16xi32>
          %parallel_loop3A_572 = arith.addi %parallel_loop3A_565, %parallel_loop3A_571 : vector<16xi32>
          tpu.vector_store_idx %arg13[%parallel_loop3A_572], %parallel_loop3A_569 : memref<32768xf32, #tpu.memory_space<vmem>>[vector<16xi32>], vector<16xf32>,
          %parallel_loop3A_573 = arith.constant 1 : i32
          %parallel_loop3A_574 = vector.broadcast %parallel_loop3A_573 : i32 to vector<16xi32>
          %parallel_loop3A_575 = arith.addi %parallel_loop3A_556, %parallel_loop3A_574 : vector<16xi32>
          %parallel_loop3A_576 = tpu.vector_load_idx %arg8[%parallel_loop3A_575] : memref<1040xf32, #tpu.memory_space<vmem>>[vector<16xi32>], vector<16xf32>,
          %parallel_loop3A_577 = arith.constant 128 : i32
          %parallel_loop3A_578 = vector.broadcast %parallel_loop3A_577 : i32 to vector<16xi32>
          %parallel_loop3A_579 = arith.addi %parallel_loop3A_565, %parallel_loop3A_578 : vector<16xi32>
          tpu.vector_store_idx %arg13[%parallel_loop3A_579], %parallel_loop3A_576 : memref<32768xf32, #tpu.memory_space<vmem>>[vector<16xi32>], vector<16xf32>,
          %parallel_loop3A_580 = arith.constant 2 : i32
          %parallel_loop3A_581 = vector.broadcast %parallel_loop3A_580 : i32 to vector<16xi32>
          %parallel_loop3A_582 = arith.addi %parallel_loop3A_556, %parallel_loop3A_581 : vector<16xi32>
          %parallel_loop3A_583 = tpu.vector_load_idx %arg8[%parallel_loop3A_582] : memref<1040xf32, #tpu.memory_space<vmem>>[vector<16xi32>], vector<16xf32>,
          %parallel_loop3A_584 = arith.constant 256 : i32
          %parallel_loop3A_585 = vector.broadcast %parallel_loop3A_584 : i32 to vector<16xi32>
          %parallel_loop3A_586 = arith.addi %parallel_loop3A_565, %parallel_loop3A_585 : vector<16xi32>
          tpu.vector_store_idx %arg13[%parallel_loop3A_586], %parallel_loop3A_583 : memref<32768xf32, #tpu.memory_space<vmem>>[vector<16xi32>], vector<16xf32>,
          %parallel_loop3A_587 = arith.constant 3 : i32
          %parallel_loop3A_588 = vector.broadcast %parallel_loop3A_587 : i32 to vector<16xi32>
          %parallel_loop3A_589 = arith.addi %parallel_loop3A_556, %parallel_loop3A_588 : vector<16xi32>
          %parallel_loop3A_590 = tpu.vector_load_idx %arg8[%parallel_loop3A_589] : memref<1040xf32, #tpu.memory_space<vmem>>[vector<16xi32>], vector<16xf32>,
          %parallel_loop3A_591 = arith.constant 384 : i32
          %parallel_loop3A_592 = vector.broadcast %parallel_loop3A_591 : i32 to vector<16xi32>
          %parallel_loop3A_593 = arith.addi %parallel_loop3A_565, %parallel_loop3A_592 : vector<16xi32>
          tpu.vector_store_idx %arg13[%parallel_loop3A_593], %parallel_loop3A_590 : memref<32768xf32, #tpu.memory_space<vmem>>[vector<16xi32>], vector<16xf32>,
          %parallel_loop3A_594 = arith.constant 4 : i32
          %parallel_loop3A_595 = vector.broadcast %parallel_loop3A_594 : i32 to vector<16xi32>
          %parallel_loop3A_596 = arith.addi %parallel_loop3A_556, %parallel_loop3A_595 : vector<16xi32>
          %parallel_loop3A_597 = tpu.vector_load_idx %arg8[%parallel_loop3A_596] : memref<1040xf32, #tpu.memory_space<vmem>>[vector<16xi32>], vector<16xf32>,
          %parallel_loop3A_598 = arith.constant 512 : i32
          %parallel_loop3A_599 = vector.broadcast %parallel_loop3A_598 : i32 to vector<16xi32>
          %parallel_loop3A_600 = arith.addi %parallel_loop3A_565, %parallel_loop3A_599 : vector<16xi32>
          tpu.vector_store_idx %arg13[%parallel_loop3A_600], %parallel_loop3A_597 : memref<32768xf32, #tpu.memory_space<vmem>>[vector<16xi32>], vector<16xf32>,
          %parallel_loop3A_601 = arith.constant 5 : i32
          %parallel_loop3A_602 = vector.broadcast %parallel_loop3A_601 : i32 to vector<16xi32>
          %parallel_loop3A_603 = arith.addi %parallel_loop3A_556, %parallel_loop3A_602 : vector<16xi32>
          %parallel_loop3A_604 = tpu.vector_load_idx %arg8[%parallel_loop3A_603] : memref<1040xf32, #tpu.memory_space<vmem>>[vector<16xi32>], vector<16xf32>,
          %parallel_loop3A_605 = arith.constant 640 : i32
          %parallel_loop3A_606 = vector.broadcast %parallel_loop3A_605 : i32 to vector<16xi32>
          %parallel_loop3A_607 = arith.addi %parallel_loop3A_565, %parallel_loop3A_606 : vector<16xi32>
          tpu.vector_store_idx %arg13[%parallel_loop3A_607], %parallel_loop3A_604 : memref<32768xf32, #tpu.memory_space<vmem>>[vector<16xi32>], vector<16xf32>,
          %parallel_loop3A_608 = arith.constant 6 : i32
          %parallel_loop3A_609 = vector.broadcast %parallel_loop3A_608 : i32 to vector<16xi32>
          %parallel_loop3A_610 = arith.addi %parallel_loop3A_556, %parallel_loop3A_609 : vector<16xi32>
          %parallel_loop3A_611 = tpu.vector_load_idx %arg8[%parallel_loop3A_610] : memref<1040xf32, #tpu.memory_space<vmem>>[vector<16xi32>], vector<16xf32>,
          %parallel_loop3A_612 = arith.constant 768 : i32
          %parallel_loop3A_613 = vector.broadcast %parallel_loop3A_612 : i32 to vector<16xi32>
          %parallel_loop3A_614 = arith.addi %parallel_loop3A_565, %parallel_loop3A_613 : vector<16xi32>
          tpu.vector_store_idx %arg13[%parallel_loop3A_614], %parallel_loop3A_611 : memref<32768xf32, #tpu.memory_space<vmem>>[vector<16xi32>], vector<16xf32>,
          %parallel_loop3A_615 = arith.constant 7 : i32
          %parallel_loop3A_616 = vector.broadcast %parallel_loop3A_615 : i32 to vector<16xi32>
          %parallel_loop3A_617 = arith.addi %parallel_loop3A_556, %parallel_loop3A_616 : vector<16xi32>
          %parallel_loop3A_618 = tpu.vector_load_idx %arg8[%parallel_loop3A_617] : memref<1040xf32, #tpu.memory_space<vmem>>[vector<16xi32>], vector<16xf32>,
          %parallel_loop3A_619 = arith.constant 896 : i32
          %parallel_loop3A_620 = vector.broadcast %parallel_loop3A_619 : i32 to vector<16xi32>
          %parallel_loop3A_621 = arith.addi %parallel_loop3A_565, %parallel_loop3A_620 : vector<16xi32>
          tpu.vector_store_idx %arg13[%parallel_loop3A_621], %parallel_loop3A_618 : memref<32768xf32, #tpu.memory_space<vmem>>[vector<16xi32>], vector<16xf32>,
          %parallel_loop3A_622 = arith.constant 8 : i32
          %parallel_loop3A_623 = vector.broadcast %parallel_loop3A_622 : i32 to vector<16xi32>
          %parallel_loop3A_624 = arith.addi %parallel_loop3A_556, %parallel_loop3A_623 : vector<16xi32>
          %parallel_loop3A_625 = tpu.vector_load_idx %arg8[%parallel_loop3A_624] : memref<1040xf32, #tpu.memory_space<vmem>>[vector<16xi32>], vector<16xf32>,
          %parallel_loop3A_626 = arith.constant 8192 : i32
          %parallel_loop3A_627 = vector.broadcast %parallel_loop3A_626 : i32 to vector<16xi32>
          %parallel_loop3A_628 = arith.addi %parallel_loop3A_565, %parallel_loop3A_627 : vector<16xi32>
          tpu.vector_store_idx %arg13[%parallel_loop3A_628], %parallel_loop3A_625 : memref<32768xf32, #tpu.memory_space<vmem>>[vector<16xi32>], vector<16xf32>,
          %parallel_loop3A_629 = arith.constant 9 : i32
          %parallel_loop3A_630 = vector.broadcast %parallel_loop3A_629 : i32 to vector<16xi32>
          %parallel_loop3A_631 = arith.addi %parallel_loop3A_556, %parallel_loop3A_630 : vector<16xi32>
          %parallel_loop3A_632 = tpu.vector_load_idx %arg8[%parallel_loop3A_631] : memref<1040xf32, #tpu.memory_space<vmem>>[vector<16xi32>], vector<16xf32>,
          %parallel_loop3A_633 = arith.constant 8320 : i32
          %parallel_loop3A_634 = vector.broadcast %parallel_loop3A_633 : i32 to vector<16xi32>
          %parallel_loop3A_635 = arith.addi %parallel_loop3A_565, %parallel_loop3A_634 : vector<16xi32>
          tpu.vector_store_idx %arg13[%parallel_loop3A_635], %parallel_loop3A_632 : memref<32768xf32, #tpu.memory_space<vmem>>[vector<16xi32>], vector<16xf32>,
          %parallel_loop3A_636 = arith.constant 10 : i32
          %parallel_loop3A_637 = vector.broadcast %parallel_loop3A_636 : i32 to vector<16xi32>
          %parallel_loop3A_638 = arith.addi %parallel_loop3A_556, %parallel_loop3A_637 : vector<16xi32>
          %parallel_loop3A_639 = tpu.vector_load_idx %arg8[%parallel_loop3A_638] : memref<1040xf32, #tpu.memory_space<vmem>>[vector<16xi32>], vector<16xf32>,
          %parallel_loop3A_640 = arith.constant 8448 : i32
          %parallel_loop3A_641 = vector.broadcast %parallel_loop3A_640 : i32 to vector<16xi32>
          %parallel_loop3A_642 = arith.addi %parallel_loop3A_565, %parallel_loop3A_641 : vector<16xi32>
          tpu.vector_store_idx %arg13[%parallel_loop3A_642], %parallel_loop3A_639 : memref<32768xf32, #tpu.memory_space<vmem>>[vector<16xi32>], vector<16xf32>,
          %parallel_loop3A_643 = arith.constant 11 : i32
          %parallel_loop3A_644 = vector.broadcast %parallel_loop3A_643 : i32 to vector<16xi32>
          %parallel_loop3A_645 = arith.addi %parallel_loop3A_556, %parallel_loop3A_644 : vector<16xi32>
          %parallel_loop3A_646 = tpu.vector_load_idx %arg8[%parallel_loop3A_645] : memref<1040xf32, #tpu.memory_space<vmem>>[vector<16xi32>], vector<16xf32>,
          %parallel_loop3A_647 = arith.constant 8576 : i32
          %parallel_loop3A_648 = vector.broadcast %parallel_loop3A_647 : i32 to vector<16xi32>
          %parallel_loop3A_649 = arith.addi %parallel_loop3A_565, %parallel_loop3A_648 : vector<16xi32>
          tpu.vector_store_idx %arg13[%parallel_loop3A_649], %parallel_loop3A_646 : memref<32768xf32, #tpu.memory_space<vmem>>[vector<16xi32>], vector<16xf32>,
          %parallel_loop3A_650 = arith.constant 12 : i32
          %parallel_loop3A_651 = vector.broadcast %parallel_loop3A_650 : i32 to vector<16xi32>
          %parallel_loop3A_652 = arith.addi %parallel_loop3A_556, %parallel_loop3A_651 : vector<16xi32>
          %parallel_loop3A_653 = tpu.vector_load_idx %arg8[%parallel_loop3A_652] : memref<1040xf32, #tpu.memory_space<vmem>>[vector<16xi32>], vector<16xf32>,
          %parallel_loop3A_654 = arith.constant 8704 : i32
          %parallel_loop3A_655 = vector.broadcast %parallel_loop3A_654 : i32 to vector<16xi32>
          %parallel_loop3A_656 = arith.addi %parallel_loop3A_565, %parallel_loop3A_655 : vector<16xi32>
          tpu.vector_store_idx %arg13[%parallel_loop3A_656], %parallel_loop3A_653 : memref<32768xf32, #tpu.memory_space<vmem>>[vector<16xi32>], vector<16xf32>,
          %parallel_loop3A_657 = arith.constant 13 : i32
          %parallel_loop3A_658 = vector.broadcast %parallel_loop3A_657 : i32 to vector<16xi32>
          %parallel_loop3A_659 = arith.addi %parallel_loop3A_556, %parallel_loop3A_658 : vector<16xi32>
          %parallel_loop3A_660 = tpu.vector_load_idx %arg8[%parallel_loop3A_659] : memref<1040xf32, #tpu.memory_space<vmem>>[vector<16xi32>], vector<16xf32>,
          %parallel_loop3A_661 = arith.constant 8832 : i32
          %parallel_loop3A_662 = vector.broadcast %parallel_loop3A_661 : i32 to vector<16xi32>
          %parallel_loop3A_663 = arith.addi %parallel_loop3A_565, %parallel_loop3A_662 : vector<16xi32>
          tpu.vector_store_idx %arg13[%parallel_loop3A_663], %parallel_loop3A_660 : memref<32768xf32, #tpu.memory_space<vmem>>[vector<16xi32>], vector<16xf32>,
          %parallel_loop3A_664 = arith.constant 14 : i32
          %parallel_loop3A_665 = vector.broadcast %parallel_loop3A_664 : i32 to vector<16xi32>
          %parallel_loop3A_666 = arith.addi %parallel_loop3A_556, %parallel_loop3A_665 : vector<16xi32>
          %parallel_loop3A_667 = tpu.vector_load_idx %arg8[%parallel_loop3A_666] : memref<1040xf32, #tpu.memory_space<vmem>>[vector<16xi32>], vector<16xf32>,
          %parallel_loop3A_668 = arith.constant 8960 : i32
          %parallel_loop3A_669 = vector.broadcast %parallel_loop3A_668 : i32 to vector<16xi32>
          %parallel_loop3A_670 = arith.addi %parallel_loop3A_565, %parallel_loop3A_669 : vector<16xi32>
          tpu.vector_store_idx %arg13[%parallel_loop3A_670], %parallel_loop3A_667 : memref<32768xf32, #tpu.memory_space<vmem>>[vector<16xi32>], vector<16xf32>,
          %parallel_loop3A_671 = arith.constant 15 : i32
          %parallel_loop3A_672 = vector.broadcast %parallel_loop3A_671 : i32 to vector<16xi32>
          %parallel_loop3A_673 = arith.addi %parallel_loop3A_556, %parallel_loop3A_672 : vector<16xi32>
          %parallel_loop3A_674 = tpu.vector_load_idx %arg8[%parallel_loop3A_673] : memref<1040xf32, #tpu.memory_space<vmem>>[vector<16xi32>], vector<16xf32>,
          %parallel_loop3A_675 = arith.constant 9088 : i32
          %parallel_loop3A_676 = vector.broadcast %parallel_loop3A_675 : i32 to vector<16xi32>
          %parallel_loop3A_677 = arith.addi %parallel_loop3A_565, %parallel_loop3A_676 : vector<16xi32>
          tpu.vector_store_idx %arg13[%parallel_loop3A_677], %parallel_loop3A_674 : memref<32768xf32, #tpu.memory_space<vmem>>[vector<16xi32>], vector<16xf32>,
          %parallel_loop3A_678 = arith.constant 0 : i32
          %parallel_loop3A_679 = vector.broadcast %parallel_loop3A_678 : i32 to vector<16xi32>
          %parallel_loop3A_680 = arith.addi %parallel_loop3A_560, %parallel_loop3A_679 : vector<16xi32>
          %parallel_loop3A_681 = tpu.vector_load_idx %arg9[%parallel_loop3A_680] : memref<1040xf32, #tpu.memory_space<vmem>>[vector<16xi32>], vector<16xf32>,
          %parallel_loop3A_682 = arith.constant 16384 : i32
          %parallel_loop3A_683 = vector.broadcast %parallel_loop3A_682 : i32 to vector<16xi32>
          %parallel_loop3A_684 = arith.addi %parallel_loop3A_565, %parallel_loop3A_683 : vector<16xi32>
          tpu.vector_store_idx %arg13[%parallel_loop3A_684], %parallel_loop3A_681 : memref<32768xf32, #tpu.memory_space<vmem>>[vector<16xi32>], vector<16xf32>,
          %parallel_loop3A_685 = arith.constant 1 : i32
          %parallel_loop3A_686 = vector.broadcast %parallel_loop3A_685 : i32 to vector<16xi32>
          %parallel_loop3A_687 = arith.addi %parallel_loop3A_560, %parallel_loop3A_686 : vector<16xi32>
          %parallel_loop3A_688 = tpu.vector_load_idx %arg9[%parallel_loop3A_687] : memref<1040xf32, #tpu.memory_space<vmem>>[vector<16xi32>], vector<16xf32>,
          %parallel_loop3A_689 = arith.constant 16512 : i32
          %parallel_loop3A_690 = vector.broadcast %parallel_loop3A_689 : i32 to vector<16xi32>
          %parallel_loop3A_691 = arith.addi %parallel_loop3A_565, %parallel_loop3A_690 : vector<16xi32>
          tpu.vector_store_idx %arg13[%parallel_loop3A_691], %parallel_loop3A_688 : memref<32768xf32, #tpu.memory_space<vmem>>[vector<16xi32>], vector<16xf32>,
          %parallel_loop3A_692 = arith.constant 2 : i32
          %parallel_loop3A_693 = vector.broadcast %parallel_loop3A_692 : i32 to vector<16xi32>
          %parallel_loop3A_694 = arith.addi %parallel_loop3A_560, %parallel_loop3A_693 : vector<16xi32>
          %parallel_loop3A_695 = tpu.vector_load_idx %arg9[%parallel_loop3A_694] : memref<1040xf32, #tpu.memory_space<vmem>>[vector<16xi32>], vector<16xf32>,
          %parallel_loop3A_696 = arith.constant 16640 : i32
          %parallel_loop3A_697 = vector.broadcast %parallel_loop3A_696 : i32 to vector<16xi32>
          %parallel_loop3A_698 = arith.addi %parallel_loop3A_565, %parallel_loop3A_697 : vector<16xi32>
          tpu.vector_store_idx %arg13[%parallel_loop3A_698], %parallel_loop3A_695 : memref<32768xf32, #tpu.memory_space<vmem>>[vector<16xi32>], vector<16xf32>,
          %parallel_loop3A_699 = arith.constant 3 : i32
          %parallel_loop3A_700 = vector.broadcast %parallel_loop3A_699 : i32 to vector<16xi32>
          %parallel_loop3A_701 = arith.addi %parallel_loop3A_560, %parallel_loop3A_700 : vector<16xi32>
          %parallel_loop3A_702 = tpu.vector_load_idx %arg9[%parallel_loop3A_701] : memref<1040xf32, #tpu.memory_space<vmem>>[vector<16xi32>], vector<16xf32>,
          %parallel_loop3A_703 = arith.constant 16768 : i32
          %parallel_loop3A_704 = vector.broadcast %parallel_loop3A_703 : i32 to vector<16xi32>
          %parallel_loop3A_705 = arith.addi %parallel_loop3A_565, %parallel_loop3A_704 : vector<16xi32>
          tpu.vector_store_idx %arg13[%parallel_loop3A_705], %parallel_loop3A_702 : memref<32768xf32, #tpu.memory_space<vmem>>[vector<16xi32>], vector<16xf32>,
          %parallel_loop3A_706 = arith.constant 4 : i32
          %parallel_loop3A_707 = vector.broadcast %parallel_loop3A_706 : i32 to vector<16xi32>
          %parallel_loop3A_708 = arith.addi %parallel_loop3A_560, %parallel_loop3A_707 : vector<16xi32>
          %parallel_loop3A_709 = tpu.vector_load_idx %arg9[%parallel_loop3A_708] : memref<1040xf32, #tpu.memory_space<vmem>>[vector<16xi32>], vector<16xf32>,
          %parallel_loop3A_710 = arith.constant 16896 : i32
          %parallel_loop3A_711 = vector.broadcast %parallel_loop3A_710 : i32 to vector<16xi32>
          %parallel_loop3A_712 = arith.addi %parallel_loop3A_565, %parallel_loop3A_711 : vector<16xi32>
          tpu.vector_store_idx %arg13[%parallel_loop3A_712], %parallel_loop3A_709 : memref<32768xf32, #tpu.memory_space<vmem>>[vector<16xi32>], vector<16xf32>,
          %parallel_loop3A_713 = arith.constant 5 : i32
          %parallel_loop3A_714 = vector.broadcast %parallel_loop3A_713 : i32 to vector<16xi32>
          %parallel_loop3A_715 = arith.addi %parallel_loop3A_560, %parallel_loop3A_714 : vector<16xi32>
          %parallel_loop3A_716 = tpu.vector_load_idx %arg9[%parallel_loop3A_715] : memref<1040xf32, #tpu.memory_space<vmem>>[vector<16xi32>], vector<16xf32>,
          %parallel_loop3A_717 = arith.constant 17024 : i32
          %parallel_loop3A_718 = vector.broadcast %parallel_loop3A_717 : i32 to vector<16xi32>
          %parallel_loop3A_719 = arith.addi %parallel_loop3A_565, %parallel_loop3A_718 : vector<16xi32>
          tpu.vector_store_idx %arg13[%parallel_loop3A_719], %parallel_loop3A_716 : memref<32768xf32, #tpu.memory_space<vmem>>[vector<16xi32>], vector<16xf32>,
          %parallel_loop3A_720 = arith.constant 6 : i32
          %parallel_loop3A_721 = vector.broadcast %parallel_loop3A_720 : i32 to vector<16xi32>
          %parallel_loop3A_722 = arith.addi %parallel_loop3A_560, %parallel_loop3A_721 : vector<16xi32>
          %parallel_loop3A_723 = tpu.vector_load_idx %arg9[%parallel_loop3A_722] : memref<1040xf32, #tpu.memory_space<vmem>>[vector<16xi32>], vector<16xf32>,
          %parallel_loop3A_724 = arith.constant 17152 : i32
          %parallel_loop3A_725 = vector.broadcast %parallel_loop3A_724 : i32 to vector<16xi32>
          %parallel_loop3A_726 = arith.addi %parallel_loop3A_565, %parallel_loop3A_725 : vector<16xi32>
          tpu.vector_store_idx %arg13[%parallel_loop3A_726], %parallel_loop3A_723 : memref<32768xf32, #tpu.memory_space<vmem>>[vector<16xi32>], vector<16xf32>,
          %parallel_loop3A_727 = arith.constant 7 : i32
          %parallel_loop3A_728 = vector.broadcast %parallel_loop3A_727 : i32 to vector<16xi32>
          %parallel_loop3A_729 = arith.addi %parallel_loop3A_560, %parallel_loop3A_728 : vector<16xi32>
          %parallel_loop3A_730 = tpu.vector_load_idx %arg9[%parallel_loop3A_729] : memref<1040xf32, #tpu.memory_space<vmem>>[vector<16xi32>], vector<16xf32>,
          %parallel_loop3A_731 = arith.constant 17280 : i32
          %parallel_loop3A_732 = vector.broadcast %parallel_loop3A_731 : i32 to vector<16xi32>
          %parallel_loop3A_733 = arith.addi %parallel_loop3A_565, %parallel_loop3A_732 : vector<16xi32>
          tpu.vector_store_idx %arg13[%parallel_loop3A_733], %parallel_loop3A_730 : memref<32768xf32, #tpu.memory_space<vmem>>[vector<16xi32>], vector<16xf32>,
          %parallel_loop3A_734 = arith.constant 8 : i32
          %parallel_loop3A_735 = vector.broadcast %parallel_loop3A_734 : i32 to vector<16xi32>
          %parallel_loop3A_736 = arith.addi %parallel_loop3A_560, %parallel_loop3A_735 : vector<16xi32>
          %parallel_loop3A_737 = tpu.vector_load_idx %arg9[%parallel_loop3A_736] : memref<1040xf32, #tpu.memory_space<vmem>>[vector<16xi32>], vector<16xf32>,
          %parallel_loop3A_738 = arith.constant 24576 : i32
          %parallel_loop3A_739 = vector.broadcast %parallel_loop3A_738 : i32 to vector<16xi32>
          %parallel_loop3A_740 = arith.addi %parallel_loop3A_565, %parallel_loop3A_739 : vector<16xi32>
          tpu.vector_store_idx %arg13[%parallel_loop3A_740], %parallel_loop3A_737 : memref<32768xf32, #tpu.memory_space<vmem>>[vector<16xi32>], vector<16xf32>,
          %parallel_loop3A_741 = arith.constant 9 : i32
          %parallel_loop3A_742 = vector.broadcast %parallel_loop3A_741 : i32 to vector<16xi32>
          %parallel_loop3A_743 = arith.addi %parallel_loop3A_560, %parallel_loop3A_742 : vector<16xi32>
          %parallel_loop3A_744 = tpu.vector_load_idx %arg9[%parallel_loop3A_743] : memref<1040xf32, #tpu.memory_space<vmem>>[vector<16xi32>], vector<16xf32>,
          %parallel_loop3A_745 = arith.constant 24704 : i32
          %parallel_loop3A_746 = vector.broadcast %parallel_loop3A_745 : i32 to vector<16xi32>
          %parallel_loop3A_747 = arith.addi %parallel_loop3A_565, %parallel_loop3A_746 : vector<16xi32>
          tpu.vector_store_idx %arg13[%parallel_loop3A_747], %parallel_loop3A_744 : memref<32768xf32, #tpu.memory_space<vmem>>[vector<16xi32>], vector<16xf32>,
          %parallel_loop3A_748 = arith.constant 10 : i32
          %parallel_loop3A_749 = vector.broadcast %parallel_loop3A_748 : i32 to vector<16xi32>
          %parallel_loop3A_750 = arith.addi %parallel_loop3A_560, %parallel_loop3A_749 : vector<16xi32>
          %parallel_loop3A_751 = tpu.vector_load_idx %arg9[%parallel_loop3A_750] : memref<1040xf32, #tpu.memory_space<vmem>>[vector<16xi32>], vector<16xf32>,
          %parallel_loop3A_752 = arith.constant 24832 : i32
          %parallel_loop3A_753 = vector.broadcast %parallel_loop3A_752 : i32 to vector<16xi32>
          %parallel_loop3A_754 = arith.addi %parallel_loop3A_565, %parallel_loop3A_753 : vector<16xi32>
          tpu.vector_store_idx %arg13[%parallel_loop3A_754], %parallel_loop3A_751 : memref<32768xf32, #tpu.memory_space<vmem>>[vector<16xi32>], vector<16xf32>,
          %parallel_loop3A_755 = arith.constant 11 : i32
          %parallel_loop3A_756 = vector.broadcast %parallel_loop3A_755 : i32 to vector<16xi32>
          %parallel_loop3A_757 = arith.addi %parallel_loop3A_560, %parallel_loop3A_756 : vector<16xi32>
          %parallel_loop3A_758 = tpu.vector_load_idx %arg9[%parallel_loop3A_757] : memref<1040xf32, #tpu.memory_space<vmem>>[vector<16xi32>], vector<16xf32>,
          %parallel_loop3A_759 = arith.constant 24960 : i32
          %parallel_loop3A_760 = vector.broadcast %parallel_loop3A_759 : i32 to vector<16xi32>
          %parallel_loop3A_761 = arith.addi %parallel_loop3A_565, %parallel_loop3A_760 : vector<16xi32>
          tpu.vector_store_idx %arg13[%parallel_loop3A_761], %parallel_loop3A_758 : memref<32768xf32, #tpu.memory_space<vmem>>[vector<16xi32>], vector<16xf32>,
          %parallel_loop3A_762 = arith.constant 12 : i32
          %parallel_loop3A_763 = vector.broadcast %parallel_loop3A_762 : i32 to vector<16xi32>
          %parallel_loop3A_764 = arith.addi %parallel_loop3A_560, %parallel_loop3A_763 : vector<16xi32>
          %parallel_loop3A_765 = tpu.vector_load_idx %arg9[%parallel_loop3A_764] : memref<1040xf32, #tpu.memory_space<vmem>>[vector<16xi32>], vector<16xf32>,
          %parallel_loop3A_766 = arith.constant 25088 : i32
          %parallel_loop3A_767 = vector.broadcast %parallel_loop3A_766 : i32 to vector<16xi32>
          %parallel_loop3A_768 = arith.addi %parallel_loop3A_565, %parallel_loop3A_767 : vector<16xi32>
          tpu.vector_store_idx %arg13[%parallel_loop3A_768], %parallel_loop3A_765 : memref<32768xf32, #tpu.memory_space<vmem>>[vector<16xi32>], vector<16xf32>,
          %parallel_loop3A_769 = arith.constant 13 : i32
          %parallel_loop3A_770 = vector.broadcast %parallel_loop3A_769 : i32 to vector<16xi32>
          %parallel_loop3A_771 = arith.addi %parallel_loop3A_560, %parallel_loop3A_770 : vector<16xi32>
          %parallel_loop3A_772 = tpu.vector_load_idx %arg9[%parallel_loop3A_771] : memref<1040xf32, #tpu.memory_space<vmem>>[vector<16xi32>], vector<16xf32>,
          %parallel_loop3A_773 = arith.constant 25216 : i32
          %parallel_loop3A_774 = vector.broadcast %parallel_loop3A_773 : i32 to vector<16xi32>
          %parallel_loop3A_775 = arith.addi %parallel_loop3A_565, %parallel_loop3A_774 : vector<16xi32>
          tpu.vector_store_idx %arg13[%parallel_loop3A_775], %parallel_loop3A_772 : memref<32768xf32, #tpu.memory_space<vmem>>[vector<16xi32>], vector<16xf32>,
          %parallel_loop3A_776 = arith.constant 14 : i32
          %parallel_loop3A_777 = vector.broadcast %parallel_loop3A_776 : i32 to vector<16xi32>
          %parallel_loop3A_778 = arith.addi %parallel_loop3A_560, %parallel_loop3A_777 : vector<16xi32>
          %parallel_loop3A_779 = tpu.vector_load_idx %arg9[%parallel_loop3A_778] : memref<1040xf32, #tpu.memory_space<vmem>>[vector<16xi32>], vector<16xf32>,
          %parallel_loop3A_780 = arith.constant 25344 : i32
          %parallel_loop3A_781 = vector.broadcast %parallel_loop3A_780 : i32 to vector<16xi32>
          %parallel_loop3A_782 = arith.addi %parallel_loop3A_565, %parallel_loop3A_781 : vector<16xi32>
          tpu.vector_store_idx %arg13[%parallel_loop3A_782], %parallel_loop3A_779 : memref<32768xf32, #tpu.memory_space<vmem>>[vector<16xi32>], vector<16xf32>,
          %parallel_loop3A_783 = arith.constant 15 : i32
          %parallel_loop3A_784 = vector.broadcast %parallel_loop3A_783 : i32 to vector<16xi32>
          %parallel_loop3A_785 = arith.addi %parallel_loop3A_560, %parallel_loop3A_784 : vector<16xi32>
          %parallel_loop3A_786 = tpu.vector_load_idx %arg9[%parallel_loop3A_785] : memref<1040xf32, #tpu.memory_space<vmem>>[vector<16xi32>], vector<16xf32>,
          %parallel_loop3A_787 = arith.constant 25472 : i32
          %parallel_loop3A_788 = vector.broadcast %parallel_loop3A_787 : i32 to vector<16xi32>
          %parallel_loop3A_789 = arith.addi %parallel_loop3A_565, %parallel_loop3A_788 : vector<16xi32>
          tpu.vector_store_idx %arg13[%parallel_loop3A_789], %parallel_loop3A_786 : memref<32768xf32, #tpu.memory_space<vmem>>[vector<16xi32>], vector<16xf32>,
        } {sc.loop_unroll_factor = 1 : i64, sc.parallel_access}
        %mul3A_485 = arith.constant 32 : i32
        %mul3A_486 = arith.muli %add3A_467, %mul3A_485 : i32
        %add3A_487 = arith.addi %mul3A_486, %add3A : i32
        %mul3A_488 = arith.constant 8 : i32
        %mul3A_489 = arith.muli %add3A_487, %mul3A_488 : i32
        %add3A_490 = arith.constant 0 : i32
        %add3A_491 = arith.addi %add3A_490, %mul3A_489 : i32
        %mul3A_492 = arith.constant 1024 : i32
        %mul3A_493 = arith.muli %add3A_491, %mul3A_492 : i32
        %dma_start3A_494 = arith.constant 0 : i32
        %dma_start3A_495 = tpu.memref_slice %arg13[%dma_start3A_494] : memref<32768xf32, #tpu.memory_space<vmem>> -> memref<8192xf32, #tpu.memory_space<vmem>>
        %dma_start3A_496 = tpu.memref_slice %arg5[%mul3A_493] : memref<102400000xf32, #tpu.memory_space<hbm>> -> memref<8192xf32, #tpu.memory_space<hbm>>
        %dma_start3A_497 = tpu.memref_slice %arg5[%mul3A_493] : memref<102400000xf32, #tpu.memory_space<hbm>> -> memref<8192xf32, #tpu.memory_space<hbm>>
        %dma_start3A_498 = arith.constant 0 : i32
        %dma_start3A_499 = tpu.memref_slice %arg13[%dma_start3A_498] : memref<32768xf32, #tpu.memory_space<vmem>> -> memref<8192xf32, #tpu.memory_space<vmem>>
        tpu.enqueue_dma source(%dma_start3A_499 : memref<8192xf32, #tpu.memory_space<vmem>>) target(%dma_start3A_497 : memref<8192xf32, #tpu.memory_space<hbm>>) target_semaphore(%arg17 : memref<!tpu.dma_semaphore, #tpu.memory_space<semaphore_mem>>)
        %add3A_500 = arith.constant 25000 : i32
        %add3A_501 = arith.addi %add3A_500, %mul3A_489 : i32
        %mul3A_502 = arith.constant 1024 : i32
        %mul3A_503 = arith.muli %add3A_501, %mul3A_502 : i32
        %dma_start3A_504 = arith.constant 8192 : i32
        %dma_start3A_505 = tpu.memref_slice %arg13[%dma_start3A_504] : memref<32768xf32, #tpu.memory_space<vmem>> -> memref<8192xf32, #tpu.memory_space<vmem>>
        %dma_start3A_506 = tpu.memref_slice %arg5[%mul3A_503] : memref<102400000xf32, #tpu.memory_space<hbm>> -> memref<8192xf32, #tpu.memory_space<hbm>>
        %dma_start3A_507 = tpu.memref_slice %arg5[%mul3A_503] : memref<102400000xf32, #tpu.memory_space<hbm>> -> memref<8192xf32, #tpu.memory_space<hbm>>
        %dma_start3A_508 = arith.constant 8192 : i32
        %dma_start3A_509 = tpu.memref_slice %arg13[%dma_start3A_508] : memref<32768xf32, #tpu.memory_space<vmem>> -> memref<8192xf32, #tpu.memory_space<vmem>>
        tpu.enqueue_dma source(%dma_start3A_509 : memref<8192xf32, #tpu.memory_space<vmem>>) target(%dma_start3A_507 : memref<8192xf32, #tpu.memory_space<hbm>>) target_semaphore(%arg17 : memref<!tpu.dma_semaphore, #tpu.memory_space<semaphore_mem>>)
        %add3A_510 = arith.constant 50000 : i32
        %add3A_511 = arith.addi %add3A_510, %mul3A_489 : i32
        %mul3A_512 = arith.constant 1024 : i32
        %mul3A_513 = arith.muli %add3A_511, %mul3A_512 : i32
        %dma_start3A_514 = arith.constant 16384 : i32
        %dma_start3A_515 = tpu.memref_slice %arg13[%dma_start3A_514] : memref<32768xf32, #tpu.memory_space<vmem>> -> memref<8192xf32, #tpu.memory_space<vmem>>
        %dma_start3A_516 = tpu.memref_slice %arg5[%mul3A_513] : memref<102400000xf32, #tpu.memory_space<hbm>> -> memref<8192xf32, #tpu.memory_space<hbm>>
        %dma_start3A_517 = tpu.memref_slice %arg5[%mul3A_513] : memref<102400000xf32, #tpu.memory_space<hbm>> -> memref<8192xf32, #tpu.memory_space<hbm>>
        %dma_start3A_518 = arith.constant 16384 : i32
        %dma_start3A_519 = tpu.memref_slice %arg13[%dma_start3A_518] : memref<32768xf32, #tpu.memory_space<vmem>> -> memref<8192xf32, #tpu.memory_space<vmem>>
        tpu.enqueue_dma source(%dma_start3A_519 : memref<8192xf32, #tpu.memory_space<vmem>>) target(%dma_start3A_517 : memref<8192xf32, #tpu.memory_space<hbm>>) target_semaphore(%arg17 : memref<!tpu.dma_semaphore, #tpu.memory_space<semaphore_mem>>)
        %add3A_520 = arith.constant 75000 : i32
        %add3A_521 = arith.addi %add3A_520, %mul3A_489 : i32
        %mul3A_522 = arith.constant 1024 : i32
        %mul3A_523 = arith.muli %add3A_521, %mul3A_522 : i32
        %dma_start3A_524 = arith.constant 24576 : i32
        %dma_start3A_525 = tpu.memref_slice %arg13[%dma_start3A_524] : memref<32768xf32, #tpu.memory_space<vmem>> -> memref<8192xf32, #tpu.memory_space<vmem>>
        %dma_start3A_526 = tpu.memref_slice %arg5[%mul3A_523] : memref<102400000xf32, #tpu.memory_space<hbm>> -> memref<8192xf32, #tpu.memory_space<hbm>>
        %dma_start3A_527 = tpu.memref_slice %arg5[%mul3A_523] : memref<102400000xf32, #tpu.memory_space<hbm>> -> memref<8192xf32, #tpu.memory_space<hbm>>
        %dma_start3A_528 = arith.constant 24576 : i32
        %dma_start3A_529 = tpu.memref_slice %arg13[%dma_start3A_528] : memref<32768xf32, #tpu.memory_space<vmem>> -> memref<8192xf32, #tpu.memory_space<vmem>>
        tpu.enqueue_dma source(%dma_start3A_529 : memref<8192xf32, #tpu.memory_space<vmem>>) target(%dma_start3A_527 : memref<8192xf32, #tpu.memory_space<hbm>>) target_semaphore(%arg17 : memref<!tpu.dma_semaphore, #tpu.memory_space<semaphore_mem>>)
        %add3A_530 = arith.constant 2 : i32
        %add3A_531 = arith.addi %add3A_467, %add3A_530 : i32
        %lt3A_532 = arith.cmpi slt, %add3A_531, %add3A_293 : i32
        %convert_element_type3A_533 = arith.extui %lt3A_532 : i1 to i32
        %cond3A_534 = arith.constant 0 : i32
        %cond3A_535 = arith.cmpi ne, %convert_element_type3A_533, %cond3A_534 : i32
        scf.if %cond3A_535 {
          %add3A_536 = arith.constant 2 : i32
          %add3A_537 = arith.addi %add3A_467, %add3A_536 : i32
          %mul3A_538 = arith.constant 32 : i32
          %mul3A_539 = arith.muli %add3A_537, %mul3A_538 : i32
          %add3A_540 = arith.addi %mul3A_539, %add3A : i32
          %mul3A_541 = arith.constant 2048 : i32
          %mul3A_542 = arith.muli %add3A_540, %mul3A_541 : i32
          %dma_start3A_543 = tpu.memref_slice %arg2[%mul3A_542] : memref<6400000xi32, #tpu.memory_space<hbm>> -> memref<2048xi32, #tpu.memory_space<hbm>>
          %dma_start3A_544 = tpu.memref_slice %arg2[%mul3A_542] : memref<6400000xi32, #tpu.memory_space<hbm>> -> memref<2048xi32, #tpu.memory_space<hbm>>
          tpu.enqueue_dma source(%dma_start3A_544 : memref<2048xi32, #tpu.memory_space<hbm>>) target(%arg11 : memref<2048xi32, #tpu.memory_space<vmem>>) target_semaphore(%arg15 : memref<!tpu.dma_semaphore, #tpu.memory_space<semaphore_mem>>)
        } else {
        }
      } else {
      }
    }
    %scan3A_309 = arith.constant 49 : i32
    %sub3A = arith.constant 1 : i32
    %sub3A_310 = arith.subi %add3A_293, %sub3A : i32
    %sub3A_311 = arith.constant 0 : i32
    %sub3A_312 = arith.subi %sub3A_310, %sub3A_311 : i32
    %jit3A_313 = arith.constant 2 : i32
    %div3A = arith.divsi %sub3A_312, %jit3A_313 : i32
    %sign3A = arith.constant 0 : i32
    %sign3A_314 = arith.cmpi sgt, %sub3A_312, %sign3A : i32
    %sign3A_315 = arith.extui %sign3A_314 : i1 to i32
    %sign3A_316 = arith.constant 0 : i32
    %sign3A_317 = arith.cmpi slt, %sub3A_312, %sign3A_316 : i32
    %sign3A_318 = arith.extui %sign3A_317 : i1 to i32
    %sign3A_319 = arith.subi %sign3A_315, %sign3A_318 : i32
    %sign3A_320 = arith.constant 0 : i32
    %sign3A_321 = arith.cmpi sgt, %jit3A_313, %sign3A_320 : i32
    %sign3A_322 = arith.extui %sign3A_321 : i1 to i32
    %sign3A_323 = arith.constant 0 : i32
    %sign3A_324 = arith.cmpi slt, %jit3A_313, %sign3A_323 : i32
    %sign3A_325 = arith.extui %sign3A_324 : i1 to i32
    %sign3A_326 = arith.subi %sign3A_322, %sign3A_325 : i32
    %ne3A = arith.cmpi ne, %sign3A_319, %sign3A_326 : i32
    %rem3A = arith.remsi %sub3A_312, %jit3A_313 : i32
    %ne3A_327 = arith.constant 0 : i32
    %ne3A_328 = arith.cmpi ne, %rem3A, %ne3A_327 : i32
    %and3A = arith.andi %ne3A, %ne3A_328 : i1
    %sub3A_329 = arith.constant 1 : i32
    %sub3A_330 = arith.subi %div3A, %sub3A_329 : i32
    %select_n3A_331 = arith.select %and3A, %sub3A_330, %div3A : i32
    %mul3A_332 = arith.constant 2 : i32
    %mul3A_333 = arith.muli %select_n3A_331, %mul3A_332 : i32
    %add3A_334 = arith.constant 0 : i32
    %add3A_335 = arith.addi %mul3A_333, %add3A_334 : i32
    %mul3A_336 = arith.constant 32 : i32
    %mul3A_337 = arith.muli %add3A_335, %mul3A_336 : i32
    %add3A_338 = arith.addi %mul3A_337, %add3A : i32
    %mul3A_339 = arith.constant 8 : i32
    %mul3A_340 = arith.muli %add3A_338, %mul3A_339 : i32
    %add3A_341 = arith.constant 0 : i32
    %add3A_342 = arith.addi %add3A_341, %mul3A_340 : i32
    %mul3A_343 = arith.constant 1024 : i32
    %mul3A_344 = arith.muli %add3A_342, %mul3A_343 : i32
    %dma_wait3A = arith.constant 0 : i32
    %dma_wait3A_345 = tpu.memref_slice %arg12[%dma_wait3A] : memref<32768xf32, #tpu.memory_space<vmem>> -> memref<8192xf32, #tpu.memory_space<vmem>>
    %dma_wait3A_346 = tpu.memref_slice %arg5[%mul3A_344] : memref<102400000xf32, #tpu.memory_space<hbm>> -> memref<8192xf32, #tpu.memory_space<hbm>>
    %dma_wait3A_347 = tpu.memref_slice %arg5[%mul3A_344] : memref<102400000xf32, #tpu.memory_space<hbm>> -> memref<8192xf32, #tpu.memory_space<hbm>>
    %dma_wait3A_348 = arith.constant 0 : i32
    %dma_wait3A_349 = tpu.memref_slice %arg12[%dma_wait3A_348] : memref<32768xf32, #tpu.memory_space<vmem>> -> memref<8192xf32, #tpu.memory_space<vmem>>
    tpu.wait_dma2 semaphore(%arg16 : memref<!tpu.dma_semaphore, #tpu.memory_space<semaphore_mem>>) src(%dma_wait3A_349 : memref<8192xf32, #tpu.memory_space<vmem>>) dst(%dma_wait3A_347 : memref<8192xf32, #tpu.memory_space<hbm>>)
    %add3A_350 = arith.constant 25000 : i32
    %add3A_351 = arith.addi %add3A_350, %mul3A_340 : i32
    %mul3A_352 = arith.constant 1024 : i32
    %mul3A_353 = arith.muli %add3A_351, %mul3A_352 : i32
    %dma_wait3A_354 = arith.constant 8192 : i32
    %dma_wait3A_355 = tpu.memref_slice %arg12[%dma_wait3A_354] : memref<32768xf32, #tpu.memory_space<vmem>> -> memref<8192xf32, #tpu.memory_space<vmem>>
    %dma_wait3A_356 = tpu.memref_slice %arg5[%mul3A_353] : memref<102400000xf32, #tpu.memory_space<hbm>> -> memref<8192xf32, #tpu.memory_space<hbm>>
    %dma_wait3A_357 = tpu.memref_slice %arg5[%mul3A_353] : memref<102400000xf32, #tpu.memory_space<hbm>> -> memref<8192xf32, #tpu.memory_space<hbm>>
    %dma_wait3A_358 = arith.constant 8192 : i32
    %dma_wait3A_359 = tpu.memref_slice %arg12[%dma_wait3A_358] : memref<32768xf32, #tpu.memory_space<vmem>> -> memref<8192xf32, #tpu.memory_space<vmem>>
    tpu.wait_dma2 semaphore(%arg16 : memref<!tpu.dma_semaphore, #tpu.memory_space<semaphore_mem>>) src(%dma_wait3A_359 : memref<8192xf32, #tpu.memory_space<vmem>>) dst(%dma_wait3A_357 : memref<8192xf32, #tpu.memory_space<hbm>>)
    %add3A_360 = arith.constant 50000 : i32
    %add3A_361 = arith.addi %add3A_360, %mul3A_340 : i32
    %mul3A_362 = arith.constant 1024 : i32
    %mul3A_363 = arith.muli %add3A_361, %mul3A_362 : i32
    %dma_wait3A_364 = arith.constant 16384 : i32
    %dma_wait3A_365 = tpu.memref_slice %arg12[%dma_wait3A_364] : memref<32768xf32, #tpu.memory_space<vmem>> -> memref<8192xf32, #tpu.memory_space<vmem>>
    %dma_wait3A_366 = tpu.memref_slice %arg5[%mul3A_363] : memref<102400000xf32, #tpu.memory_space<hbm>> -> memref<8192xf32, #tpu.memory_space<hbm>>
    %dma_wait3A_367 = tpu.memref_slice %arg5[%mul3A_363] : memref<102400000xf32, #tpu.memory_space<hbm>> -> memref<8192xf32, #tpu.memory_space<hbm>>
    %dma_wait3A_368 = arith.constant 16384 : i32
    %dma_wait3A_369 = tpu.memref_slice %arg12[%dma_wait3A_368] : memref<32768xf32, #tpu.memory_space<vmem>> -> memref<8192xf32, #tpu.memory_space<vmem>>
    tpu.wait_dma2 semaphore(%arg16 : memref<!tpu.dma_semaphore, #tpu.memory_space<semaphore_mem>>) src(%dma_wait3A_369 : memref<8192xf32, #tpu.memory_space<vmem>>) dst(%dma_wait3A_367 : memref<8192xf32, #tpu.memory_space<hbm>>)
    %add3A_370 = arith.constant 75000 : i32
    %add3A_371 = arith.addi %add3A_370, %mul3A_340 : i32
    %mul3A_372 = arith.constant 1024 : i32
    %mul3A_373 = arith.muli %add3A_371, %mul3A_372 : i32
    %dma_wait3A_374 = arith.constant 24576 : i32
    %dma_wait3A_375 = tpu.memref_slice %arg12[%dma_wait3A_374] : memref<32768xf32, #tpu.memory_space<vmem>> -> memref<8192xf32, #tpu.memory_space<vmem>>
    %dma_wait3A_376 = tpu.memref_slice %arg5[%mul3A_373] : memref<102400000xf32, #tpu.memory_space<hbm>> -> memref<8192xf32, #tpu.memory_space<hbm>>
    %dma_wait3A_377 = tpu.memref_slice %arg5[%mul3A_373] : memref<102400000xf32, #tpu.memory_space<hbm>> -> memref<8192xf32, #tpu.memory_space<hbm>>
    %dma_wait3A_378 = arith.constant 24576 : i32
    %dma_wait3A_379 = tpu.memref_slice %arg12[%dma_wait3A_378] : memref<32768xf32, #tpu.memory_space<vmem>> -> memref<8192xf32, #tpu.memory_space<vmem>>
    tpu.wait_dma2 semaphore(%arg16 : memref<!tpu.dma_semaphore, #tpu.memory_space<semaphore_mem>>) src(%dma_wait3A_379 : memref<8192xf32, #tpu.memory_space<vmem>>) dst(%dma_wait3A_377 : memref<8192xf32, #tpu.memory_space<hbm>>)
    %sub3A_380 = arith.constant 1 : i32
    %sub3A_381 = arith.subi %add3A_293, %sub3A_380 : i32
    %sub3A_382 = arith.constant 1 : i32
    %sub3A_383 = arith.subi %sub3A_381, %sub3A_382 : i32
    %jit3A_384 = arith.constant 2 : i32
    %div3A_385 = arith.divsi %sub3A_383, %jit3A_384 : i32
    %sign3A_386 = arith.constant 0 : i32
    %sign3A_387 = arith.cmpi sgt, %sub3A_383, %sign3A_386 : i32
    %sign3A_388 = arith.extui %sign3A_387 : i1 to i32
    %sign3A_389 = arith.constant 0 : i32
    %sign3A_390 = arith.cmpi slt, %sub3A_383, %sign3A_389 : i32
    %sign3A_391 = arith.extui %sign3A_390 : i1 to i32
    %sign3A_392 = arith.subi %sign3A_388, %sign3A_391 : i32
    %sign3A_393 = arith.constant 0 : i32
    %sign3A_394 = arith.cmpi sgt, %jit3A_384, %sign3A_393 : i32
    %sign3A_395 = arith.extui %sign3A_394 : i1 to i32
    %sign3A_396 = arith.constant 0 : i32
    %sign3A_397 = arith.cmpi slt, %jit3A_384, %sign3A_396 : i32
    %sign3A_398 = arith.extui %sign3A_397 : i1 to i32
    %sign3A_399 = arith.subi %sign3A_395, %sign3A_398 : i32
    %ne3A_400 = arith.cmpi ne, %sign3A_392, %sign3A_399 : i32
    %rem3A_401 = arith.remsi %sub3A_383, %jit3A_384 : i32
    %ne3A_402 = arith.constant 0 : i32
    %ne3A_403 = arith.cmpi ne, %rem3A_401, %ne3A_402 : i32
    %and3A_404 = arith.andi %ne3A_400, %ne3A_403 : i1
    %sub3A_405 = arith.constant 1 : i32
    %sub3A_406 = arith.subi %div3A_385, %sub3A_405 : i32
    %select_n3A_407 = arith.select %and3A_404, %sub3A_406, %div3A_385 : i32
    %mul3A_408 = arith.constant 2 : i32
    %mul3A_409 = arith.muli %select_n3A_407, %mul3A_408 : i32
    %add3A_410 = arith.constant 1 : i32
    %add3A_411 = arith.addi %mul3A_409, %add3A_410 : i32
    %mul3A_412 = arith.constant 32 : i32
    %mul3A_413 = arith.muli %add3A_411, %mul3A_412 : i32
    %add3A_414 = arith.addi %mul3A_413, %add3A : i32
    %mul3A_415 = arith.constant 8 : i32
    %mul3A_416 = arith.muli %add3A_414, %mul3A_415 : i32
    %add3A_417 = arith.constant 0 : i32
    %add3A_418 = arith.addi %add3A_417, %mul3A_416 : i32
    %mul3A_419 = arith.constant 1024 : i32
    %mul3A_420 = arith.muli %add3A_418, %mul3A_419 : i32
    %dma_wait3A_421 = arith.constant 0 : i32
    %dma_wait3A_422 = tpu.memref_slice %arg13[%dma_wait3A_421] : memref<32768xf32, #tpu.memory_space<vmem>> -> memref<8192xf32, #tpu.memory_space<vmem>>
    %dma_wait3A_423 = tpu.memref_slice %arg5[%mul3A_420] : memref<102400000xf32, #tpu.memory_space<hbm>> -> memref<8192xf32, #tpu.memory_space<hbm>>
    %dma_wait3A_424 = tpu.memref_slice %arg5[%mul3A_420] : memref<102400000xf32, #tpu.memory_space<hbm>> -> memref<8192xf32, #tpu.memory_space<hbm>>
    %dma_wait3A_425 = arith.constant 0 : i32
    %dma_wait3A_426 = tpu.memref_slice %arg13[%dma_wait3A_425] : memref<32768xf32, #tpu.memory_space<vmem>> -> memref<8192xf32, #tpu.memory_space<vmem>>
    tpu.wait_dma2 semaphore(%arg17 : memref<!tpu.dma_semaphore, #tpu.memory_space<semaphore_mem>>) src(%dma_wait3A_426 : memref<8192xf32, #tpu.memory_space<vmem>>) dst(%dma_wait3A_424 : memref<8192xf32, #tpu.memory_space<hbm>>)
    %add3A_427 = arith.constant 25000 : i32
    %add3A_428 = arith.addi %add3A_427, %mul3A_416 : i32
    %mul3A_429 = arith.constant 1024 : i32
    %mul3A_430 = arith.muli %add3A_428, %mul3A_429 : i32
    %dma_wait3A_431 = arith.constant 8192 : i32
    %dma_wait3A_432 = tpu.memref_slice %arg13[%dma_wait3A_431] : memref<32768xf32, #tpu.memory_space<vmem>> -> memref<8192xf32, #tpu.memory_space<vmem>>
    %dma_wait3A_433 = tpu.memref_slice %arg5[%mul3A_430] : memref<102400000xf32, #tpu.memory_space<hbm>> -> memref<8192xf32, #tpu.memory_space<hbm>>
    %dma_wait3A_434 = tpu.memref_slice %arg5[%mul3A_430] : memref<102400000xf32, #tpu.memory_space<hbm>> -> memref<8192xf32, #tpu.memory_space<hbm>>
    %dma_wait3A_435 = arith.constant 8192 : i32
    %dma_wait3A_436 = tpu.memref_slice %arg13[%dma_wait3A_435] : memref<32768xf32, #tpu.memory_space<vmem>> -> memref<8192xf32, #tpu.memory_space<vmem>>
    tpu.wait_dma2 semaphore(%arg17 : memref<!tpu.dma_semaphore, #tpu.memory_space<semaphore_mem>>) src(%dma_wait3A_436 : memref<8192xf32, #tpu.memory_space<vmem>>) dst(%dma_wait3A_434 : memref<8192xf32, #tpu.memory_space<hbm>>)
    %add3A_437 = arith.constant 50000 : i32
    %add3A_438 = arith.addi %add3A_437, %mul3A_416 : i32
    %mul3A_439 = arith.constant 1024 : i32
    %mul3A_440 = arith.muli %add3A_438, %mul3A_439 : i32
    %dma_wait3A_441 = arith.constant 16384 : i32
    %dma_wait3A_442 = tpu.memref_slice %arg13[%dma_wait3A_441] : memref<32768xf32, #tpu.memory_space<vmem>> -> memref<8192xf32, #tpu.memory_space<vmem>>
    %dma_wait3A_443 = tpu.memref_slice %arg5[%mul3A_440] : memref<102400000xf32, #tpu.memory_space<hbm>> -> memref<8192xf32, #tpu.memory_space<hbm>>
    %dma_wait3A_444 = tpu.memref_slice %arg5[%mul3A_440] : memref<102400000xf32, #tpu.memory_space<hbm>> -> memref<8192xf32, #tpu.memory_space<hbm>>
    %dma_wait3A_445 = arith.constant 16384 : i32
    %dma_wait3A_446 = tpu.memref_slice %arg13[%dma_wait3A_445] : memref<32768xf32, #tpu.memory_space<vmem>> -> memref<8192xf32, #tpu.memory_space<vmem>>
    tpu.wait_dma2 semaphore(%arg17 : memref<!tpu.dma_semaphore, #tpu.memory_space<semaphore_mem>>) src(%dma_wait3A_446 : memref<8192xf32, #tpu.memory_space<vmem>>) dst(%dma_wait3A_444 : memref<8192xf32, #tpu.memory_space<hbm>>)
    %add3A_447 = arith.constant 75000 : i32
    %add3A_448 = arith.addi %add3A_447, %mul3A_416 : i32
    %mul3A_449 = arith.constant 1024 : i32
    %mul3A_450 = arith.muli %add3A_448, %mul3A_449 : i32
    %dma_wait3A_451 = arith.constant 24576 : i32
    %dma_wait3A_452 = tpu.memref_slice %arg13[%dma_wait3A_451] : memref<32768xf32, #tpu.memory_space<vmem>> -> memref<8192xf32, #tpu.memory_space<vmem>>
    %dma_wait3A_453 = tpu.memref_slice %arg5[%mul3A_450] : memref<102400000xf32, #tpu.memory_space<hbm>> -> memref<8192xf32, #tpu.memory_space<hbm>>
    %dma_wait3A_454 = tpu.memref_slice %arg5[%mul3A_450] : memref<102400000xf32, #tpu.memory_space<hbm>> -> memref<8192xf32, #tpu.memory_space<hbm>>
    %dma_wait3A_455 = arith.constant 24576 : i32
    %dma_wait3A_456 = tpu.memref_slice %arg13[%dma_wait3A_455] : memref<32768xf32, #tpu.memory_space<vmem>> -> memref<8192xf32, #tpu.memory_space<vmem>>
    tpu.wait_dma2 semaphore(%arg17 : memref<!tpu.dma_semaphore, #tpu.memory_space<semaphore_mem>>) src(%dma_wait3A_456 : memref<8192xf32, #tpu.memory_space<vmem>>) dst(%dma_wait3A_454 : memref<8192xf32, #tpu.memory_space<hbm>>)
    return
  }
}

</mosaic_0001>

<sc_bundles>
// kernel: kernel.3.cloned.1.call-start
scs
__scs_entry_jumppad:
0x0: {  	(pc) =	sbr.rel $0x88, $3  }
0x1: {  	(tag) =	ssettag $0x0;
	lr =	simm.s32 $0x1  }
0x2: {  	[smem:$0x3F9E] =	sst lr;
	_ =	strace $0xD0000000  }
0x3: {  	_ = 	snop  }
0x4: {  	_ = 	snop  }
0x5: {  	_ = 	snop  }
0x6: {  	_ = 	snop  }
0x7: {  	_ = 	snop  }
__scs_overlays_trampoline_lowered:
0x8: {  	[smem:$0x3FAD] =	sst s0  }
0x9: {  	[smem:$0x3FAE] =	sst s1  }
0xa: {  	[smem:$0x3FAF] =	sst s2  }
0xb: {  	[smem:$0x3FB0] =	sst s3  }
0xc: {  	[smem:$0x3FB1] =	sst s4  }
0xd: {  	[smem:$0x3FB2] =	sst s5  }
0xe: {  	[smem:$0x3FB3] =	sst s6  }
0xf: {  	[smem:$0x3FB4] =	sst s7  }
0x10: {  	[smem:$0x3FB5] =	sst s8  }
0x11: {  	[smem:$0x3FB6] =	sst s9;
	s0 =	simm.s32 @!p0 $0x0  }
0x12: {  	s1 =	sld [smem:$0x3F9C];
	s0 =	simm.s32 @p0 $0x1  }
0x13: {  	[smem:$0x3FB7] =	sst s0;
	s0 =	simm.s32 @!p1 $0x0  }
0x14: {  	s2 =	sld [smem:$0x3F9B];
	s0 =	simm.s32 @p1 $0x1  }
0x15: {  	[smem:$0x3FB8] =	sst s0;
	s0 =	simm.s32 @!p2 $0x0  }
0x16: {  	s3 =	sld [smem:$0x3FDB];
	s0 =	simm.s32 @p2 $0x1  }
0x17: {  	s4 =	simm.s32 $0x1BF5;
	[smem:$0x3FBA] =	sst s0  }
0x18: {  	s0 =	sld [smem:$0x3F9D];
	_ =	swait.ge [sflag:s4], $0x0  }
0x19: {  	s7 =	sld [smem:$0x3F9E]  }
0x1a: {  	s8 =	sadd.s32 $0xFFFFE003, lr  }
0x1b: {  	s9 =	sadd.s32 $0xFFFFFEF7, lr;
	s5 =	simm.s32 $0xFFFFFFFF;
	p2 =	slt.u32 s8, $0xFFFFF086  }
0x1c: {  	p1 =	slt.u32 s9, $0xF7A;
	s5 =	simm.s32 @!p2 $0x0  }
0x1d: {  	s5 =	simm.s32 @p1 $0x1;
	p0 =	seq.s32 s7, s2  }
0x1e: {  	s7 =	smul.u32 @!p0 $0xF7A, s2;
	p2 =	seq.s32 @!p0 s5, $0x0  }
0x1f: {  	s9 =	smul.u32 $0xF7A, s1;
	s8 =	simm.s32 @!p0 $0x1BF5;
	p2 =	por !p2, p0  }
0x20: {  	[sflag:s8] =	ssyncset.s32 @!p0 $0xFFFFF086;
	s6 =	sadd.s32 @!p0 s3, s7;
	s7 =	simm.s32 @!p0 $0x108  }
0x21: {  	s3 =	sadd.s32 s3, s9;
	s6 =	sadd.s32 @!p0 $0x88, s6;
	s7 =	simm.s32 @p2 $0x1082  }
0x22: {  	[simem:s7], [sflag:s8] =	dma.local @!p0 [hbm:s6], $0xF7A  }
0x23: {  	s9 =	sor.u32 $0xD0000000, s2;
	s6 =	simm.s32 $0x108;
	_ =	swait.ge @!p0 [sflag:s8], $0x0  }
0x24: {  	s3 =	sadd.s32 $0x88, s3;
	s6 =	simm.s32 @!p1 $0x1082;
	[sflag:s4] =	ssyncset.s32 $0xFFFFF086  }
0x25: {  	[simem:s6], [sflag:s4] =	dma.local [hbm:s3], $0xF7A  }
0x26: {  	[smem:$0x3F9E] =	sst s1;
	(tag) =	ssettag s2;
	_ =	strace s9  }
0x27: {  	s1 =	sld [smem:$0x3FAE]  }
0x28: {  	s2 =	sld [smem:$0x3FAF]  }
0x29: {  	s4 =	sld [smem:$0x3FB1]  }
0x2a: {  	p0 =	seq.s32 s5, $0x0;
	s5 =	sld [smem:$0x3FB2]  }
0x2b: {  	s6 =	sld [smem:$0x3FB3]  }
0x2c: {  	s7 =	sld [smem:$0x3FB4]  }
0x2d: {  	s3 =	simm.s32 $0x108;
	s8 =	sld [smem:$0x3FB5]  }
0x2e: {  	s3 =	simm.s32 @!p0 $0x1082;
	s9 =	sld [smem:$0x3FB6]  }
0x2f: {  	lr =	sadd.s32 s0, s3;
	s0 =	sld [smem:$0x3FAD]  }
0x30: {  	s3 =	sld [smem:$0x3FB0]  }
0x31: {  	[smem:$0x3FB9] =	sst s10  }
0x32: {  	s10 =	sld [smem:$0x3FB7];
	_ =	sdelay $0x3  }
0x33: {  	p0 =	seq.s32 s10, $0x1;
	s10 =	sld [smem:$0x3FB9];
	_ =	sdelay $0x3  }
0x34: {  	[smem:$0x3FB9] =	sst s10  }
0x35: {  	s10 =	sld [smem:$0x3FB8];
	_ =	sdelay $0x3  }
0x36: {  	p1 =	seq.s32 s10, $0x1;
	s10 =	sld [smem:$0x3FB9];
	_ =	sdelay $0x3  }
0x37: {  	[smem:$0x3FB9] =	sst s10  }
0x38: {  	s10 =	sld [smem:$0x3FBA]  }
0x39: {  	_ = 	snop;
	(pc) =	sbr.ind lr, $3  }
0x3a: {  	_ = 	snop  }
0x3b: {  	_ = 	snop  }
0x3c: {  	p2 =	seq.s32 s10, $0x1;
	s10 =	sld [smem:$0x3FB9]  }
0x3d: {  	_ =	shalt  }
0x3e: {  	_ =	shalt  }
0x3f: {  	_ =	shalt  }
0x40: {  	_ =	shalt  }
0x41: {  	_ =	shalt  }
0x42: {  	_ =	shalt  }
0x43: {  	_ =	shalt  }
0x44: {  	_ =	shalt  }
0x45: {  	_ =	shalt  }
0x46: {  	_ =	shalt  }
0x47: {  	_ =	shalt  }
0x48: {  	_ =	shalt  }
0x49: {  	_ =	shalt  }
0x4a: {  	_ =	shalt  }
0x4b: {  	_ =	shalt  }
0x4c: {  	_ =	shalt  }
0x4d: {  	_ =	shalt  }
0x4e: {  	_ =	shalt  }
0x4f: {  	_ =	shalt  }
0x50: {  	_ =	shalt  }
0x51: {  	_ =	shalt  }
0x52: {  	_ =	shalt  }
0x53: {  	_ =	shalt  }
0x54: {  	_ =	shalt  }
0x55: {  	_ =	shalt  }
0x56: {  	_ =	shalt  }
0x57: {  	_ =	shalt  }
0x58: {  	_ =	shalt  }
0x59: {  	_ =	shalt  }
0x5a: {  	_ =	shalt  }
0x5b: {  	_ =	shalt  }
0x5c: {  	_ =	shalt  }
0x5d: {  	_ =	shalt  }
0x5e: {  	_ =	shalt  }
0x5f: {  	_ =	shalt  }
0x60: {  	_ =	shalt  }
0x61: {  	_ =	shalt  }
0x62: {  	_ =	shalt  }
0x63: {  	_ =	shalt  }
0x64: {  	_ =	shalt  }
0x65: {  	_ =	shalt  }
0x66: {  	_ =	shalt  }
0x67: {  	_ =	shalt  }
0x68: {  	_ =	shalt  }
0x69: {  	_ =	shalt  }
0x6a: {  	_ =	shalt  }
0x6b: {  	_ =	shalt  }
0x6c: {  	_ =	shalt  }
0x6d: {  	_ =	shalt  }
0x6e: {  	_ =	shalt  }
0x6f: {  	_ =	shalt  }
0x70: {  	_ =	shalt  }
0x71: {  	_ =	shalt  }
0x72: {  	_ =	shalt  }
0x73: {  	_ =	shalt  }
0x74: {  	_ =	shalt  }
0x75: {  	_ =	shalt  }
0x76: {  	_ =	shalt  }
0x77: {  	_ =	shalt  }
0x78: {  	_ =	shalt  }
0x79: {  	_ =	shalt  }
0x7a: {  	_ =	shalt  }
0x7b: {  	_ =	shalt  }
0x7c: {  	_ =	shalt  }
0x7d: {  	_ =	shalt  }
0x7e: {  	_ =	shalt  }
0x7f: {  	_ =	shalt  }
0x80: {  	_ =	shalt  }
0x81: {  	_ =	shalt  }
0x82: {  	_ =	shalt  }
0x83: {  	_ =	shalt  }
0x84: {  	_ =	shalt  }
0x85: {  	_ =	shalt  }
0x86: {  	_ =	shalt  }
0x87: {  	_ =	shalt  }
.Lfunc_end0:
.L_simem_size_0:
called_computation_lowered:
.L_overlay_start_0:
0x88: {  	s2 =	sld [smem:$0x3FD9]  }
0x89: {  	s3 =	sld [smem:$0x3FFE];
	_ =	sdelay $0x1  }
0x8a: {  	s1 =	srdreg.scid  }
0x8b: {  	s0 =	sand.u32 $0x1, s1  }
0x8c: {  	s17 =	sshll.u32 s0, $0xA;
	s2 =	sadd.s32 s3, s2  }
0x8d: {  	s2 =	sadd.s32 s2, s17  }
0x8e: {  	[smem:$0x3FC5] =	sst s2  }
0x8f: {  	_ = 	snop  }
0x90: {  	s2 =	sld [smem:$0x3FC9]  }
0x91: {  	s18 =	sld [smem:$0x3FD0];
	(tm) =	ssettm $0x1  }
0x92: {  	s4 =	sld [smem:$0x3FFB];
	_ =	sdelay $0x3  }
0x93: {  	_ =	strace s4  }
0x94: {  	s4 =	sld [smem:$0x3FFC];
	_ =	sdelay $0x3  }
0x95: {  	_ =	strace s4  }
0x96: {  	s4 =	sld [smem:$0x3FFD];
	_ =	sdelay $0x3  }
0x97: {  	_ =	strace s4  }
0x98: {  	_ =	strace $0x8FFFFFFF  }
0x99: {  	s19 =	sld [smem:$0x3FDB];
	_ =	sdelay $0x1  }
0x9a: {  	s5 =	simm.s32 $_scs_section_size  }
0x9b: {  	s6 =	simm.s32 $_size__tile_overlayer_lowered;
	s7 =	simm.s32 $_tile_overlayer_lowered  }
0x9c: {  	s22 =	simm.s32 $0x1BFF;
	s21 =	sshll.u32 s7, $0x1;
	s4 =	sadd.s32 s5, s19  }
0x9d: {  	s8 =	simm.s32 $0x0;
	s20 =	sshll.u32 s6, $0x1;
	s6 =	sadd.s32 s21, s4  }
0x9e: {  	[timem:s8], [sflag:s22] =	dma.local [hbm:s6], s20  }
0x9f: {  	_ =	swait.ge [sflag:s22], s20  }
0xa0: {  	s5 =	ssub.s32 $0x0, s20;
	[sflag:s22] =	ssyncset.done $0x0  }
0xa1: {  	[sflag:s22] =	ssyncadd.s32 s5;
	_ =	sdelay $0x1  }
0xa2: {  	s23 =	simm.s32 $0x1B8B  }
0xa3: {  	_ =	swait.ge [sflag:s23], $0x1  }
0xa4: {  	[sflag:s23] =	ssyncset.done $0x0  }
0xa5: {  	s25 =	simm.s32 $0x1B8E;
	s24 =	sld [smem:$0x3FFE];
	[sflag:s23] =	ssyncadd.s32 $0xFFFFFFFF  }
0xa6: {  	s26 =	simm.s32 $execute0_lowered;
	[smem:$0x3FD2] =	sst s25  }
0xa7: {  	s6 =	sshll.u32 s26, $0x1;
	_ =	strace $0x80000046;
	[dreg:$0x1] =	wrdreg $0xFFFFFFFF  }
0xa8: {  	s28 =	simm.s32 $_size_execute0_lowered;
	s4 =	sadd.s32 s4, s6;
	[dreg:$0x0] =	wrdreg $0x0  }
0xa9: {  	s6 =	sshll.u32 s28, $0x1;
	[dreg:$0x2] =	wrdreg s4  }
0xaa: {  	[dreg:$0x3] =	wrdreg s6  }
0xab: {  	[dreg:$0x4] =	wrdreg $0xC0  }
0xac: {  	_ =	task [dreg:s8], $0x5FFFF  }
0xad: {  	[dreg:$0x1] =	wrdreg $0xFFFFFFFF  }
0xae: {  	[dreg:$0x0] =	wrdreg $0x60  }
0xaf: {  	[dreg:$0x2] =	wrdreg s2  }
0xb0: {  	[dreg:$0x3] =	wrdreg s24  }
0xb1: {  	[dreg:$0x4] =	wrdreg s18  }
0xb2: {  	[dreg:$0x5] =	wrdreg $0x9  }
0xb3: {  	_ =	task.clear_ibuf [dreg:s8], $0x6FFFF;
	_ =	strace $0x90000046  }
0xb4: {  	s29 =	simm.s32 $0x9;
	_ =	strace $0x80000048  }
0xb5: {  	_ =	swait.ge [sflag:s29], $0x1  }
0xb6: {  	[sflag:s29] =	ssyncadd.s32 $0xFFFFFFFF  }
0xb7: {  	_ =	strace $0x90000048  }
0xb8: {  	_ =	sfence  }
0xb9: {  	s30 =	sld [smem:$0x0];
	_ =	sdelay $0x2  }
0xba: {  	s31 =	sshll.u32 s1, $0xD;
	s1 =	sshrl.u32 s1, $0x2  }
0xbb: {  	s3 =	sand.u32 $0x4000, s31;
	s1 =	sadd.s32 s1, s30  }
0xbc: {  	s0 =	sor.u32 s3, s0;
	s1 =	sshll.u32 s1, $0x11  }
0xbd: {  	s0 =	sor.u32 s1, s0  }
0xbe: {  	s0 =	sadd.s32 $0x8F2B, s0  }
0xbf: {  	[sflag:s0] =	ssyncadd.remote.s32 $0x1  }
0xc0: {  	_ =	sfence.sel $0xFFFF  }
0xc1: {  	[dreg:$0x0] =	wrdreg $0xFFFFFFFF;
	(pc) =	sbr.abs _section_cstart, $3  }
0xc2: {  	[dreg:$0x1] =	wrdreg $0xFFFFFFFF  }
0xc3: {  	_ =	task.clear_ibuf [dreg:s8], $0x2FFFF;
	_ =	strace $0x9FFFFFFF  }
0xc4: {  	(tm) =	ssettm $0x7FFFFFFF  }
0xc5: {  	_ =	shalt  }
tec
execute0_lowered:
.L_overlay_start_1:
0x0: {  	(tag) =	ssettag $0x1  }
0x1: {  	s0 =	rddreg [dreg:$0x0]  }
0x2: {  	v44 =	vlaneseq.u32;
	s3 =	rddreg [dreg:$0x1];
	s2 =	simm.s32 $0x0  }
0x3: {  	[smem:$0x7FF] =	sst s2;
	v31 =	vor.u32 $0x2180, v44  }
0x4: {  	s1 =	rddreg [dreg:$0x2];
	v13 =	vor.u32 $0x4080, v44;
	_ =	strace $0x80000047;
	[tilespmem:$0x1FE40] =	vst v31  }
0x5: {  	v54 =	vor.u32 $0x4100, v44;
	[tilespmem:$0x1FE50] =	vst v13  }
0x6: {  	v56 =	vor.u32 $0x4200, v44;
	[tilespmem:$0x1FE60] =	vst v54  }
0x7: {  	v33 =	vor.u32 $0x2200, v44;
	[tilespmem:$0x1FE70] =	vst v56  }
0x8: {  	v60 =	vor.u32 $0x2280, v44;
	[tilespmem:$0x1FE80] =	vst v33  }
0x9: {  	v10 =	vor.u32 $0x4000, v44;
	[tilespmem:$0x1FE90] =	vst v60  }
0xa: {  	v42 =	vor.u32 $0x200, v44;
	[tilespmem:$0x1FEA0] =	vst v10  }
0xb: {  	v19 =	vor.u32 $0x280, v44;
	[tilespmem:$0x1FED0] =	vst v42  }
0xc: {  	v25 =	vor.u32 $0x300, v44;
	[tilespmem:$0x1FEF0] =	vst v19  }
0xd: {  	v37 =	vor.u32 $0x380, v44;
	[tilespmem:$0x1FF00] =	vst v25  }
0xe: {  	v59 =	vor.u32 $0x2000, v44;
	[tilespmem:$0x1FF10] =	vst v37  }
0xf: {  	v41 =	vor.u32 $0x100, v44;
	[tilespmem:$0x1FF20] =	vst v59  }
0x10: {  	v35 =	vor.u32 $0x180, v44;
	[tilespmem:$0x1FFB0] =	vst v41  }
0x11: {  	v45 =	vor.u32 $0xFFFFFC78, v44;
	[tilespmem:$0x1FFC0] =	vst v35  }
0x12: {  	v1 =	vand.u32 $0x7, v44;
	v2 =	vmul.u32 $0x41, v44;
	v62 =	vor.u32 $0x2080, v44;
	[tilespmem:$0x1FFD0] =	vst v45  }
0x13: {  	v0 =	vimm.s32 $0x7654321;
	v43 =	vor.u32 $0xFFFFFF78, v1;
	[tilespmem:$0x1FFE0] =	vst v62  }
0x14: {  	v0 =	vunpack.c.l.s4.s8 v0;
	v34 =	vadd.s32 $0xC, v2;
	[tilespmem:$0x1FF40] =	vst v43  }
0x15: {  	v3 =	vimm.s32 $0x10765432;
	v36 =	vadd.s32 $0xD, v2;
	[tilespmem:$0x1FEB0] =	vst v34  }
0x16: {  	v7 =	vunpack.c.0.s8.s32 v0;
	v0 =	vunpack.c.l.s4.s8 v3;
	v14 =	vadd.s32 $0xE, v2;
	[tilespmem:$0x1FEC0] =	vst v36  }
0x17: {  	v5 =	vimm.s32 $0x32107654;
	v28 =	vadd.s32 $0x9, v2;
	[tilespmem:$0x1FEE0] =	vst v14  }
0x18: {  	v17 =	vadd.s32 $0x5, v2;
	[tilespmem:$0x1FF30] =	vst v28;
	v9 =	vunpack.c.0.s8.s32 v0;
	v0 =	vunpack.c.l.s4.s8 v5  }
0x19: {  	v58 =	vadd.s32 $0x6, v2;
	[tilespmem:$0x1FF50] =	vst v17  }
0x1a: {  	v32 =	vadd.s32 $0xB, v2;
	[tilespmem:$0x1FF60] =	vst v58;
	v15 =	vunpack.c.0.s8.s32 v0;
	v0 =	vimm.s32 $0x43210765  }
0x1b: {  	v30 =	vadd.s32 $0xA, v2;
	[tilespmem:$0x1FF70] =	vst v32;
	v0 =	vunpack.c.l.s4.s8 v0  }
0x1c: {  	v23 =	vadd.s32 $0x7, v2;
	[tilespmem:$0x1FF80] =	vst v30;
	v5 =	vimm.s32 $0x65432107  }
0x1d: {  	v8 =	vadd.s32 $0x2, v2;
	[tilespmem:$0x1FF90] =	vst v23;
	v18 =	vunpack.c.0.s8.s32 v0;
	v0 =	vunpack.c.l.s4.s8 v5  }
0x1e: {  	v6 =	vadd.s32 $0x1, v2;
	[tilespmem:$0x1FFA0] =	vst v8  }
0x1f: {  	[tilespmem:$0x1FFF0] =	vst v6;
	v24 =	vunpack.c.0.s8.s32 v0;
	v0 =	vor.u32 $0x2100, v44  }
0x20: {  	[tilespmem:$0x1FD60] =	vst v0;
	v0 =	vor.u32 $0x2300, v44  }
0x21: {  	s4 =	srdreg.scid;
	[tilespmem:$0x1FD70] =	vst v0;
	v0 =	vadd.s32 $0xF, v2  }
0x22: {  	s5 =	stileid.u32;
	s16 =	simm.s32 $0x8A0;
	s17 =	simm.s32 $0x10A0;
	[tilespmem:$0x1FD80] =	vst v0;
	v0 =	vor.u32 $0x2380, v44  }
0x23: {  	s18 =	simm.s32 $0x1;
	s19 =	simm.s32 $0x80;
	s20 =	simm.s32 $0x18A0;
	[tilespmem:$0x1FD90] =	vst v0;
	v0 =	vor.u32 $0x4180, v44  }
0x24: {  	s21 =	simm.s32 $0x490;
	s25 =	simm.s32 $0x2;
	s29 =	simm.s32 $0xD8A0;
	[tilespmem:$0x1FDA0] =	vst v0;
	v0 =	vor.u32 $0x4280, v44  }
0x25: {  	s30 =	simm.s32 $0xF8A0;
	s6 =	sadd.s32 $0x400, s3;
	s3 =	sadd.s32 $0x600, s3;
	[tilespmem:$0x1FDB0] =	vst v0;
	v0 =	vor.u32 $0x4300, v44  }
0x26: {  	s4 =	sand.u32 $0x1, s4;
	s9 =	sadd.s32 $0x30D400, s1;
	s11 =	sadd.s32 $0x61A800, s1;
	[tilespmem:$0x1FDC0] =	vst v0;
	v0 =	vor.u32 $0x4380, v44  }
0x27: {  	s5 =	sshll.u32 s5, $0x1;
	s12 =	sadd.s32 $0x927C00, s1;
	[dreg:$0x4] =	wrdreg s6;
	v3 =	vimm.s32 $0x21076543;
	[tilespmem:$0x1FDD0] =	vst v0;
	v0 =	vor.u32 $0x6000, v44  }
0x28: {  	s8 =	ssub.s32 $0x2, s4;
	s4 =	sor.u32 s4, s5;
	[dreg:$0x5] =	wrdreg s3;
	v3 =	vunpack.c.l.s4.s8 v3;
	[tilespmem:$0x1FDE0] =	vst v0;
	v0 =	vor.u32 $0x6080, v44  }
.Ltmp0:
0x29: {  	s6 =	simm.s32 $0x62;
	s5 =	sshll.u32 s4, $0x8;
	[tilespmem:$0x1FDF0] =	vst v0;
	v0 =	vor.u32 $0x6100, v44;
	(pc) =	sbr.rel .LBB2_1-.Ltmp0, $4  }
0x2a: {  	s26 =	sshrl.u32 s8, $0x1;
	p0 =	slt.u32 s4, $0x15;
	s7 =	sadd.s32 s0, s5;
	v12 =	vunpack.c.0.s8.s32 v3;
	v3 =	vimm.s32 $0x54321076;
	[tilespmem:$0x1FE00] =	vst v0;
	v0 =	vor.u32 $0x6180, v44  }
0x2b: {  	s10 =	sshll.u32 s4, $0xA;
	s28 =	ssub.s32 s8, s26;
	s31 =	sadd.s32 $0x2000, s7;
	v3 =	vunpack.c.l.s4.s8 v3;
	[tilespmem:$0x1FE10] =	vst v0;
	v0 =	vor.u32 $0x6200, v44  }
0x2c: {  	v46 =	vor.u32 $0x80, v44;
	v55 =	vadd.s32 $0x3, v2;
	s4 =	simm.s32 $0x0;
	s0 =	smax.u32 s28, $0x1;
	[dreg:$0x6] =	wrdreg s31;
	[tilespmem:$0x1FE20] =	vst v0;
	v0 =	vor.u32 $0x6280, v44  }
0x2d: {  	v51 =	vadd.s32 $0x4, v2;
	v11 =	vadd.s32 $0x8, v2;
	s6 =	simm.s32 @!p0 $0x61;
	s26 =	simm.s32 $0x98A0;
	[dreg:$0x7] =	wrdreg s0;
	v21 =	vunpack.c.0.s8.s32 v3;
	[tilespmem:$0x1FE30] =	vst v0  }
.LBB2_11:
0x2e: {  	s0 =	simm.s32 $0x3  }
0x2f: {  	_ =	swait.ge [sflag:s0], $0x2000  }
0x30: {  	[sflag:s0] =	ssyncset.done $0x0  }
0x31: {  	[sflag:s0] =	ssyncadd.s32 $0xFFFFE000  }
0x32: {  	_ =	swait.ge [sflag:s0], $0x2000  }
0x33: {  	[sflag:s0] =	ssyncset.done $0x0  }
0x34: {  	[sflag:s0] =	ssyncadd.s32 $0xFFFFE000  }
0x35: {  	_ =	swait.ge [sflag:s0], $0x2000  }
0x36: {  	[sflag:s0] =	ssyncset.done $0x0  }
0x37: {  	[sflag:s0] =	ssyncadd.s32 $0xFFFFE000  }
0x38: {  	_ =	swait.ge [sflag:s0], $0x2000  }
0x39: {  	[sflag:s0] =	ssyncset.done $0x0  }
0x3a: {  	s3 =	simm.s32 $0x4;
	[sflag:s0] =	ssyncadd.s32 $0xFFFFE000  }
0x3b: {  	_ =	swait.ge [sflag:s3], $0x2000  }
0x3c: {  	[sflag:s3] =	ssyncset.done $0x0  }
0x3d: {  	[sflag:s3] =	ssyncadd.s32 $0xFFFFE000  }
0x3e: {  	_ =	swait.ge [sflag:s3], $0x2000  }
0x3f: {  	[sflag:s3] =	ssyncset.done $0x0  }
0x40: {  	[sflag:s3] =	ssyncadd.s32 $0xFFFFE000  }
0x41: {  	_ =	swait.ge [sflag:s3], $0x2000  }
0x42: {  	[sflag:s3] =	ssyncset.done $0x0  }
0x43: {  	[sflag:s3] =	ssyncadd.s32 $0xFFFFE000  }
0x44: {  	_ =	swait.ge [sflag:s3], $0x2000  }
0x45: {  	s4 =	rddreg [dreg:$0x8]  }
0x46: {  	s31 =	rddreg [dreg:$0x7];
	s4 =	sadd.s32 $0x1, s4  }
0x47: {  	p0 =	sne.s32 s4, s31  }
.Ltmp1:
0x48: {  	_ = 	snop;
	(pc) =	sbr.rel @!p0 .LBB2_12-.Ltmp1, $3  }
0x49: {  	_ =	sdelay $0x1  }
0x4a: {  	[sflag:s3] =	ssyncset.done $0x0  }
0x4b: {  	[sflag:s3] =	ssyncadd.s32 $0xFFFFE000  }
.LBB2_1:
0x4c: {  	[dreg:$0x8] =	wrdreg s4  }
0x4d: {  	s0 =	rddreg [dreg:$0x4];
	s3 =	simm.s32 $0x5  }
0x4e: {  	[tilespmem:s2], [sflag:$0x5] =	stream.linear.gather [hbm4b:s0+s2], $0x40, $0x38;
	[tilespmem:$0x118A0] =	vst v63  }
0x4f: {  	_ =	swait.ge [sflag:s3], $0x40  }
0x50: {  	[sflag:s3] =	ssyncset.done $0x0  }
0x51: {  	s28 =	simm.s32 $0x40;
	s24 =	rddreg [dreg:$0x5];
	[sflag:s3] =	ssyncadd.s32 $0xFFFFFFC0  }
0x52: {  	[tilespmem:s28], [sflag:$0x5] =	stream.linear.gather [hbm4b:s24+s2], $0x40, $0x38;
	[tilespmem:$0x118A0] =	vst v63  }
0x53: {  	_ =	swait.ge [sflag:s3], $0x40  }
0x54: {  	[sflag:s3] =	ssyncset.done $0x0  }
0x55: {  	[sflag:s3] =	ssyncadd.s32 $0xFFFFFFC0  }
0x56: {  	v0 =	vld [tilespmem:$0x0]  }
0x57: {  	v3 =	vld [tilespmem:$0x40];
	_ =	sdelay $0x3  }
0x58: {  	[tilespmem:$0x80] =	vst v0  }
0x59: {  	[tilespmem:$0x490] =	vst v3  }
0x5a: {  	[tilespmem:$0xC1] =	vst v0  }
0x5b: {  	[tilespmem:$0x4D1] =	vst v3  }
0x5c: {  	[tilespmem:$0x102] =	vst v0  }
0x5d: {  	[tilespmem:$0x512] =	vst v3  }
0x5e: {  	[tilespmem:$0x143] =	vst v0  }
0x5f: {  	[tilespmem:$0x553] =	vst v3  }
0x60: {  	[tilespmem:$0x184] =	vst v0  }
0x61: {  	[tilespmem:$0x594] =	vst v3  }
0x62: {  	[tilespmem:$0x1C5] =	vst v0  }
0x63: {  	[tilespmem:$0x5D5] =	vst v3  }
0x64: {  	[tilespmem:$0x206] =	vst v0  }
0x65: {  	[tilespmem:$0x616] =	vst v3  }
0x66: {  	[tilespmem:$0x247] =	vst v0  }
0x67: {  	[tilespmem:$0x657] =	vst v3  }
0x68: {  	[tilespmem:$0x288] =	vst v0  }
0x69: {  	[tilespmem:$0x698] =	vst v3  }
0x6a: {  	[tilespmem:$0x2C9] =	vst v0  }
0x6b: {  	[tilespmem:$0x6D9] =	vst v3  }
0x6c: {  	[tilespmem:$0x30A] =	vst v0  }
0x6d: {  	[tilespmem:$0x71A] =	vst v3  }
0x6e: {  	[tilespmem:$0x34B] =	vst v0  }
0x6f: {  	[tilespmem:$0x75B] =	vst v3  }
0x70: {  	[tilespmem:$0x38C] =	vst v0  }
0x71: {  	[tilespmem:$0x79C] =	vst v3  }
0x72: {  	[tilespmem:$0x3CD] =	vst v0  }
0x73: {  	v5 =	vld [tilespmem:$0x10];
	[tilespmem:$0x40E] =	vst v0  }
0x74: {  	[tilespmem:$0x44F] =	vst v0  }
0x75: {  	[tilespmem:$0x7DD] =	vst v3  }
0x76: {  	[tilespmem:$0x81E] =	vst v3  }
0x77: {  	[tilespmem:$0x85F] =	vst v3  }
0x78: {  	[tilespmem:$0x90] =	vst v5  }
0x79: {  	[tilespmem:$0xD1] =	vst v5  }
0x7a: {  	[tilespmem:$0x112] =	vst v5  }
0x7b: {  	[tilespmem:$0x153] =	vst v5  }
0x7c: {  	[tilespmem:$0x194] =	vst v5  }
0x7d: {  	[tilespmem:$0x1D5] =	vst v5  }
0x7e: {  	[tilespmem:$0x216] =	vst v5  }
0x7f: {  	[tilespmem:$0x257] =	vst v5  }
0x80: {  	[tilespmem:$0x298] =	vst v5  }
0x81: {  	[tilespmem:$0x2D9] =	vst v5  }
0x82: {  	[tilespmem:$0x31A] =	vst v5  }
0x83: {  	v0 =	vld [tilespmem:$0x50];
	[tilespmem:$0x35B] =	vst v5  }
0x84: {  	[tilespmem:$0x39C] =	vst v5  }
0x85: {  	[tilespmem:$0x3DD] =	vst v5  }
0x86: {  	[tilespmem:$0x41E] =	vst v5  }
0x87: {  	[tilespmem:$0x45F] =	vst v5  }
0x88: {  	[tilespmem:$0x4A0] =	vst v0  }
0x89: {  	[tilespmem:$0x4E1] =	vst v0  }
0x8a: {  	[tilespmem:$0x522] =	vst v0  }
0x8b: {  	[tilespmem:$0x563] =	vst v0  }
0x8c: {  	[tilespmem:$0x5A4] =	vst v0  }
0x8d: {  	[tilespmem:$0x5E5] =	vst v0  }
0x8e: {  	[tilespmem:$0x626] =	vst v0  }
0x8f: {  	[tilespmem:$0x667] =	vst v0  }
0x90: {  	[tilespmem:$0x6A8] =	vst v0  }
0x91: {  	[tilespmem:$0x6E9] =	vst v0  }
0x92: {  	[tilespmem:$0x72A] =	vst v0  }
0x93: {  	v3 =	vld [tilespmem:$0x20];
	[tilespmem:$0x76B] =	vst v0  }
0x94: {  	v5 =	vld [tilespmem:$0x60];
	[tilespmem:$0x7AC] =	vst v0  }
0x95: {  	[tilespmem:$0x7ED] =	vst v0  }
0x96: {  	[tilespmem:$0x82E] =	vst v0  }
0x97: {  	[tilespmem:$0x86F] =	vst v0  }
0x98: {  	[tilespmem:$0xA0] =	vst v3  }
0x99: {  	[tilespmem:$0x4B0] =	vst v5  }
0x9a: {  	[tilespmem:$0xE1] =	vst v3  }
0x9b: {  	[tilespmem:$0x4F1] =	vst v5  }
0x9c: {  	[tilespmem:$0x122] =	vst v3  }
0x9d: {  	[tilespmem:$0x532] =	vst v5  }
0x9e: {  	[tilespmem:$0x163] =	vst v3  }
0x9f: {  	[tilespmem:$0x573] =	vst v5  }
0xa0: {  	[tilespmem:$0x1A4] =	vst v3  }
0xa1: {  	[tilespmem:$0x5B4] =	vst v5  }
0xa2: {  	[tilespmem:$0x1E5] =	vst v3  }
0xa3: {  	[tilespmem:$0x5F5] =	vst v5  }
0xa4: {  	[tilespmem:$0x226] =	vst v3  }
0xa5: {  	[tilespmem:$0x636] =	vst v5  }
0xa6: {  	[tilespmem:$0x267] =	vst v3  }
0xa7: {  	[tilespmem:$0x677] =	vst v5  }
0xa8: {  	[tilespmem:$0x2A8] =	vst v3  }
0xa9: {  	[tilespmem:$0x6B8] =	vst v5  }
0xaa: {  	[tilespmem:$0x2E9] =	vst v3  }
0xab: {  	[tilespmem:$0x6F9] =	vst v5  }
0xac: {  	[tilespmem:$0x32A] =	vst v3  }
0xad: {  	[tilespmem:$0x73A] =	vst v5  }
0xae: {  	[tilespmem:$0x36B] =	vst v3  }
0xaf: {  	[tilespmem:$0x77B] =	vst v5  }
0xb0: {  	[tilespmem:$0x3AC] =	vst v3  }
0xb1: {  	[tilespmem:$0x7BC] =	vst v5  }
0xb2: {  	[tilespmem:$0x3ED] =	vst v3  }
0xb3: {  	[tilespmem:$0x42E] =	vst v3;
	v0 =	vld [tilespmem:$0x30]  }
0xb4: {  	[tilespmem:$0x46F] =	vst v3;
	v3 =	vld [tilespmem:$0x70]  }
0xb5: {  	[tilespmem:$0x7FD] =	vst v5  }
0xb6: {  	[tilespmem:$0x83E] =	vst v5  }
0xb7: {  	[tilespmem:$0x87F] =	vst v5  }
0xb8: {  	[tilespmem:$0xB0] =	vst v0  }
0xb9: {  	[tilespmem:$0x4C0] =	vst v3  }
0xba: {  	[tilespmem:$0xF1] =	vst v0  }
0xbb: {  	[tilespmem:$0x501] =	vst v3  }
0xbc: {  	[tilespmem:$0x132] =	vst v0  }
0xbd: {  	[tilespmem:$0x542] =	vst v3  }
0xbe: {  	[tilespmem:$0x173] =	vst v0  }
0xbf: {  	[tilespmem:$0x583] =	vst v3  }
0xc0: {  	[tilespmem:$0x1B4] =	vst v0  }
0xc1: {  	[tilespmem:$0x5C4] =	vst v3  }
0xc2: {  	[tilespmem:$0x1F5] =	vst v0  }
0xc3: {  	[tilespmem:$0x605] =	vst v3  }
0xc4: {  	[tilespmem:$0x236] =	vst v0  }
0xc5: {  	[tilespmem:$0x646] =	vst v3  }
0xc6: {  	[tilespmem:$0x277] =	vst v0  }
0xc7: {  	[tilespmem:$0x687] =	vst v3  }
0xc8: {  	[tilespmem:$0x2B8] =	vst v0  }
0xc9: {  	[tilespmem:$0x6C8] =	vst v3  }
0xca: {  	[tilespmem:$0x2F9] =	vst v0  }
0xcb: {  	[tilespmem:$0x709] =	vst v3  }
0xcc: {  	[tilespmem:$0x33A] =	vst v0  }
0xcd: {  	[tilespmem:$0x74A] =	vst v3  }
0xce: {  	[tilespmem:$0x37B] =	vst v0  }
0xcf: {  	[tilespmem:$0x78B] =	vst v3  }
0xd0: {  	[tilespmem:$0x3BC] =	vst v0  }
0xd1: {  	[tilespmem:$0x7CC] =	vst v3  }
0xd2: {  	[tilespmem:$0x3FD] =	vst v0  }
0xd3: {  	[tilespmem:$0x80D] =	vst v3  }
0xd4: {  	[tilespmem:$0x43E] =	vst v0  }
0xd5: {  	[tilespmem:$0x84E] =	vst v3  }
.Ltmp2:
0xd6: {  	[tilespmem:$0x47F] =	vst v0;
	(pc) =	sbr.rel .LBB2_2-.Ltmp2, $4  }
0xd7: {  	[tilespmem:$0x88F] =	vst v3  }
0xd8: {  	[tilespmem:s16], [sflag:$0x1] =	stream.linear.gather [hbm4b:s7+s2], $0x800, $0x38;
	[tilespmem:$0x118A0] =	vst v63  }
0xd9: {  	s15 =	simm.s32 $0x0;
	s31 =	rddreg [dreg:$0x6]  }
0xda: {  	[tilespmem:s17], [sflag:$0x2] =	stream.linear.gather [hbm4b:s31+s2], $0x800, $0x38;
	[tilespmem:$0x118A0] =	vst v63  }
.LBB2_10:
0xdb: {  	s15 =	sadd.s32 $0x1, s15  }
0xdc: {  	p0 =	sne.s32 s15, $0x31  }
.Ltmp3:
0xdd: {  	_ = 	snop;
	(pc) =	sbr.rel @!p0 .LBB2_11-.Ltmp3, $1  }
0xde: {  	_ =	sdelay $0x3  }
.LBB2_2:
0xdf: {  	s4 =	sshll.u32 s15, $0x1  }
0xe0: {  	p1 =	sge.u32 s4, s6  }
.Ltmp4:
0xe1: {  	_ = 	snop;
	(pc) =	sbr.rel @p1 .LBB2_6-.Ltmp4, $2  }
0xe2: {  	_ =	sdelay $0x2  }
0xe3: {  	p0 =	seq.s32 s15, $0x0  }
0xe4: {  	_ =	swait.ge [sflag:s18], $0x800  }
0xe5: {  	[sflag:s18] =	ssyncset.done $0x0  }
0xe6: {  	s0 =	simm.s32 @!p0 $0x3;
	[sflag:s18] =	ssyncadd.s32 $0xFFFFF800  }
0xe7: {  	_ =	swait.ge @!p0 [sflag:s0], $0x2000  }
0xe8: {  	[sflag:s0] =	ssyncset.done @!p0 $0x0  }
0xe9: {  	[sflag:s0] =	ssyncadd.s32 @!p0 $0xFFFFE000  }
0xea: {  	s3 =	simm.s32 $0x0;
	_ =	swait.ge @!p0 [sflag:s0], $0x2000  }
0xeb: {  	s5 =	simm.s32 $0x0;
	s3 =	sand.u32 $0x70, s3;
	[sflag:s0] =	ssyncset.done @!p0 $0x0  }
0xec: {  	s8 =	sor.u32 s3, s5;
	[sflag:s0] =	ssyncadd.s32 @!p0 $0xFFFFE000  }
0xed: {  	v0 =	vor.u32 s8, v44;
	_ =	swait.ge @!p0 [sflag:s0], $0x2000  }
0xee: {  	v0 =	vand.u32 v43, v0;
	[sflag:s0] =	ssyncset.done @!p0 $0x0  }
0xef: {  	[sflag:s0] =	ssyncadd.s32 @!p0 $0xFFFFE000  }
0xf0: {  	_ =	swait.ge @!p0 [sflag:s0], $0x2000  }
0xf1: {  	[sflag:s0] =	ssyncset.done @!p0 $0x0  }
0xf2: {  	[sflag:s0] =	ssyncadd.s32 @!p0 $0xFFFFE000  }
0xf3: {  	v0 =	vld.idx.msk [tilespmem:v0+s16+$0x0], $0xffff;
	_ =	sdelay $0x4  }
0xf4: {  	v49 =	vmov v10;
	v10 =	vshll.u32 v0, $0x4  }
0xf5: {  	v0 =	vadd.s32 v2, v10  }
0xf6: {  	v0 =	vand.u32 $0xFFFFFFF8, v0  }
0xf7: {  	v0 =	vor.u32 v1, v0;
	_ =	sdelay $0x1  }
0xf8: {  	s5 =	simm.s32 $0x0  }
0xf9: {  	s5 =	sor.u32 s3, s5  }
0xfa: {  	v48 =	vmov v13;
	v3 =	vor.u32 s5, v44;
	v13 =	vadd.s32 v6, v10  }
0xfb: {  	v5 =	vor.u32 s8, v46;
	v3 =	vand.u32 v45, v3;
	v16 =	vld.idx.msk [tilespmem:v0+s19+$0x0], $0xffff;
	v0 =	vand.u32 $0xFFFFFFF8, v13  }
0xfc: {  	v13 =	vor.u32 v7, v0;
	_ =	sdelay $0x3  }
0xfd: {  	v0 =	vld.idx.msk [tilespmem:v5+s16+$0x0], $0xffff;
	[tilespmem:v3+s20+$0x0] =	vst.idx.msk $0xffff, v16;
	v3 =	vadd.s32 v8, v10  }
0xfe: {  	v5 =	vld.idx.msk [tilespmem:v13+s19+$0x0], $0xffff;
	v13 =	vor.u32 s5, v46;
	v3 =	vand.u32 $0xFFFFFFF8, v3  }
0xff: {  	v3 =	vor.u32 v9, v3;
	_ =	sdelay $0x3  }
0x100: {  	[tilespmem:v13+s20+$0x0] =	vst.idx.msk $0xffff, v5;
	v5 =	vadd.s32 v55, v10  }
0x101: {  	v13 =	vor.u32 s5, v41;
	v3 =	vld.idx.msk [tilespmem:v3+s19+$0x0], $0xffff;
	v5 =	vand.u32 $0xFFFFFFF8, v5  }
0x102: {  	v5 =	vor.u32 v12, v5;
	_ =	sdelay $0x3  }
0x103: {  	[tilespmem:v13+s20+$0x0] =	vst.idx.msk $0xffff, v3;
	v3 =	vadd.s32 v51, v10  }
0x104: {  	v13 =	vor.u32 s5, v35;
	v5 =	vld.idx.msk [tilespmem:v5+s19+$0x0], $0xffff;
	v3 =	vand.u32 $0xFFFFFFF8, v3  }
0x105: {  	s8 =	simm.s32 $0x10;
	v3 =	vor.u32 v15, v3  }
0x106: {  	s13 =	simm.s32 $0x0;
	s0 =	sand.u32 $0x70, s8  }
0x107: {  	s3 =	sor.u32 s0, s13  }
0x108: {  	v16 =	vor.u32 s3, v44  }
0x109: {  	v16 =	vand.u32 v43, v16;
	[tilespmem:v13+s20+$0x0] =	vst.idx.msk $0xffff, v5;
	v5 =	vadd.s32 v17, v10  }
0x10a: {  	v13 =	vor.u32 s5, v42;
	v3 =	vld.idx.msk [tilespmem:v3+s19+$0x0], $0xffff;
	v5 =	vand.u32 $0xFFFFFFF8, v5  }
0x10b: {  	v5 =	vor.u32 v18, v5;
	_ =	sdelay $0x2  }
0x10c: {  	v16 =	vld.idx.msk [tilespmem:v16+s16+$0x0], $0xffff  }
0x10d: {  	[tilespmem:v13+s20+$0x0] =	vst.idx.msk $0xffff, v3;
	v3 =	vadd.s32 v58, v10  }
0x10e: {  	v13 =	vor.u32 s5, v19;
	v5 =	vld.idx.msk [tilespmem:v5+s19+$0x0], $0xffff;
	v3 =	vand.u32 $0xFFFFFFF8, v3  }
0x10f: {  	v26 =	vmov v19;
	v19 =	vor.u32 v21, v3;
	_ =	sdelay $0x1  }
0x110: {  	v3 =	vshll.u32 v16, $0x4  }
0x111: {  	v16 =	vadd.s32 v2, v3  }
0x112: {  	v16 =	vand.u32 $0xFFFFFFF8, v16;
	[tilespmem:v13+s20+$0x0] =	vst.idx.msk $0xffff, v5;
	v5 =	vadd.s32 v23, v10  }
0x113: {  	v13 =	vor.u32 v1, v16;
	v16 =	vld.idx.msk [tilespmem:v19+s19+$0x0], $0xffff;
	v19 =	vor.u32 s5, v25;
	v5 =	vand.u32 $0xFFFFFFF8, v5  }
0x114: {  	s14 =	simm.s32 $0x0;
	v5 =	vor.u32 v24, v5  }
0x115: {  	s8 =	sor.u32 s0, s14  }
0x116: {  	v22 =	vor.u32 s8, v44  }
0x117: {  	v53 =	vmov v25;
	v22 =	vand.u32 v45, v22;
	v27 =	vadd.s32 v6, v3  }
0x118: {  	v25 =	vor.u32 s3, v46;
	v29 =	vld.idx.msk [tilespmem:v13+s19+$0x0], $0xffff;
	v13 =	vand.u32 $0xFFFFFFF8, v27;
	[tilespmem:v19+s20+$0x0] =	vst.idx.msk $0xffff, v16;
	v16 =	vadd.s32 v11, v10  }
0x119: {  	v27 =	vor.u32 s5, v37;
	v19 =	vor.u32 v7, v13;
	v5 =	vld.idx.msk [tilespmem:v5+s19+$0x0], $0xffff;
	v13 =	vand.u32 $0xFFFFFFF8, v16  }
0x11a: {  	v16 =	vor.u32 v1, v13;
	_ =	sdelay $0x2  }
0x11b: {  	v13 =	vld.idx.msk [tilespmem:v25+s16+$0x0], $0xffff;
	[tilespmem:v22+s20+$0x0] =	vst.idx.msk $0xffff, v29;
	v22 =	vadd.s32 v8, v3  }
0x11c: {  	v25 =	vor.u32 s8, v46;
	v19 =	vld.idx.msk [tilespmem:v19+s19+$0x0], $0xffff;
	v22 =	vand.u32 $0xFFFFFFF8, v22;
	[tilespmem:v27+s20+$0x0] =	vst.idx.msk $0xffff, v5;
	v5 =	vadd.s32 v28, v10  }
0x11d: {  	v27 =	vor.u32 s5, v59;
	v22 =	vor.u32 v9, v22;
	v16 =	vld.idx.msk [tilespmem:v16+s19+$0x0], $0xffff;
	v5 =	vand.u32 $0xFFFFFFF8, v5  }
0x11e: {  	v5 =	vor.u32 v7, v5;
	_ =	sdelay $0x2  }
0x11f: {  	[tilespmem:v25+s20+$0x0] =	vst.idx.msk $0xffff, v19  }
0x120: {  	v25 =	vor.u32 s8, v41;
	v22 =	vld.idx.msk [tilespmem:v22+s19+$0x0], $0xffff;
	[tilespmem:v27+s20+$0x0] =	vst.idx.msk $0xffff, v16  }
0x121: {  	v27 =	vor.u32 s5, v62;
	v5 =	vld.idx.msk [tilespmem:v5+s19+$0x0], $0xffff;
	_ =	sdelay $0x2  }
0x122: {  	v19 =	vadd.s32 v55, v3  }
0x123: {  	v19 =	vand.u32 $0xFFFFFFF8, v19;
	v16 =	vadd.s32 v30, v10;
	[tilespmem:v25+s20+$0x0] =	vst.idx.msk $0xffff, v22  }
0x124: {  	v19 =	vor.u32 v12, v19;
	v16 =	vand.u32 $0xFFFFFFF8, v16;
	[tilespmem:v27+s20+$0x0] =	vst.idx.msk $0xffff, v5  }
0x125: {  	v16 =	vor.u32 v9, v16;
	v38 =	vld [tilespmem:$0x1FD60];
	_ =	sdelay $0x1  }
0x126: {  	v50 =	vmov v51  }
0x127: {  	v22 =	vadd.s32 v50, v3  }
0x128: {  	s22 =	simm.s32 $0x20;
	v25 =	vor.u32 s8, v35;
	v19 =	vld.idx.msk [tilespmem:v19+s19+$0x0], $0xffff;
	v22 =	vand.u32 $0xFFFFFFF8, v22;
	v5 =	vadd.s32 v32, v10  }
0x129: {  	s23 =	simm.s32 $0x0;
	s0 =	sand.u32 $0x70, s22;
	v22 =	vor.u32 v15, v22;
	v16 =	vld.idx.msk [tilespmem:v16+s19+$0x0], $0xffff;
	v5 =	vand.u32 $0xFFFFFFF8, v5;
	v27 =	vor.u32 s5, v38  }
0x12a: {  	s3 =	sor.u32 s0, s23;
	v5 =	vor.u32 v12, v5  }
0x12b: {  	v29 =	vor.u32 s3, v44  }
0x12c: {  	v51 =	vmov v11;
	v11 =	vmov v59;
	v29 =	vand.u32 v43, v29;
	v59 =	vld [tilespmem:$0x1FDA0]  }
0x12d: {  	v63 =	vld [tilespmem:$0x1FDC0];
	[tilespmem:v25+s20+$0x0] =	vst.idx.msk $0xffff, v19;
	v19 =	vadd.s32 v17, v3  }
0x12e: {  	v25 =	vor.u32 s8, v42;
	v22 =	vld.idx.msk [tilespmem:v22+s19+$0x0], $0xffff;
	v19 =	vand.u32 $0xFFFFFFF8, v19;
	[tilespmem:v27+s20+$0x0] =	vst.idx.msk $0xffff, v16;
	v16 =	vadd.s32 v34, v10  }
0x12f: {  	v19 =	vor.u32 v18, v19;
	v27 =	vor.u32 s5, v31;
	v5 =	vld.idx.msk [tilespmem:v5+s19+$0x0], $0xffff;
	v16 =	vand.u32 $0xFFFFFFF8, v16  }
0x130: {  	v16 =	vor.u32 v15, v16  }
0x131: {  	v29 =	vld.idx.msk [tilespmem:v29+s16+$0x0], $0xffff  }
0x132: {  	v20 =	vmov v58  }
0x133: {  	[tilespmem:v25+s20+$0x0] =	vst.idx.msk $0xffff, v22;
	v22 =	vadd.s32 v20, v3  }
0x134: {  	v25 =	vor.u32 s8, v26;
	v19 =	vld.idx.msk [tilespmem:v19+s19+$0x0], $0xffff;
	v22 =	vand.u32 $0xFFFFFFF8, v22;
	[tilespmem:v27+s20+$0x0] =	vst.idx.msk $0xffff, v5;
	v5 =	vadd.s32 v36, v10  }
0x135: {  	v47 =	vmovc v54;
	v54 =	vmovc v31;
	v22 =	vor.u32 v21, v22;
	v27 =	vor.u32 s5, v33;
	v16 =	vld.idx.msk [tilespmem:v16+s19+$0x0], $0xffff;
	v31 =	vand.u32 $0xFFFFFFF8, v5  }
0x136: {  	v5 =	vshll.u32 v29, $0x4;
	v29 =	vor.u32 v18, v31;
	_ =	sdelay $0x1  }
0x137: {  	v31 =	vadd.s32 v2, v5  }
0x138: {  	[tilespmem:v25+s20+$0x0] =	vst.idx.msk $0xffff, v19;
	v31 =	vand.u32 $0xFFFFFFF8, v31  }
0x139: {  	v22 =	vld.idx.msk [tilespmem:v22+s19+$0x0], $0xffff;
	v19 =	vor.u32 v1, v31;
	v31 =	vor.u32 s8, v53;
	[tilespmem:v27+s20+$0x0] =	vst.idx.msk $0xffff, v16  }
0x13a: {  	v27 =	vld.idx.msk [tilespmem:v29+s19+$0x0], $0xffff;
	v29 =	vor.u32 s5, v60;
	_ =	sdelay $0x1  }
0x13b: {  	v58 =	vmov v56;
	v56 =	vor.u32 s3, v46;
	v25 =	vadd.s32 v23, v3  }
0x13c: {  	v25 =	vand.u32 $0xFFFFFFF8, v25  }
0x13d: {  	v25 =	vor.u32 v24, v25;
	v16 =	vadd.s32 v14, v10;
	[tilespmem:v31+s20+$0x0] =	vst.idx.msk $0xffff, v22  }
0x13e: {  	v16 =	vand.u32 $0xFFFFFFF8, v16;
	[tilespmem:v29+s20+$0x0] =	vst.idx.msk $0xffff, v27  }
0x13f: {  	v39 =	vmov v26;
	s13 =	simm.s32 $0x0;
	v16 =	vor.u32 v21, v16;
	v26 =	vld [tilespmem:$0x1FD70]  }
0x140: {  	s13 =	sor.u32 s0, s13;
	v4 =	vld.idx.msk [tilespmem:v56+s16+$0x0], $0xffff  }
0x141: {  	v40 =	vor.u32 s13, v44;
	v19 =	vld.idx.msk [tilespmem:v19+s19+$0x0], $0xffff  }
0x142: {  	v61 =	vmov v37;
	v37 =	vmov v33;
	v33 =	vand.u32 v45, v40;
	v25 =	vld.idx.msk [tilespmem:v25+s19+$0x0], $0xffff  }
0x143: {  	v52 =	vor.u32 s8, v61;
	v40 =	vld [tilespmem:$0x1FD80]  }
0x144: {  	v16 =	vld.idx.msk [tilespmem:v16+s19+$0x0], $0xffff;
	v29 =	vor.u32 s5, v26  }
0x145: {  	v57 =	vadd.s32 v6, v5  }
0x146: {  	v57 =	vand.u32 $0xFFFFFFF8, v57;
	v31 =	vadd.s32 v51, v3;
	[tilespmem:$0x1FD20] =	vst v4  }
0x147: {  	v22 =	vor.u32 v7, v57;
	v31 =	vand.u32 $0xFFFFFFF8, v31;
	[tilespmem:v33+s20+$0x0] =	vst.idx.msk $0xffff, v19  }
0x148: {  	v27 =	vor.u32 v1, v31;
	[tilespmem:v52+s20+$0x0] =	vst.idx.msk $0xffff, v25;
	v10 =	vadd.s32 v40, v10  }
0x149: {  	v31 =	vand.u32 $0xFFFFFFF8, v10;
	[tilespmem:v29+s20+$0x0] =	vst.idx.msk $0xffff, v16  }
0x14a: {  	v31 =	vor.u32 v24, v31;
	v10 =	vld [tilespmem:$0x1FD90]  }
0x14b: {  	v4 =	vmov v17;
	v17 =	vshll.u32 v0, $0x4;
	v19 =	vadd.s32 v8, v5  }
0x14c: {  	v33 =	vor.u32 s13, v46;
	v22 =	vld.idx.msk [tilespmem:v22+s19+$0x0], $0xffff;
	v19 =	vand.u32 $0xFFFFFFF8, v19;
	v25 =	vadd.s32 v28, v3  }
0x14d: {  	v52 =	vor.u32 s8, v11;
	v19 =	vor.u32 v9, v19;
	v25 =	vand.u32 $0xFFFFFFF8, v25;
	v27 =	vld.idx.msk [tilespmem:v27+s19+$0x0], $0xffff  }
0x14e: {  	v25 =	vor.u32 v7, v25;
	v16 =	vadd.s32 v2, v17  }
0x14f: {  	v16 =	vand.u32 $0xFFFFFFF8, v16;
	v29 =	vld.idx.msk [tilespmem:v31+s19+$0x0], $0xffff;
	v31 =	vor.u32 s5, v10  }
0x150: {  	v16 =	vor.u32 v1, v16  }
0x151: {  	[tilespmem:v33+s20+$0x0] =	vst.idx.msk $0xffff, v22;
	v22 =	vadd.s32 v55, v5  }
0x152: {  	v33 =	vor.u32 s13, v41;
	[tilespmem:v52+s20+$0x0] =	vst.idx.msk $0xffff, v27;
	v27 =	vadd.s32 v30, v3;
	v19 =	vld.idx.msk [tilespmem:v19+s19+$0x0], $0xffff;
	v22 =	vand.u32 $0xFFFFFFF8, v22  }
0x153: {  	v52 =	vor.u32 s8, v62;
	v25 =	vld.idx.msk [tilespmem:v25+s19+$0x0], $0xffff;
	v27 =	vand.u32 $0xFFFFFFF8, v27;
	v22 =	vor.u32 v12, v22  }
0x154: {  	v27 =	vor.u32 v9, v27;
	[tilespmem:v31+s20+$0x0] =	vst.idx.msk $0xffff, v29;
	v29 =	vadd.s32 v6, v17  }
0x155: {  	v31 =	vor.u32 s5, v49;
	v16 =	vld.idx.msk [tilespmem:v16+s21+$0x0], $0xffff;
	v29 =	vand.u32 $0xFFFFFFF8, v29  }
0x156: {  	v29 =	vor.u32 v7, v29  }
0x157: {  	s24 =	simm.s32 $0x30;
	[tilespmem:v33+s20+$0x0] =	vst.idx.msk $0xffff, v19;
	v19 =	vadd.s32 v50, v5  }
0x158: {  	s28 =	sand.u32 $0x70, s24;
	s14 =	simm.s32 $0x0;
	v33 =	vor.u32 s13, v35;
	[tilespmem:v52+s20+$0x0] =	vst.idx.msk $0xffff, v25;
	v25 =	vadd.s32 v32, v3;
	v22 =	vld.idx.msk [tilespmem:v22+s19+$0x0], $0xffff;
	v19 =	vand.u32 $0xFFFFFFF8, v19  }
0x159: {  	s0 =	sor.u32 s28, s14;
	v56 =	vor.u32 s8, v38;
	v27 =	vld.idx.msk [tilespmem:v27+s19+$0x0], $0xffff;
	v25 =	vand.u32 $0xFFFFFFF8, v25;
	v19 =	vor.u32 v15, v19  }
0x15a: {  	v52 =	vor.u32 s0, v44;
	v25 =	vor.u32 v12, v25;
	[tilespmem:v31+s20+$0x0] =	vst.idx.msk $0xffff, v16;
	v16 =	vadd.s32 v8, v17  }
0x15b: {  	v57 =	vand.u32 v43, v52;
	v31 =	vor.u32 s5, v48;
	v29 =	vld.idx.msk [tilespmem:v29+s21+$0x0], $0xffff;
	v16 =	vand.u32 $0xFFFFFFF8, v16  }
0x15c: {  	v16 =	vor.u32 v9, v16  }
0x15d: {  	v52 =	vor.u32 s13, v42;
	[tilespmem:v33+s20+$0x0] =	vst.idx.msk $0xffff, v22  }
0x15e: {  	v22 =	vadd.s32 v4, v5;
	[tilespmem:v56+s20+$0x0] =	vst.idx.msk $0xffff, v27;
	v27 =	vadd.s32 v34, v3;
	v19 =	vld.idx.msk [tilespmem:v19+s19+$0x0], $0xffff  }
0x15f: {  	v56 =	vor.u32 s8, v54;
	v22 =	vand.u32 $0xFFFFFFF8, v22;
	v25 =	vld.idx.msk [tilespmem:v25+s19+$0x0], $0xffff;
	v27 =	vand.u32 $0xFFFFFFF8, v27  }
0x160: {  	v22 =	vor.u32 v18, v22;
	[tilespmem:v31+s20+$0x0] =	vst.idx.msk $0xffff, v29;
	v29 =	vadd.s32 v55, v17;
	v31 =	vld.idx.msk [tilespmem:v57+s16+$0x0], $0xffff  }
0x161: {  	v27 =	vor.u32 v15, v27;
	v57 =	vor.u32 s5, v47;
	v16 =	vld.idx.msk [tilespmem:v16+s21+$0x0], $0xffff;
	v29 =	vand.u32 $0xFFFFFFF8, v29  }
0x162: {  	v29 =	vor.u32 v12, v29  }
0x163: {  	[tilespmem:v52+s20+$0x0] =	vst.idx.msk $0xffff, v19;
	v19 =	vadd.s32 v20, v5  }
0x164: {  	v33 =	vor.u32 s13, v39;
	[tilespmem:v56+s20+$0x0] =	vst.idx.msk $0xffff, v25;
	v25 =	vadd.s32 v36, v3;
	v19 =	vand.u32 $0xFFFFFFF8, v19  }
0x165: {  	v56 =	vor.u32 s8, v37;
	v22 =	vld.idx.msk [tilespmem:v22+s19+$0x0], $0xffff;
	v25 =	vand.u32 $0xFFFFFFF8, v25;
	v19 =	vor.u32 v21, v19  }
0x166: {  	v27 =	vld.idx.msk [tilespmem:v27+s19+$0x0], $0xffff;
	[tilespmem:v57+s20+$0x0] =	vst.idx.msk $0xffff, v16;
	v16 =	vor.u32 v18, v25;
	v25 =	vadd.s32 v50, v17  }
0x167: {  	v37 =	vmovc v60;
	v60 =	vshll.u32 v31, $0x4;
	v31 =	vor.u32 s5, v59;
	v29 =	vld.idx.msk [tilespmem:v29+s21+$0x0], $0xffff;
	v25 =	vand.u32 $0xFFFFFFF8, v25  }
0x168: {  	v25 =	vor.u32 v15, v25  }
0x169: {  	v52 =	vmov v39;
	v39 =	vmov v62;
	v62 =	vadd.s32 v2, v60  }
0x16a: {  	[tilespmem:v33+s20+$0x0] =	vst.idx.msk $0xffff, v22;
	v22 =	vor.u32 s5, v58;
	v57 =	vand.u32 $0xFFFFFFF8, v62;
	v62 =	vadd.s32 v23, v5  }
0x16b: {  	v58 =	vor.u32 s13, v53;
	[tilespmem:v56+s20+$0x0] =	vst.idx.msk $0xffff, v27;
	v19 =	vld.idx.msk [tilespmem:v19+s19+$0x0], $0xffff;
	v33 =	vor.u32 v1, v57;
	v57 =	vand.u32 $0xFFFFFFF8, v62  }
0x16c: {  	v56 =	vor.u32 v24, v57;
	v57 =	vor.u32 s8, v37;
	v16 =	vld.idx.msk [tilespmem:v16+s19+$0x0], $0xffff;
	[tilespmem:v31+s20+$0x0] =	vst.idx.msk $0xffff, v29  }
0x16d: {  	s14 =	simm.s32 $0x0;
	v27 =	vadd.s32 v14, v3;
	v25 =	vld.idx.msk [tilespmem:v25+s21+$0x0], $0xffff  }
0x16e: {  	s14 =	sor.u32 s28, s14;
	v27 =	vand.u32 $0xFFFFFFF8, v27;
	v37 =	vmovc v26;
	v26 =	vmovc v51;
	v51 =	vmov v14;
	v14 =	vadd.s32 v6, v60  }
0x16f: {  	v27 =	vor.u32 v21, v27;
	v62 =	vor.u32 s14, v44;
	v14 =	vand.u32 $0xFFFFFFF8, v14  }
0x170: {  	[tilespmem:v58+s20+$0x0] =	vst.idx.msk $0xffff, v19;
	v59 =	vand.u32 v45, v62;
	v19 =	vor.u32 v7, v14  }
0x171: {  	v0 =	vmov v48;
	v29 =	vadd.s32 v4, v17;
	v31 =	vor.u32 s0, v46;
	v33 =	vld.idx.msk [tilespmem:v33+s19+$0x0], $0xffff;
	[tilespmem:v57+s20+$0x0] =	vst.idx.msk $0xffff, v16  }
0x172: {  	v48 =	vmovc v46;
	v46 =	vmov v47;
	v47 =	vadd.s32 v26, v5;
	v29 =	vand.u32 $0xFFFFFFF8, v29;
	[tilespmem:v22+s20+$0x0] =	vst.idx.msk $0xffff, v25  }
0x173: {  	v3 =	vadd.s32 v40, v3;
	v58 =	vand.u32 $0xFFFFFFF8, v47;
	v29 =	vor.u32 v18, v29;
	v47 =	vld [tilespmem:$0x1FDB0]  }
0x174: {  	v3 =	vand.u32 $0xFFFFFFF8, v3;
	v56 =	vld.idx.msk [tilespmem:v56+s19+$0x0], $0xffff  }
0x175: {  	v3 =	vor.u32 v24, v3;
	v62 =	vor.u32 s13, v61;
	v16 =	vor.u32 v1, v58;
	v27 =	vld.idx.msk [tilespmem:v27+s19+$0x0], $0xffff  }
0x176: {  	v57 =	vor.u32 s8, v37;
	v61 =	vld.idx.msk [tilespmem:v31+s16+$0x0], $0xffff;
	v31 =	vadd.s32 v8, v60;
	[tilespmem:v59+s20+$0x0] =	vst.idx.msk $0xffff, v33  }
0x177: {  	v22 =	vadd.s32 v20, v17;
	v31 =	vand.u32 $0xFFFFFFF8, v31;
	v33 =	vor.u32 s14, v48;
	v19 =	vld.idx.msk [tilespmem:v19+s19+$0x0], $0xffff  }
0x178: {  	v29 =	vld.idx.msk [tilespmem:v29+s21+$0x0], $0xffff;
	v22 =	vand.u32 $0xFFFFFFF8, v22;
	v31 =	vor.u32 v9, v31;
	v25 =	vor.u32 s5, v47  }
0x179: {  	v22 =	vor.u32 v21, v22  }
0x17a: {  	[tilespmem:v62+s20+$0x0] =	vst.idx.msk $0xffff, v56;
	v62 =	vadd.s32 v28, v5  }
0x17b: {  	v56 =	vshll.u32 v13, $0x4;
	v13 =	vor.u32 s13, v11;
	v58 =	vand.u32 $0xFFFFFFF8, v62;
	v16 =	vld.idx.msk [tilespmem:v16+s19+$0x0], $0xffff;
	[tilespmem:v57+s20+$0x0] =	vst.idx.msk $0xffff, v27  }
0x17c: {  	v57 =	vor.u32 v7, v58;
	v58 =	vor.u32 s8, v10;
	v3 =	vld.idx.msk [tilespmem:v3+s19+$0x0], $0xffff;
	[tilespmem:v33+s20+$0x0] =	vst.idx.msk $0xffff, v19  }
0x17d: {  	v62 =	vor.u32 s14, v41;
	v31 =	vld.idx.msk [tilespmem:v31+s19+$0x0], $0xffff;
	[tilespmem:v25+s20+$0x0] =	vst.idx.msk $0xffff, v29  }
0x17e: {  	v29 =	vor.u32 s5, v63;
	v19 =	vld.idx.msk [tilespmem:v22+s21+$0x0], $0xffff;
	_ =	sdelay $0x1  }
0x17f: {  	v27 =	vadd.s32 v2, v56;
	[tilespmem:v13+s20+$0x0] =	vst.idx.msk $0xffff, v16  }
0x180: {  	v27 =	vand.u32 $0xFFFFFFF8, v27;
	[tilespmem:v58+s20+$0x0] =	vst.idx.msk $0xffff, v3;
	v22 =	vadd.s32 v55, v60  }
0x181: {  	v25 =	vor.u32 v1, v27;
	v27 =	vadd.s32 v23, v17;
	v22 =	vand.u32 $0xFFFFFFF8, v22;
	[tilespmem:v62+s20+$0x0] =	vst.idx.msk $0xffff, v31  }
0x182: {  	v27 =	vand.u32 $0xFFFFFFF8, v27;
	v13 =	vor.u32 v12, v22;
	[tilespmem:v29+s20+$0x0] =	vst.idx.msk $0xffff, v19  }
0x183: {  	v63 =	vor.u32 s13, v39;
	v27 =	vor.u32 v24, v27;
	v39 =	vld [tilespmem:$0x1FDD0];
	_ =	sdelay $0x1  }
0x184: {  	v22 =	vld.idx.msk [tilespmem:v57+s19+$0x0], $0xffff  }
0x185: {  	v58 =	vor.u32 s8, v49;
	v25 =	vld.idx.msk [tilespmem:v25+s21+$0x0], $0xffff  }
0x186: {  	v62 =	vor.u32 s14, v35;
	v13 =	vld.idx.msk [tilespmem:v13+s19+$0x0], $0xffff  }
0x187: {  	v27 =	vld.idx.msk [tilespmem:v27+s21+$0x0], $0xffff;
	v31 =	vor.u32 s5, v39;
	_ =	sdelay $0x1  }
0x188: {  	v16 =	vadd.s32 v30, v5;
	[tilespmem:v63+s20+$0x0] =	vst.idx.msk $0xffff, v22  }
0x189: {  	v16 =	vand.u32 $0xFFFFFFF8, v16;
	v3 =	vadd.s32 v6, v56;
	[tilespmem:v58+s20+$0x0] =	vst.idx.msk $0xffff, v25  }
0x18a: {  	v16 =	vor.u32 v9, v16;
	v3 =	vand.u32 $0xFFFFFFF8, v3;
	v19 =	vadd.s32 v26, v17;
	[tilespmem:v62+s20+$0x0] =	vst.idx.msk $0xffff, v13  }
0x18b: {  	v3 =	vor.u32 v7, v3;
	v19 =	vand.u32 $0xFFFFFFF8, v19;
	[tilespmem:v31+s20+$0x0] =	vst.idx.msk $0xffff, v27  }
0x18c: {  	v41 =	vmov v53;
	v53 =	vor.u32 s8, v0;
	v19 =	vor.u32 v1, v19;
	v0 =	vld [tilespmem:$0x1FDE0];
	_ =	sdelay $0x2  }
0x18d: {  	v63 =	vor.u32 s13, v38;
	v16 =	vld.idx.msk [tilespmem:v16+s19+$0x0], $0xffff  }
0x18e: {  	v3 =	vld.idx.msk [tilespmem:v3+s21+$0x0], $0xffff  }
0x18f: {  	v13 =	vld.idx.msk [tilespmem:v19+s21+$0x0], $0xffff;
	v31 =	vor.u32 s5, v0  }
0x190: {  	s22 =	simm.s32 $0x40;
	v29 =	vadd.s32 v50, v60  }
0x191: {  	s24 =	simm.s32 $0x0;
	s23 =	sand.u32 $0x70, s22;
	v29 =	vand.u32 $0xFFFFFFF8, v29  }
0x192: {  	s0 =	sor.u32 s23, s24;
	v22 =	vor.u32 v15, v29;
	[tilespmem:v63+s20+$0x0] =	vst.idx.msk $0xffff, v16  }
0x193: {  	v35 =	vmov v38;
	v29 =	vadd.s32 v32, v5;
	v25 =	vor.u32 s0, v44;
	[tilespmem:v53+s20+$0x0] =	vst.idx.msk $0xffff, v3  }
0x194: {  	v38 =	vadd.s32 v8, v56;
	v29 =	vand.u32 $0xFFFFFFF8, v29;
	v25 =	vand.u32 v43, v25;
	[tilespmem:v31+s20+$0x0] =	vst.idx.msk $0xffff, v13  }
0x195: {  	v29 =	vor.u32 v12, v29;
	v58 =	vand.u32 $0xFFFFFFF8, v38;
	v0 =	vld [tilespmem:$0x1FE20]  }
0x196: {  	v27 =	vor.u32 v9, v58  }
0x197: {  	v22 =	vld.idx.msk [tilespmem:v22+s19+$0x0], $0xffff;
	v58 =	vor.u32 s14, v42;
	_ =	sdelay $0x1  }
0x198: {  	v25 =	vld.idx.msk [tilespmem:v25+s16+$0x0], $0xffff  }
0x199: {  	v29 =	vld.idx.msk [tilespmem:v29+s19+$0x0], $0xffff;
	v0 =	vor.u32 s5, v0  }
0x19a: {  	v27 =	vld.idx.msk [tilespmem:v27+s21+$0x0], $0xffff;
	[tilespmem:$0x1FD40] =	vst v0  }
0x19b: {  	v3 =	vor.u32 s13, v54;
	[tilespmem:v58+s20+$0x0] =	vst.idx.msk $0xffff, v22  }
0x19c: {  	v0 =	vld [tilespmem:$0x1FDF0];
	_ =	sdelay $0x3  }
0x19d: {  	[tilespmem:v3+s20+$0x0] =	vst.idx.msk $0xffff, v29  }
0x19e: {  	v19 =	vadd.s32 v28, v17;
	v22 =	vor.u32 s5, v0;
	v0 =	vld [tilespmem:$0x1FE00]  }
0x19f: {  	v19 =	vand.u32 $0xFFFFFFF8, v19  }
0x1a0: {  	v16 =	vor.u32 v7, v19;
	v19 =	vadd.s32 v34, v5  }
0x1a1: {  	v19 =	vand.u32 $0xFFFFFFF8, v19  }
0x1a2: {  	v59 =	vor.u32 s8, v46;
	v62 =	vadd.s32 v4, v60;
	v19 =	vor.u32 v15, v19  }
0x1a3: {  	v33 =	vand.u32 $0xFFFFFFF8, v62;
	v29 =	vor.u32 s5, v0;
	v0 =	vld [tilespmem:$0x1FE80]  }
0x1a4: {  	v33 =	vor.u32 v18, v33;
	v63 =	vadd.s32 v55, v56  }
0x1a5: {  	v57 =	vand.u32 $0xFFFFFFF8, v63  }
0x1a6: {  	v46 =	vadd.s32 v30, v17;
	v31 =	vor.u32 v12, v57;
	v16 =	vld.idx.msk [tilespmem:v16+s21+$0x0], $0xffff  }
0x1a7: {  	v57 =	vand.u32 $0xFFFFFFF8, v46;
	v3 =	vadd.s32 v36, v5;
	v19 =	vld.idx.msk [tilespmem:v19+s19+$0x0], $0xffff;
	[tilespmem:v59+s20+$0x0] =	vst.idx.msk $0xffff, v27  }
0x1a8: {  	v13 =	vor.u32 v9, v57;
	v63 =	vor.u32 s13, v0;
	v0 =	vand.u32 $0xFFFFFFF8, v3;
	v3 =	vld [tilespmem:$0x1FDA0]  }
0x1a9: {  	v46 =	vor.u32 s14, v52;
	v33 =	vld.idx.msk [tilespmem:v33+s19+$0x0], $0xffff;
	v0 =	vor.u32 v18, v0;
	_ =	sdelay $0x1  }
0x1aa: {  	v53 =	vadd.s32 v20, v60  }
0x1ab: {  	v14 =	vmov v50;
	v54 =	vand.u32 $0xFFFFFFF8, v53;
	v10 =	vld [tilespmem:$0x1FE30];
	[tilespmem:v22+s20+$0x0] =	vst.idx.msk $0xffff, v16  }
0x1ac: {  	v27 =	vor.u32 s8, v3;
	v3 =	vshll.u32 v25, $0x4;
	v25 =	vadd.s32 v50, v56;
	v50 =	vld.idx.msk [tilespmem:v13+s21+$0x0], $0xffff;
	[tilespmem:v63+s20+$0x0] =	vst.idx.msk $0xffff, v19  }
0x1ad: {  	v58 =	vor.u32 v21, v54;
	[tilespmem:v46+s20+$0x0] =	vst.idx.msk $0xffff, v33;
	v13 =	vld.idx.msk [tilespmem:v0+s19+$0x0], $0xffff  }
0x1ae: {  	v0 =	vld [tilespmem:$0x1FE90];
	_ =	sdelay $0x1  }
0x1af: {  	v31 =	vld.idx.msk [tilespmem:v31+s21+$0x0], $0xffff;
	_ =	sdelay $0x1  }
0x1b0: {  	v46 =	vor.u32 s14, v41;
	v53 =	vld.idx.msk [tilespmem:v58+s19+$0x0], $0xffff  }
0x1b1: {  	v63 =	vor.u32 s13, v0;
	_ =	sdelay $0x1  }
0x1b2: {  	v38 =	vmovc v51;
	v54 =	vmov v47;
	v47 =	vadd.s32 v2, v3;
	v25 =	vand.u32 $0xFFFFFFF8, v25;
	[tilespmem:v27+s20+$0x0] =	vst.idx.msk $0xffff, v31  }
0x1b3: {  	v16 =	vadd.s32 v32, v17;
	v22 =	vand.u32 $0xFFFFFFF8, v47;
	v25 =	vor.u32 v15, v25;
	v0 =	vld [tilespmem:$0x1FE70];
	[tilespmem:v29+s20+$0x0] =	vst.idx.msk $0xffff, v50  }
0x1b4: {  	v62 =	vadd.s32 v23, v60;
	v16 =	vand.u32 $0xFFFFFFF8, v16;
	v22 =	vor.u32 v1, v22;
	[tilespmem:v46+s20+$0x0] =	vst.idx.msk $0xffff, v53  }
0x1b5: {  	s22 =	simm.s32 $0x0;
	v58 =	vand.u32 $0xFFFFFFF8, v62;
	v16 =	vor.u32 v12, v16;
	v19 =	vadd.s32 v51, v5;
	v51 =	vld [tilespmem:$0x1FE10];
	[tilespmem:v63+s20+$0x0] =	vst.idx.msk $0xffff, v13  }
0x1b6: {  	s31 =	sor.u32 s23, s22;
	v58 =	vor.u32 v24, v58;
	v19 =	vand.u32 $0xFFFFFFF8, v19;
	v29 =	vadd.s32 v34, v17;
	v34 =	vld [tilespmem:$0x1FF10]  }
0x1b7: {  	v47 =	vor.u32 s31, v44;
	v19 =	vor.u32 v21, v19  }
0x1b8: {  	v62 =	vand.u32 v45, v47;
	v31 =	vadd.s32 v4, v56;
	v25 =	vld.idx.msk [tilespmem:v25+s21+$0x0], $0xffff;
	v27 =	vor.u32 s8, v0  }
0x1b9: {  	v50 =	vadd.s32 v6, v3;
	v31 =	vand.u32 $0xFFFFFFF8, v31;
	v22 =	vld.idx.msk [tilespmem:v22+s19+$0x0], $0xffff;
	v0 =	vor.u32 s0, v48  }
0x1ba: {  	v33 =	vand.u32 $0xFFFFFFF8, v50;
	v31 =	vor.u32 v18, v31;
	v16 =	vld.idx.msk [tilespmem:v16+s21+$0x0], $0xffff;
	v47 =	vor.u32 s5, v51  }
0x1bb: {  	v33 =	vor.u32 v7, v33;
	v13 =	vld.idx.msk [tilespmem:v58+s19+$0x0], $0xffff;
	v53 =	vor.u32 s14, v34  }
0x1bc: {  	v11 =	vmovc v55;
	v55 =	vmov v26;
	v26 =	vmov v52;
	v29 =	vand.u32 $0xFFFFFFF8, v29  }
0x1bd: {  	v52 =	vadd.s32 v55, v60;
	v29 =	vor.u32 v15, v29;
	v19 =	vld.idx.msk [tilespmem:v19+s19+$0x0], $0xffff;
	[tilespmem:v27+s20+$0x0] =	vst.idx.msk $0xffff, v25  }
0x1be: {  	v59 =	vand.u32 $0xFFFFFFF8, v52;
	v58 =	vadd.s32 v40, v5;
	v5 =	vld.idx.msk [tilespmem:v0+s16+$0x0], $0xffff;
	v25 =	vor.u32 s13, v37;
	[tilespmem:v62+s20+$0x0] =	vst.idx.msk $0xffff, v22  }
0x1bf: {  	v59 =	vor.u32 v1, v59;
	v31 =	vld.idx.msk [tilespmem:v31+s21+$0x0], $0xffff;
	[tilespmem:v47+s20+$0x0] =	vst.idx.msk $0xffff, v16  }
0x1c0: {  	v46 =	vor.u32 s8, v54;
	v33 =	vld.idx.msk [tilespmem:v33+s19+$0x0], $0xffff;
	[tilespmem:v53+s20+$0x0] =	vst.idx.msk $0xffff, v13  }
0x1c1: {  	v22 =	vadd.s32 v36, v17;
	v16 =	vadd.s32 v8, v3;
	v47 =	vor.u32 s31, v48;
	v8 =	vld [tilespmem:$0x1FD20]  }
0x1c2: {  	v37 =	vadd.s32 v20, v56;
	v22 =	vand.u32 $0xFFFFFFF8, v22;
	v29 =	vld.idx.msk [tilespmem:v29+s21+$0x0], $0xffff  }
0x1c3: {  	v0 =	vand.u32 $0xFFFFFFF8, v37;
	v54 =	vld [tilespmem:$0x1FF20];
	[tilespmem:v25+s20+$0x0] =	vst.idx.msk $0xffff, v19;
	v19 =	vor.u32 v18, v22;
	v22 =	vor.u32 $0x6380, v44  }
0x1c4: {  	v13 =	vor.u32 v21, v0;
	v0 =	vadd.s32 v28, v60;
	v37 =	vld.idx.msk [tilespmem:v59+s19+$0x0], $0xffff;
	[tilespmem:$0x1FD30] =	vst v22  }
0x1c5: {  	v0 =	vand.u32 $0xFFFFFFF8, v0;
	[tilespmem:v46+s20+$0x0] =	vst.idx.msk $0xffff, v31  }
0x1c6: {  	v59 =	vshll.u32 v8, $0x4;
	v8 =	vor.u32 v7, v0;
	v0 =	vld [tilespmem:$0x1FD90];
	[tilespmem:v47+s20+$0x0] =	vst.idx.msk $0xffff, v33  }
0x1c7: {  	v51 =	vmov v2;
	v22 =	vadd.s32 v2, v59;
	v2 =	vld [tilespmem:$0x1FDC0];
	_ =	sdelay $0x3  }
0x1c8: {  	v27 =	vand.u32 $0xFFFFFFF8, v58  }
0x1c9: {  	v27 =	vor.u32 v24, v27;
	v47 =	vor.u32 s8, v2;
	v2 =	vld [tilespmem:$0x1FD40];
	_ =	sdelay $0x3  }
0x1ca: {  	v36 =	vor.u32 s14, v54  }
0x1cb: {  	v25 =	vld.idx.msk [tilespmem:v27+s19+$0x0], $0xffff;
	v31 =	vor.u32 s13, v0;
	_ =	sdelay $0x1  }
0x1cc: {  	v16 =	vand.u32 $0xFFFFFFF8, v16  }
0x1cd: {  	v16 =	vor.u32 v9, v16;
	[tilespmem:v2+s20+$0x0] =	vst.idx.msk $0xffff, v29  }
0x1ce: {  	v57 =	vld [tilespmem:$0x1FFB0];
	[tilespmem:v36+s20+$0x0] =	vst.idx.msk $0xffff, v37  }
0x1cf: {  	[tilespmem:v31+s20+$0x0] =	vst.idx.msk $0xffff, v25;
	v50 =	vld.idx.msk [tilespmem:v8+s19+$0x0], $0xffff  }
0x1d0: {  	v8 =	vld [tilespmem:$0x1FFE0]  }
0x1d1: {  	v46 =	vld.idx.msk [tilespmem:v13+s21+$0x0], $0xffff;
	v22 =	vand.u32 $0xFFFFFFF8, v22  }
0x1d2: {  	v13 =	vld.idx.msk [tilespmem:v16+s19+$0x0], $0xffff;
	v22 =	vor.u32 v1, v22  }
0x1d3: {  	v4 =	vmovc v48;
	v20 =	vor.u32 s5, v10;
	v48 =	vadd.s32 v38, v17;
	v0 =	vadd.s32 v23, v56;
	v16 =	vld.idx.msk [tilespmem:v19+s21+$0x0], $0xffff  }
0x1d4: {  	v27 =	vand.u32 $0xFFFFFFF8, v48;
	v10 =	vand.u32 $0xFFFFFFF8, v0;
	v0 =	vor.u32 s31, v57  }
0x1d5: {  	v27 =	vor.u32 v21, v27;
	v19 =	vadd.s32 v30, v60;
	v25 =	vor.u32 s14, v8  }
0x1d6: {  	v52 =	vmovc v6;
	v29 =	vadd.s32 v11, v3;
	v2 =	vor.u32 $0x6300, v44;
	v19 =	vand.u32 $0xFFFFFFF8, v19;
	[tilespmem:v47+s20+$0x0] =	vst.idx.msk $0xffff, v46  }
0x1d7: {  	v23 =	vmov v11;
	v11 =	vor.u32 v9, v19;
	v19 =	vadd.s32 v6, v59;
	v6 =	vld.idx.msk [tilespmem:v22+s21+$0x0], $0xffff;
	[tilespmem:$0x1FD50] =	vst v2  }
0x1d8: {  	v10 =	vor.u32 v24, v10;
	v29 =	vand.u32 $0xFFFFFFF8, v29;
	[tilespmem:v20+s20+$0x0] =	vst.idx.msk $0xffff, v16  }
0x1d9: {  	v29 =	vor.u32 v12, v29;
	[tilespmem:v0+s20+$0x0] =	vst.idx.msk $0xffff, v13  }
0x1da: {  	v22 =	vor.u32 s13, v49;
	[tilespmem:v25+s20+$0x0] =	vst.idx.msk $0xffff, v50  }
0x1db: {  	v31 =	vadd.s32 v55, v56;
	v13 =	vand.u32 $0xFFFFFFF8, v19;
	v0 =	vadd.s32 v40, v17;
	v17 =	vmovc v55;
	v55 =	vld [tilespmem:$0x1FFC0]  }
0x1dc: {  	v62 =	vor.u32 s5, v2;
	v63 =	vld.idx.msk [tilespmem:v27+s21+$0x0], $0xffff;
	v19 =	vor.u32 v7, v13  }
0x1dd: {  	v58 =	vand.u32 $0xFFFFFFF8, v31;
	v16 =	vor.u32 s8, v39;
	v27 =	vadd.s32 v32, v60;
	v13 =	vld.idx.msk [tilespmem:v10+s21+$0x0], $0xffff  }
0x1de: {  	s0 =	simm.s32 $0x50;
	v28 =	vmovc v14;
	v48 =	vmovc v41;
	v27 =	vand.u32 $0xFFFFFFF8, v27;
	v10 =	vadd.s32 v14, v3;
	v29 =	vld.idx.msk [tilespmem:v29+s19+$0x0], $0xffff;
	v0 =	vand.u32 $0xFFFFFFF8, v0  }
0x1df: {  	s28 =	simm.s32 $0x0;
	s23 =	sand.u32 $0x70, s0;
	v25 =	vand.u32 $0xFFFFFFF8, v10;
	v10 =	vor.u32 v1, v58;
	[tilespmem:v22+s20+$0x0] =	vst.idx.msk $0xffff, v6;
	v0 =	vor.u32 v24, v0  }
0x1e0: {  	s3 =	simm.s32 $0x6;
	s24 =	simm.s32 $0x0;
	s22 =	sor.u32 s23, s28;
	v47 =	vmovc v26;
	v22 =	vld.idx.msk [tilespmem:v11+s19+$0x0], $0xffff;
	v11 =	vmovc v34;
	v33 =	vor.u32 v15, v25;
	v25 =	vor.u32 s14, v35;
	v31 =	vor.u32 s31, v55  }
.LBB2_4:
0x1e1: {  	v19 =	vld.idx.msk [tilespmem:v19+s21+$0x0], $0xffff  }
0x1e2: {  	v38 =	vld [tilespmem:$0x1FFA0]  }
0x1e3: {  	v39 =	vld [tilespmem:$0x1FE50]  }
0x1e4: {  	v32 =	vld [tilespmem:$0x1FF30]  }
0x1e5: {  	v6 =	vld [tilespmem:$0x1FF50]  }
0x1e6: {  	v46 =	vld [tilespmem:$0x1FDE0]  }
0x1e7: {  	v26 =	vld [tilespmem:$0x1FEB0]  }
0x1e8: {  	v41 =	vld [tilespmem:$0x1FE40]  }
0x1e9: {  	v53 =	vld [tilespmem:$0x1FE60];
	[tilespmem:v16+s20+$0x0] =	vst.idx.msk $0xffff, v13  }
0x1ea: {  	v36 =	vld [tilespmem:$0x1FF80];
	[tilespmem:v31+s20+$0x0] =	vst.idx.msk $0xffff, v29  }
0x1eb: {  	v10 =	vld.idx.msk [tilespmem:v10+s21+$0x0], $0xffff;
	v31 =	vadd.s32 v6, v3  }
0x1ec: {  	v35 =	vor.u32 s22, v44;
	v27 =	vor.u32 v12, v27;
	v29 =	vld.idx.msk [tilespmem:v33+s19+$0x0], $0xffff;
	[tilespmem:v62+s20+$0x0] =	vst.idx.msk $0xffff, v63;
	v31 =	vand.u32 $0xFFFFFFF8, v31  }
0x1ed: {  	[tilespmem:v25+s20+$0x0] =	vst.idx.msk $0xffff, v22;
	v37 =	vadd.s32 v38, v59;
	v39 =	vor.u32 s13, v39;
	v25 =	vor.u32 v18, v31;
	v31 =	vld [tilespmem:$0x1FD30]  }
0x1ee: {  	v40 =	vld [tilespmem:$0x1FDF0];
	v35 =	vand.u32 v43, v35;
	v37 =	vand.u32 $0xFFFFFFF8, v37  }
0x1ef: {  	v2 =	vld [tilespmem:$0x1FE80];
	v16 =	vadd.s32 v32, v56;
	v33 =	vor.u32 s8, v46;
	v13 =	vor.u32 v9, v37  }
0x1f0: {  	v49 =	vor.u32 s31, v42;
	v20 =	vld [tilespmem:$0x1FF90];
	v16 =	vand.u32 $0xFFFFFFF8, v16  }
0x1f1: {  	v22 =	vld.idx.msk [tilespmem:v0+s21+$0x0], $0xffff;
	v0 =	vadd.s32 v26, v60;
	v16 =	vor.u32 v7, v16  }
0x1f2: {  	v27 =	vld.idx.msk [tilespmem:v27+s19+$0x0], $0xffff;
	v0 =	vand.u32 $0xFFFFFFF8, v0;
	[tilespmem:v39+s20+$0x0] =	vst.idx.msk $0xffff, v19;
	v31 =	vor.u32 s5, v31;
	s5 =	smov.u32 s8;
	s8 =	smov.u32 s13;
	s13 =	smov.u32 s14  }
0x1f3: {  	v19 =	vor.u32 v15, v0;
	v0 =	vadd.s32 v23, v59;
	v35 =	vld.idx.msk [tilespmem:v35+s16+$0x0], $0xffff;
	v50 =	vor.u32 s13, v41  }
0x1f4: {  	v58 =	vand.u32 $0xFFFFFFF8, v0;
	v13 =	vld.idx.msk [tilespmem:v13+s21+$0x0], $0xffff;
	[tilespmem:v33+s20+$0x0] =	vst.idx.msk $0xffff, v10  }
0x1f5: {  	v10 =	vor.u32 v12, v58;
	v58 =	vld [tilespmem:$0x1FF60];
	v39 =	vor.u32 s8, v53;
	[tilespmem:v49+s20+$0x0] =	vst.idx.msk $0xffff, v29  }
0x1f6: {  	v16 =	vld.idx.msk [tilespmem:v16+s21+$0x0], $0xffff  }
0x1f7: {  	v25 =	vld.idx.msk [tilespmem:v25+s19+$0x0], $0xffff;
	[tilespmem:v31+s20+$0x0] =	vst.idx.msk $0xffff, v22  }
0x1f8: {  	v37 =	vor.u32 s5, v40;
	v40 =	vld [tilespmem:$0x1FEC0];
	[tilespmem:v50+s20+$0x0] =	vst.idx.msk $0xffff, v27  }
0x1f9: {  	v19 =	vld.idx.msk [tilespmem:v19+s19+$0x0], $0xffff  }
0x1fa: {  	v46 =	vadd.s32 v28, v59;
	s14 =	smov.u32 s31;
	v29 =	vadd.s32 v36, v56;
	v62 =	vor.u32 s13, v2;
	[tilespmem:v39+s20+$0x0] =	vst.idx.msk $0xffff, v13;
	v13 =	vld [tilespmem:$0x1FDA0]  }
0x1fb: {  	v34 =	vld [tilespmem:$0x1FF70];
	v29 =	vand.u32 $0xFFFFFFF8, v29;
	v63 =	vadd.s32 v58, v3;
	v22 =	vor.u32 s14, v47  }
0x1fc: {  	v41 =	vld [tilespmem:$0x1FE00];
	v35 =	vshll.u32 v35, $0x4;
	v31 =	vand.u32 $0xFFFFFFF8, v63;
	v27 =	vor.u32 v9, v29  }
0x1fd: {  	v49 =	vadd.s32 v51, v35;
	v29 =	vor.u32 v21, v31;
	v31 =	vadd.s32 v40, v60  }
0x1fe: {  	v53 =	vadd.s32 v20, v3;
	v50 =	vand.u32 $0xFFFFFFF8, v49;
	v49 =	vld [tilespmem:$0x1FE90];
	v31 =	vand.u32 $0xFFFFFFF8, v31  }
0x1ff: {  	v39 =	vand.u32 $0xFFFFFFF8, v46;
	v10 =	vld.idx.msk [tilespmem:v10+s21+$0x0], $0xffff;
	[tilespmem:v37+s20+$0x0] =	vst.idx.msk $0xffff, v16;
	v31 =	vor.u32 v18, v31;
	v13 =	vor.u32 s8, v13  }
0x200: {  	[tilespmem:v22+s20+$0x0] =	vst.idx.msk $0xffff, v25;
	v22 =	vor.u32 v15, v39;
	v39 =	vand.u32 $0xFFFFFFF8, v53;
	v53 =	vld [tilespmem:$0x1FEE0]  }
0x201: {  	v33 =	vor.u32 s5, v41;
	v16 =	vadd.s32 v34, v56;
	v37 =	vor.u32 v1, v50;
	v27 =	vld.idx.msk [tilespmem:v27+s21+$0x0], $0xffff  }
0x202: {  	v63 =	vor.u32 s14, v48;
	v16 =	vand.u32 $0xFFFFFFF8, v16;
	v29 =	vld.idx.msk [tilespmem:v29+s19+$0x0], $0xffff  }
0x203: {  	v16 =	vor.u32 v12, v16;
	[tilespmem:v62+s20+$0x0] =	vst.idx.msk $0xffff, v19  }
0x204: {  	v39 =	vor.u32 v24, v39;
	v31 =	vld.idx.msk [tilespmem:v31+s19+$0x0], $0xffff;
	[tilespmem:v13+s20+$0x0] =	vst.idx.msk $0xffff, v10  }
0x205: {  	v41 =	vor.u32 s13, v49;
	v13 =	vld.idx.msk [tilespmem:v22+s21+$0x0], $0xffff  }
0x206: {  	v46 =	vadd.s32 v53, v60;
	v37 =	vld.idx.msk [tilespmem:v37+s19+$0x0], $0xffff;
	[tilespmem:v33+s20+$0x0] =	vst.idx.msk $0xffff, v27  }
0x207: {  	v25 =	vld [tilespmem:$0x1FE70];
	v62 =	vand.u32 $0xFFFFFFF8, v46;
	[tilespmem:v63+s20+$0x0] =	vst.idx.msk $0xffff, v29  }
0x208: {  	v50 =	vadd.s32 v52, v35;
	v10 =	vor.u32 v21, v62;
	v62 =	vadd.s32 v26, v56;
	v16 =	vld.idx.msk [tilespmem:v16+s21+$0x0], $0xffff  }
0x209: {  	v27 =	vand.u32 $0xFFFFFFF8, v50;
	v50 =	vand.u32 $0xFFFFFFF8, v62;
	v33 =	vld.idx.msk [tilespmem:v39+s19+$0x0], $0xffff  }
0x20a: {  	[tilespmem:v41+s20+$0x0] =	vst.idx.msk $0xffff, v31;
	v31 =	vor.u32 v15, v50;
	v50 =	vld [tilespmem:$0x1FD80]  }
0x20b: {  	s24 =	sshll.u32 s24, $0xA;
	v29 =	vld [tilespmem:$0x1FE10]  }
0x20c: {  	s31 =	sor.u32 s23, s24;
	v49 =	vmov v42;
	v42 =	vor.u32 s22, v4  }
0x20d: {  	v19 =	vor.u32 s31, v44;
	v25 =	vor.u32 s8, v25;
	v22 =	vadd.s32 v6, v59  }
0x20e: {  	v19 =	vand.u32 v45, v19;
	v22 =	vand.u32 $0xFFFFFFF8, v22;
	v63 =	vld [tilespmem:$0x1FDB0]  }
0x20f: {  	v22 =	vor.u32 v18, v22;
	v39 =	vadd.s32 v17, v3;
	v41 =	vadd.s32 v50, v60;
	v60 =	vmovc v3;
	v3 =	vld [tilespmem:$0x1FD70]  }
0x210: {  	v27 =	vor.u32 v7, v27;
	v29 =	vor.u32 s5, v29  }
0x211: {  	v62 =	vor.u32 s14, v11;
	v42 =	vld.idx.msk [tilespmem:v42+s16+$0x0], $0xffff  }
0x212: {  	v39 =	vand.u32 $0xFFFFFFF8, v39;
	v10 =	vld.idx.msk [tilespmem:v10+s19+$0x0], $0xffff;
	[tilespmem:v25+s20+$0x0] =	vst.idx.msk $0xffff, v13  }
0x213: {  	v0 =	vld [tilespmem:$0x1FE20];
	v39 =	vor.u32 v1, v39;
	[tilespmem:v19+s20+$0x0] =	vst.idx.msk $0xffff, v37  }
0x214: {  	v46 =	vmovc v45;
	v45 =	vmovc v43;
	v43 =	vor.u32 s8, v63;
	v22 =	vld.idx.msk [tilespmem:v22+s21+$0x0], $0xffff;
	v63 =	vor.u32 s13, v3;
	v3 =	vand.u32 $0xFFFFFFF8, v41  }
0x215: {  	v25 =	vld.idx.msk [tilespmem:v27+s19+$0x0], $0xffff;
	[tilespmem:v29+s20+$0x0] =	vst.idx.msk $0xffff, v16;
	v19 =	vor.u32 v24, v3;
	v3 =	vadd.s32 v58, v59  }
0x216: {  	v27 =	vadd.s32 v38, v35;
	v38 =	vld [tilespmem:$0x1FDC0];
	v16 =	vor.u32 s31, v4;
	[tilespmem:v62+s20+$0x0] =	vst.idx.msk $0xffff, v33;
	v2 =	vand.u32 $0xFFFFFFF8, v3  }
0x217: {  	v31 =	vld.idx.msk [tilespmem:v31+s21+$0x0], $0xffff;
	v29 =	vor.u32 v21, v2  }
0x218: {  	v0 =	vor.u32 s5, v0;
	v27 =	vand.u32 $0xFFFFFFF8, v27;
	v2 =	vld [tilespmem:$0x1FD90]  }
0x219: {  	v13 =	vadd.s32 v40, v56;
	v27 =	vor.u32 v9, v27;
	v33 =	vld.idx.msk [tilespmem:v39+s19+$0x0], $0xffff;
	[tilespmem:v63+s20+$0x0] =	vst.idx.msk $0xffff, v10  }
0x21a: {  	v37 =	vor.u32 s14, v54;
	v13 =	vand.u32 $0xFFFFFFF8, v13;
	v32 =	vadd.s32 v32, v60;
	v19 =	vld.idx.msk [tilespmem:v19+s19+$0x0], $0xffff;
	[tilespmem:v43+s20+$0x0] =	vst.idx.msk $0xffff, v22  }
0x21b: {  	v44 =	vand.u32 $0xFFFFFFF8, v32;
	v39 =	vshll.u32 v61, $0x4;
	v61 =	vmovc v5;
	v5 =	vld [tilespmem:$0x1FE30];
	v10 =	vor.u32 v18, v13;
	[tilespmem:v16+s20+$0x0] =	vst.idx.msk $0xffff, v25  }
0x21c: {  	v13 =	vor.u32 v7, v44;
	v25 =	vld.idx.msk [tilespmem:v29+s21+$0x0], $0xffff  }
0x21d: {  	v58 =	vadd.s32 v51, v39;
	v3 =	vmov v35;
	v62 =	vor.u32 s13, v2;
	v2 =	vld [tilespmem:$0x1FD50]  }
0x21e: {  	v35 =	vand.u32 $0xFFFFFFF8, v58;
	v63 =	vadd.s32 v23, v3;
	v27 =	vld.idx.msk [tilespmem:v27+s19+$0x0], $0xffff;
	[tilespmem:v0+s20+$0x0] =	vst.idx.msk $0xffff, v31  }
0x21f: {  	v43 =	vor.u32 s8, v38;
	v16 =	vor.u32 v1, v35;
	v29 =	vadd.s32 v20, v59;
	[tilespmem:v37+s20+$0x0] =	vst.idx.msk $0xffff, v33  }
0x220: {  	v22 =	vadd.s32 v53, v56;
	v0 =	vor.u32 s31, v57;
	v29 =	vand.u32 $0xFFFFFFF8, v29;
	v10 =	vld.idx.msk [tilespmem:v10+s21+$0x0], $0xffff  }
0x221: {  	v41 =	vor.u32 s5, v5;
	v22 =	vand.u32 $0xFFFFFFF8, v22;
	v29 =	vor.u32 v24, v29;
	v33 =	vld.idx.msk [tilespmem:v13+s19+$0x0], $0xffff  }
0x222: {  	v31 =	vand.u32 $0xFFFFFFF8, v63;
	v13 =	vadd.s32 v36, v60;
	[tilespmem:v62+s20+$0x0] =	vst.idx.msk $0xffff, v19;
	v62 =	vor.u32 s5, v2;
	v2 =	vld [tilespmem:$0x1FEA0]  }
0x223: {  	v5 =	vmovc v42;
	v35 =	vor.u32 s14, v8;
	v31 =	vor.u32 v12, v31;
	v13 =	vand.u32 $0xFFFFFFF8, v13  }
0x224: {  	v53 =	vor.u32 v9, v13;
	v13 =	vadd.s32 v52, v39;
	v42 =	vld.idx.msk [tilespmem:v16+s21+$0x0], $0xffff;
	[tilespmem:v43+s20+$0x0] =	vst.idx.msk $0xffff, v25  }
0x225: {  	v22 =	vor.u32 v21, v22;
	v13 =	vand.u32 $0xFFFFFFF8, v13;
	v16 =	vld [tilespmem:$0x1FDD0];
	[tilespmem:v0+s20+$0x0] =	vst.idx.msk $0xffff, v27  }
0x226: {  	v19 =	vor.u32 v7, v13;
	v13 =	vld.idx.msk [tilespmem:v29+s21+$0x0], $0xffff  }
0x227: {  	p1 =	sne.s32 s3, $0x3F;
	v25 =	vadd.s32 v50, v56;
	v56 =	vmov v59;
	v38 =	vor.u32 s13, v2;
	v2 =	vld [tilespmem:$0x1FD60]  }
.Ltmp5:
0x228: {  	v44 =	vlaneseq.u32;
	v0 =	vadd.s32 v17, v56;
	v29 =	vld.idx.msk [tilespmem:v31+s19+$0x0], $0xffff;
	[tilespmem:v41+s20+$0x0] =	vst.idx.msk $0xffff, v10;
	(pc) =	sbr.rel @p1 .LBB2_4-.Ltmp5, $4  }
0x229: {  	v27 =	vadd.s32 v28, v3;
	v0 =	vand.u32 $0xFFFFFFF8, v0;
	v31 =	vor.u32 s31, v55;
	[tilespmem:v35+s20+$0x0] =	vst.idx.msk $0xffff, v33  }
0x22a: {  	s0 =	sadd.s32 $0x10, s0;
	s24 =	sshrl.u32 s3, $0x3;
	v43 =	vmovc v45;
	v27 =	vand.u32 $0xFFFFFFF8, v27;
	v10 =	vor.u32 v1, v0;
	v0 =	vadd.s32 v34, v60;
	v63 =	vld.idx.msk [tilespmem:v22+s21+$0x0], $0xffff  }
0x22b: {  	s23 =	sand.u32 $0x70, s0;
	s28 =	sshll.u32 s24, $0x8;
	v45 =	vmovc v46;
	v59 =	vmovc v39;
	v33 =	vor.u32 v15, v27;
	v22 =	vld.idx.msk [tilespmem:v53+s19+$0x0], $0xffff;
	v53 =	vand.u32 $0xFFFFFFF8, v25;
	v27 =	vand.u32 $0xFFFFFFF8, v0  }
0x22c: {  	s3 =	sadd.s32 $0x1, s3;
	s22 =	sor.u32 s23, s28;
	v16 =	vor.u32 s8, v16;
	v0 =	vor.u32 v24, v53;
	v25 =	vor.u32 s14, v2;
	[tilespmem:v38+s20+$0x0] =	vst.idx.msk $0xffff, v42;
	v42 =	vmovc v49  }
0x22d: {  	v35 =	vor.u32 s22, v44  }
0x22e: {  	v35 =	vand.u32 v43, v35;
	_ =	sdelay $0x4  }
0x22f: {  	v35 =	vld.idx.msk [tilespmem:v35+s16+$0x0], $0xffff;
	_ =	sdelay $0x4  }
0x230: {  	v58 =	vshll.u32 v35, $0x4  }
0x231: {  	v35 =	vadd.s32 v51, v58  }
0x232: {  	v35 =	vand.u32 $0xFFFFFFF8, v35  }
0x233: {  	v35 =	vor.u32 v1, v35;
	_ =	sdelay $0x1  }
0x234: {  	s0 =	sshll.u32 s24, $0xA  }
0x235: {  	s0 =	sor.u32 s23, s0  }
0x236: {  	v37 =	vor.u32 s0, v44  }
0x237: {  	v39 =	vor.u32 s22, v4;
	v37 =	vand.u32 v45, v37;
	v35 =	vld.idx.msk [tilespmem:v35+s19+$0x0], $0xffff;
	_ =	sdelay $0x4  }
0x238: {  	v53 =	vld.idx.msk [tilespmem:v39+s16+$0x0], $0xffff;
	v41 =	vadd.s32 v52, v58;
	[tilespmem:v37+s20+$0x0] =	vst.idx.msk $0xffff, v35  }
0x239: {  	v41 =	vand.u32 $0xFFFFFFF8, v41;
	v46 =	vld [tilespmem:$0x1FFA0]  }
0x23a: {  	v41 =	vor.u32 v7, v41;
	_ =	sdelay $0x3  }
0x23b: {  	v6 =	vmov v51;
	v51 =	vadd.s32 v46, v58  }
0x23c: {  	v50 =	vor.u32 s0, v4;
	v37 =	vld.idx.msk [tilespmem:v41+s19+$0x0], $0xffff;
	v35 =	vand.u32 $0xFFFFFFF8, v51  }
0x23d: {  	v35 =	vor.u32 v9, v35;
	_ =	sdelay $0x3  }
0x23e: {  	[tilespmem:v50+s20+$0x0] =	vst.idx.msk $0xffff, v37  }
0x23f: {  	v51 =	vor.u32 s0, v57;
	v35 =	vld.idx.msk [tilespmem:v35+s19+$0x0], $0xffff;
	_ =	sdelay $0x2  }
0x240: {  	v37 =	vadd.s32 v23, v58  }
0x241: {  	[tilespmem:v31+s20+$0x0] =	vst.idx.msk $0xffff, v29;
	v37 =	vand.u32 $0xFFFFFFF8, v37  }
0x242: {  	v37 =	vor.u32 v12, v37;
	[tilespmem:v51+s20+$0x0] =	vst.idx.msk $0xffff, v35  }
0x243: {  	v14 =	vld [tilespmem:$0x1FF50];
	_ =	sdelay $0x2  }
0x244: {  	v35 =	vadd.s32 v28, v58  }
0x245: {  	v57 =	vor.u32 s0, v55;
	v37 =	vld.idx.msk [tilespmem:v37+s19+$0x0], $0xffff;
	v35 =	vand.u32 $0xFFFFFFF8, v35  }
0x246: {  	v31 =	vld.idx.msk [tilespmem:v33+s19+$0x0], $0xffff;
	v55 =	vor.u32 s31, v42;
	v35 =	vor.u32 v15, v35;
	v29 =	vadd.s32 v14, v3  }
0x247: {  	v29 =	vand.u32 $0xFFFFFFF8, v29  }
0x248: {  	v29 =	vor.u32 v18, v29;
	_ =	sdelay $0x1  }
0x249: {  	[tilespmem:v57+s20+$0x0] =	vst.idx.msk $0xffff, v37  }
0x24a: {  	[tilespmem:v55+s20+$0x0] =	vst.idx.msk $0xffff, v31;
	v35 =	vld.idx.msk [tilespmem:v35+s19+$0x0], $0xffff  }
0x24b: {  	v42 =	vor.u32 s0, v42;
	v51 =	vmov v28;
	v28 =	vld [tilespmem:$0x1FF60]  }
0x24c: {  	v55 =	vor.u32 s31, v47;
	v29 =	vld.idx.msk [tilespmem:v29+s19+$0x0], $0xffff;
	_ =	sdelay $0x3  }
0x24d: {  	v57 =	vadd.s32 v14, v58;
	[tilespmem:v42+s20+$0x0] =	vst.idx.msk $0xffff, v35  }
0x24e: {  	v37 =	vand.u32 $0xFFFFFFF8, v57;
	v31 =	vadd.s32 v28, v3;
	[tilespmem:v55+s20+$0x0] =	vst.idx.msk $0xffff, v29  }
0x24f: {  	v50 =	vmov v23;
	v37 =	vor.u32 v18, v37;
	v31 =	vand.u32 $0xFFFFFFF8, v31;
	v23 =	vld [tilespmem:$0x1FF90]  }
0x250: {  	v31 =	vor.u32 v21, v31;
	_ =	sdelay $0x2  }
0x251: {  	v57 =	vadd.s32 v28, v58  }
0x252: {  	v42 =	vor.u32 s0, v47;
	v37 =	vld.idx.msk [tilespmem:v37+s19+$0x0], $0xffff;
	v35 =	vand.u32 $0xFFFFFFF8, v57;
	v29 =	vadd.s32 v23, v3  }
0x253: {  	v47 =	vor.u32 s31, v48;
	v35 =	vor.u32 v21, v35;
	v31 =	vld.idx.msk [tilespmem:v31+s19+$0x0], $0xffff;
	v29 =	vand.u32 $0xFFFFFFF8, v29  }
0x254: {  	v29 =	vor.u32 v24, v29;
	_ =	sdelay $0x2  }
0x255: {  	[tilespmem:v42+s20+$0x0] =	vst.idx.msk $0xffff, v37  }
0x256: {  	v57 =	vor.u32 s0, v48;
	v35 =	vld.idx.msk [tilespmem:v35+s19+$0x0], $0xffff;
	[tilespmem:v47+s20+$0x0] =	vst.idx.msk $0xffff, v31  }
0x257: {  	v42 =	vor.u32 s31, v11;
	v29 =	vld.idx.msk [tilespmem:v29+s19+$0x0], $0xffff;
	_ =	sdelay $0x2  }
0x258: {  	v55 =	vadd.s32 v23, v58  }
0x259: {  	v37 =	vand.u32 $0xFFFFFFF8, v55;
	[tilespmem:v57+s20+$0x0] =	vst.idx.msk $0xffff, v35  }
0x25a: {  	v31 =	vadd.s32 v17, v3;
	v37 =	vor.u32 v24, v37;
	[tilespmem:v42+s20+$0x0] =	vst.idx.msk $0xffff, v29  }
0x25b: {  	v31 =	vand.u32 $0xFFFFFFF8, v31;
	v20 =	vld [tilespmem:$0x1FF30]  }
0x25c: {  	v31 =	vor.u32 v1, v31;
	_ =	sdelay $0x1  }
0x25d: {  	v47 =	vadd.s32 v17, v58  }
0x25e: {  	v48 =	vor.u32 s0, v11;
	v35 =	vand.u32 $0xFFFFFFF8, v47;
	v37 =	vld.idx.msk [tilespmem:v37+s19+$0x0], $0xffff  }
0x25f: {  	v35 =	vor.u32 v1, v35;
	v29 =	vadd.s32 v20, v3  }
0x260: {  	v55 =	vor.u32 s31, v54;
	v31 =	vld.idx.msk [tilespmem:v31+s19+$0x0], $0xffff;
	v29 =	vand.u32 $0xFFFFFFF8, v29  }
0x261: {  	v29 =	vor.u32 v7, v29;
	_ =	sdelay $0x1  }
0x262: {  	[tilespmem:v48+s20+$0x0] =	vst.idx.msk $0xffff, v37;
	v57 =	vadd.s32 v20, v58  }
0x263: {  	v42 =	vor.u32 s0, v54;
	v35 =	vld.idx.msk [tilespmem:v35+s19+$0x0], $0xffff;
	v37 =	vand.u32 $0xFFFFFFF8, v57  }
0x264: {  	[tilespmem:v55+s20+$0x0] =	vst.idx.msk $0xffff, v31;
	v37 =	vor.u32 v7, v37  }
0x265: {  	v47 =	vor.u32 s31, v8;
	v29 =	vld.idx.msk [tilespmem:v29+s19+$0x0], $0xffff  }
0x266: {  	v30 =	vld [tilespmem:$0x1FF80];
	_ =	sdelay $0x1  }
0x267: {  	[tilespmem:v42+s20+$0x0] =	vst.idx.msk $0xffff, v35  }
0x268: {  	v54 =	vor.u32 s0, v8;
	v37 =	vld.idx.msk [tilespmem:v37+s19+$0x0], $0xffff  }
0x269: {  	[tilespmem:v47+s20+$0x0] =	vst.idx.msk $0xffff, v29  }
0x26a: {  	v31 =	vadd.s32 v30, v3;
	v2 =	vld [tilespmem:$0x1FD60]  }
0x26b: {  	v48 =	vadd.s32 v30, v58;
	v31 =	vand.u32 $0xFFFFFFF8, v31  }
0x26c: {  	v35 =	vand.u32 $0xFFFFFFF8, v48;
	v31 =	vor.u32 v9, v31  }
0x26d: {  	v35 =	vor.u32 v9, v35;
	v32 =	vld [tilespmem:$0x1FF70];
	[tilespmem:v54+s20+$0x0] =	vst.idx.msk $0xffff, v37  }
0x26e: {  	[tilespmem:v25+s20+$0x0] =	vst.idx.msk $0xffff, v22  }
0x26f: {  	v27 =	vor.u32 v12, v27;
	v55 =	vor.u32 s31, v2;
	v42 =	vor.u32 s0, v2;
	v2 =	vld [tilespmem:$0x1FE40];
	_ =	sdelay $0x1  }
0x270: {  	v31 =	vld.idx.msk [tilespmem:v31+s19+$0x0], $0xffff  }
0x271: {  	v35 =	vld.idx.msk [tilespmem:v35+s19+$0x0], $0xffff  }
0x272: {  	v34 =	vld [tilespmem:$0x1FEB0]  }
0x273: {  	v27 =	vld.idx.msk [tilespmem:v27+s19+$0x0], $0xffff;
	v47 =	vor.u32 s14, v2  }
0x274: {  	v29 =	vadd.s32 v32, v3  }
0x275: {  	v57 =	vadd.s32 v32, v58;
	v29 =	vand.u32 $0xFFFFFFF8, v29  }
0x276: {  	v37 =	vand.u32 $0xFFFFFFF8, v57;
	v29 =	vor.u32 v12, v29;
	[tilespmem:v55+s20+$0x0] =	vst.idx.msk $0xffff, v31  }
0x277: {  	v22 =	vadd.s32 v34, v60;
	v25 =	vor.u32 v12, v37;
	[tilespmem:v42+s20+$0x0] =	vst.idx.msk $0xffff, v35  }
0x278: {  	v22 =	vand.u32 $0xFFFFFFF8, v22;
	[tilespmem:v47+s20+$0x0] =	vst.idx.msk $0xffff, v27  }
0x279: {  	v22 =	vor.u32 v15, v22;
	v48 =	vor.u32 s31, v2;
	v55 =	vor.u32 s0, v2;
	v2 =	vld [tilespmem:$0x1FE80];
	_ =	sdelay $0x1  }
0x27a: {  	v29 =	vld.idx.msk [tilespmem:v29+s19+$0x0], $0xffff  }
0x27b: {  	v25 =	vld.idx.msk [tilespmem:v25+s19+$0x0], $0xffff  }
0x27c: {  	v36 =	vld [tilespmem:$0x1FEC0]  }
0x27d: {  	v22 =	vld.idx.msk [tilespmem:v22+s19+$0x0], $0xffff;
	v57 =	vor.u32 s14, v2  }
0x27e: {  	v31 =	vadd.s32 v34, v3  }
0x27f: {  	v54 =	vadd.s32 v34, v58;
	v31 =	vand.u32 $0xFFFFFFF8, v31  }
0x280: {  	v35 =	vand.u32 $0xFFFFFFF8, v54;
	v31 =	vor.u32 v15, v31;
	[tilespmem:v48+s20+$0x0] =	vst.idx.msk $0xffff, v29  }
0x281: {  	v35 =	vor.u32 v15, v35;
	[tilespmem:v55+s20+$0x0] =	vst.idx.msk $0xffff, v25;
	v27 =	vadd.s32 v36, v60  }
0x282: {  	v27 =	vand.u32 $0xFFFFFFF8, v27;
	[tilespmem:v57+s20+$0x0] =	vst.idx.msk $0xffff, v22  }
0x283: {  	v42 =	vor.u32 s31, v2;
	v47 =	vor.u32 s0, v2;
	v27 =	vor.u32 v18, v27;
	v2 =	vld [tilespmem:$0x1FE90];
	_ =	sdelay $0x1  }
0x284: {  	v31 =	vld.idx.msk [tilespmem:v31+s19+$0x0], $0xffff  }
0x285: {  	v35 =	vld.idx.msk [tilespmem:v35+s19+$0x0], $0xffff  }
0x286: {  	v38 =	vld [tilespmem:$0x1FEE0]  }
0x287: {  	v27 =	vld.idx.msk [tilespmem:v27+s19+$0x0], $0xffff;
	v48 =	vor.u32 s14, v2  }
0x288: {  	v29 =	vadd.s32 v36, v3  }
0x289: {  	v25 =	vadd.s32 v36, v58;
	v29 =	vand.u32 $0xFFFFFFF8, v29  }
0x28a: {  	v25 =	vand.u32 $0xFFFFFFF8, v25;
	v29 =	vor.u32 v18, v29;
	[tilespmem:v42+s20+$0x0] =	vst.idx.msk $0xffff, v31  }
0x28b: {  	v25 =	vor.u32 v18, v25;
	[tilespmem:v47+s20+$0x0] =	vst.idx.msk $0xffff, v35;
	v22 =	vadd.s32 v38, v60  }
0x28c: {  	v22 =	vand.u32 $0xFFFFFFF8, v22;
	[tilespmem:v48+s20+$0x0] =	vst.idx.msk $0xffff, v27  }
0x28d: {  	v54 =	vor.u32 s31, v2;
	v57 =	vor.u32 s0, v2;
	v22 =	vor.u32 v21, v22;
	v2 =	vld [tilespmem:$0x1FD70];
	_ =	sdelay $0x1  }
0x28e: {  	v29 =	vld.idx.msk [tilespmem:v29+s19+$0x0], $0xffff  }
0x28f: {  	v25 =	vld.idx.msk [tilespmem:v25+s19+$0x0], $0xffff;
	v31 =	vadd.s32 v38, v3  }
0x290: {  	v31 =	vand.u32 $0xFFFFFFF8, v31;
	v40 =	vld [tilespmem:$0x1FD80]  }
0x291: {  	v31 =	vor.u32 v21, v31;
	v22 =	vld.idx.msk [tilespmem:v22+s19+$0x0], $0xffff;
	v42 =	vor.u32 s14, v2  }
0x292: {  	v55 =	vadd.s32 v38, v58  }
0x293: {  	v35 =	vand.u32 $0xFFFFFFF8, v55  }
0x294: {  	v35 =	vor.u32 v21, v35;
	[tilespmem:v54+s20+$0x0] =	vst.idx.msk $0xffff, v29  }
0x295: {  	[tilespmem:v57+s20+$0x0] =	vst.idx.msk $0xffff, v25;
	v27 =	vadd.s32 v40, v60  }
0x296: {  	v29 =	vld.idx.msk [tilespmem:v31+s19+$0x0], $0xffff;
	v3 =	vadd.s32 v40, v3;
	v31 =	vor.u32 s31, v2;
	v27 =	vand.u32 $0xFFFFFFF8, v27;
	[tilespmem:v42+s20+$0x0] =	vst.idx.msk $0xffff, v22  }
0x297: {  	v48 =	vor.u32 s0, v2;
	v3 =	vand.u32 $0xFFFFFFF8, v3;
	v27 =	vor.u32 v24, v27;
	v2 =	vld [tilespmem:$0x1FD90]  }
0x298: {  	v47 =	vor.u32 v24, v3;
	v3 =	vadd.s32 v40, v58  }
0x299: {  	v25 =	vld.idx.msk [tilespmem:v35+s19+$0x0], $0xffff;
	v3 =	vand.u32 $0xFFFFFFF8, v3  }
0x29a: {  	v54 =	vor.u32 v24, v3;
	_ =	sdelay $0x1  }
0x29b: {  	v27 =	vld.idx.msk [tilespmem:v27+s19+$0x0], $0xffff;
	v55 =	vor.u32 s14, v2  }
0x29c: {  	[tilespmem:v31+s20+$0x0] =	vst.idx.msk $0xffff, v29  }
0x29d: {  	[tilespmem:v48+s20+$0x0] =	vst.idx.msk $0xffff, v25;
	v29 =	vld.idx.msk [tilespmem:v47+s19+$0x0], $0xffff;
	v31 =	vor.u32 s31, v2  }
0x29e: {  	v60 =	vshll.u32 v61, $0x4;
	v3 =	vshll.u32 v5, $0x4;
	v35 =	vld.idx.msk [tilespmem:v54+s19+$0x0], $0xffff;
	v58 =	vor.u32 s0, v2  }
0x29f: {  	v22 =	vadd.s32 v6, v60;
	v5 =	vadd.s32 v6, v3  }
0x2a0: {  	v22 =	vand.u32 $0xFFFFFFF8, v22;
	v57 =	vand.u32 $0xFFFFFFF8, v5;
	v5 =	vshll.u32 v53, $0x4;
	[tilespmem:v55+s20+$0x0] =	vst.idx.msk $0xffff, v27  }
0x2a1: {  	v22 =	vor.u32 v1, v22;
	v25 =	vadd.s32 v6, v5;
	v2 =	vld [tilespmem:$0x1FEA0]  }
0x2a2: {  	v33 =	vor.u32 v1, v57;
	v25 =	vand.u32 $0xFFFFFFF8, v25;
	[tilespmem:v31+s20+$0x0] =	vst.idx.msk $0xffff, v29  }
0x2a3: {  	v25 =	vor.u32 v1, v25;
	[tilespmem:v58+s20+$0x0] =	vst.idx.msk $0xffff, v35  }
0x2a4: {  	v54 =	vld [tilespmem:$0x1FE50];
	_ =	sdelay $0x1  }
0x2a5: {  	v22 =	vld.idx.msk [tilespmem:v22+s21+$0x0], $0xffff;
	v61 =	vor.u32 s14, v2  }
0x2a6: {  	v31 =	vld.idx.msk [tilespmem:v33+s21+$0x0], $0xffff;
	v33 =	vor.u32 s31, v2  }
0x2a7: {  	v25 =	vld.idx.msk [tilespmem:v25+s21+$0x0], $0xffff;
	v37 =	vor.u32 s0, v2  }
0x2a8: {  	v19 =	vld.idx.msk [tilespmem:v19+s21+$0x0], $0xffff;
	v57 =	vor.u32 s13, v54  }
0x2a9: {  	v27 =	vadd.s32 v52, v60  }
0x2aa: {  	v27 =	vand.u32 $0xFFFFFFF8, v27;
	v29 =	vadd.s32 v52, v3;
	[tilespmem:v61+s20+$0x0] =	vst.idx.msk $0xffff, v22  }
0x2ab: {  	v47 =	vadd.s32 v52, v5;
	v27 =	vor.u32 v7, v27;
	v29 =	vand.u32 $0xFFFFFFF8, v29;
	[tilespmem:v33+s20+$0x0] =	vst.idx.msk $0xffff, v31  }
0x2ac: {  	v48 =	vadd.s32 v46, v59;
	v35 =	vand.u32 $0xFFFFFFF8, v47;
	v29 =	vor.u32 v7, v29;
	[tilespmem:v37+s20+$0x0] =	vst.idx.msk $0xffff, v25  }
0x2ad: {  	v41 =	vand.u32 $0xFFFFFFF8, v48;
	v35 =	vor.u32 v7, v35;
	[tilespmem:v57+s20+$0x0] =	vst.idx.msk $0xffff, v19  }
0x2ae: {  	v58 =	vor.u32 v9, v41;
	v53 =	vld [tilespmem:$0x1FE60];
	_ =	sdelay $0x1  }
0x2af: {  	v22 =	vadd.s32 v46, v60;
	v61 =	vor.u32 s14, v54;
	v27 =	vld.idx.msk [tilespmem:v27+s21+$0x0], $0xffff  }
0x2b0: {  	v47 =	vor.u32 s31, v54;
	v22 =	vand.u32 $0xFFFFFFF8, v22;
	v29 =	vld.idx.msk [tilespmem:v29+s21+$0x0], $0xffff  }
0x2b1: {  	v48 =	vor.u32 s0, v54;
	v35 =	vld.idx.msk [tilespmem:v35+s21+$0x0], $0xffff;
	v22 =	vor.u32 v9, v22  }
0x2b2: {  	v39 =	vld.idx.msk [tilespmem:v58+s21+$0x0], $0xffff;
	v52 =	vor.u32 s13, v53  }
0x2b3: {  	v31 =	vadd.s32 v46, v3;
	[tilespmem:v16+s20+$0x0] =	vst.idx.msk $0xffff, v13  }
0x2b4: {  	v11 =	vmov v50;
	v25 =	vadd.s32 v46, v5;
	v31 =	vand.u32 $0xFFFFFFF8, v31;
	[tilespmem:v61+s20+$0x0] =	vst.idx.msk $0xffff, v27  }
0x2b5: {  	v25 =	vand.u32 $0xFFFFFFF8, v25;
	v19 =	vadd.s32 v50, v59;
	v57 =	vadd.s32 v50, v3;
	[tilespmem:v47+s20+$0x0] =	vst.idx.msk $0xffff, v29  }
0x2b6: {  	v31 =	vor.u32 v9, v31;
	v25 =	vor.u32 v9, v25;
	[tilespmem:v48+s20+$0x0] =	vst.idx.msk $0xffff, v35;
	v22 =	vld.idx.msk [tilespmem:v22+s21+$0x0], $0xffff  }
0x2b7: {  	v19 =	vand.u32 $0xFFFFFFF8, v19;
	v27 =	vadd.s32 v50, v60;
	v61 =	vadd.s32 v50, v5;
	v50 =	vld [tilespmem:$0x1FDE0];
	[tilespmem:v52+s20+$0x0] =	vst.idx.msk $0xffff, v39  }
0x2b8: {  	v19 =	vor.u32 v12, v19;
	v55 =	vor.u32 s14, v53;
	v27 =	vand.u32 $0xFFFFFFF8, v27;
	v2 =	vld [tilespmem:$0x1FDA0]  }
0x2b9: {  	v27 =	vor.u32 v12, v27;
	_ =	sdelay $0x1  }
0x2ba: {  	v31 =	vld.idx.msk [tilespmem:v31+s21+$0x0], $0xffff;
	v58 =	vor.u32 s31, v53  }
0x2bb: {  	v16 =	vld.idx.msk [tilespmem:v25+s21+$0x0], $0xffff;
	v25 =	vor.u32 s0, v53  }
0x2bc: {  	v8 =	vmovc v46;
	v33 =	vand.u32 $0xFFFFFFF8, v57;
	v46 =	vand.u32 $0xFFFFFFF8, v61;
	v19 =	vld.idx.msk [tilespmem:v19+s21+$0x0], $0xffff;
	[tilespmem:v55+s20+$0x0] =	vst.idx.msk $0xffff, v22;
	v48 =	vor.u32 s13, v2  }
0x2bd: {  	v13 =	vor.u32 v12, v33;
	v33 =	vor.u32 v12, v46;
	v27 =	vld.idx.msk [tilespmem:v27+s21+$0x0], $0xffff;
	v52 =	vor.u32 s14, v2;
	_ =	sdelay $0x1  }
0x2be: {  	[tilespmem:v58+s20+$0x0] =	vst.idx.msk $0xffff, v31  }
0x2bf: {  	v31 =	vadd.s32 v51, v3;
	[tilespmem:v25+s20+$0x0] =	vst.idx.msk $0xffff, v16  }
0x2c0: {  	v47 =	vadd.s32 v51, v59;
	v61 =	vadd.s32 v51, v5;
	v31 =	vand.u32 $0xFFFFFFF8, v31;
	[tilespmem:v48+s20+$0x0] =	vst.idx.msk $0xffff, v19  }
0x2c1: {  	v39 =	vand.u32 $0xFFFFFFF8, v47;
	v16 =	vor.u32 v15, v31;
	v31 =	vld.idx.msk [tilespmem:v33+s21+$0x0], $0xffff;
	[tilespmem:v52+s20+$0x0] =	vst.idx.msk $0xffff, v27  }
0x2c2: {  	v22 =	vor.u32 v15, v39;
	v33 =	vand.u32 $0xFFFFFFF8, v61;
	v61 =	vld [tilespmem:$0x1FE70];
	_ =	sdelay $0x1  }
0x2c3: {  	v13 =	vld.idx.msk [tilespmem:v13+s21+$0x0], $0xffff;
	v58 =	vor.u32 s31, v2  }
0x2c4: {  	v25 =	vor.u32 s0, v2  }
0x2c5: {  	v10 =	vld.idx.msk [tilespmem:v10+s21+$0x0], $0xffff;
	v37 =	vor.u32 s8, v50  }
0x2c6: {  	v22 =	vld.idx.msk [tilespmem:v22+s21+$0x0], $0xffff;
	v27 =	vor.u32 s13, v61  }
0x2c7: {  	v55 =	vadd.s32 v51, v60  }
0x2c8: {  	v41 =	vand.u32 $0xFFFFFFF8, v55;
	[tilespmem:v58+s20+$0x0] =	vst.idx.msk $0xffff, v13  }
0x2c9: {  	v57 =	vor.u32 v15, v41;
	[tilespmem:v25+s20+$0x0] =	vst.idx.msk $0xffff, v31  }
0x2ca: {  	v46 =	vadd.s32 v14, v59;
	[tilespmem:v37+s20+$0x0] =	vst.idx.msk $0xffff, v10  }
0x2cb: {  	v47 =	vand.u32 $0xFFFFFFF8, v46;
	v33 =	vor.u32 v15, v33;
	[tilespmem:v27+s20+$0x0] =	vst.idx.msk $0xffff, v22  }
0x2cc: {  	v39 =	vor.u32 v18, v47;
	v2 =	vld [tilespmem:$0x1FDB0];
	_ =	sdelay $0x1  }
0x2cd: {  	v35 =	vld.idx.msk [tilespmem:v57+s21+$0x0], $0xffff;
	v13 =	vor.u32 s14, v61  }
0x2ce: {  	v16 =	vld.idx.msk [tilespmem:v16+s21+$0x0], $0xffff;
	v25 =	vor.u32 s31, v61  }
0x2cf: {  	v33 =	vld.idx.msk [tilespmem:v33+s21+$0x0], $0xffff;
	v27 =	vor.u32 s0, v61  }
0x2d0: {  	v48 =	vadd.s32 v14, v60;
	v58 =	vld.idx.msk [tilespmem:v39+s21+$0x0], $0xffff;
	v10 =	vor.u32 s13, v2  }
0x2d1: {  	v55 =	vadd.s32 v14, v3;
	v52 =	vand.u32 $0xFFFFFFF8, v48  }
0x2d2: {  	v29 =	vadd.s32 v20, v56;
	v31 =	vand.u32 $0xFFFFFFF8, v55;
	v41 =	vor.u32 v18, v52;
	[tilespmem:v13+s20+$0x0] =	vst.idx.msk $0xffff, v35  }
0x2d3: {  	v29 =	vand.u32 $0xFFFFFFF8, v29;
	v57 =	vadd.s32 v14, v5;
	v31 =	vor.u32 v18, v31;
	[tilespmem:v25+s20+$0x0] =	vst.idx.msk $0xffff, v16  }
0x2d4: {  	v29 =	vor.u32 v7, v29;
	v42 =	vand.u32 $0xFFFFFFF8, v57;
	v22 =	vadd.s32 v28, v59;
	v48 =	vld [tilespmem:$0x1FDF0];
	[tilespmem:v27+s20+$0x0] =	vst.idx.msk $0xffff, v33  }
0x2d5: {  	v46 =	vor.u32 v18, v42;
	v22 =	vand.u32 $0xFFFFFFF8, v22;
	[tilespmem:v10+s20+$0x0] =	vst.idx.msk $0xffff, v58  }
0x2d6: {  	v22 =	vor.u32 v21, v22;
	v55 =	vld [tilespmem:$0x1FDC0]  }
0x2d7: {  	v41 =	vld.idx.msk [tilespmem:v41+s21+$0x0], $0xffff;
	v47 =	vor.u32 s14, v2  }
0x2d8: {  	v31 =	vld.idx.msk [tilespmem:v31+s21+$0x0], $0xffff;
	v25 =	vor.u32 s31, v2  }
0x2d9: {  	v29 =	vld.idx.msk [tilespmem:v29+s21+$0x0], $0xffff;
	v13 =	vadd.s32 v28, v60;
	v42 =	vor.u32 s8, v48  }
0x2da: {  	v19 =	vadd.s32 v30, v56;
	v13 =	vand.u32 $0xFFFFFFF8, v13;
	v33 =	vor.u32 s0, v2;
	v37 =	vld.idx.msk [tilespmem:v46+s21+$0x0], $0xffff  }
0x2db: {  	v16 =	vadd.s32 v28, v3;
	v13 =	vor.u32 v21, v13;
	v22 =	vld.idx.msk [tilespmem:v22+s21+$0x0], $0xffff;
	v57 =	vor.u32 s13, v55  }
0x2dc: {  	v19 =	vand.u32 $0xFFFFFFF8, v19;
	v16 =	vand.u32 $0xFFFFFFF8, v16;
	v27 =	vadd.s32 v28, v5;
	[tilespmem:v47+s20+$0x0] =	vst.idx.msk $0xffff, v41  }
0x2dd: {  	v19 =	vor.u32 v9, v19;
	v16 =	vor.u32 v21, v16;
	v27 =	vand.u32 $0xFFFFFFF8, v27;
	v47 =	vld [tilespmem:$0x1FE00];
	[tilespmem:v25+s20+$0x0] =	vst.idx.msk $0xffff, v31  }
0x2de: {  	v52 =	vadd.s32 v23, v5;
	v27 =	vor.u32 v21, v27;
	[tilespmem:v42+s20+$0x0] =	vst.idx.msk $0xffff, v29  }
0x2df: {  	v46 =	vadd.s32 v23, v3;
	v10 =	vadd.s32 v23, v59;
	[tilespmem:v33+s20+$0x0] =	vst.idx.msk $0xffff, v37  }
0x2e0: {  	v58 =	vadd.s32 v23, v60;
	v10 =	vand.u32 $0xFFFFFFF8, v10;
	v13 =	vld.idx.msk [tilespmem:v13+s21+$0x0], $0xffff;
	[tilespmem:v57+s20+$0x0] =	vst.idx.msk $0xffff, v22  }
0x2e1: {  	v10 =	vor.u32 v24, v10;
	v31 =	vand.u32 $0xFFFFFFF8, v58;
	v25 =	vor.u32 s14, v55;
	v58 =	vld [tilespmem:$0x1FDD0]  }
0x2e2: {  	v41 =	vand.u32 $0xFFFFFFF8, v46;
	v29 =	vor.u32 v24, v31;
	v16 =	vld.idx.msk [tilespmem:v16+s21+$0x0], $0xffff;
	v31 =	vor.u32 s31, v55  }
0x2e3: {  	v41 =	vor.u32 v24, v41;
	v33 =	vand.u32 $0xFFFFFFF8, v52;
	v27 =	vld.idx.msk [tilespmem:v27+s21+$0x0], $0xffff;
	v37 =	vor.u32 s0, v55  }
0x2e4: {  	v19 =	vld.idx.msk [tilespmem:v19+s21+$0x0], $0xffff;
	v33 =	vor.u32 v24, v33;
	v35 =	vor.u32 s8, v47;
	_ =	sdelay $0x1  }
0x2e5: {  	v10 =	vld.idx.msk [tilespmem:v10+s21+$0x0], $0xffff;
	[tilespmem:v25+s20+$0x0] =	vst.idx.msk $0xffff, v13;
	v46 =	vor.u32 s13, v58  }
0x2e6: {  	v22 =	vadd.s32 v17, v59;
	[tilespmem:v31+s20+$0x0] =	vst.idx.msk $0xffff, v16;
	v25 =	vld.idx.msk [tilespmem:v29+s21+$0x0], $0xffff;
	v29 =	vor.u32 s14, v58  }
0x2e7: {  	v22 =	vand.u32 $0xFFFFFFF8, v22;
	v13 =	vadd.s32 v17, v60;
	[tilespmem:v37+s20+$0x0] =	vst.idx.msk $0xffff, v27;
	v31 =	vld.idx.msk [tilespmem:v41+s21+$0x0], $0xffff;
	v55 =	vor.u32 s31, v58  }
0x2e8: {  	[tilespmem:v35+s20+$0x0] =	vst.idx.msk $0xffff, v19;
	v22 =	vor.u32 v1, v22;
	v19 =	vld.idx.msk [tilespmem:v33+s21+$0x0], $0xffff;
	v58 =	vor.u32 s0, v58  }
0x2e9: {  	v57 =	vadd.s32 v32, v56;
	v13 =	vand.u32 $0xFFFFFFF8, v13  }
0x2ea: {  	v16 =	vadd.s32 v17, v3;
	v27 =	vand.u32 $0xFFFFFFF8, v57;
	v13 =	vor.u32 v1, v13;
	[tilespmem:v46+s20+$0x0] =	vst.idx.msk $0xffff, v10  }
0x2eb: {  	v57 =	vadd.s32 v17, v5;
	v16 =	vand.u32 $0xFFFFFFF8, v16;
	v27 =	vor.u32 v12, v27;
	[tilespmem:v29+s20+$0x0] =	vst.idx.msk $0xffff, v25  }
0x2ec: {  	v39 =	vand.u32 $0xFFFFFFF8, v57;
	v16 =	vor.u32 v1, v16;
	[tilespmem:v55+s20+$0x0] =	vst.idx.msk $0xffff, v31  }
0x2ed: {  	v35 =	vor.u32 v1, v39;
	v10 =	vadd.s32 v20, v59;
	[tilespmem:v58+s20+$0x0] =	vst.idx.msk $0xffff, v19;
	v22 =	vld.idx.msk [tilespmem:v22+s21+$0x0], $0xffff  }
0x2ee: {  	v37 =	vor.u32 s13, v50;
	v25 =	vadd.s32 v20, v60;
	v10 =	vand.u32 $0xFFFFFFF8, v10;
	v57 =	vld [tilespmem:$0x1FE10]  }
0x2ef: {  	v29 =	vor.u32 s14, v50;
	v13 =	vld.idx.msk [tilespmem:v13+s21+$0x0], $0xffff;
	v25 =	vand.u32 $0xFFFFFFF8, v25;
	v10 =	vor.u32 v7, v10  }
0x2f0: {  	v27 =	vld.idx.msk [tilespmem:v27+s21+$0x0], $0xffff;
	v31 =	vadd.s32 v20, v3;
	v25 =	vor.u32 v7, v25  }
0x2f1: {  	v46 =	vor.u32 s31, v50;
	v19 =	vadd.s32 v20, v5;
	v16 =	vld.idx.msk [tilespmem:v16+s21+$0x0], $0xffff;
	v31 =	vand.u32 $0xFFFFFFF8, v31  }
0x2f2: {  	v52 =	vor.u32 s0, v50;
	v33 =	vld.idx.msk [tilespmem:v35+s21+$0x0], $0xffff;
	v19 =	vand.u32 $0xFFFFFFF8, v19;
	v31 =	vor.u32 v7, v31  }
0x2f3: {  	v19 =	vor.u32 v7, v19;
	v55 =	vor.u32 s8, v57;
	[tilespmem:v37+s20+$0x0] =	vst.idx.msk $0xffff, v22;
	v22 =	vadd.s32 v30, v59  }
0x2f4: {  	v37 =	vor.u32 s13, v48;
	[tilespmem:v29+s20+$0x0] =	vst.idx.msk $0xffff, v13;
	v13 =	vadd.s32 v30, v60;
	v10 =	vld.idx.msk [tilespmem:v10+s21+$0x0], $0xffff;
	v22 =	vand.u32 $0xFFFFFFF8, v22  }
0x2f5: {  	v29 =	vor.u32 s14, v48;
	v25 =	vld.idx.msk [tilespmem:v25+s21+$0x0], $0xffff;
	v13 =	vand.u32 $0xFFFFFFF8, v13;
	v22 =	vor.u32 v9, v22  }
0x2f6: {  	[tilespmem:v46+s20+$0x0] =	vst.idx.msk $0xffff, v16;
	v13 =	vor.u32 v9, v13  }
0x2f7: {  	v58 =	vadd.s32 v30, v3;
	v50 =	vor.u32 s0, v48;
	[tilespmem:v52+s20+$0x0] =	vst.idx.msk $0xffff, v33;
	v31 =	vld.idx.msk [tilespmem:v31+s21+$0x0], $0xffff  }
0x2f8: {  	v42 =	vand.u32 $0xFFFFFFF8, v58;
	v33 =	vor.u32 s31, v48;
	v46 =	vadd.s32 v30, v5;
	v19 =	vld.idx.msk [tilespmem:v19+s21+$0x0], $0xffff;
	[tilespmem:v55+s20+$0x0] =	vst.idx.msk $0xffff, v27  }
0x2f9: {  	v39 =	vand.u32 $0xFFFFFFF8, v46;
	v27 =	vor.u32 v9, v42;
	v55 =	vld [tilespmem:$0x1FE20];
	[tilespmem:v37+s20+$0x0] =	vst.idx.msk $0xffff, v10;
	v10 =	vadd.s32 v32, v59  }
0x2fa: {  	v58 =	vor.u32 v9, v39;
	v42 =	vor.u32 s13, v47;
	[tilespmem:v29+s20+$0x0] =	vst.idx.msk $0xffff, v25;
	v22 =	vld.idx.msk [tilespmem:v22+s21+$0x0], $0xffff;
	v10 =	vand.u32 $0xFFFFFFF8, v10  }
0x2fb: {  	v16 =	vadd.s32 v34, v56;
	v25 =	vor.u32 s14, v47;
	v13 =	vld.idx.msk [tilespmem:v13+s21+$0x0], $0xffff;
	v10 =	vor.u32 v12, v10  }
0x2fc: {  	v48 =	vadd.s32 v32, v5;
	v16 =	vand.u32 $0xFFFFFFF8, v16;
	v29 =	vadd.s32 v32, v60  }
0x2fd: {  	v16 =	vor.u32 v15, v16;
	[tilespmem:v33+s20+$0x0] =	vst.idx.msk $0xffff, v31;
	v31 =	vadd.s32 v32, v3;
	v29 =	vand.u32 $0xFFFFFFF8, v29  }
0x2fe: {  	v46 =	vor.u32 s31, v47;
	[tilespmem:v50+s20+$0x0] =	vst.idx.msk $0xffff, v19;
	v31 =	vand.u32 $0xFFFFFFF8, v31;
	v29 =	vor.u32 v12, v29;
	v27 =	vld.idx.msk [tilespmem:v27+s21+$0x0], $0xffff  }
0x2ff: {  	v35 =	vand.u32 $0xFFFFFFF8, v48;
	v37 =	vld.idx.msk [tilespmem:v58+s21+$0x0], $0xffff;
	v19 =	vor.u32 v12, v31;
	v31 =	vor.u32 s0, v47;
	[tilespmem:v42+s20+$0x0] =	vst.idx.msk $0xffff, v22  }
0x300: {  	v35 =	vor.u32 v12, v35;
	[tilespmem:v25+s20+$0x0] =	vst.idx.msk $0xffff, v13;
	v13 =	vor.u32 s13, v57;
	v10 =	vld.idx.msk [tilespmem:v10+s21+$0x0], $0xffff;
	_ =	sdelay $0x1  }
0x301: {  	v16 =	vld.idx.msk [tilespmem:v16+s21+$0x0], $0xffff;
	v41 =	vor.u32 s8, v55  }
0x302: {  	v50 =	vadd.s32 v34, v59;
	v29 =	vld.idx.msk [tilespmem:v29+s21+$0x0], $0xffff;
	[tilespmem:v46+s20+$0x0] =	vst.idx.msk $0xffff, v27;
	v27 =	vor.u32 s14, v57  }
0x303: {  	v52 =	vadd.s32 v34, v60;
	v25 =	vand.u32 $0xFFFFFFF8, v50;
	[tilespmem:v31+s20+$0x0] =	vst.idx.msk $0xffff, v37;
	v31 =	vor.u32 s31, v57;
	v19 =	vld.idx.msk [tilespmem:v19+s21+$0x0], $0xffff  }
0x304: {  	v48 =	vor.u32 s0, v57;
	v25 =	vor.u32 v15, v25;
	[tilespmem:v13+s20+$0x0] =	vst.idx.msk $0xffff, v10;
	v13 =	vld.idx.msk [tilespmem:v35+s21+$0x0], $0xffff  }
0x305: {  	v58 =	vand.u32 $0xFFFFFFF8, v52  }
0x306: {  	v33 =	vor.u32 v15, v58;
	v42 =	vadd.s32 v34, v3;
	[tilespmem:v41+s20+$0x0] =	vst.idx.msk $0xffff, v16  }
0x307: {  	v22 =	vadd.s32 v36, v56;
	v46 =	vand.u32 $0xFFFFFFF8, v42;
	v10 =	vadd.s32 v34, v5;
	[tilespmem:v27+s20+$0x0] =	vst.idx.msk $0xffff, v29  }
0x308: {  	v50 =	vadd.s32 v36, v59;
	v37 =	vor.u32 v15, v46;
	v10 =	vand.u32 $0xFFFFFFF8, v10;
	[tilespmem:v31+s20+$0x0] =	vst.idx.msk $0xffff, v19  }
0x309: {  	v22 =	vand.u32 $0xFFFFFFF8, v22;
	v16 =	vor.u32 s13, v55;
	v25 =	vld.idx.msk [tilespmem:v25+s21+$0x0], $0xffff;
	v10 =	vor.u32 v15, v10;
	[tilespmem:v48+s20+$0x0] =	vst.idx.msk $0xffff, v13  }
0x30a: {  	v22 =	vor.u32 v18, v22;
	v41 =	vand.u32 $0xFFFFFFF8, v50;
	v46 =	vld [tilespmem:$0x1FE30]  }
0x30b: {  	v52 =	vor.u32 s14, v55;
	v27 =	vadd.s32 v36, v60;
	v29 =	vor.u32 v18, v41;
	v33 =	vld.idx.msk [tilespmem:v33+s21+$0x0], $0xffff  }
0x30c: {  	v47 =	vadd.s32 v38, v56;
	v27 =	vand.u32 $0xFFFFFFF8, v27  }
0x30d: {  	v31 =	vadd.s32 v36, v3;
	v19 =	vor.u32 v18, v27;
	v27 =	vor.u32 s31, v55;
	v37 =	vld.idx.msk [tilespmem:v37+s21+$0x0], $0xffff  }
0x30e: {  	v31 =	vand.u32 $0xFFFFFFF8, v31;
	v48 =	vadd.s32 v36, v5;
	[tilespmem:v16+s20+$0x0] =	vst.idx.msk $0xffff, v25;
	v25 =	vor.u32 s0, v55;
	v10 =	vld.idx.msk [tilespmem:v10+s21+$0x0], $0xffff  }
0x30f: {  	v22 =	vld.idx.msk [tilespmem:v22+s21+$0x0], $0xffff;
	v31 =	vor.u32 v18, v31;
	v39 =	vand.u32 $0xFFFFFFF8, v48;
	v13 =	vor.u32 s8, v46  }
0x310: {  	v47 =	vand.u32 $0xFFFFFFF8, v47;
	v29 =	vld.idx.msk [tilespmem:v29+s21+$0x0], $0xffff;
	v39 =	vor.u32 v18, v39;
	[tilespmem:v52+s20+$0x0] =	vst.idx.msk $0xffff, v33;
	v16 =	vor.u32 s13, v46  }
0x311: {  	v35 =	vor.u32 v21, v47;
	v2 =	vld [tilespmem:$0x1FD50]  }
0x312: {  	[tilespmem:v27+s20+$0x0] =	vst.idx.msk $0xffff, v37  }
0x313: {  	v19 =	vld.idx.msk [tilespmem:v19+s21+$0x0], $0xffff;
	v27 =	vor.u32 s14, v46;
	[tilespmem:v25+s20+$0x0] =	vst.idx.msk $0xffff, v10  }
0x314: {  	v31 =	vld.idx.msk [tilespmem:v31+s21+$0x0], $0xffff;
	[tilespmem:v13+s20+$0x0] =	vst.idx.msk $0xffff, v22;
	v22 =	vor.u32 s31, v46  }
0x315: {  	[tilespmem:v16+s20+$0x0] =	vst.idx.msk $0xffff, v29;
	v16 =	vor.u32 s0, v46;
	v29 =	vld.idx.msk [tilespmem:v39+s21+$0x0], $0xffff  }
0x316: {  	v50 =	vadd.s32 v38, v59;
	v52 =	vor.u32 s8, v2;
	v35 =	vld.idx.msk [tilespmem:v35+s21+$0x0], $0xffff  }
0x317: {  	v55 =	vadd.s32 v40, v56;
	v56 =	vadd.s32 v38, v60;
	v33 =	vand.u32 $0xFFFFFFF8, v50;
	[tilespmem:v62+s20+$0x0] =	vst.idx.msk $0xffff, v63  }
0x318: {  	v57 =	vadd.s32 v38, v3;
	v33 =	vor.u32 v21, v33;
	v13 =	vand.u32 $0xFFFFFFF8, v56;
	[tilespmem:v27+s20+$0x0] =	vst.idx.msk $0xffff, v19  }
0x319: {  	v25 =	vadd.s32 v38, v5;
	v10 =	vor.u32 v21, v13;
	v13 =	vand.u32 $0xFFFFFFF8, v57;
	[tilespmem:v22+s20+$0x0] =	vst.idx.msk $0xffff, v31  }
0x31a: {  	v58 =	vadd.s32 v40, v60;
	v25 =	vand.u32 $0xFFFFFFF8, v25;
	v13 =	vor.u32 v21, v13;
	[tilespmem:v16+s20+$0x0] =	vst.idx.msk $0xffff, v29  }
0x31b: {  	v3 =	vadd.s32 v40, v3;
	v25 =	vor.u32 v21, v25;
	[tilespmem:v52+s20+$0x0] =	vst.idx.msk $0xffff, v35  }
0x31c: {  	v3 =	vand.u32 $0xFFFFFFF8, v3;
	v19 =	vand.u32 $0xFFFFFFF8, v55;
	v27 =	vadd.s32 v40, v59;
	v62 =	vld [tilespmem:$0x1FD30]  }
0x31d: {  	v19 =	vor.u32 v24, v19;
	v27 =	vand.u32 $0xFFFFFFF8, v27;
	v22 =	vor.u32 s13, v2;
	v31 =	vld.idx.msk [tilespmem:v33+s21+$0x0], $0xffff  }
0x31e: {  	v60 =	vor.u32 s14, v2;
	v59 =	vand.u32 $0xFFFFFFF8, v58;
	v27 =	vor.u32 v24, v27;
	v10 =	vld.idx.msk [tilespmem:v10+s21+$0x0], $0xffff  }
0x31f: {  	v5 =	vadd.s32 v40, v5;
	v33 =	vor.u32 v24, v59;
	v16 =	vor.u32 s31, v2;
	v13 =	vld.idx.msk [tilespmem:v13+s21+$0x0], $0xffff  }
0x320: {  	v3 =	vor.u32 v24, v3;
	v5 =	vand.u32 $0xFFFFFFF8, v5;
	v29 =	vor.u32 s0, v2;
	v25 =	vld.idx.msk [tilespmem:v25+s21+$0x0], $0xffff  }
0x321: {  	v0 =	vld.idx.msk [tilespmem:v0+s21+$0x0], $0xffff;
	v5 =	vor.u32 v24, v5;
	v63 =	vor.u32 s5, v62  }
0x322: {  	v19 =	vld.idx.msk [tilespmem:v19+s21+$0x0], $0xffff;
	[tilespmem:v22+s20+$0x0] =	vst.idx.msk $0xffff, v31;
	v22 =	vor.u32 s8, v62  }
0x323: {  	[tilespmem:v60+s20+$0x0] =	vst.idx.msk $0xffff, v10;
	v10 =	vld.idx.msk [tilespmem:v27+s21+$0x0], $0xffff;
	v27 =	vor.u32 s13, v62  }
0x324: {  	[tilespmem:v16+s20+$0x0] =	vst.idx.msk $0xffff, v13;
	v13 =	vld.idx.msk [tilespmem:v33+s21+$0x0], $0xffff;
	v16 =	vor.u32 s14, v62  }
0x325: {  	[tilespmem:v29+s20+$0x0] =	vst.idx.msk $0xffff, v25;
	v25 =	vor.u32 s31, v62;
	v3 =	vld.idx.msk [tilespmem:v3+s21+$0x0], $0xffff  }
0x326: {  	[tilespmem:v63+s20+$0x0] =	vst.idx.msk $0xffff, v0;
	v0 =	vld.idx.msk [tilespmem:v5+s21+$0x0], $0xffff;
	v5 =	vor.u32 s0, v62  }
0x327: {  	[tilespmem:v22+s20+$0x0] =	vst.idx.msk $0xffff, v19  }
0x328: {  	[tilespmem:v27+s20+$0x0] =	vst.idx.msk $0xffff, v10  }
0x329: {  	s14 =	sshll.u32 s15, $0x10;
	[tilespmem:v16+s20+$0x0] =	vst.idx.msk $0xffff, v13  }
0x32a: {  	s0 =	sor.u32 s10, s14;
	[tilespmem:v25+s20+$0x0] =	vst.idx.msk $0xffff, v3  }
0x32b: {  	s3 =	sadd.s32 s1, s0;
	[tilespmem:v5+s20+$0x0] =	vst.idx.msk $0xffff, v0  }
0x32c: {  	[hbm4b:s3+s2] =	stream.linear.scatter [tilespmem:s20], [sflag:$0x3], $0x2000, $0x38;
	v41 =	vld [tilespmem:$0x1FFB0]  }
0x32d: {  	s23 =	simm.s32 $0x38A0;
	s22 =	sadd.s32 s0, s9;
	v35 =	vld [tilespmem:$0x1FFC0]  }
0x32e: {  	v19 =	vld [tilespmem:$0x1FEF0];
	[hbm4b:s22+s2] =	stream.linear.scatter [tilespmem:s23], [sflag:$0x3], $0x2000, $0x38  }
0x32f: {  	s28 =	simm.s32 $0x58A0;
	s24 =	sadd.s32 s0, s11;
	v25 =	vld [tilespmem:$0x1FF00]  }
0x330: {  	v37 =	vld [tilespmem:$0x1FF10];
	[hbm4b:s24+s2] =	stream.linear.scatter [tilespmem:s28], [sflag:$0x3], $0x2000, $0x38  }
0x331: {  	s31 =	simm.s32 $0x78A0;
	s0 =	sadd.s32 s0, s12;
	v59 =	vld [tilespmem:$0x1FF20]  }
0x332: {  	v62 =	vld [tilespmem:$0x1FFE0];
	[hbm4b:s0+s2] =	stream.linear.scatter [tilespmem:s31], [sflag:$0x3], $0x2000, $0x38  }
0x333: {  	v31 =	vld [tilespmem:$0x1FE40];
	s0 =	sadd.s32 $0x2, s4  }
0x334: {  	v33 =	vld [tilespmem:$0x1FE80];
	p1 =	sge.u32 s0, s6  }
0x335: {  	v26 =	vmov v17;
	v17 =	vmov v14;
	v14 =	vmov v38;
	v60 =	vld [tilespmem:$0x1FE90];
	s0 =	sshll.u32 @!p1 s0, $0xD  }
0x336: {  	v42 =	vmovc v49;
	v56 =	vmovc v61;
	v46 =	vmov v4;
	v55 =	vmov v11;
	v58 =	vmov v28;
	v10 =	vld [tilespmem:$0x1FEA0];
	s3 =	simm.s32 @!p1 $0x0;
	s5 =	simm.s32 @!p1 $0x8A0;
	s0 =	sadd.s32 @!p1 s0, s7  }
0x337: {  	v11 =	vmovc v26;
	v28 =	vmovc v20;
	v2 =	vmov v6;
	v13 =	vmov v54;
	v54 =	vmov v53;
	v6 =	vld [tilespmem:$0x1FFF0];
	[tilespmem:s5], [sflag:$0x1] =	stream.linear.gather @!p1 [hbm4b:s0+s3], $0x800, $0x38  }
.LBB2_6:
0x338: {  	s5 =	sor.u32 $0x1, s4  }
0x339: {  	p1 =	sge.u32 s5, s6  }
.Ltmp6:
0x33a: {  	_ = 	snop;
	(pc) =	sbr.rel @p1 .LBB2_10-.Ltmp6, $1  }
0x33b: {  	_ =	sdelay $0x3  }
0x33c: {  	_ =	swait.ge [sflag:s25], $0x800  }
0x33d: {  	[sflag:s25] =	ssyncset.done $0x0  }
0x33e: {  	s0 =	simm.s32 @!p0 $0x4;
	[sflag:s25] =	ssyncadd.s32 $0xFFFFF800  }
0x33f: {  	_ =	swait.ge @!p0 [sflag:s0], $0x2000  }
0x340: {  	[sflag:s0] =	ssyncset.done @!p0 $0x0  }
0x341: {  	[sflag:s0] =	ssyncadd.s32 @!p0 $0xFFFFE000  }
0x342: {  	s3 =	simm.s32 $0x0;
	_ =	swait.ge @!p0 [sflag:s0], $0x2000  }
0x343: {  	s8 =	simm.s32 $0x0;
	s3 =	sand.u32 $0x70, s3;
	[sflag:s0] =	ssyncset.done @!p0 $0x0  }
0x344: {  	s13 =	sor.u32 s3, s8;
	[sflag:s0] =	ssyncadd.s32 @!p0 $0xFFFFE000  }
0x345: {  	v0 =	vor.u32 s13, v44;
	_ =	swait.ge @!p0 [sflag:s0], $0x2000  }
0x346: {  	v0 =	vand.u32 v43, v0;
	[sflag:s0] =	ssyncset.done @!p0 $0x0  }
0x347: {  	[sflag:s0] =	ssyncadd.s32 @!p0 $0xFFFFE000  }
0x348: {  	_ =	swait.ge @!p0 [sflag:s0], $0x2000  }
0x349: {  	[sflag:s0] =	ssyncset.done @!p0 $0x0  }
0x34a: {  	[sflag:s0] =	ssyncadd.s32 @!p0 $0xFFFFE000  }
0x34b: {  	v0 =	vld.idx.msk [tilespmem:v0+s17+$0x0], $0xffff;
	_ =	sdelay $0x4  }
0x34c: {  	v53 =	vmov v10;
	v10 =	vshll.u32 v0, $0x4  }
0x34d: {  	v0 =	vadd.s32 v2, v10  }
0x34e: {  	v0 =	vand.u32 $0xFFFFFFF8, v0  }
0x34f: {  	v0 =	vor.u32 v1, v0;
	_ =	sdelay $0x1  }
0x350: {  	s14 =	simm.s32 $0x0  }
0x351: {  	s8 =	sor.u32 s3, s14  }
0x352: {  	v38 =	vmov v13;
	v3 =	vor.u32 s8, v44;
	v13 =	vadd.s32 v6, v10  }
0x353: {  	v5 =	vor.u32 s13, v46;
	v3 =	vand.u32 v45, v3;
	v16 =	vld.idx.msk [tilespmem:v0+s19+$0x0], $0xffff;
	v0 =	vand.u32 $0xFFFFFFF8, v13  }
0x354: {  	v13 =	vor.u32 v7, v0;
	_ =	sdelay $0x3  }
0x355: {  	v0 =	vld.idx.msk [tilespmem:v5+s17+$0x0], $0xffff;
	[tilespmem:v3+s26+$0x0] =	vst.idx.msk $0xffff, v16;
	v3 =	vadd.s32 v8, v10  }
0x356: {  	v5 =	vld.idx.msk [tilespmem:v13+s19+$0x0], $0xffff;
	v13 =	vor.u32 s8, v46;
	v3 =	vand.u32 $0xFFFFFFF8, v3  }
0x357: {  	v3 =	vor.u32 v9, v3;
	_ =	sdelay $0x3  }
0x358: {  	[tilespmem:v13+s26+$0x0] =	vst.idx.msk $0xffff, v5;
	v5 =	vadd.s32 v55, v10  }
0x359: {  	v13 =	vor.u32 s8, v41;
	v3 =	vld.idx.msk [tilespmem:v3+s19+$0x0], $0xffff;
	v5 =	vand.u32 $0xFFFFFFF8, v5  }
0x35a: {  	v5 =	vor.u32 v12, v5;
	_ =	sdelay $0x3  }
0x35b: {  	[tilespmem:v13+s26+$0x0] =	vst.idx.msk $0xffff, v3;
	v3 =	vadd.s32 v51, v10  }
0x35c: {  	v13 =	vor.u32 s8, v35;
	v5 =	vld.idx.msk [tilespmem:v5+s19+$0x0], $0xffff;
	v3 =	vand.u32 $0xFFFFFFF8, v3  }
0x35d: {  	s22 =	simm.s32 $0x10;
	v3 =	vor.u32 v15, v3  }
0x35e: {  	s23 =	simm.s32 $0x0;
	s0 =	sand.u32 $0x70, s22  }
0x35f: {  	s3 =	sor.u32 s0, s23  }
0x360: {  	v16 =	vor.u32 s3, v44  }
0x361: {  	v16 =	vand.u32 v43, v16;
	[tilespmem:v13+s26+$0x0] =	vst.idx.msk $0xffff, v5;
	v5 =	vadd.s32 v17, v10  }
0x362: {  	v13 =	vor.u32 s8, v42;
	v3 =	vld.idx.msk [tilespmem:v3+s19+$0x0], $0xffff;
	v5 =	vand.u32 $0xFFFFFFF8, v5  }
0x363: {  	v5 =	vor.u32 v18, v5;
	_ =	sdelay $0x2  }
0x364: {  	v16 =	vld.idx.msk [tilespmem:v16+s17+$0x0], $0xffff  }
0x365: {  	[tilespmem:v13+s26+$0x0] =	vst.idx.msk $0xffff, v3;
	v3 =	vadd.s32 v58, v10  }
0x366: {  	v13 =	vor.u32 s8, v19;
	v5 =	vld.idx.msk [tilespmem:v5+s19+$0x0], $0xffff;
	v3 =	vand.u32 $0xFFFFFFF8, v3  }
0x367: {  	v57 =	vmov v19;
	v19 =	vor.u32 v21, v3;
	_ =	sdelay $0x1  }
0x368: {  	v3 =	vshll.u32 v16, $0x4  }
0x369: {  	v16 =	vadd.s32 v2, v3  }
0x36a: {  	v16 =	vand.u32 $0xFFFFFFF8, v16;
	[tilespmem:v13+s26+$0x0] =	vst.idx.msk $0xffff, v5;
	v5 =	vadd.s32 v23, v10  }
0x36b: {  	v13 =	vor.u32 v1, v16;
	v16 =	vld.idx.msk [tilespmem:v19+s19+$0x0], $0xffff;
	v19 =	vor.u32 s8, v25;
	v5 =	vand.u32 $0xFFFFFFF8, v5  }
0x36c: {  	s24 =	simm.s32 $0x0;
	v5 =	vor.u32 v24, v5  }
0x36d: {  	s13 =	sor.u32 s0, s24  }
0x36e: {  	v22 =	vor.u32 s13, v44  }
0x36f: {  	v39 =	vmovc v58;
	v22 =	vand.u32 v45, v22;
	v58 =	vmov v25;
	v27 =	vadd.s32 v6, v3  }
0x370: {  	v25 =	vor.u32 s3, v46;
	v29 =	vld.idx.msk [tilespmem:v13+s19+$0x0], $0xffff;
	v13 =	vand.u32 $0xFFFFFFF8, v27;
	[tilespmem:v19+s26+$0x0] =	vst.idx.msk $0xffff, v16;
	v16 =	vadd.s32 v11, v10  }
0x371: {  	v27 =	vor.u32 s8, v37;
	v19 =	vor.u32 v7, v13;
	v5 =	vld.idx.msk [tilespmem:v5+s19+$0x0], $0xffff;
	v13 =	vand.u32 $0xFFFFFFF8, v16  }
0x372: {  	v16 =	vor.u32 v1, v13;
	_ =	sdelay $0x2  }
0x373: {  	v13 =	vld.idx.msk [tilespmem:v25+s17+$0x0], $0xffff;
	[tilespmem:v22+s26+$0x0] =	vst.idx.msk $0xffff, v29;
	v22 =	vadd.s32 v8, v3  }
0x374: {  	v25 =	vor.u32 s13, v46;
	v19 =	vld.idx.msk [tilespmem:v19+s19+$0x0], $0xffff;
	v22 =	vand.u32 $0xFFFFFFF8, v22;
	[tilespmem:v27+s26+$0x0] =	vst.idx.msk $0xffff, v5;
	v5 =	vadd.s32 v28, v10  }
0x375: {  	v27 =	vor.u32 s8, v59;
	v22 =	vor.u32 v9, v22;
	v16 =	vld.idx.msk [tilespmem:v16+s19+$0x0], $0xffff;
	v5 =	vand.u32 $0xFFFFFFF8, v5  }
0x376: {  	v5 =	vor.u32 v7, v5;
	_ =	sdelay $0x2  }
0x377: {  	[tilespmem:v25+s26+$0x0] =	vst.idx.msk $0xffff, v19  }
0x378: {  	v25 =	vor.u32 s13, v41;
	v22 =	vld.idx.msk [tilespmem:v22+s19+$0x0], $0xffff;
	[tilespmem:v27+s26+$0x0] =	vst.idx.msk $0xffff, v16  }
0x379: {  	v27 =	vor.u32 s8, v62;
	v5 =	vld.idx.msk [tilespmem:v5+s19+$0x0], $0xffff;
	_ =	sdelay $0x2  }
0x37a: {  	v19 =	vadd.s32 v55, v3  }
0x37b: {  	v19 =	vand.u32 $0xFFFFFFF8, v19;
	v16 =	vadd.s32 v30, v10;
	[tilespmem:v25+s26+$0x0] =	vst.idx.msk $0xffff, v22  }
0x37c: {  	v19 =	vor.u32 v12, v19;
	v16 =	vand.u32 $0xFFFFFFF8, v16;
	[tilespmem:v27+s26+$0x0] =	vst.idx.msk $0xffff, v5  }
0x37d: {  	v16 =	vor.u32 v9, v16;
	v48 =	vld [tilespmem:$0x1FD60];
	_ =	sdelay $0x3  }
0x37e: {  	v25 =	vor.u32 s13, v35;
	v19 =	vld.idx.msk [tilespmem:v19+s19+$0x0], $0xffff  }
0x37f: {  	v16 =	vld.idx.msk [tilespmem:v16+s19+$0x0], $0xffff;
	v27 =	vor.u32 s8, v48;
	_ =	sdelay $0x2  }
0x380: {  	v40 =	vmov v32;
	v22 =	vadd.s32 v51, v3  }
0x381: {  	s3 =	simm.s32 $0x20;
	v22 =	vand.u32 $0xFFFFFFF8, v22;
	v5 =	vadd.s32 v40, v10;
	[tilespmem:v25+s26+$0x0] =	vst.idx.msk $0xffff, v19  }
0x382: {  	s14 =	simm.s32 $0x0;
	s0 =	sand.u32 $0x70, s3;
	v22 =	vor.u32 v15, v22;
	v5 =	vand.u32 $0xFFFFFFF8, v5;
	[tilespmem:v27+s26+$0x0] =	vst.idx.msk $0xffff, v16  }
0x383: {  	s3 =	sor.u32 s0, s14;
	v5 =	vor.u32 v12, v5;
	v27 =	vld [tilespmem:$0x1FE40]  }
0x384: {  	v29 =	vor.u32 s3, v44  }
0x385: {  	v29 =	vand.u32 v43, v29  }
0x386: {  	v19 =	vadd.s32 v17, v3  }
0x387: {  	v25 =	vor.u32 s13, v42;
	v22 =	vld.idx.msk [tilespmem:v22+s19+$0x0], $0xffff;
	v19 =	vand.u32 $0xFFFFFFF8, v19;
	v16 =	vadd.s32 v34, v10  }
0x388: {  	v19 =	vor.u32 v18, v19;
	v5 =	vld.idx.msk [tilespmem:v5+s19+$0x0], $0xffff;
	v16 =	vand.u32 $0xFFFFFFF8, v16;
	v27 =	vor.u32 s8, v27  }
0x389: {  	v16 =	vor.u32 v15, v16  }
0x38a: {  	v29 =	vld.idx.msk [tilespmem:v29+s17+$0x0], $0xffff;
	_ =	sdelay $0x1  }
0x38b: {  	[tilespmem:v25+s26+$0x0] =	vst.idx.msk $0xffff, v22;
	v22 =	vadd.s32 v39, v3  }
0x38c: {  	v25 =	vor.u32 s13, v57;
	v19 =	vld.idx.msk [tilespmem:v19+s19+$0x0], $0xffff;
	v22 =	vand.u32 $0xFFFFFFF8, v22;
	[tilespmem:v27+s26+$0x0] =	vst.idx.msk $0xffff, v5;
	v5 =	vadd.s32 v36, v10  }
0x38d: {  	v22 =	vor.u32 v21, v22;
	v27 =	vor.u32 s8, v33;
	v16 =	vld.idx.msk [tilespmem:v16+s19+$0x0], $0xffff;
	v31 =	vand.u32 $0xFFFFFFF8, v5  }
0x38e: {  	v5 =	vshll.u32 v29, $0x4;
	v29 =	vor.u32 v18, v31;
	_ =	sdelay $0x1  }
0x38f: {  	v31 =	vadd.s32 v2, v5  }
0x390: {  	[tilespmem:v25+s26+$0x0] =	vst.idx.msk $0xffff, v19;
	v31 =	vand.u32 $0xFFFFFFF8, v31  }
0x391: {  	v22 =	vld.idx.msk [tilespmem:v22+s19+$0x0], $0xffff;
	v19 =	vor.u32 v1, v31;
	v31 =	vor.u32 s13, v58;
	[tilespmem:v27+s26+$0x0] =	vst.idx.msk $0xffff, v16  }
0x392: {  	v27 =	vld.idx.msk [tilespmem:v29+s19+$0x0], $0xffff;
	v29 =	vor.u32 s8, v60;
	_ =	sdelay $0x2  }
0x393: {  	v32 =	vmovc v14;
	v16 =	vadd.s32 v14, v10;
	v14 =	vmov v51;
	v51 =	vadd.s32 v6, v5;
	v4 =	vld [tilespmem:$0x1FDB0]  }
0x394: {  	v61 =	vmov v54;
	v54 =	vld [tilespmem:$0x1FD90];
	[tilespmem:v31+s26+$0x0] =	vst.idx.msk $0xffff, v22  }
0x395: {  	v50 =	vmov v11;
	[tilespmem:v29+s26+$0x0] =	vst.idx.msk $0xffff, v27  }
0x396: {  	v11 =	vmovc v37;
	v25 =	vadd.s32 v23, v3;
	v37 =	vand.u32 $0xFFFFFFF8, v51;
	v51 =	vmovc v23;
	v23 =	vmov v30;
	v30 =	vld [tilespmem:$0x1FD80]  }
0x397: {  	v63 =	vmov v35;
	v35 =	vor.u32 s3, v46  }
0x398: {  	s14 =	simm.s32 $0x0;
	v25 =	vand.u32 $0xFFFFFFF8, v25  }
0x399: {  	s14 =	sor.u32 s0, s14;
	v25 =	vor.u32 v24, v25  }
0x39a: {  	v49 =	vor.u32 s14, v44;
	v31 =	vadd.s32 v50, v3  }
0x39b: {  	v16 =	vand.u32 $0xFFFFFFF8, v16;
	v31 =	vand.u32 $0xFFFFFFF8, v31;
	v47 =	vld [tilespmem:$0x1FD70];
	v10 =	vadd.s32 v30, v10  }
0x39c: {  	v16 =	vor.u32 v21, v16;
	v27 =	vor.u32 v1, v31;
	v31 =	vand.u32 $0xFFFFFFF8, v10;
	v10 =	vld.idx.msk [tilespmem:v35+s17+$0x0], $0xffff  }
0x39d: {  	v52 =	vmov v33;
	v33 =	vand.u32 v45, v49;
	v19 =	vld.idx.msk [tilespmem:v19+s19+$0x0], $0xffff  }
0x39e: {  	v20 =	vmovc v41;
	v41 =	vmov v60;
	v60 =	vor.u32 s13, v11;
	v22 =	vor.u32 v7, v37;
	v25 =	vld.idx.msk [tilespmem:v25+s19+$0x0], $0xffff;
	_ =	sdelay $0x2  }
0x39f: {  	v16 =	vld.idx.msk [tilespmem:v16+s19+$0x0], $0xffff;
	v29 =	vor.u32 s8, v47;
	[tilespmem:$0x1FCF0] =	vst v10  }
0x3a0: {  	v31 =	vor.u32 v24, v31;
	[tilespmem:v33+s26+$0x0] =	vst.idx.msk $0xffff, v19;
	v19 =	vadd.s32 v8, v5  }
0x3a1: {  	v49 =	vor.u32 s14, v46;
	[tilespmem:v60+s26+$0x0] =	vst.idx.msk $0xffff, v25;
	v25 =	vadd.s32 v28, v3;
	v22 =	vld.idx.msk [tilespmem:v22+s19+$0x0], $0xffff;
	v19 =	vand.u32 $0xFFFFFFF8, v19  }
0x3a2: {  	v60 =	vor.u32 s13, v59;
	v27 =	vld.idx.msk [tilespmem:v27+s19+$0x0], $0xffff;
	v25 =	vand.u32 $0xFFFFFFF8, v25;
	v19 =	vor.u32 v9, v19  }
0x3a3: {  	v0 =	vshll.u32 v0, $0x4;
	v25 =	vor.u32 v7, v25  }
0x3a4: {  	[tilespmem:v29+s26+$0x0] =	vst.idx.msk $0xffff, v16;
	v16 =	vadd.s32 v2, v0  }
0x3a5: {  	v29 =	vld.idx.msk [tilespmem:v31+s19+$0x0], $0xffff;
	v16 =	vand.u32 $0xFFFFFFF8, v16  }
0x3a6: {  	v31 =	vor.u32 s8, v54;
	v16 =	vor.u32 v1, v16;
	[tilespmem:v49+s26+$0x0] =	vst.idx.msk $0xffff, v22;
	v22 =	vadd.s32 v55, v5  }
0x3a7: {  	v37 =	vor.u32 s14, v20;
	[tilespmem:v60+s26+$0x0] =	vst.idx.msk $0xffff, v27;
	v27 =	vadd.s32 v23, v3;
	v19 =	vld.idx.msk [tilespmem:v19+s19+$0x0], $0xffff;
	v22 =	vand.u32 $0xFFFFFFF8, v22  }
0x3a8: {  	v49 =	vor.u32 s13, v62;
	v25 =	vld.idx.msk [tilespmem:v25+s19+$0x0], $0xffff;
	v27 =	vand.u32 $0xFFFFFFF8, v27;
	v22 =	vor.u32 v12, v22  }
0x3a9: {  	v27 =	vor.u32 v9, v27;
	_ =	sdelay $0x1  }
0x3aa: {  	[tilespmem:v31+s26+$0x0] =	vst.idx.msk $0xffff, v29;
	v29 =	vadd.s32 v6, v0  }
0x3ab: {  	v31 =	vor.u32 s8, v53;
	v16 =	vld.idx.msk [tilespmem:v16+s21+$0x0], $0xffff;
	v29 =	vand.u32 $0xFFFFFFF8, v29;
	[tilespmem:v37+s26+$0x0] =	vst.idx.msk $0xffff, v19  }
0x3ac: {  	v33 =	vor.u32 s14, v63;
	v29 =	vor.u32 v7, v29;
	[tilespmem:v49+s26+$0x0] =	vst.idx.msk $0xffff, v25;
	v22 =	vld.idx.msk [tilespmem:v22+s19+$0x0], $0xffff  }
0x3ad: {  	v35 =	vor.u32 s13, v48;
	v27 =	vld.idx.msk [tilespmem:v27+s19+$0x0], $0xffff;
	_ =	sdelay $0x1  }
0x3ae: {  	v19 =	vadd.s32 v14, v5  }
0x3af: {  	v25 =	vadd.s32 v40, v3;
	[tilespmem:v31+s26+$0x0] =	vst.idx.msk $0xffff, v16;
	v16 =	vadd.s32 v8, v0;
	v19 =	vand.u32 $0xFFFFFFF8, v19  }
0x3b0: {  	s22 =	simm.s32 $0x30;
	v31 =	vor.u32 s8, v38;
	v29 =	vld.idx.msk [tilespmem:v29+s21+$0x0], $0xffff;
	v16 =	vand.u32 $0xFFFFFFF8, v16;
	v19 =	vor.u32 v15, v19;
	[tilespmem:v33+s26+$0x0] =	vst.idx.msk $0xffff, v22  }
0x3b1: {  	s23 =	sand.u32 $0x70, s22;
	s24 =	simm.s32 $0x0;
	v25 =	vand.u32 $0xFFFFFFF8, v25;
	v16 =	vor.u32 v9, v16;
	[tilespmem:v35+s26+$0x0] =	vst.idx.msk $0xffff, v27  }
0x3b2: {  	s0 =	sor.u32 s23, s24;
	v25 =	vor.u32 v12, v25;
	v35 =	vld [tilespmem:$0x1FE40]  }
0x3b3: {  	v60 =	vor.u32 s0, v44  }
0x3b4: {  	v49 =	vmovc v28;
	v28 =	vmov v36;
	v37 =	vand.u32 v43, v60;
	v22 =	vadd.s32 v17, v5  }
0x3b5: {  	v36 =	vmovc v34;
	v34 =	vmov v48;
	v48 =	vor.u32 s14, v42;
	v19 =	vld.idx.msk [tilespmem:v19+s19+$0x0], $0xffff;
	v22 =	vand.u32 $0xFFFFFFF8, v22;
	[tilespmem:v31+s26+$0x0] =	vst.idx.msk $0xffff, v29  }
0x3b6: {  	v60 =	vor.u32 s8, v61;
	v22 =	vor.u32 v18, v22;
	v16 =	vld.idx.msk [tilespmem:v16+s21+$0x0], $0xffff  }
0x3b7: {  	v25 =	vld.idx.msk [tilespmem:v25+s19+$0x0], $0xffff;
	v35 =	vor.u32 s13, v35  }
0x3b8: {  	v27 =	vadd.s32 v36, v3  }
0x3b9: {  	v27 =	vand.u32 $0xFFFFFFF8, v27;
	v31 =	vld.idx.msk [tilespmem:v37+s17+$0x0], $0xffff  }
0x3ba: {  	v27 =	vor.u32 v15, v27;
	[tilespmem:v48+s26+$0x0] =	vst.idx.msk $0xffff, v19;
	v19 =	vadd.s32 v39, v5  }
0x3bb: {  	v33 =	vor.u32 s14, v57;
	v29 =	vadd.s32 v55, v0;
	v22 =	vld.idx.msk [tilespmem:v22+s19+$0x0], $0xffff;
	v19 =	vand.u32 $0xFFFFFFF8, v19;
	[tilespmem:v60+s26+$0x0] =	vst.idx.msk $0xffff, v16  }
0x3bc: {  	v29 =	vand.u32 $0xFFFFFFF8, v29;
	v19 =	vor.u32 v21, v19;
	[tilespmem:v35+s26+$0x0] =	vst.idx.msk $0xffff, v25  }
0x3bd: {  	v29 =	vor.u32 v12, v29;
	v57 =	vld [tilespmem:$0x1FDA0]  }
0x3be: {  	v60 =	vshll.u32 v31, $0x4;
	v25 =	vadd.s32 v28, v3  }
0x3bf: {  	v48 =	vadd.s32 v2, v60;
	v35 =	vor.u32 s13, v52;
	v27 =	vld.idx.msk [tilespmem:v27+s19+$0x0], $0xffff;
	v25 =	vand.u32 $0xFFFFFFF8, v25  }
0x3c0: {  	v26 =	vmovc v39;
	v39 =	vor.u32 s14, v58;
	v37 =	vand.u32 $0xFFFFFFF8, v48;
	[tilespmem:v33+s26+$0x0] =	vst.idx.msk $0xffff, v22;
	v16 =	vor.u32 v18, v25  }
0x3c1: {  	v48 =	vadd.s32 v51, v5;
	v33 =	vor.u32 v1, v37;
	v25 =	vadd.s32 v14, v0;
	v19 =	vld.idx.msk [tilespmem:v19+s19+$0x0], $0xffff  }
0x3c2: {  	v29 =	vld.idx.msk [tilespmem:v29+s21+$0x0], $0xffff;
	v25 =	vand.u32 $0xFFFFFFF8, v25;
	v31 =	vor.u32 s8, v57  }
0x3c3: {  	v22 =	vor.u32 s8, v56;
	v37 =	vand.u32 $0xFFFFFFF8, v48;
	v25 =	vor.u32 v15, v25  }
0x3c4: {  	s22 =	simm.s32 $0x0;
	v48 =	vmov v42;
	v42 =	vadd.s32 v6, v60;
	[tilespmem:v35+s26+$0x0] =	vst.idx.msk $0xffff, v27;
	v27 =	vadd.s32 v32, v3  }
0x3c5: {  	s31 =	sor.u32 s23, s22;
	v35 =	vor.u32 v24, v37;
	v37 =	vor.u32 s13, v41;
	v16 =	vld.idx.msk [tilespmem:v16+s19+$0x0], $0xffff;
	v27 =	vand.u32 $0xFFFFFFF8, v27  }
0x3c6: {  	v42 =	vand.u32 $0xFFFFFFF8, v42;
	v41 =	vor.u32 s31, v44;
	v33 =	vld.idx.msk [tilespmem:v33+s19+$0x0], $0xffff;
	[tilespmem:v39+s26+$0x0] =	vst.idx.msk $0xffff, v19;
	v27 =	vor.u32 v21, v27  }
0x3c7: {  	v41 =	vand.u32 v45, v41;
	[tilespmem:v31+s26+$0x0] =	vst.idx.msk $0xffff, v29;
	v29 =	vadd.s32 v17, v0;
	v31 =	vor.u32 s0, v46  }
0x3c8: {  	v19 =	vor.u32 v7, v42;
	v39 =	vadd.s32 v50, v5;
	v25 =	vld.idx.msk [tilespmem:v25+s21+$0x0], $0xffff;
	v29 =	vand.u32 $0xFFFFFFF8, v29  }
0x3c9: {  	v39 =	vand.u32 $0xFFFFFFF8, v39;
	v29 =	vor.u32 v18, v29  }
0x3ca: {  	v35 =	vld.idx.msk [tilespmem:v35+s19+$0x0], $0xffff;
	[tilespmem:v37+s26+$0x0] =	vst.idx.msk $0xffff, v16  }
0x3cb: {  	v42 =	vor.u32 s14, v11;
	v16 =	vor.u32 v1, v39;
	v27 =	vld.idx.msk [tilespmem:v27+s19+$0x0], $0xffff  }
0x3cc: {  	v37 =	vor.u32 s13, v47;
	v39 =	vmov v38;
	v38 =	vmov v61;
	v61 =	vld.idx.msk [tilespmem:v31+s17+$0x0], $0xffff;
	[tilespmem:v41+s26+$0x0] =	vst.idx.msk $0xffff, v33  }
0x3cd: {  	v33 =	vor.u32 s31, v46;
	[tilespmem:v22+s26+$0x0] =	vst.idx.msk $0xffff, v25;
	v19 =	vld.idx.msk [tilespmem:v19+s19+$0x0], $0xffff  }
0x3ce: {  	v25 =	vor.u32 s8, v4;
	v29 =	vld.idx.msk [tilespmem:v29+s21+$0x0], $0xffff;
	_ =	sdelay $0x1  }
0x3cf: {  	v3 =	vadd.s32 v30, v3;
	[tilespmem:v42+s26+$0x0] =	vst.idx.msk $0xffff, v35  }
0x3d0: {  	v3 =	vand.u32 $0xFFFFFFF8, v3;
	v31 =	vadd.s32 v8, v60;
	[tilespmem:v37+s26+$0x0] =	vst.idx.msk $0xffff, v27  }
0x3d1: {  	v3 =	vor.u32 v24, v3;
	v22 =	vadd.s32 v26, v0;
	v31 =	vand.u32 $0xFFFFFFF8, v31;
	[tilespmem:v33+s26+$0x0] =	vst.idx.msk $0xffff, v19  }
0x3d2: {  	v41 =	vadd.s32 v49, v5;
	v22 =	vand.u32 $0xFFFFFFF8, v22;
	v31 =	vor.u32 v9, v31;
	[tilespmem:v25+s26+$0x0] =	vst.idx.msk $0xffff, v29  }
0x3d3: {  	v35 =	vand.u32 $0xFFFFFFF8, v41;
	v22 =	vor.u32 v21, v22;
	v41 =	vld [tilespmem:$0x1FDC0];
	_ =	sdelay $0x1  }
0x3d4: {  	v10 =	vmovc v47;
	v47 =	vmov v56;
	v56 =	vshll.u32 v13, $0x4;
	v13 =	vor.u32 s14, v59;
	v16 =	vld.idx.msk [tilespmem:v16+s19+$0x0], $0xffff  }
0x3d5: {  	v37 =	vor.u32 s13, v54;
	v3 =	vld.idx.msk [tilespmem:v3+s19+$0x0], $0xffff  }
0x3d6: {  	v33 =	vor.u32 s31, v20;
	v31 =	vld.idx.msk [tilespmem:v31+s19+$0x0], $0xffff  }
0x3d7: {  	v19 =	vld.idx.msk [tilespmem:v22+s21+$0x0], $0xffff;
	v29 =	vor.u32 s8, v41;
	_ =	sdelay $0x1  }
0x3d8: {  	v27 =	vadd.s32 v2, v56;
	[tilespmem:v13+s26+$0x0] =	vst.idx.msk $0xffff, v16  }
0x3d9: {  	v35 =	vor.u32 v7, v35;
	v27 =	vand.u32 $0xFFFFFFF8, v27;
	v22 =	vadd.s32 v55, v60;
	[tilespmem:v37+s26+$0x0] =	vst.idx.msk $0xffff, v3  }
0x3da: {  	v25 =	vor.u32 v1, v27;
	v27 =	vadd.s32 v51, v0;
	v22 =	vand.u32 $0xFFFFFFF8, v22;
	[tilespmem:v33+s26+$0x0] =	vst.idx.msk $0xffff, v31  }
0x3db: {  	v27 =	vand.u32 $0xFFFFFFF8, v27;
	v13 =	vor.u32 v12, v22;
	[tilespmem:v29+s26+$0x0] =	vst.idx.msk $0xffff, v19  }
0x3dc: {  	v27 =	vor.u32 v24, v27;
	v4 =	vld [tilespmem:$0x1FDD0];
	_ =	sdelay $0x1  }
0x3dd: {  	v22 =	vld.idx.msk [tilespmem:v35+s19+$0x0], $0xffff;
	v35 =	vor.u32 s14, v62  }
0x3de: {  	v42 =	vor.u32 s13, v53;
	v16 =	vadd.s32 v23, v5;
	v25 =	vld.idx.msk [tilespmem:v25+s21+$0x0], $0xffff  }
0x3df: {  	v63 =	vor.u32 s31, v63;
	v16 =	vand.u32 $0xFFFFFFF8, v16;
	v13 =	vld.idx.msk [tilespmem:v13+s19+$0x0], $0xffff  }
0x3e0: {  	v3 =	vadd.s32 v6, v56;
	v16 =	vor.u32 v9, v16;
	v27 =	vld.idx.msk [tilespmem:v27+s21+$0x0], $0xffff;
	v31 =	vor.u32 s8, v4  }
0x3e1: {  	v3 =	vand.u32 $0xFFFFFFF8, v3  }
0x3e2: {  	v3 =	vor.u32 v7, v3;
	[tilespmem:v35+s26+$0x0] =	vst.idx.msk $0xffff, v22  }
0x3e3: {  	[tilespmem:v42+s26+$0x0] =	vst.idx.msk $0xffff, v25  }
0x3e4: {  	v19 =	vadd.s32 v50, v0;
	[tilespmem:v63+s26+$0x0] =	vst.idx.msk $0xffff, v13  }
0x3e5: {  	v29 =	vadd.s32 v14, v60;
	v19 =	vand.u32 $0xFFFFFFF8, v19;
	v16 =	vld.idx.msk [tilespmem:v16+s19+$0x0], $0xffff;
	[tilespmem:v31+s26+$0x0] =	vst.idx.msk $0xffff, v27  }
0x3e6: {  	v53 =	vor.u32 s14, v34;
	v29 =	vand.u32 $0xFFFFFFF8, v29;
	v19 =	vor.u32 v1, v19;
	v4 =	vld [tilespmem:$0x1FDE0]  }
0x3e7: {  	v39 =	vor.u32 s13, v39;
	v22 =	vor.u32 v15, v29;
	v3 =	vld.idx.msk [tilespmem:v3+s21+$0x0], $0xffff;
	_ =	sdelay $0x1  }
0x3e8: {  	v29 =	vadd.s32 v40, v5  }
0x3e9: {  	v42 =	vadd.s32 v8, v56;
	v29 =	vand.u32 $0xFFFFFFF8, v29  }
0x3ea: {  	s22 =	simm.s32 $0x40;
	v37 =	vand.u32 $0xFFFFFFF8, v42;
	v29 =	vor.u32 v12, v29;
	v13 =	vld.idx.msk [tilespmem:v19+s21+$0x0], $0xffff;
	[tilespmem:v53+s26+$0x0] =	vst.idx.msk $0xffff, v16;
	v31 =	vor.u32 s8, v4  }
0x3eb: {  	s23 =	simm.s32 $0x0;
	s0 =	sand.u32 $0x70, s22;
	v22 =	vld.idx.msk [tilespmem:v22+s19+$0x0], $0xffff;
	v27 =	vor.u32 v9, v37;
	v37 =	vor.u32 s31, v48;
	[tilespmem:v39+s26+$0x0] =	vst.idx.msk $0xffff, v3  }
0x3ec: {  	s3 =	sor.u32 s0, s23;
	v3 =	vld [tilespmem:$0x1FE40]  }
0x3ed: {  	v25 =	vor.u32 s3, v44  }
0x3ee: {  	v25 =	vand.u32 v43, v25;
	v19 =	vadd.s32 v49, v0  }
0x3ef: {  	v43 =	vadd.s32 v17, v60;
	v19 =	vand.u32 $0xFFFFFFF8, v19;
	v29 =	vld.idx.msk [tilespmem:v29+s19+$0x0], $0xffff;
	[tilespmem:v31+s26+$0x0] =	vst.idx.msk $0xffff, v13  }
0x3f0: {  	v34 =	vmov v36;
	v33 =	vand.u32 $0xFFFFFFF8, v43;
	v16 =	vor.u32 v7, v19;
	v4 =	vld [tilespmem:$0x1FE20];
	[tilespmem:v37+s26+$0x0] =	vst.idx.msk $0xffff, v22  }
0x3f1: {  	v33 =	vor.u32 v18, v33;
	v19 =	vadd.s32 v34, v5;
	v3 =	vor.u32 s14, v3;
	v22 =	vld [tilespmem:$0x1FDF0]  }
0x3f2: {  	v36 =	vmov v30;
	v19 =	vand.u32 $0xFFFFFFF8, v19;
	v30 =	vld [tilespmem:$0x1FEF0]  }
0x3f3: {  	v25 =	vld.idx.msk [tilespmem:v25+s17+$0x0], $0xffff;
	v19 =	vor.u32 v15, v19  }
0x3f4: {  	v48 =	vadd.s32 v26, v60;
	v53 =	vadd.s32 v55, v56;
	v27 =	vld.idx.msk [tilespmem:v27+s21+$0x0], $0xffff  }
0x3f5: {  	v39 =	vor.u32 s13, v38;
	v38 =	vadd.s32 v23, v0;
	v35 =	vand.u32 $0xFFFFFFF8, v53;
	v16 =	vld.idx.msk [tilespmem:v16+s21+$0x0], $0xffff  }
0x3f6: {  	v31 =	vor.u32 v12, v35;
	v35 =	vand.u32 $0xFFFFFFF8, v38;
	v33 =	vld.idx.msk [tilespmem:v33+s19+$0x0], $0xffff;
	[tilespmem:v3+s26+$0x0] =	vst.idx.msk $0xffff, v29;
	v22 =	vor.u32 s8, v22  }
0x3f7: {  	v63 =	vmovc v50;
	v50 =	vmovc v41;
	v53 =	vand.u32 $0xFFFFFFF8, v48;
	v35 =	vor.u32 v9, v35;
	v29 =	vld [tilespmem:$0x1FE00];
	v41 =	vor.u32 s31, v30  }
0x3f8: {  	v42 =	vor.u32 s14, v52;
	v37 =	vor.u32 v21, v53;
	v19 =	vld.idx.msk [tilespmem:v19+s19+$0x0], $0xffff;
	_ =	sdelay $0x1  }
0x3f9: {  	v3 =	vadd.s32 v28, v5;
	[tilespmem:v39+s26+$0x0] =	vst.idx.msk $0xffff, v27  }
0x3fa: {  	v48 =	vadd.s32 v14, v56;
	v38 =	vand.u32 $0xFFFFFFF8, v3;
	v31 =	vld.idx.msk [tilespmem:v31+s21+$0x0], $0xffff;
	[tilespmem:v22+s26+$0x0] =	vst.idx.msk $0xffff, v16  }
0x3fb: {  	v27 =	vor.u32 s13, v57;
	v3 =	vshll.u32 v25, $0x4;
	v25 =	vor.u32 v18, v38;
	[tilespmem:v41+s26+$0x0] =	vst.idx.msk $0xffff, v33;
	v35 =	vld.idx.msk [tilespmem:v35+s21+$0x0], $0xffff  }
0x3fc: {  	v39 =	vand.u32 $0xFFFFFFF8, v48;
	v29 =	vor.u32 s8, v29;
	[tilespmem:v42+s26+$0x0] =	vst.idx.msk $0xffff, v19;
	v37 =	vld.idx.msk [tilespmem:v37+s19+$0x0], $0xffff  }
0x3fd: {  	v52 =	vmov v20;
	v48 =	vor.u32 s31, v58;
	v33 =	vor.u32 v15, v39;
	v20 =	vld [tilespmem:$0x1FE90];
	_ =	sdelay $0x1  }
0x3fe: {  	v53 =	vadd.s32 v2, v3  }
0x3ff: {  	v57 =	vadd.s32 v51, v60;
	v25 =	vld.idx.msk [tilespmem:v25+s19+$0x0], $0xffff;
	v22 =	vand.u32 $0xFFFFFFF8, v53;
	[tilespmem:v27+s26+$0x0] =	vst.idx.msk $0xffff, v31  }
0x400: {  	v16 =	vadd.s32 v40, v0;
	v39 =	vand.u32 $0xFFFFFFF8, v57;
	v22 =	vor.u32 v1, v22;
	[tilespmem:v29+s26+$0x0] =	vst.idx.msk $0xffff, v35  }
0x401: {  	v16 =	vand.u32 $0xFFFFFFF8, v16;
	v39 =	vor.u32 v24, v39;
	v31 =	vld.idx.msk [tilespmem:v33+s21+$0x0], $0xffff;
	v58 =	vor.u32 s14, v20;
	[tilespmem:v48+s26+$0x0] =	vst.idx.msk $0xffff, v37  }
0x402: {  	s24 =	simm.s32 $0x0;
	v38 =	vadd.s32 v17, v56;
	v27 =	vor.u32 s13, v47;
	v16 =	vor.u32 v12, v16;
	v17 =	vld [tilespmem:$0x1FE10]  }
0x403: {  	s0 =	sor.u32 s0, s24  }
0x404: {  	v19 =	vadd.s32 v32, v5;
	v57 =	vor.u32 s0, v44  }
0x405: {  	v19 =	vand.u32 $0xFFFFFFF8, v19;
	v44 =	vor.u32 s3, v46;
	v42 =	vand.u32 v45, v57;
	v22 =	vld.idx.msk [tilespmem:v22+s19+$0x0], $0xffff  }
0x406: {  	v19 =	vor.u32 v21, v19;
	v33 =	vand.u32 $0xFFFFFFF8, v38;
	[tilespmem:v58+s26+$0x0] =	vst.idx.msk $0xffff, v25;
	v25 =	vld.idx.msk [tilespmem:v39+s19+$0x0], $0xffff;
	v58 =	vor.u32 s31, v11  }
0x407: {  	v33 =	vor.u32 v18, v33;
	v16 =	vld.idx.msk [tilespmem:v16+s21+$0x0], $0xffff;
	[tilespmem:v27+s26+$0x0] =	vst.idx.msk $0xffff, v31;
	v48 =	vor.u32 s8, v17  }
0x408: {  	v47 =	vadd.s32 v6, v3;
	v57 =	vadd.s32 v63, v60;
	v11 =	vld [tilespmem:$0x1FDB0]  }
0x409: {  	v41 =	vand.u32 $0xFFFFFFF8, v57;
	v29 =	vadd.s32 v34, v0;
	v35 =	vand.u32 $0xFFFFFFF8, v47  }
0x40a: {  	v34 =	vadd.s32 v36, v5;
	v5 =	vld.idx.msk [tilespmem:v44+s17+$0x0], $0xffff;
	v35 =	vor.u32 v7, v35;
	[tilespmem:v42+s26+$0x0] =	vst.idx.msk $0xffff, v22  }
0x40b: {  	v41 =	vor.u32 v1, v41;
	v29 =	vand.u32 $0xFFFFFFF8, v29;
	v31 =	vor.u32 s14, v10;
	v19 =	vld.idx.msk [tilespmem:v19+s19+$0x0], $0xffff;
	[tilespmem:v58+s26+$0x0] =	vst.idx.msk $0xffff, v25  }
0x40c: {  	v13 =	vor.u32 s8, v4;
	v43 =	vand.u32 $0xFFFFFFF8, v34;
	v29 =	vor.u32 v15, v29;
	v33 =	vld.idx.msk [tilespmem:v33+s21+$0x0], $0xffff;
	[tilespmem:v48+s26+$0x0] =	vst.idx.msk $0xffff, v16  }
0x40d: {  	v38 =	vadd.s32 v26, v56;
	v42 =	vor.u32 v24, v43;
	v27 =	vor.u32 s13, v11;
	v4 =	vld [tilespmem:$0x1FCF0]  }
0x40e: {  	v44 =	vlaneseq.u32;
	v47 =	vand.u32 $0xFFFFFFF8, v38  }
0x40f: {  	v37 =	vor.u32 v21, v47;
	v35 =	vld.idx.msk [tilespmem:v35+s19+$0x0], $0xffff;
	v16 =	vadd.s32 v8, v3;
	v48 =	vor.u32 s0, v46  }
0x410: {  	v49 =	vadd.s32 v49, v60;
	v41 =	vld.idx.msk [tilespmem:v41+s19+$0x0], $0xffff;
	v16 =	vand.u32 $0xFFFFFFF8, v16;
	[tilespmem:v31+s26+$0x0] =	vst.idx.msk $0xffff, v19;
	v19 =	vor.u32 $0x6380, v44  }
0x411: {  	v54 =	vor.u32 s14, v54;
	v22 =	vadd.s32 v28, v0;
	v29 =	vld.idx.msk [tilespmem:v29+s21+$0x0], $0xffff;
	v16 =	vor.u32 v9, v16;
	[tilespmem:$0x1FD00] =	vst v19  }
0x412: {  	v22 =	vand.u32 $0xFFFFFFF8, v22;
	v25 =	vor.u32 s31, v59;
	[tilespmem:v27+s26+$0x0] =	vst.idx.msk $0xffff, v33;
	v27 =	vld.idx.msk [tilespmem:v42+s19+$0x0], $0xffff;
	v59 =	vshll.u32 v4, $0x4  }
0x413: {  	v39 =	vand.u32 $0xFFFFFFF8, v49;
	v10 =	vor.u32 v18, v22;
	v31 =	vld [tilespmem:$0x1FE30];
	v22 =	vadd.s32 v2, v59  }
0x414: {  	v19 =	vor.u32 v7, v39;
	v39 =	vor.u32 s13, v50;
	[tilespmem:v48+s26+$0x0] =	vst.idx.msk $0xffff, v35;
	v35 =	vld.idx.msk [tilespmem:v37+s21+$0x0], $0xffff;
	v22 =	vand.u32 $0xFFFFFFF8, v22  }
0x415: {  	v22 =	vor.u32 v1, v22  }
0x416: {  	[tilespmem:v13+s26+$0x0] =	vst.idx.msk $0xffff, v29;
	v48 =	vor.u32 s0, v52;
	v16 =	vld.idx.msk [tilespmem:v16+s19+$0x0], $0xffff  }
0x417: {  	[tilespmem:v25+s26+$0x0] =	vst.idx.msk $0xffff, v41  }
0x418: {  	v53 =	vmov v45;
	v45 =	vmov v8;
	v49 =	vmov v51;
	v10 =	vld.idx.msk [tilespmem:v10+s21+$0x0], $0xffff;
	[tilespmem:v54+s26+$0x0] =	vst.idx.msk $0xffff, v27  }
0x419: {  	v43 =	vadd.s32 v51, v56;
	v8 =	vmov v2;
	v51 =	vld.idx.msk [tilespmem:v19+s19+$0x0], $0xffff;
	v2 =	vor.u32 $0x6300, v44;
	[tilespmem:v39+s26+$0x0] =	vst.idx.msk $0xffff, v35  }
0x41a: {  	v22 =	vld.idx.msk [tilespmem:v22+s21+$0x0], $0xffff;
	[tilespmem:$0x1FD10] =	vst v2  }
0x41b: {  	v31 =	vor.u32 s8, v31;
	[tilespmem:v48+s26+$0x0] =	vst.idx.msk $0xffff, v16  }
0x41c: {  	v54 =	vmov v62;
	v27 =	vor.u32 s31, v62;
	v62 =	vor.u32 s8, v2;
	v2 =	vld [tilespmem:$0x1FEA0];
	_ =	sdelay $0x3  }
0x41d: {  	[tilespmem:v31+s26+$0x0] =	vst.idx.msk $0xffff, v10  }
0x41e: {  	v39 =	vor.u32 s14, v2;
	v2 =	vld [tilespmem:$0x1FDD0];
	_ =	sdelay $0x3  }
0x41f: {  	[tilespmem:v27+s26+$0x0] =	vst.idx.msk $0xffff, v51  }
0x420: {  	v13 =	vadd.s32 v55, v3;
	v29 =	vand.u32 $0xFFFFFFF8, v43;
	v16 =	vor.u32 s13, v2;
	v2 =	vld [tilespmem:$0x1FFC0]  }
0x421: {  	v25 =	vadd.s32 v32, v0;
	v13 =	vand.u32 $0xFFFFFFF8, v13;
	v29 =	vor.u32 v24, v29  }
0x422: {  	v25 =	vand.u32 $0xFFFFFFF8, v25;
	v50 =	vor.u32 v12, v13;
	v13 =	vadd.s32 v23, v60  }
0x423: {  	v25 =	vor.u32 v21, v25;
	v13 =	vand.u32 $0xFFFFFFF8, v13  }
0x424: {  	v38 =	vor.u32 v9, v13;
	v13 =	vadd.s32 v6, v59;
	[tilespmem:v39+s26+$0x0] =	vst.idx.msk $0xffff, v22  }
0x425: {  	v57 =	vmovc v52;
	v13 =	vand.u32 $0xFFFFFFF8, v13;
	v52 =	vmov v2;
	v31 =	vor.u32 s0, v2;
	v2 =	vld [tilespmem:$0x1FD60]  }
0x426: {  	v30 =	vmovc v46;
	v20 =	vmovc v14;
	v47 =	vmov v55;
	v46 =	vmov v63;
	v19 =	vor.u32 v7, v13;
	v13 =	vld.idx.msk [tilespmem:v29+s21+$0x0], $0xffff  }
0x427: {  	v63 =	vadd.s32 v63, v56;
	v0 =	vadd.s32 v36, v0;
	v10 =	vadd.s32 v14, v3;
	v29 =	vld.idx.msk [tilespmem:v50+s19+$0x0], $0xffff  }
0x428: {  	s3 =	simm.s32 $0x50;
	v34 =	vmovc v23;
	v28 =	vmovc v26;
	v33 =	vand.u32 $0xFFFFFFF8, v63;
	v0 =	vand.u32 $0xFFFFFFF8, v0;
	v63 =	vld.idx.msk [tilespmem:v25+s21+$0x0], $0xffff;
	v27 =	vand.u32 $0xFFFFFFF8, v10  }
0x429: {  	s23 =	simm.s32 $0x0;
	s24 =	sand.u32 $0x70, s3;
	v10 =	vor.u32 v1, v33;
	v33 =	vor.u32 v15, v27;
	v27 =	vadd.s32 v40, v60;
	v22 =	vld.idx.msk [tilespmem:v38+s19+$0x0], $0xffff  }
0x42a: {  	s28 =	simm.s32 $0x0;
	s22 =	simm.s32 $0x6;
	s23 =	sor.u32 s24, s23;
	v58 =	vmovc v6;
	v0 =	vor.u32 v24, v0;
	v50 =	vmovc v40;
	v27 =	vand.u32 $0xFFFFFFF8, v27;
	v26 =	vld [tilespmem:$0x1FE40];
	v25 =	vor.u32 s31, v2  }
.LBB2_8:
0x42b: {  	v19 =	vld.idx.msk [tilespmem:v19+s21+$0x0], $0xffff  }
0x42c: {  	v2 =	vld [tilespmem:$0x1FF40]  }
0x42d: {  	v39 =	vld [tilespmem:$0x1FE50]  }
0x42e: {  	v40 =	vld [tilespmem:$0x1FF30]  }
0x42f: {  	v6 =	vld [tilespmem:$0x1FF50]  }
0x430: {  	v48 =	vld [tilespmem:$0x1FDE0];
	[tilespmem:v16+s26+$0x0] =	vst.idx.msk $0xffff, v13  }
0x431: {  	v55 =	vld [tilespmem:$0x1FE60];
	[tilespmem:v31+s26+$0x0] =	vst.idx.msk $0xffff, v29  }
0x432: {  	v10 =	vld.idx.msk [tilespmem:v10+s21+$0x0], $0xffff  }
0x433: {  	v35 =	vor.u32 s23, v44;
	v29 =	vld.idx.msk [tilespmem:v33+s19+$0x0], $0xffff  }
0x434: {  	v35 =	vand.u32 v2, v35;
	v31 =	vadd.s32 v6, v3;
	v2 =	vld [tilespmem:$0x1FED0]  }
0x435: {  	v27 =	vor.u32 v12, v27;
	v37 =	vadd.s32 v45, v59;
	[tilespmem:v62+s26+$0x0] =	vst.idx.msk $0xffff, v63;
	v62 =	vld [tilespmem:$0x1FEB0];
	v31 =	vand.u32 $0xFFFFFFF8, v31  }
0x436: {  	v37 =	vand.u32 $0xFFFFFFF8, v37;
	v39 =	vor.u32 s14, v39;
	[tilespmem:v25+s26+$0x0] =	vst.idx.msk $0xffff, v22;
	v25 =	vor.u32 v18, v31;
	v31 =	vld [tilespmem:$0x1FD00]  }
0x437: {  	v36 =	vld [tilespmem:$0x1FEC0];
	v13 =	vor.u32 v9, v37  }
0x438: {  	v43 =	vld [tilespmem:$0x1FE00];
	v16 =	vadd.s32 v40, v56;
	v33 =	vor.u32 s13, v48  }
0x439: {  	v16 =	vand.u32 $0xFFFFFFF8, v16;
	v22 =	vld.idx.msk [tilespmem:v0+s21+$0x0], $0xffff;
	v51 =	vor.u32 s0, v2  }
0x43a: {  	v27 =	vld.idx.msk [tilespmem:v27+s19+$0x0], $0xffff;
	v16 =	vor.u32 v7, v16;
	v0 =	vadd.s32 v62, v60  }
0x43b: {  	v0 =	vand.u32 $0xFFFFFFF8, v0;
	[tilespmem:v39+s26+$0x0] =	vst.idx.msk $0xffff, v19;
	v2 =	vld [tilespmem:$0x1FEF0];
	v31 =	vor.u32 s8, v31;
	s8 =	smov.u32 s13;
	s13 =	smov.u32 s14;
	s14 =	smov.u32 s31  }
0x43c: {  	v19 =	vor.u32 v15, v0;
	v13 =	vld.idx.msk [tilespmem:v13+s21+$0x0], $0xffff;
	v0 =	vadd.s32 v47, v59;
	v41 =	vor.u32 s14, v26  }
0x43d: {  	v35 =	vld.idx.msk [tilespmem:v35+s17+$0x0], $0xffff;
	[tilespmem:v33+s26+$0x0] =	vst.idx.msk $0xffff, v10;
	v42 =	vand.u32 $0xFFFFFFF8, v0  }
0x43e: {  	v39 =	vor.u32 s13, v55;
	v10 =	vor.u32 v12, v42;
	v42 =	vld [tilespmem:$0x1FDF0];
	[tilespmem:v51+s26+$0x0] =	vst.idx.msk $0xffff, v29  }
0x43f: {  	v16 =	vld.idx.msk [tilespmem:v16+s21+$0x0], $0xffff  }
0x440: {  	v25 =	vld.idx.msk [tilespmem:v25+s19+$0x0], $0xffff;
	[tilespmem:v31+s26+$0x0] =	vst.idx.msk $0xffff, v22  }
0x441: {  	v48 =	vld [tilespmem:$0x1FE80];
	[tilespmem:v41+s26+$0x0] =	vst.idx.msk $0xffff, v27  }
0x442: {  	v19 =	vld.idx.msk [tilespmem:v19+s19+$0x0], $0xffff  }
0x443: {  	s31 =	smov.u32 s0;
	v29 =	vadd.s32 v34, v56;
	v37 =	vor.u32 s8, v42;
	[tilespmem:v39+s26+$0x0] =	vst.idx.msk $0xffff, v13;
	v13 =	vld [tilespmem:$0x1FDA0]  }
0x444: {  	v4 =	vld [tilespmem:$0x1FF00];
	v63 =	vadd.s32 v28, v3;
	v29 =	vand.u32 $0xFFFFFFF8, v29;
	v22 =	vor.u32 s31, v2  }
0x445: {  	v38 =	vld [tilespmem:$0x1FEE0];
	v51 =	vadd.s32 v20, v59;
	v31 =	vand.u32 $0xFFFFFFF8, v63;
	v27 =	vor.u32 v9, v29  }
0x446: {  	v14 =	vld [tilespmem:$0x1FF10];
	v35 =	vshll.u32 v35, $0x4;
	v29 =	vor.u32 v21, v31;
	v31 =	vadd.s32 v36, v60  }
0x447: {  	v17 =	vld [tilespmem:$0x1FF20];
	v55 =	vadd.s32 v8, v35;
	v41 =	vor.u32 s14, v48;
	v31 =	vand.u32 $0xFFFFFFF8, v31  }
0x448: {  	v39 =	vand.u32 $0xFFFFFFF8, v51;
	v31 =	vor.u32 v18, v31;
	v10 =	vld.idx.msk [tilespmem:v10+s21+$0x0], $0xffff;
	[tilespmem:v37+s26+$0x0] =	vst.idx.msk $0xffff, v16;
	v13 =	vor.u32 s13, v13  }
0x449: {  	v33 =	vor.u32 s8, v43;
	v43 =	vld [tilespmem:$0x1FE90];
	v63 =	vand.u32 $0xFFFFFFF8, v55;
	[tilespmem:v22+s26+$0x0] =	vst.idx.msk $0xffff, v25;
	v22 =	vor.u32 v15, v39  }
0x44a: {  	v37 =	vor.u32 v1, v63;
	v27 =	vld.idx.msk [tilespmem:v27+s21+$0x0], $0xffff  }
0x44b: {  	v42 =	vor.u32 s31, v4;
	v29 =	vld.idx.msk [tilespmem:v29+s19+$0x0], $0xffff  }
0x44c: {  	v25 =	vld [tilespmem:$0x1FE70];
	[tilespmem:v41+s26+$0x0] =	vst.idx.msk $0xffff, v19  }
0x44d: {  	v31 =	vld.idx.msk [tilespmem:v31+s19+$0x0], $0xffff;
	[tilespmem:v13+s26+$0x0] =	vst.idx.msk $0xffff, v10  }
0x44e: {  	v32 =	vadd.s32 v49, v3;
	v48 =	vadd.s32 v38, v60;
	v13 =	vld.idx.msk [tilespmem:v22+s21+$0x0], $0xffff  }
0x44f: {  	v43 =	vor.u32 s14, v43;
	v16 =	vadd.s32 v50, v56;
	v37 =	vld.idx.msk [tilespmem:v37+s19+$0x0], $0xffff;
	[tilespmem:v33+s26+$0x0] =	vst.idx.msk $0xffff, v27  }
0x450: {  	s0 =	sshll.u32 s28, $0xA;
	v55 =	vadd.s32 v58, v35;
	v16 =	vand.u32 $0xFFFFFFF8, v16;
	[tilespmem:v42+s26+$0x0] =	vst.idx.msk $0xffff, v29;
	v42 =	vor.u32 s31, v14;
	v14 =	vld [tilespmem:$0x1FD80]  }
0x451: {  	v0 =	vld [tilespmem:$0x1FE20];
	s0 =	sor.u32 s24, s0;
	v51 =	vadd.s32 v62, v56;
	v39 =	vand.u32 $0xFFFFFFF8, v32;
	v16 =	vor.u32 v12, v16  }
0x452: {  	v32 =	vadd.s32 v46, v3;
	v19 =	vor.u32 s0, v44;
	v39 =	vor.u32 v24, v39;
	v29 =	vld [tilespmem:$0x1FE10]  }
0x453: {  	v62 =	vld [tilespmem:$0x1FD90];
	v41 =	vand.u32 $0xFFFFFFF8, v48;
	v44 =	vor.u32 s23, v30;
	v25 =	vor.u32 s13, v25  }
0x454: {  	v10 =	vor.u32 v21, v41;
	v41 =	vand.u32 $0xFFFFFFF8, v51;
	v51 =	vld [tilespmem:$0x1FDB0];
	v22 =	vadd.s32 v6, v59  }
0x455: {  	v19 =	vand.u32 v53, v19;
	v22 =	vand.u32 $0xFFFFFFF8, v22;
	v48 =	vadd.s32 v14, v60;
	v60 =	vmovc v3;
	v3 =	vld [tilespmem:$0x1FD70]  }
0x456: {  	v27 =	vand.u32 $0xFFFFFFF8, v55;
	v22 =	vor.u32 v18, v22;
	v16 =	vld.idx.msk [tilespmem:v16+s21+$0x0], $0xffff  }
0x457: {  	v27 =	vor.u32 v7, v27;
	v33 =	vld.idx.msk [tilespmem:v39+s19+$0x0], $0xffff;
	[tilespmem:v43+s26+$0x0] =	vst.idx.msk $0xffff, v31;
	v29 =	vor.u32 s8, v29  }
0x458: {  	v0 =	vor.u32 s8, v0;
	v44 =	vld.idx.msk [tilespmem:v44+s17+$0x0], $0xffff  }
0x459: {  	v63 =	vor.u32 s14, v62;
	v39 =	vand.u32 $0xFFFFFFF8, v32;
	v31 =	vor.u32 v15, v41;
	v10 =	vld.idx.msk [tilespmem:v10+s19+$0x0], $0xffff;
	[tilespmem:v25+s26+$0x0] =	vst.idx.msk $0xffff, v13  }
0x45a: {  	v39 =	vor.u32 v1, v39;
	[tilespmem:v19+s26+$0x0] =	vst.idx.msk $0xffff, v37;
	v55 =	vor.u32 s14, v3;
	v3 =	vand.u32 $0xFFFFFFF8, v48  }
0x45b: {  	v43 =	vor.u32 s13, v51;
	v22 =	vld.idx.msk [tilespmem:v22+s21+$0x0], $0xffff;
	v19 =	vor.u32 v24, v3;
	v3 =	vadd.s32 v28, v59  }
0x45c: {  	v25 =	vld.idx.msk [tilespmem:v27+s19+$0x0], $0xffff;
	v27 =	vadd.s32 v45, v35;
	[tilespmem:v29+s26+$0x0] =	vst.idx.msk $0xffff, v16;
	v16 =	vor.u32 s0, v30;
	v2 =	vand.u32 $0xFFFFFFF8, v3  }
0x45d: {  	v4 =	vld [tilespmem:$0x1FD10];
	v13 =	vadd.s32 v36, v56;
	v27 =	vand.u32 $0xFFFFFFF8, v27;
	[tilespmem:v42+s26+$0x0] =	vst.idx.msk $0xffff, v33;
	v29 =	vor.u32 v21, v2  }
0x45e: {  	v37 =	vor.u32 s31, v17;
	v27 =	vor.u32 v9, v27;
	v48 =	vadd.s32 v40, v60;
	v31 =	vld.idx.msk [tilespmem:v31+s21+$0x0], $0xffff  }
0x45f: {  	v13 =	vand.u32 $0xFFFFFFF8, v13;
	v51 =	vand.u32 $0xFFFFFFF8, v48;
	v33 =	vld.idx.msk [tilespmem:v39+s19+$0x0], $0xffff;
	v39 =	vshll.u32 v61, $0x4;
	v3 =	vmovc v35;
	[tilespmem:v55+s26+$0x0] =	vst.idx.msk $0xffff, v10  }
0x460: {  	v10 =	vor.u32 v18, v13;
	v55 =	vadd.s32 v8, v39;
	v19 =	vld.idx.msk [tilespmem:v19+s19+$0x0], $0xffff;
	[tilespmem:v43+s26+$0x0] =	vst.idx.msk $0xffff, v22  }
0x461: {  	v13 =	vor.u32 v7, v51;
	v35 =	vand.u32 $0xFFFFFFF8, v55;
	v22 =	vadd.s32 v38, v56;
	v38 =	vld [tilespmem:$0x1FDC0];
	[tilespmem:v16+s26+$0x0] =	vst.idx.msk $0xffff, v25  }
0x462: {  	v16 =	vor.u32 v1, v35;
	v25 =	vld.idx.msk [tilespmem:v29+s21+$0x0], $0xffff  }
0x463: {  	v27 =	vld.idx.msk [tilespmem:v27+s19+$0x0], $0xffff;
	[tilespmem:v0+s26+$0x0] =	vst.idx.msk $0xffff, v31  }
0x464: {  	v61 =	vmov v5;
	v5 =	vld [tilespmem:$0x1FE30];
	[tilespmem:v37+s26+$0x0] =	vst.idx.msk $0xffff, v33  }
0x465: {  	v10 =	vld.idx.msk [tilespmem:v10+s21+$0x0], $0xffff  }
0x466: {  	v33 =	vld.idx.msk [tilespmem:v13+s19+$0x0], $0xffff;
	[tilespmem:v63+s26+$0x0] =	vst.idx.msk $0xffff, v19  }
0x467: {  	v29 =	vadd.s32 v49, v59;
	v43 =	vor.u32 s13, v38;
	v42 =	vld.idx.msk [tilespmem:v16+s21+$0x0], $0xffff  }
0x468: {  	v36 =	vadd.s32 v47, v3;
	v0 =	vor.u32 s0, v57;
	v29 =	vand.u32 $0xFFFFFFF8, v29;
	v16 =	vld [tilespmem:$0x1FEA0]  }
0x469: {  	v41 =	vor.u32 s8, v5;
	v31 =	vand.u32 $0xFFFFFFF8, v36;
	v29 =	vor.u32 v24, v29  }
0x46a: {  	v22 =	vand.u32 $0xFFFFFFF8, v22;
	v31 =	vor.u32 v12, v31;
	v13 =	vadd.s32 v34, v60  }
0x46b: {  	v35 =	vor.u32 s31, v54;
	v22 =	vor.u32 v21, v22;
	v13 =	vand.u32 $0xFFFFFFF8, v13  }
0x46c: {  	v62 =	vor.u32 s8, v4;
	v48 =	vor.u32 v9, v13;
	v13 =	vadd.s32 v58, v39;
	[tilespmem:v43+s26+$0x0] =	vst.idx.msk $0xffff, v25;
	v43 =	vld [tilespmem:$0x1FD60]  }
0x46d: {  	p0 =	sne.s32 s22, $0x3F;
	v13 =	vand.u32 $0xFFFFFFF8, v13;
	v25 =	vadd.s32 v14, v56;
	v56 =	vmovc v59;
	v51 =	vor.u32 s14, v16;
	[tilespmem:v0+s26+$0x0] =	vst.idx.msk $0xffff, v27;
	v16 =	vld [tilespmem:$0x1FDD0]  }
.Ltmp7:
0x46e: {  	v5 =	vmovc v44;
	v44 =	vlaneseq.u32;
	v19 =	vor.u32 v7, v13;
	v0 =	vadd.s32 v46, v56;
	v13 =	vld.idx.msk [tilespmem:v29+s21+$0x0], $0xffff;
	(pc) =	sbr.rel @p0 .LBB2_8-.Ltmp7, $4  }
0x46f: {  	v27 =	vadd.s32 v20, v3;
	v55 =	vand.u32 $0xFFFFFFF8, v25;
	v29 =	vld.idx.msk [tilespmem:v31+s19+$0x0], $0xffff;
	v0 =	vand.u32 $0xFFFFFFF8, v0;
	[tilespmem:v41+s26+$0x0] =	vst.idx.msk $0xffff, v10  }
0x470: {  	s3 =	sadd.s32 $0x10, s3;
	s28 =	sshrl.u32 s22, $0x3;
	v27 =	vand.u32 $0xFFFFFFF8, v27;
	[tilespmem:v35+s26+$0x0] =	vst.idx.msk $0xffff, v33;
	v10 =	vor.u32 v1, v0;
	v0 =	vadd.s32 v50, v60  }
0x471: {  	s24 =	sand.u32 $0x70, s3;
	s23 =	sshll.u32 s28, $0x8;
	v59 =	vmovc v39;
	v31 =	vor.u32 s0, v52;
	v33 =	vor.u32 v15, v27;
	v63 =	vld.idx.msk [tilespmem:v22+s21+$0x0], $0xffff;
	v27 =	vand.u32 $0xFFFFFFF8, v0  }
0x472: {  	s22 =	sadd.s32 $0x1, s22;
	s23 =	sor.u32 s24, s23;
	v22 =	vld.idx.msk [tilespmem:v48+s19+$0x0], $0xffff;
	v0 =	vor.u32 v24, v55;
	v25 =	vor.u32 s31, v43;
	v16 =	vor.u32 s13, v16;
	[tilespmem:v51+s26+$0x0] =	vst.idx.msk $0xffff, v42  }
0x473: {  	v2 =	vld [tilespmem:$0x1FF40];
	_ =	sdelay $0x3  }
0x474: {  	v35 =	vor.u32 s23, v44  }
0x475: {  	v35 =	vand.u32 v2, v35;
	_ =	sdelay $0x4  }
0x476: {  	v35 =	vld.idx.msk [tilespmem:v35+s17+$0x0], $0xffff;
	_ =	sdelay $0x4  }
0x477: {  	v48 =	vshll.u32 v35, $0x4  }
0x478: {  	v35 =	vadd.s32 v8, v48  }
0x479: {  	v35 =	vand.u32 $0xFFFFFFF8, v35  }
0x47a: {  	v35 =	vor.u32 v1, v35;
	_ =	sdelay $0x1  }
0x47b: {  	s3 =	sshll.u32 s28, $0xA  }
0x47c: {  	s3 =	sor.u32 s24, s3  }
0x47d: {  	v37 =	vor.u32 s3, v44;
	v41 =	vadd.s32 v58, v48  }
0x47e: {  	v39 =	vor.u32 s23, v30;
	v37 =	vand.u32 v53, v37;
	v41 =	vand.u32 $0xFFFFFFF8, v41;
	v35 =	vld.idx.msk [tilespmem:v35+s19+$0x0], $0xffff  }
0x47f: {  	v41 =	vor.u32 v7, v41;
	_ =	sdelay $0x3  }
0x480: {  	v6 =	vmov v58;
	v42 =	vld.idx.msk [tilespmem:v39+s17+$0x0], $0xffff;
	v58 =	vadd.s32 v45, v48;
	[tilespmem:v37+s26+$0x0] =	vst.idx.msk $0xffff, v35  }
0x481: {  	v51 =	vor.u32 s3, v30;
	v35 =	vand.u32 $0xFFFFFFF8, v58;
	v37 =	vld.idx.msk [tilespmem:v41+s19+$0x0], $0xffff  }
0x482: {  	v35 =	vor.u32 v9, v35;
	_ =	sdelay $0x3  }
0x483: {  	[tilespmem:v51+s26+$0x0] =	vst.idx.msk $0xffff, v37  }
0x484: {  	v55 =	vor.u32 s3, v57;
	v35 =	vld.idx.msk [tilespmem:v35+s19+$0x0], $0xffff;
	_ =	sdelay $0x1  }
0x485: {  	v53 =	vadd.s32 v47, v48  }
0x486: {  	v37 =	vand.u32 $0xFFFFFFF8, v53  }
0x487: {  	[tilespmem:v31+s26+$0x0] =	vst.idx.msk $0xffff, v29;
	v37 =	vor.u32 v12, v37  }
0x488: {  	[tilespmem:v55+s26+$0x0] =	vst.idx.msk $0xffff, v35  }
0x489: {  	v4 =	vld [tilespmem:$0x1FED0];
	_ =	sdelay $0x2  }
0x48a: {  	v37 =	vld.idx.msk [tilespmem:v37+s19+$0x0], $0xffff  }
0x48b: {  	v58 =	vor.u32 s3, v52;
	v17 =	vld [tilespmem:$0x1FF50]  }
0x48c: {  	v31 =	vld.idx.msk [tilespmem:v33+s19+$0x0], $0xffff;
	v52 =	vor.u32 s0, v4;
	_ =	sdelay $0x2  }
0x48d: {  	v57 =	vadd.s32 v20, v48  }
0x48e: {  	v35 =	vand.u32 $0xFFFFFFF8, v57;
	v29 =	vadd.s32 v17, v3;
	[tilespmem:v58+s26+$0x0] =	vst.idx.msk $0xffff, v37  }
0x48f: {  	v35 =	vor.u32 v15, v35;
	v29 =	vand.u32 $0xFFFFFFF8, v29;
	[tilespmem:v52+s26+$0x0] =	vst.idx.msk $0xffff, v31  }
0x490: {  	v55 =	vor.u32 s3, v4;
	v29 =	vor.u32 v18, v29;
	v4 =	vld [tilespmem:$0x1FEF0];
	_ =	sdelay $0x3  }
0x491: {  	v35 =	vld.idx.msk [tilespmem:v35+s19+$0x0], $0xffff  }
0x492: {  	v29 =	vld.idx.msk [tilespmem:v29+s19+$0x0], $0xffff;
	v52 =	vor.u32 s0, v4;
	_ =	sdelay $0x2  }
0x493: {  	v53 =	vadd.s32 v17, v48  }
0x494: {  	v37 =	vand.u32 $0xFFFFFFF8, v53;
	v31 =	vadd.s32 v28, v3;
	[tilespmem:v55+s26+$0x0] =	vst.idx.msk $0xffff, v35  }
0x495: {  	v37 =	vor.u32 v18, v37;
	v31 =	vand.u32 $0xFFFFFFF8, v31;
	[tilespmem:v52+s26+$0x0] =	vst.idx.msk $0xffff, v29  }
0x496: {  	v31 =	vor.u32 v21, v31;
	v55 =	vor.u32 s3, v4;
	v4 =	vld [tilespmem:$0x1FF00];
	_ =	sdelay $0x3  }
0x497: {  	v37 =	vld.idx.msk [tilespmem:v37+s19+$0x0], $0xffff  }
0x498: {  	v31 =	vld.idx.msk [tilespmem:v31+s19+$0x0], $0xffff;
	v57 =	vor.u32 s0, v4;
	_ =	sdelay $0x2  }
0x499: {  	v53 =	vadd.s32 v28, v48  }
0x49a: {  	v35 =	vand.u32 $0xFFFFFFF8, v53;
	v29 =	vadd.s32 v49, v3;
	[tilespmem:v55+s26+$0x0] =	vst.idx.msk $0xffff, v37  }
0x49b: {  	v35 =	vor.u32 v21, v35;
	v29 =	vand.u32 $0xFFFFFFF8, v29;
	[tilespmem:v57+s26+$0x0] =	vst.idx.msk $0xffff, v31  }
0x49c: {  	v29 =	vor.u32 v24, v29;
	v53 =	vor.u32 s3, v4;
	v4 =	vld [tilespmem:$0x1FF10];
	_ =	sdelay $0x2  }
0x49d: {  	v52 =	vadd.s32 v49, v48  }
0x49e: {  	v37 =	vand.u32 $0xFFFFFFF8, v52;
	v35 =	vld.idx.msk [tilespmem:v35+s19+$0x0], $0xffff  }
0x49f: {  	v37 =	vor.u32 v24, v37;
	v29 =	vld.idx.msk [tilespmem:v29+s19+$0x0], $0xffff;
	v55 =	vor.u32 s0, v4;
	_ =	sdelay $0x3  }
0x4a0: {  	[tilespmem:v53+s26+$0x0] =	vst.idx.msk $0xffff, v35  }
0x4a1: {  	v31 =	vadd.s32 v46, v3;
	v37 =	vld.idx.msk [tilespmem:v37+s19+$0x0], $0xffff;
	[tilespmem:v55+s26+$0x0] =	vst.idx.msk $0xffff, v29  }
0x4a2: {  	v58 =	vmov v28;
	v57 =	vadd.s32 v46, v48;
	v31 =	vand.u32 $0xFFFFFFF8, v31;
	v28 =	vld [tilespmem:$0x1FF30]  }
0x4a3: {  	v35 =	vand.u32 $0xFFFFFFF8, v57;
	v31 =	vor.u32 v1, v31;
	v52 =	vor.u32 s3, v4;
	v4 =	vld [tilespmem:$0x1FF20]  }
0x4a4: {  	v35 =	vor.u32 v1, v35;
	_ =	sdelay $0x2  }
0x4a5: {  	v29 =	vadd.s32 v28, v3  }
0x4a6: {  	v31 =	vld.idx.msk [tilespmem:v31+s19+$0x0], $0xffff;
	[tilespmem:v52+s26+$0x0] =	vst.idx.msk $0xffff, v37;
	v53 =	vor.u32 s0, v4;
	v55 =	vadd.s32 v28, v48;
	v29 =	vand.u32 $0xFFFFFFF8, v29  }
0x4a7: {  	v35 =	vld.idx.msk [tilespmem:v35+s19+$0x0], $0xffff;
	v57 =	vor.u32 s3, v4;
	v37 =	vand.u32 $0xFFFFFFF8, v55;
	v29 =	vor.u32 v7, v29  }
0x4a8: {  	v37 =	vor.u32 v7, v37;
	_ =	sdelay $0x2  }
0x4a9: {  	[tilespmem:v53+s26+$0x0] =	vst.idx.msk $0xffff, v31;
	v31 =	vadd.s32 v34, v3  }
0x4aa: {  	v27 =	vor.u32 v12, v27;
	v52 =	vor.u32 s0, v54;
	[tilespmem:v57+s26+$0x0] =	vst.idx.msk $0xffff, v35;
	v31 =	vand.u32 $0xFFFFFFF8, v31;
	v29 =	vld.idx.msk [tilespmem:v29+s19+$0x0], $0xffff  }
0x4ab: {  	v55 =	vor.u32 s3, v54;
	v53 =	vadd.s32 v34, v48;
	v31 =	vor.u32 v9, v31;
	v37 =	vld.idx.msk [tilespmem:v37+s19+$0x0], $0xffff  }
0x4ac: {  	v35 =	vand.u32 $0xFFFFFFF8, v53  }
0x4ad: {  	v35 =	vor.u32 v9, v35  }
0x4ae: {  	[tilespmem:v25+s26+$0x0] =	vst.idx.msk $0xffff, v22  }
0x4af: {  	v27 =	vld.idx.msk [tilespmem:v27+s19+$0x0], $0xffff;
	[tilespmem:v52+s26+$0x0] =	vst.idx.msk $0xffff, v29  }
0x4b0: {  	v53 =	vor.u32 s31, v26;
	[tilespmem:v55+s26+$0x0] =	vst.idx.msk $0xffff, v37;
	v31 =	vld.idx.msk [tilespmem:v31+s19+$0x0], $0xffff  }
0x4b1: {  	v2 =	vmovc v8;
	v8 =	vmov v30;
	v30 =	vmov v34;
	v57 =	vor.u32 s0, v43;
	v34 =	vld [tilespmem:$0x1FEB0]  }
0x4b2: {  	v52 =	vor.u32 s3, v43;
	v35 =	vld.idx.msk [tilespmem:v35+s19+$0x0], $0xffff  }
0x4b3: {  	v29 =	vadd.s32 v50, v3  }
0x4b4: {  	v32 =	vmov v50;
	v50 =	vadd.s32 v50, v48;
	v29 =	vand.u32 $0xFFFFFFF8, v29  }
0x4b5: {  	v37 =	vand.u32 $0xFFFFFFF8, v50;
	[tilespmem:v53+s26+$0x0] =	vst.idx.msk $0xffff, v27;
	v29 =	vor.u32 v12, v29  }
0x4b6: {  	v25 =	vor.u32 v12, v37;
	v22 =	vadd.s32 v34, v60;
	[tilespmem:v57+s26+$0x0] =	vst.idx.msk $0xffff, v31  }
0x4b7: {  	[tilespmem:v52+s26+$0x0] =	vst.idx.msk $0xffff, v35;
	v22 =	vand.u32 $0xFFFFFFF8, v22  }
0x4b8: {  	v4 =	vld [tilespmem:$0x1FE80];
	v22 =	vor.u32 v15, v22;
	_ =	sdelay $0x1  }
0x4b9: {  	v29 =	vld.idx.msk [tilespmem:v29+s19+$0x0], $0xffff  }
0x4ba: {  	v54 =	vor.u32 s0, v26;
	v25 =	vld.idx.msk [tilespmem:v25+s19+$0x0], $0xffff  }
0x4bb: {  	v57 =	vor.u32 s3, v26;
	v36 =	vld [tilespmem:$0x1FEC0]  }
0x4bc: {  	v43 =	vor.u32 s31, v4;
	v22 =	vld.idx.msk [tilespmem:v22+s19+$0x0], $0xffff  }
0x4bd: {  	v31 =	vadd.s32 v34, v3  }
0x4be: {  	v55 =	vadd.s32 v34, v48;
	v31 =	vand.u32 $0xFFFFFFF8, v31  }
0x4bf: {  	v35 =	vand.u32 $0xFFFFFFF8, v55;
	v31 =	vor.u32 v15, v31;
	[tilespmem:v54+s26+$0x0] =	vst.idx.msk $0xffff, v29  }
0x4c0: {  	v35 =	vor.u32 v15, v35;
	v27 =	vadd.s32 v36, v60;
	[tilespmem:v57+s26+$0x0] =	vst.idx.msk $0xffff, v25  }
0x4c1: {  	v27 =	vand.u32 $0xFFFFFFF8, v27;
	[tilespmem:v43+s26+$0x0] =	vst.idx.msk $0xffff, v22  }
0x4c2: {  	v50 =	vor.u32 s0, v4;
	v52 =	vor.u32 s3, v4;
	v27 =	vor.u32 v18, v27;
	v4 =	vld [tilespmem:$0x1FE90];
	_ =	sdelay $0x1  }
0x4c3: {  	v31 =	vld.idx.msk [tilespmem:v31+s19+$0x0], $0xffff  }
0x4c4: {  	v35 =	vld.idx.msk [tilespmem:v35+s19+$0x0], $0xffff  }
0x4c5: {  	v38 =	vld [tilespmem:$0x1FEE0]  }
0x4c6: {  	v27 =	vld.idx.msk [tilespmem:v27+s19+$0x0], $0xffff;
	v53 =	vor.u32 s31, v4  }
0x4c7: {  	v29 =	vadd.s32 v36, v3  }
0x4c8: {  	v25 =	vadd.s32 v36, v48;
	v29 =	vand.u32 $0xFFFFFFF8, v29  }
0x4c9: {  	v25 =	vand.u32 $0xFFFFFFF8, v25;
	v29 =	vor.u32 v18, v29;
	[tilespmem:v50+s26+$0x0] =	vst.idx.msk $0xffff, v31  }
0x4ca: {  	v25 =	vor.u32 v18, v25;
	[tilespmem:v52+s26+$0x0] =	vst.idx.msk $0xffff, v35;
	v22 =	vadd.s32 v38, v60  }
0x4cb: {  	v22 =	vand.u32 $0xFFFFFFF8, v22;
	[tilespmem:v53+s26+$0x0] =	vst.idx.msk $0xffff, v27  }
0x4cc: {  	v54 =	vor.u32 s0, v4;
	v57 =	vor.u32 s3, v4;
	v22 =	vor.u32 v21, v22;
	v4 =	vld [tilespmem:$0x1FD70];
	_ =	sdelay $0x1  }
0x4cd: {  	v29 =	vld.idx.msk [tilespmem:v29+s19+$0x0], $0xffff;
	v31 =	vadd.s32 v38, v3  }
0x4ce: {  	v25 =	vld.idx.msk [tilespmem:v25+s19+$0x0], $0xffff;
	v31 =	vand.u32 $0xFFFFFFF8, v31  }
0x4cf: {  	v31 =	vor.u32 v21, v31;
	v26 =	vld [tilespmem:$0x1FD80]  }
0x4d0: {  	v55 =	vadd.s32 v38, v48;
	v22 =	vld.idx.msk [tilespmem:v22+s19+$0x0], $0xffff;
	v41 =	vor.u32 s31, v4  }
0x4d1: {  	v35 =	vand.u32 $0xFFFFFFF8, v55  }
0x4d2: {  	v35 =	vor.u32 v21, v35;
	[tilespmem:v54+s26+$0x0] =	vst.idx.msk $0xffff, v29  }
0x4d3: {  	[tilespmem:v57+s26+$0x0] =	vst.idx.msk $0xffff, v25  }
0x4d4: {  	v29 =	vld.idx.msk [tilespmem:v31+s19+$0x0], $0xffff;
	v27 =	vadd.s32 v26, v60;
	v3 =	vadd.s32 v26, v3;
	v31 =	vor.u32 s0, v4  }
0x4d5: {  	v50 =	vor.u32 s3, v4;
	v27 =	vand.u32 $0xFFFFFFF8, v27;
	v3 =	vand.u32 $0xFFFFFFF8, v3;
	[tilespmem:v41+s26+$0x0] =	vst.idx.msk $0xffff, v22  }
0x4d6: {  	v27 =	vor.u32 v24, v27;
	v43 =	vor.u32 v24, v3;
	v3 =	vadd.s32 v26, v48;
	v4 =	vld [tilespmem:$0x1FD90]  }
0x4d7: {  	v25 =	vld.idx.msk [tilespmem:v35+s19+$0x0], $0xffff;
	v3 =	vand.u32 $0xFFFFFFF8, v3  }
0x4d8: {  	v52 =	vor.u32 v24, v3;
	_ =	sdelay $0x2  }
0x4d9: {  	[tilespmem:v31+s26+$0x0] =	vst.idx.msk $0xffff, v29;
	v27 =	vld.idx.msk [tilespmem:v27+s19+$0x0], $0xffff;
	v53 =	vor.u32 s31, v4  }
0x4da: {  	[tilespmem:v50+s26+$0x0] =	vst.idx.msk $0xffff, v25;
	v29 =	vld.idx.msk [tilespmem:v43+s19+$0x0], $0xffff;
	v31 =	vor.u32 s0, v4  }
0x4db: {  	v35 =	vld.idx.msk [tilespmem:v52+s19+$0x0], $0xffff;
	v55 =	vor.u32 s3, v4  }
0x4dc: {  	v60 =	vshll.u32 v61, $0x4  }
0x4dd: {  	v3 =	vshll.u32 v5, $0x4;
	v22 =	vadd.s32 v2, v60  }
0x4de: {  	v5 =	vadd.s32 v2, v3;
	v22 =	vand.u32 $0xFFFFFFF8, v22;
	[tilespmem:v53+s26+$0x0] =	vst.idx.msk $0xffff, v27  }
0x4df: {  	v54 =	vand.u32 $0xFFFFFFF8, v5;
	v5 =	vshll.u32 v42, $0x4;
	v22 =	vor.u32 v1, v22;
	v50 =	vld [tilespmem:$0x1FEA0];
	[tilespmem:v31+s26+$0x0] =	vst.idx.msk $0xffff, v29  }
0x4e0: {  	v33 =	vor.u32 v1, v54;
	v25 =	vadd.s32 v2, v5;
	[tilespmem:v55+s26+$0x0] =	vst.idx.msk $0xffff, v35  }
0x4e1: {  	v25 =	vand.u32 $0xFFFFFFF8, v25;
	v55 =	vld [tilespmem:$0x1FE50]  }
0x4e2: {  	v25 =	vor.u32 v1, v25;
	_ =	sdelay $0x1  }
0x4e3: {  	v22 =	vld.idx.msk [tilespmem:v22+s21+$0x0], $0xffff;
	v39 =	vor.u32 s31, v50  }
0x4e4: {  	v48 =	vadd.s32 v45, v59;
	v31 =	vld.idx.msk [tilespmem:v33+s21+$0x0], $0xffff;
	v33 =	vor.u32 s0, v50  }
0x4e5: {  	v19 =	vld.idx.msk [tilespmem:v19+s21+$0x0], $0xffff;
	v41 =	vand.u32 $0xFFFFFFF8, v48;
	v53 =	vor.u32 s14, v55  }
0x4e6: {  	v54 =	vor.u32 v9, v41;
	v25 =	vld.idx.msk [tilespmem:v25+s21+$0x0], $0xffff;
	v61 =	vor.u32 s3, v50  }
0x4e7: {  	v27 =	vadd.s32 v6, v60  }
0x4e8: {  	v27 =	vand.u32 $0xFFFFFFF8, v27;
	v29 =	vadd.s32 v6, v3;
	[tilespmem:v39+s26+$0x0] =	vst.idx.msk $0xffff, v22  }
0x4e9: {  	v57 =	vadd.s32 v6, v5;
	v27 =	vor.u32 v7, v27;
	v29 =	vand.u32 $0xFFFFFFF8, v29;
	[tilespmem:v33+s26+$0x0] =	vst.idx.msk $0xffff, v31  }
0x4ea: {  	v35 =	vand.u32 $0xFFFFFFF8, v57;
	v29 =	vor.u32 v7, v29;
	[tilespmem:v53+s26+$0x0] =	vst.idx.msk $0xffff, v19  }
0x4eb: {  	v35 =	vor.u32 v7, v35;
	[tilespmem:v61+s26+$0x0] =	vst.idx.msk $0xffff, v25;
	v39 =	vld.idx.msk [tilespmem:v54+s21+$0x0], $0xffff  }
0x4ec: {  	v54 =	vld [tilespmem:$0x1FE60];
	_ =	sdelay $0x1  }
0x4ed: {  	v48 =	vor.u32 s31, v55;
	v22 =	vadd.s32 v45, v60;
	v27 =	vld.idx.msk [tilespmem:v27+s21+$0x0], $0xffff  }
0x4ee: {  	v57 =	vor.u32 s0, v55;
	v22 =	vand.u32 $0xFFFFFFF8, v22;
	v29 =	vld.idx.msk [tilespmem:v29+s21+$0x0], $0xffff  }
0x4ef: {  	v61 =	vor.u32 s3, v55;
	v35 =	vld.idx.msk [tilespmem:v35+s21+$0x0], $0xffff;
	v22 =	vor.u32 v9, v22  }
0x4f0: {  	v40 =	vmovc v45;
	v31 =	vadd.s32 v45, v3;
	v25 =	vadd.s32 v45, v5;
	v45 =	vor.u32 s14, v54  }
0x4f1: {  	[tilespmem:v16+s26+$0x0] =	vst.idx.msk $0xffff, v13  }
0x4f2: {  	[tilespmem:v48+s26+$0x0] =	vst.idx.msk $0xffff, v27  }
0x4f3: {  	v31 =	vand.u32 $0xFFFFFFF8, v31;
	v25 =	vand.u32 $0xFFFFFFF8, v25;
	[tilespmem:v57+s26+$0x0] =	vst.idx.msk $0xffff, v29  }
0x4f4: {  	v19 =	vadd.s32 v47, v59;
	v31 =	vor.u32 v9, v31;
	[tilespmem:v61+s26+$0x0] =	vst.idx.msk $0xffff, v35;
	v22 =	vld.idx.msk [tilespmem:v22+s21+$0x0], $0xffff  }
0x4f5: {  	v25 =	vor.u32 v9, v25;
	v19 =	vand.u32 $0xFFFFFFF8, v19;
	v27 =	vadd.s32 v47, v60;
	v52 =	vld [tilespmem:$0x1FDE0];
	[tilespmem:v45+s26+$0x0] =	vst.idx.msk $0xffff, v39  }
0x4f6: {  	v19 =	vor.u32 v12, v19;
	v48 =	vor.u32 s31, v54;
	v27 =	vand.u32 $0xFFFFFFF8, v27;
	v4 =	vld [tilespmem:$0x1FDA0]  }
0x4f7: {  	v27 =	vor.u32 v12, v27;
	_ =	sdelay $0x1  }
0x4f8: {  	v31 =	vld.idx.msk [tilespmem:v31+s21+$0x0], $0xffff;
	v57 =	vor.u32 s0, v54  }
0x4f9: {  	v53 =	vadd.s32 v47, v3;
	v16 =	vld.idx.msk [tilespmem:v25+s21+$0x0], $0xffff;
	v25 =	vor.u32 s3, v54  }
0x4fa: {  	v11 =	vmov v47;
	v61 =	vadd.s32 v47, v5;
	v19 =	vld.idx.msk [tilespmem:v19+s21+$0x0], $0xffff;
	[tilespmem:v48+s26+$0x0] =	vst.idx.msk $0xffff, v22;
	v47 =	vor.u32 s14, v4  }
0x4fb: {  	v27 =	vld.idx.msk [tilespmem:v27+s21+$0x0], $0xffff;
	v48 =	vor.u32 s31, v4;
	_ =	sdelay $0x1  }
0x4fc: {  	v33 =	vand.u32 $0xFFFFFFF8, v53;
	[tilespmem:v57+s26+$0x0] =	vst.idx.msk $0xffff, v31  }
0x4fd: {  	v13 =	vor.u32 v12, v33;
	v43 =	vand.u32 $0xFFFFFFF8, v61;
	[tilespmem:v25+s26+$0x0] =	vst.idx.msk $0xffff, v16  }
0x4fe: {  	v33 =	vor.u32 v12, v43;
	v45 =	vadd.s32 v20, v59;
	[tilespmem:v47+s26+$0x0] =	vst.idx.msk $0xffff, v19  }
0x4ff: {  	v53 =	vadd.s32 v20, v60;
	v39 =	vand.u32 $0xFFFFFFF8, v45;
	[tilespmem:v48+s26+$0x0] =	vst.idx.msk $0xffff, v27  }
0x500: {  	v41 =	vand.u32 $0xFFFFFFF8, v53;
	v22 =	vor.u32 v15, v39;
	v53 =	vld [tilespmem:$0x1FE70]  }
0x501: {  	v31 =	vadd.s32 v20, v3  }
0x502: {  	v13 =	vld.idx.msk [tilespmem:v13+s21+$0x0], $0xffff;
	v31 =	vand.u32 $0xFFFFFFF8, v31;
	v57 =	vor.u32 s0, v4  }
0x503: {  	v16 =	vor.u32 v15, v31;
	v31 =	vld.idx.msk [tilespmem:v33+s21+$0x0], $0xffff;
	v25 =	vor.u32 s3, v4  }
0x504: {  	v10 =	vld.idx.msk [tilespmem:v10+s21+$0x0], $0xffff;
	v37 =	vor.u32 s13, v52  }
0x505: {  	v22 =	vld.idx.msk [tilespmem:v22+s21+$0x0], $0xffff;
	v27 =	vor.u32 s14, v53;
	_ =	sdelay $0x1  }
0x506: {  	[tilespmem:v57+s26+$0x0] =	vst.idx.msk $0xffff, v13  }
0x507: {  	v35 =	vor.u32 v15, v41;
	v61 =	vadd.s32 v20, v5;
	[tilespmem:v25+s26+$0x0] =	vst.idx.msk $0xffff, v31  }
0x508: {  	v45 =	vadd.s32 v17, v59;
	v33 =	vand.u32 $0xFFFFFFF8, v61;
	[tilespmem:v37+s26+$0x0] =	vst.idx.msk $0xffff, v10  }
0x509: {  	v33 =	vor.u32 v15, v33;
	v47 =	vand.u32 $0xFFFFFFF8, v45;
	[tilespmem:v27+s26+$0x0] =	vst.idx.msk $0xffff, v22  }
0x50a: {  	v39 =	vor.u32 v18, v47;
	v4 =	vld [tilespmem:$0x1FDB0];
	_ =	sdelay $0x1  }
0x50b: {  	v35 =	vld.idx.msk [tilespmem:v35+s21+$0x0], $0xffff;
	v13 =	vor.u32 s31, v53  }
0x50c: {  	v16 =	vld.idx.msk [tilespmem:v16+s21+$0x0], $0xffff;
	v25 =	vor.u32 s0, v53  }
0x50d: {  	v33 =	vld.idx.msk [tilespmem:v33+s21+$0x0], $0xffff;
	v27 =	vor.u32 s3, v53  }
0x50e: {  	v48 =	vadd.s32 v17, v60;
	v47 =	vld.idx.msk [tilespmem:v39+s21+$0x0], $0xffff;
	v10 =	vor.u32 s14, v4  }
0x50f: {  	v29 =	vadd.s32 v28, v56;
	v61 =	vadd.s32 v17, v3;
	v57 =	vand.u32 $0xFFFFFFF8, v48  }
0x510: {  	v45 =	vadd.s32 v17, v5;
	v31 =	vand.u32 $0xFFFFFFF8, v61;
	v41 =	vor.u32 v18, v57;
	[tilespmem:v13+s26+$0x0] =	vst.idx.msk $0xffff, v35  }
0x511: {  	v29 =	vand.u32 $0xFFFFFFF8, v29;
	v31 =	vor.u32 v18, v31;
	v22 =	vadd.s32 v58, v59;
	[tilespmem:v25+s26+$0x0] =	vst.idx.msk $0xffff, v16  }
0x512: {  	v29 =	vor.u32 v7, v29;
	v42 =	vand.u32 $0xFFFFFFF8, v45;
	v22 =	vand.u32 $0xFFFFFFF8, v22;
	v48 =	vld [tilespmem:$0x1FDF0];
	[tilespmem:v27+s26+$0x0] =	vst.idx.msk $0xffff, v33  }
0x513: {  	v57 =	vor.u32 v18, v42;
	v22 =	vor.u32 v21, v22;
	[tilespmem:v10+s26+$0x0] =	vst.idx.msk $0xffff, v47  }
0x514: {  	v61 =	vor.u32 s31, v4;
	v25 =	vor.u32 s0, v4;
	v33 =	vor.u32 s3, v4;
	v4 =	vld [tilespmem:$0x1FDC0]  }
0x515: {  	v41 =	vld.idx.msk [tilespmem:v41+s21+$0x0], $0xffff  }
0x516: {  	v31 =	vld.idx.msk [tilespmem:v31+s21+$0x0], $0xffff  }
0x517: {  	v29 =	vld.idx.msk [tilespmem:v29+s21+$0x0], $0xffff;
	v13 =	vadd.s32 v58, v60;
	v42 =	vor.u32 s13, v48  }
0x518: {  	v43 =	vadd.s32 v49, v5;
	v13 =	vand.u32 $0xFFFFFFF8, v13;
	v37 =	vld.idx.msk [tilespmem:v57+s21+$0x0], $0xffff  }
0x519: {  	v16 =	vadd.s32 v58, v3;
	v13 =	vor.u32 v21, v13;
	v22 =	vld.idx.msk [tilespmem:v22+s21+$0x0], $0xffff;
	v45 =	vor.u32 s14, v4  }
0x51a: {  	v19 =	vadd.s32 v30, v56;
	v16 =	vand.u32 $0xFFFFFFF8, v16;
	v27 =	vadd.s32 v58, v5;
	[tilespmem:v61+s26+$0x0] =	vst.idx.msk $0xffff, v41  }
0x51b: {  	v19 =	vand.u32 $0xFFFFFFF8, v19;
	v16 =	vor.u32 v21, v16;
	v27 =	vand.u32 $0xFFFFFFF8, v27;
	v61 =	vld [tilespmem:$0x1FE00];
	[tilespmem:v25+s26+$0x0] =	vst.idx.msk $0xffff, v31  }
0x51c: {  	v19 =	vor.u32 v9, v19;
	v27 =	vor.u32 v21, v27;
	[tilespmem:v42+s26+$0x0] =	vst.idx.msk $0xffff, v29  }
0x51d: {  	v57 =	vadd.s32 v49, v3;
	v10 =	vadd.s32 v49, v59;
	[tilespmem:v33+s26+$0x0] =	vst.idx.msk $0xffff, v37  }
0x51e: {  	v47 =	vadd.s32 v49, v60;
	v10 =	vand.u32 $0xFFFFFFF8, v10;
	v13 =	vld.idx.msk [tilespmem:v13+s21+$0x0], $0xffff;
	[tilespmem:v45+s26+$0x0] =	vst.idx.msk $0xffff, v22  }
0x51f: {  	v10 =	vor.u32 v24, v10;
	v31 =	vand.u32 $0xFFFFFFF8, v47;
	v25 =	vor.u32 s31, v4;
	v47 =	vld [tilespmem:$0x1FDD0]  }
0x520: {  	v41 =	vand.u32 $0xFFFFFFF8, v57;
	v29 =	vor.u32 v24, v31;
	v16 =	vld.idx.msk [tilespmem:v16+s21+$0x0], $0xffff;
	v31 =	vor.u32 s0, v4  }
0x521: {  	v41 =	vor.u32 v24, v41;
	v33 =	vand.u32 $0xFFFFFFF8, v43;
	v27 =	vld.idx.msk [tilespmem:v27+s21+$0x0], $0xffff;
	v37 =	vor.u32 s3, v4  }
0x522: {  	v19 =	vld.idx.msk [tilespmem:v19+s21+$0x0], $0xffff;
	v33 =	vor.u32 v24, v33;
	v35 =	vor.u32 s13, v61  }
0x523: {  	v22 =	vadd.s32 v46, v59;
	v45 =	vadd.s32 v32, v56  }
0x524: {  	v10 =	vld.idx.msk [tilespmem:v10+s21+$0x0], $0xffff;
	[tilespmem:v25+s26+$0x0] =	vst.idx.msk $0xffff, v13;
	v13 =	vadd.s32 v46, v60;
	v42 =	vor.u32 s14, v47  }
0x525: {  	v22 =	vand.u32 $0xFFFFFFF8, v22;
	[tilespmem:v31+s26+$0x0] =	vst.idx.msk $0xffff, v16;
	v16 =	vadd.s32 v46, v3;
	v25 =	vld.idx.msk [tilespmem:v29+s21+$0x0], $0xffff;
	v29 =	vor.u32 s31, v47  }
0x526: {  	[tilespmem:v37+s26+$0x0] =	vst.idx.msk $0xffff, v27;
	v27 =	vand.u32 $0xFFFFFFF8, v45;
	v45 =	vadd.s32 v46, v5;
	v31 =	vld.idx.msk [tilespmem:v41+s21+$0x0], $0xffff;
	v57 =	vor.u32 s0, v47  }
0x527: {  	v14 =	vmov v46;
	[tilespmem:v35+s26+$0x0] =	vst.idx.msk $0xffff, v19;
	v22 =	vor.u32 v1, v22;
	v19 =	vld.idx.msk [tilespmem:v33+s21+$0x0], $0xffff;
	v46 =	vor.u32 s3, v47  }
0x528: {  	v13 =	vand.u32 $0xFFFFFFF8, v13  }
0x529: {  	v13 =	vor.u32 v1, v13;
	[tilespmem:v42+s26+$0x0] =	vst.idx.msk $0xffff, v10  }
0x52a: {  	v16 =	vand.u32 $0xFFFFFFF8, v16;
	v27 =	vor.u32 v12, v27;
	[tilespmem:v29+s26+$0x0] =	vst.idx.msk $0xffff, v25  }
0x52b: {  	v16 =	vor.u32 v1, v16;
	v47 =	vand.u32 $0xFFFFFFF8, v45;
	[tilespmem:v57+s26+$0x0] =	vst.idx.msk $0xffff, v31  }
0x52c: {  	v35 =	vor.u32 v1, v47;
	v10 =	vadd.s32 v28, v59;
	[tilespmem:v46+s26+$0x0] =	vst.idx.msk $0xffff, v19;
	v22 =	vld.idx.msk [tilespmem:v22+s21+$0x0], $0xffff  }
0x52d: {  	v37 =	vor.u32 s14, v52;
	v25 =	vadd.s32 v28, v60;
	v10 =	vand.u32 $0xFFFFFFF8, v10;
	v47 =	vld [tilespmem:$0x1FE10]  }
0x52e: {  	v29 =	vor.u32 s31, v52;
	v13 =	vld.idx.msk [tilespmem:v13+s21+$0x0], $0xffff;
	v25 =	vand.u32 $0xFFFFFFF8, v25;
	v10 =	vor.u32 v7, v10  }
0x52f: {  	v27 =	vld.idx.msk [tilespmem:v27+s21+$0x0], $0xffff;
	v31 =	vadd.s32 v28, v3;
	v25 =	vor.u32 v7, v25  }
0x530: {  	v23 =	vmovc v49;
	v49 =	vor.u32 s0, v52;
	v19 =	vadd.s32 v28, v5;
	v16 =	vld.idx.msk [tilespmem:v16+s21+$0x0], $0xffff;
	v31 =	vand.u32 $0xFFFFFFF8, v31  }
0x531: {  	v57 =	vor.u32 s3, v52;
	v33 =	vld.idx.msk [tilespmem:v35+s21+$0x0], $0xffff;
	v19 =	vand.u32 $0xFFFFFFF8, v19;
	v31 =	vor.u32 v7, v31  }
0x532: {  	v19 =	vor.u32 v7, v19;
	v45 =	vor.u32 s13, v47;
	[tilespmem:v37+s26+$0x0] =	vst.idx.msk $0xffff, v22;
	v22 =	vadd.s32 v30, v59  }
0x533: {  	v37 =	vor.u32 s14, v48;
	[tilespmem:v29+s26+$0x0] =	vst.idx.msk $0xffff, v13;
	v13 =	vadd.s32 v30, v60;
	v10 =	vld.idx.msk [tilespmem:v10+s21+$0x0], $0xffff;
	v22 =	vand.u32 $0xFFFFFFF8, v22  }
0x534: {  	v29 =	vor.u32 s31, v48;
	v25 =	vld.idx.msk [tilespmem:v25+s21+$0x0], $0xffff;
	v13 =	vand.u32 $0xFFFFFFF8, v13;
	v22 =	vor.u32 v9, v22  }
0x535: {  	[tilespmem:v49+s26+$0x0] =	vst.idx.msk $0xffff, v16;
	v13 =	vor.u32 v9, v13  }
0x536: {  	v46 =	vadd.s32 v30, v3;
	[tilespmem:v57+s26+$0x0] =	vst.idx.msk $0xffff, v33;
	v33 =	vor.u32 s0, v48;
	v31 =	vld.idx.msk [tilespmem:v31+s21+$0x0], $0xffff  }
0x537: {  	v52 =	vadd.s32 v30, v5;
	v49 =	vand.u32 $0xFFFFFFF8, v46;
	v57 =	vor.u32 s3, v48;
	v19 =	vld.idx.msk [tilespmem:v19+s21+$0x0], $0xffff;
	[tilespmem:v45+s26+$0x0] =	vst.idx.msk $0xffff, v27  }
0x538: {  	v39 =	vand.u32 $0xFFFFFFF8, v52;
	v27 =	vor.u32 v9, v49;
	v46 =	vld [tilespmem:$0x1FE20];
	[tilespmem:v37+s26+$0x0] =	vst.idx.msk $0xffff, v10;
	v10 =	vadd.s32 v32, v59  }
0x539: {  	v48 =	vor.u32 v9, v39;
	v49 =	vor.u32 s14, v61;
	[tilespmem:v29+s26+$0x0] =	vst.idx.msk $0xffff, v25;
	v22 =	vld.idx.msk [tilespmem:v22+s21+$0x0], $0xffff;
	v10 =	vand.u32 $0xFFFFFFF8, v10  }
0x53a: {  	v16 =	vadd.s32 v34, v56;
	v25 =	vor.u32 s31, v61;
	v13 =	vld.idx.msk [tilespmem:v13+s21+$0x0], $0xffff;
	v10 =	vor.u32 v12, v10  }
0x53b: {  	v52 =	vor.u32 s0, v61;
	v16 =	vand.u32 $0xFFFFFFF8, v16;
	v29 =	vadd.s32 v32, v60;
	[tilespmem:v33+s26+$0x0] =	vst.idx.msk $0xffff, v31  }
0x53c: {  	v16 =	vor.u32 v15, v16;
	v31 =	vadd.s32 v32, v3;
	[tilespmem:v57+s26+$0x0] =	vst.idx.msk $0xffff, v19;
	v29 =	vand.u32 $0xFFFFFFF8, v29  }
0x53d: {  	v57 =	vadd.s32 v32, v5;
	v31 =	vand.u32 $0xFFFFFFF8, v31;
	v29 =	vor.u32 v12, v29;
	v27 =	vld.idx.msk [tilespmem:v27+s21+$0x0], $0xffff  }
0x53e: {  	v37 =	vld.idx.msk [tilespmem:v48+s21+$0x0], $0xffff;
	v35 =	vand.u32 $0xFFFFFFF8, v57;
	v19 =	vor.u32 v12, v31;
	v31 =	vor.u32 s3, v61;
	[tilespmem:v49+s26+$0x0] =	vst.idx.msk $0xffff, v22  }
0x53f: {  	v35 =	vor.u32 v12, v35;
	[tilespmem:v25+s26+$0x0] =	vst.idx.msk $0xffff, v13;
	v13 =	vor.u32 s14, v47;
	v10 =	vld.idx.msk [tilespmem:v10+s21+$0x0], $0xffff;
	_ =	sdelay $0x1  }
0x540: {  	v16 =	vld.idx.msk [tilespmem:v16+s21+$0x0], $0xffff;
	v41 =	vor.u32 s13, v46  }
0x541: {  	v61 =	vadd.s32 v34, v59;
	v29 =	vld.idx.msk [tilespmem:v29+s21+$0x0], $0xffff;
	[tilespmem:v52+s26+$0x0] =	vst.idx.msk $0xffff, v27;
	v27 =	vor.u32 s31, v47  }
0x542: {  	v42 =	vadd.s32 v34, v60;
	v25 =	vand.u32 $0xFFFFFFF8, v61;
	[tilespmem:v31+s26+$0x0] =	vst.idx.msk $0xffff, v37;
	v31 =	vor.u32 s0, v47;
	v19 =	vld.idx.msk [tilespmem:v19+s21+$0x0], $0xffff  }
0x543: {  	v25 =	vor.u32 v15, v25;
	v52 =	vor.u32 s3, v47;
	[tilespmem:v13+s26+$0x0] =	vst.idx.msk $0xffff, v10;
	v13 =	vld.idx.msk [tilespmem:v35+s21+$0x0], $0xffff  }
0x544: {  	v43 =	vand.u32 $0xFFFFFFF8, v42  }
0x545: {  	v45 =	vadd.s32 v34, v3;
	v33 =	vor.u32 v15, v43;
	[tilespmem:v41+s26+$0x0] =	vst.idx.msk $0xffff, v16  }
0x546: {  	v48 =	vand.u32 $0xFFFFFFF8, v45;
	v57 =	vadd.s32 v36, v59;
	v10 =	vadd.s32 v34, v5;
	[tilespmem:v27+s26+$0x0] =	vst.idx.msk $0xffff, v29  }
0x547: {  	v22 =	vadd.s32 v36, v56;
	v37 =	vor.u32 v15, v48;
	v10 =	vand.u32 $0xFFFFFFF8, v10;
	[tilespmem:v31+s26+$0x0] =	vst.idx.msk $0xffff, v19  }
0x548: {  	v22 =	vand.u32 $0xFFFFFFF8, v22;
	v16 =	vor.u32 s14, v46;
	v25 =	vld.idx.msk [tilespmem:v25+s21+$0x0], $0xffff;
	v10 =	vor.u32 v15, v10;
	[tilespmem:v52+s26+$0x0] =	vst.idx.msk $0xffff, v13  }
0x549: {  	v51 =	vmov v20;
	v22 =	vor.u32 v18, v22;
	v41 =	vand.u32 $0xFFFFFFF8, v57;
	v20 =	vld [tilespmem:$0x1FE30]  }
0x54a: {  	v61 =	vor.u32 s31, v46;
	v27 =	vadd.s32 v36, v60;
	v29 =	vor.u32 v18, v41;
	v33 =	vld.idx.msk [tilespmem:v33+s21+$0x0], $0xffff  }
0x54b: {  	v49 =	vadd.s32 v38, v56;
	v27 =	vand.u32 $0xFFFFFFF8, v27  }
0x54c: {  	v31 =	vadd.s32 v36, v3;
	v19 =	vor.u32 v18, v27;
	v27 =	vor.u32 s0, v46;
	v37 =	vld.idx.msk [tilespmem:v37+s21+$0x0], $0xffff  }
0x54d: {  	v47 =	vadd.s32 v36, v5;
	v31 =	vand.u32 $0xFFFFFFF8, v31;
	[tilespmem:v16+s26+$0x0] =	vst.idx.msk $0xffff, v25;
	v25 =	vor.u32 s3, v46;
	v10 =	vld.idx.msk [tilespmem:v10+s21+$0x0], $0xffff  }
0x54e: {  	v39 =	vand.u32 $0xFFFFFFF8, v47;
	v22 =	vld.idx.msk [tilespmem:v22+s21+$0x0], $0xffff;
	v31 =	vor.u32 v18, v31;
	v13 =	vor.u32 s13, v20  }
0x54f: {  	v45 =	vand.u32 $0xFFFFFFF8, v49;
	v39 =	vor.u32 v18, v39;
	v29 =	vld.idx.msk [tilespmem:v29+s21+$0x0], $0xffff;
	[tilespmem:v61+s26+$0x0] =	vst.idx.msk $0xffff, v33;
	v16 =	vor.u32 s14, v20  }
0x550: {  	v35 =	vor.u32 v21, v45;
	v4 =	vld [tilespmem:$0x1FD10]  }
0x551: {  	[tilespmem:v27+s26+$0x0] =	vst.idx.msk $0xffff, v37  }
0x552: {  	v19 =	vld.idx.msk [tilespmem:v19+s21+$0x0], $0xffff;
	v27 =	vor.u32 s31, v20;
	[tilespmem:v25+s26+$0x0] =	vst.idx.msk $0xffff, v10  }
0x553: {  	v31 =	vld.idx.msk [tilespmem:v31+s21+$0x0], $0xffff;
	[tilespmem:v13+s26+$0x0] =	vst.idx.msk $0xffff, v22;
	v22 =	vor.u32 s0, v20  }
0x554: {  	[tilespmem:v16+s26+$0x0] =	vst.idx.msk $0xffff, v29;
	v16 =	vor.u32 s3, v20;
	v29 =	vld.idx.msk [tilespmem:v39+s21+$0x0], $0xffff  }
0x555: {  	v48 =	vadd.s32 v38, v59;
	v49 =	vor.u32 s13, v4;
	v35 =	vld.idx.msk [tilespmem:v35+s21+$0x0], $0xffff  }
0x556: {  	v52 =	vadd.s32 v26, v56;
	v56 =	vadd.s32 v38, v60;
	v33 =	vand.u32 $0xFFFFFFF8, v48;
	[tilespmem:v62+s26+$0x0] =	vst.idx.msk $0xffff, v63  }
0x557: {  	v57 =	vadd.s32 v38, v3;
	v33 =	vor.u32 v21, v33;
	v13 =	vand.u32 $0xFFFFFFF8, v56;
	[tilespmem:v27+s26+$0x0] =	vst.idx.msk $0xffff, v19  }
0x558: {  	v25 =	vadd.s32 v38, v5;
	v10 =	vor.u32 v21, v13;
	v13 =	vand.u32 $0xFFFFFFF8, v57;
	[tilespmem:v22+s26+$0x0] =	vst.idx.msk $0xffff, v31  }
0x559: {  	v3 =	vadd.s32 v26, v3;
	v25 =	vand.u32 $0xFFFFFFF8, v25;
	v13 =	vor.u32 v21, v13;
	[tilespmem:v16+s26+$0x0] =	vst.idx.msk $0xffff, v29  }
0x55a: {  	v3 =	vand.u32 $0xFFFFFFF8, v3;
	v25 =	vor.u32 v21, v25;
	[tilespmem:v49+s26+$0x0] =	vst.idx.msk $0xffff, v35  }
0x55b: {  	v19 =	vand.u32 $0xFFFFFFF8, v52;
	v27 =	vadd.s32 v26, v59;
	v59 =	vadd.s32 v26, v60;
	v62 =	vld [tilespmem:$0x1FD00]  }
0x55c: {  	v19 =	vor.u32 v24, v19;
	v27 =	vand.u32 $0xFFFFFFF8, v27;
	v22 =	vor.u32 s14, v4;
	v31 =	vld.idx.msk [tilespmem:v33+s21+$0x0], $0xffff  }
0x55d: {  	v61 =	vor.u32 s31, v4;
	v60 =	vand.u32 $0xFFFFFFF8, v59;
	v27 =	vor.u32 v24, v27;
	v10 =	vld.idx.msk [tilespmem:v10+s21+$0x0], $0xffff  }
0x55e: {  	v5 =	vadd.s32 v26, v5;
	v33 =	vor.u32 v24, v60;
	v16 =	vor.u32 s0, v4;
	v13 =	vld.idx.msk [tilespmem:v13+s21+$0x0], $0xffff  }
0x55f: {  	v3 =	vor.u32 v24, v3;
	v5 =	vand.u32 $0xFFFFFFF8, v5;
	v29 =	vor.u32 s3, v4;
	v25 =	vld.idx.msk [tilespmem:v25+s21+$0x0], $0xffff  }
0x560: {  	v0 =	vld.idx.msk [tilespmem:v0+s21+$0x0], $0xffff;
	v5 =	vor.u32 v24, v5;
	v63 =	vor.u32 s8, v62  }
0x561: {  	v19 =	vld.idx.msk [tilespmem:v19+s21+$0x0], $0xffff;
	[tilespmem:v22+s26+$0x0] =	vst.idx.msk $0xffff, v31;
	v22 =	vor.u32 s13, v62  }
0x562: {  	[tilespmem:v61+s26+$0x0] =	vst.idx.msk $0xffff, v10;
	v10 =	vld.idx.msk [tilespmem:v27+s21+$0x0], $0xffff;
	v27 =	vor.u32 s14, v62  }
0x563: {  	[tilespmem:v16+s26+$0x0] =	vst.idx.msk $0xffff, v13;
	v13 =	vld.idx.msk [tilespmem:v33+s21+$0x0], $0xffff;
	v16 =	vor.u32 s31, v62  }
0x564: {  	[tilespmem:v29+s26+$0x0] =	vst.idx.msk $0xffff, v25;
	v25 =	vor.u32 s0, v62;
	v3 =	vld.idx.msk [tilespmem:v3+s21+$0x0], $0xffff  }
0x565: {  	[tilespmem:v63+s26+$0x0] =	vst.idx.msk $0xffff, v0;
	v0 =	vld.idx.msk [tilespmem:v5+s21+$0x0], $0xffff;
	v5 =	vor.u32 s3, v62  }
0x566: {  	[tilespmem:v22+s26+$0x0] =	vst.idx.msk $0xffff, v19  }
0x567: {  	[tilespmem:v27+s26+$0x0] =	vst.idx.msk $0xffff, v10  }
0x568: {  	[tilespmem:v16+s26+$0x0] =	vst.idx.msk $0xffff, v13  }
0x569: {  	s22 =	sshll.u32 s5, $0xF;
	[tilespmem:v25+s26+$0x0] =	vst.idx.msk $0xffff, v3  }
0x56a: {  	s0 =	sor.u32 s10, s22;
	[tilespmem:v5+s26+$0x0] =	vst.idx.msk $0xffff, v0  }
0x56b: {  	s23 =	sadd.s32 s1, s0;
	v43 =	vld [tilespmem:$0x1FF40]  }
0x56c: {  	[hbm4b:s23+s2] =	stream.linear.scatter [tilespmem:s26], [sflag:$0x4], $0x2000, $0x38;
	v45 =	vld [tilespmem:$0x1FFD0]  }
0x56d: {  	s28 =	simm.s32 $0xB8A0;
	s24 =	sadd.s32 s0, s9;
	v41 =	vld [tilespmem:$0x1FFB0]  }
0x56e: {  	v35 =	vld [tilespmem:$0x1FFC0];
	[hbm4b:s24+s2] =	stream.linear.scatter [tilespmem:s28], [sflag:$0x4], $0x2000, $0x38  }
0x56f: {  	s31 =	sadd.s32 s0, s11;
	v42 =	vld [tilespmem:$0x1FED0]  }
0x570: {  	v19 =	vld [tilespmem:$0x1FEF0];
	[hbm4b:s31+s2] =	stream.linear.scatter [tilespmem:s29], [sflag:$0x4], $0x2000, $0x38  }
0x571: {  	s0 =	sadd.s32 s0, s12;
	v25 =	vld [tilespmem:$0x1FF00]  }
0x572: {  	v37 =	vld [tilespmem:$0x1FF10];
	[hbm4b:s0+s2] =	stream.linear.scatter [tilespmem:s30], [sflag:$0x4], $0x2000, $0x38  }
.Ltmp8:
0x573: {  	v59 =	vld [tilespmem:$0x1FF20];
	s0 =	sadd.s32 $0x3, s4;
	(pc) =	sbr.rel .LBB2_10-.Ltmp8, $4  }
0x574: {  	v62 =	vld [tilespmem:$0x1FFE0];
	p0 =	sge.u32 s0, s6  }
0x575: {  	v33 =	vld [tilespmem:$0x1FE80];
	s0 =	sshll.u32 @!p0 s0, $0xD  }
0x576: {  	v46 =	vmov v8;
	v8 =	vmov v40;
	v56 =	vmov v53;
	v60 =	vld [tilespmem:$0x1FE90];
	s3 =	simm.s32 @!p0 $0x0;
	s4 =	simm.s32 @!p0 $0x10A0;
	s0 =	sadd.s32 @!p0 s0, s7  }
0x577: {  	v10 =	vmovc v50;
	v13 =	vmovc v55;
	v55 =	vmov v11;
	v11 =	vmov v14;
	v14 =	vmov v38;
	v31 =	vld [tilespmem:$0x1FE40];
	[tilespmem:s4], [sflag:$0x2] =	stream.linear.gather @!p0 [hbm4b:s0+s3], $0x800, $0x38  }
.LBB2_12:
0x578: {  	_ =	sfence.sel $0x180000  }
0x579: {  	[bflag:$0x0] =	sbarrier.arrive $0xFFFF  }
0x57a: {  	_ =	strace $0x90000047  }
0x57b: {  	s0 =	stileid.u32;
	[bflag:$0x2] =	sbarrier.arrive $0xFFFF  }
0x57c: {  	p0 =	sne.s32 s0, $0x0;
	s0 =	rddreg [dreg:$0x3]  }
0x57d: {  	s0 =	sadd.s32 @!p0 $0x100000, s0  }
0x57e: {  	[sflag:s0] =	ssyncadd.tile.s32 @!p0 $0x1;
	_ =	shalt  }
.Lfunc_end2:
_tile_overlayer_lowered:
.L_overlay_start_2:
0x57f: {  	(tag) =	ssettag $0x2  }
0x580: {  	s0 =	rddreg [dreg:$0x0];
	s2 =	stileid.u32  }
0x581: {  	s1 =	rddreg [dreg:$0x1];
	p0 =	sne.s32 s2, $0x0  }
0x582: {  	s3 =	rddreg [dreg:$0x2];
	[bflag:$0x3] =	sbarrier.arrive $0xFFFF;
	s2 =	simm.s32 @!p0 $0x1C05  }
0x583: {  	[timem:s3], [sflag:s2] =	dma.local @!p0 [hbm:s0], s1  }
0x584: {  	s0 =	simm.s32 @!p0 $0x5  }
0x585: {  	_ =	swait.ge @!p0 [sflag:s0], s1  }
0x586: {  	s1 =	ssub.s32 @!p0 $0x0, s1;
	[sflag:s0] =	ssyncset.done @!p0 $0x0  }
0x587: {  	[sflag:s0] =	ssyncadd.s32 @!p0 s1  }
0x588: {  	[bflag:$0x3] =	sbarrier.arrive $0xFFFF  }
0x589: {  	_ =	shalt  }

</sc_bundles>
